<compile_context>
chip_gen: v7x
topology: tpu7x:2x2x1
jax: 0.10.2.dev20260603
libtpu: 0.0.44.dev20260713+nightly
codegen_flags: <defaults>
</compile_context>

<pallas_src>
import functools

import jax
import jax.numpy as jnp
from jax import lax
from jax.experimental import pallas as pl
from jax.experimental.pallas import tpu as pltpu
from jax.experimental.pallas import tpu_sc as plsc

N = 10000
E = 320000
D = 128

NC = 2
NS = 16
NW = NC * NS
L = 16

CHUNK = 128
NCC = (88, 69)
NCHUNK = max(NCC)
EPAD = NS * (NCC[0] + NCC[1]) * CHUNK

_mesh = plsc.VectorSubcoreMesh(core_axis_name="c", subcore_axis_name="s")


@functools.partial(
    pl.kernel,
    out_type=jax.ShapeDtypeStruct((NW, N), jnp.float32),
    mesh=_mesh,
    compiler_params=pltpu.CompilerParams(needs_layout_passes=False),
    scratch_types=[
        pltpu.VMEM((NCHUNK, CHUNK), jnp.int32),
        pltpu.VMEM((NCHUNK, CHUNK), jnp.float32),
        pltpu.VMEM((N,), jnp.float32),
    ],
)
def _deg_kernel(col_hbm, ew_hbm, out_hbm, col_v, ew_v, deg_v):
    c = lax.axis_index("c")
    s = lax.axis_index("s")
    wid = s * NC + c
    pltpu.sync_copy(col_hbm.at[wid], col_v)
    pltpu.sync_copy(ew_hbm.at[wid], ew_v)

    zeros = jnp.zeros((L,), jnp.float32)

    def zbody(i, carry):
        deg_v[pl.ds(i * L, L)] = zeros
        return carry

    lax.fori_loop(0, N // L, zbody, 0)

    def ebody(j, carry):
        for g in range(CHUNK // L):
            cols = col_v[j, pl.ds(g * L, L)]
            ews = ew_v[j, pl.ds(g * L, L)]
            plsc.addupdate_scatter(deg_v, [cols], ews)
        return carry

    nj = jnp.where(c == 0, NCC[0], NCC[1])
    lax.fori_loop(0, nj, ebody, 0)
    pltpu.sync_copy(deg_v, out_hbm.at[wid])


def _prep_body(x_ref, w_ref, degp_ref, g_ref, dis_ref):
    deg = jnp.sum(degp_ref[...], axis=0) + 1.0
    dis = jnp.where(deg > 0, lax.rsqrt(deg), 0.0)
    h = jnp.dot(x_ref[...], w_ref[...], preferred_element_type=jnp.float32)
    g_ref[...] = h * dis[:, None]
    dis_ref[...] = dis[:, None]


_prep_call = pl.pallas_call(
    _prep_body,
    out_shape=(
        jax.ShapeDtypeStruct((N, D), jnp.float32),
        jax.ShapeDtypeStruct((N, 1), jnp.float32),
    ),
)


@functools.partial(
    pl.kernel,
    out_type=jax.ShapeDtypeStruct((NC, N, D), jnp.float32),
    mesh=_mesh,
    compiler_params=pltpu.CompilerParams(needs_layout_passes=False),
    scratch_types=[
        pltpu.VMEM((NCHUNK, CHUNK), jnp.int32),
        pltpu.VMEM((NCHUNK, CHUNK), jnp.int32),
        pltpu.VMEM((NCHUNK, CHUNK), jnp.float32),
        pltpu.VMEM((CHUNK, D), jnp.float32),
        pltpu.VMEM_SHARED((N, D), jnp.float32),
        pltpu.SemaphoreType.DMA,
    ],
)
def _scat_kernel(g_hbm, row_hbm, col_hbm, ew_hbm, z_hbm, out_hbm,
                 row_v, col_v, ew_v, buf, acc, sem):
    c = lax.axis_index("c")
    s = lax.axis_index("s")
    wid = s * NC + c
    pltpu.sync_copy(row_hbm.at[wid], row_v)
    pltpu.sync_copy(col_hbm.at[wid], col_v)
    pltpu.sync_copy(ew_hbm.at[wid], ew_v)

    rp = (N // NS) // 8 * 8
    tail = N - NS * rp
    pltpu.sync_copy(z_hbm.at[pl.ds(s * rp, rp)], acc.at[pl.ds(s * rp, rp)])

    @pl.when(s == NS - 1)
    def _zero_tail():
        pltpu.sync_copy(z_hbm.at[pl.ds(NS * rp, tail)],
                        acc.at[pl.ds(NS * rp, tail)])

    plsc.subcore_barrier()

    def chunk_body(j, carry):
        pltpu.async_copy(g_hbm.at[row_v.at[j]], buf, sem).wait()

        def grp_body(g, inner):
            ewv = ew_v[j, pl.ds(g * L, L)]
            for r in range(L):
                w = ewv[r]
                for dd in range(D // L):
                    sl = buf[g * L + r, pl.ds(dd * L, L)]
                    buf[g * L + r, pl.ds(dd * L, L)] = sl * w
            return inner

        lax.fori_loop(0, CHUNK // L, grp_body, 0)
        pltpu.sync_copy(buf, acc.at[col_v.at[j]], add=True)
        return carry

    nj = jnp.where(c == 0, NCC[0], NCC[1])
    lax.fori_loop(0, nj, chunk_body, 0)
    plsc.subcore_barrier()
    pltpu.sync_copy(acc.at[pl.ds(s * rp, rp)], out_hbm.at[c, pl.ds(s * rp, rp)])

    @pl.when(s == NS - 1)
    def _dump_tail():
        pltpu.sync_copy(acc.at[pl.ds(NS * rp, tail)],
                        out_hbm.at[c, pl.ds(NS * rp, tail)])


def _comb_body(p_ref, g_ref, dis_ref, b_ref, o_ref):
    o_ref[...] = dis_ref[...] * (p_ref[0] + p_ref[1] + g_ref[...]) + b_ref[...]


_comb_call = pl.pallas_call(
    _comb_body,
    out_shape=jax.ShapeDtypeStruct((N, D), jnp.float32),
)


def _pack(a):
    n0 = NS * NCC[0] * CHUNK
    n1 = NS * NCC[1] * CHUNK
    ap = jnp.pad(a, (0, n0 + n1 - E))
    a0 = ap[:n0].reshape(NS, NCC[0], CHUNK)
    a1 = ap[n0:].reshape(NS, NCC[1], CHUNK)
    a0 = jnp.pad(a0, ((0, 0), (0, NCHUNK - NCC[0]), (0, 0)))
    a1 = jnp.pad(a1, ((0, 0), (0, NCHUNK - NCC[1]), (0, 0)))
    return jnp.stack([a0, a1], axis=1).reshape(NW, NCHUNK, CHUNK)


def kernel(x, edge_index, edge_weight, W, b):
    rowp = _pack(edge_index[0])
    colp = _pack(edge_index[1])
    ewp = _pack(edge_weight)
    zeros = jnp.zeros((N, D), jnp.float32)

    degp = _deg_kernel(colp, ewp)
    g, dis = _prep_call(x, W, degp)
    p = _scat_kernel(g, rowp, colp, ewp, zeros)
    return _comb_call(p, g, dis, b)

# --- scband reference (transcript-rebuilt; emitter-appended) ---
"""Pipeline reference for scband-na-aggregator-11115375362257 (READ-ONLY COPY).

The authoritative reference and input builder live on the scoring server;
editing this copy changes nothing except your own understanding.
"""

import jax, jax.numpy as jnp
import numpy as np

N = 10000
E = 320000
D_IN = 128
D_OUT = 128


def setup_inputs(seed: int = 0) -> dict:
    key = jax.random.key(seed)
    k1, k2, k3, k4, k5 = jax.random.split(key, 5)
    x = jax.random.normal(k1, (N, D_IN), dtype=jnp.float32)
    edge_index = jax.random.randint(k2, (2, E), 0, N, dtype=jnp.int32)
    edge_weight = jax.random.uniform(k3, (E,), dtype=jnp.float32)
    # GCNConv parameters: lin weight (no bias in lin) + separate bias
    W = jax.random.normal(k4, (D_IN, D_OUT), dtype=jnp.float32) * (1.0 / np.sqrt(D_IN))
    b = jax.random.normal(k5, (D_OUT,), dtype=jnp.float32) * 0.01
    return {"x": x, "edge_index": edge_index, "edge_weight": edge_weight, "W": W, "b": b}


def reference(x, edge_index, edge_weight, W, b):
    # Faithful GCNConv: add self-loops (weight 1), symmetric normalization,
    # linear transform, weighted scatter-add aggregation, bias.
    n = x.shape[0]
    row = edge_index[0]
    col = edge_index[1]
    loop = jnp.arange(n, dtype=row.dtype)
    row_sl = jnp.concatenate([row, loop])
    col_sl = jnp.concatenate([col, loop])
    ew_sl = jnp.concatenate([edge_weight, jnp.ones((n,), dtype=edge_weight.dtype)])
    # degree computed on destination nodes
    deg = jnp.zeros((n,), dtype=ew_sl.dtype).at[col_sl].add(ew_sl)
    deg_inv_sqrt = jnp.where(deg > 0, deg ** -0.5, 0.0)
    norm = deg_inv_sqrt[row_sl] * ew_sl * deg_inv_sqrt[col_sl]
    h = x @ W
    msg = h[row_sl] * norm[:, None]
    out = jnp.zeros((n, W.shape[1]), dtype=h.dtype).at[col_sl].add(msg)
    return out + b

if __name__ == "__main__":
    import jax
    _d = setup_inputs()
    print(jax.jit(kernel)(*tuple(_d.values())))

</pallas_src>

<mosaic_0001>
#map = affine_map<(d0, d1) -> (0, 0, 0)>
#map1 = affine_map<(d0, d1) -> (0, 0)>
module attributes {stable_mosaic.version = 14 : i64} {
  func.func @_deg_kernel(%arg0: i32, %arg1: i32, %arg2: memref<32x88x128xi32, #tpu.memory_space<hbm>>, %arg3: memref<32x88x128xf32, #tpu.memory_space<hbm>>, %arg4: memref<32x10000xf32, #tpu.memory_space<hbm>>, %arg5: memref<88x128xi32, #tpu.memory_space<vmem>>, %arg6: memref<88x128xf32, #tpu.memory_space<vmem>>, %arg7: memref<10000xf32, #tpu.memory_space<vmem>>) attributes {dimension_semantics = [#tpu.dimension_semantics<core_parallel>, #tpu.dimension_semantics<subcore_parallel>], iteration_bounds = array<i64: 2, 16>, scalar_prefetch = 0 : i64, scratch_operands = 3 : i64, tpu.core_type = #tpu.core_type<sc_vector_subcore>, window_params = [{transform_indices = #map}, {transform_indices = #map}, {transform_indices = #map1}]} {
    %mul3A = arith.constant 2 : i32
    %mul3A_0 = arith.muli %arg1, %mul3A : i32
    %add3A = arith.addi %mul3A_0, %arg0 : i32
    "tpu.region"() ({
      %run_scoped3A = tpu.sem_alloc : memref<!tpu.dma_semaphore, #tpu.memory_space<semaphore_mem>>
      %dma_start3A = arith.constant 0 : i32
      %dma_start3A_18 = arith.constant 0 : i32
      %dma_start3A_19 = tpu.memref_slice %arg2[%add3A, %dma_start3A, %dma_start3A_18] : memref<32x88x128xi32, #tpu.memory_space<hbm>> -> memref<1x88x128xi32, #tpu.memory_space<hbm>>
      %dma_start3A_20 = tpu.memref_squeeze %dma_start3A_19 : memref<1x88x128xi32, #tpu.memory_space<hbm>> -> memref<88x128xi32, #tpu.memory_space<hbm>>
      %dma_start3A_21 = arith.constant 0 : i32
      %dma_start3A_22 = arith.constant 0 : i32
      %dma_start3A_23 = tpu.memref_slice %arg2[%add3A, %dma_start3A_21, %dma_start3A_22] : memref<32x88x128xi32, #tpu.memory_space<hbm>> -> memref<1x88x128xi32, #tpu.memory_space<hbm>>
      %dma_start3A_24 = tpu.memref_squeeze %dma_start3A_23 : memref<1x88x128xi32, #tpu.memory_space<hbm>> -> memref<88x128xi32, #tpu.memory_space<hbm>>
      tpu.enqueue_dma source(%dma_start3A_24 : memref<88x128xi32, #tpu.memory_space<hbm>>) target(%arg5 : memref<88x128xi32, #tpu.memory_space<vmem>>) target_semaphore(%run_scoped3A : memref<!tpu.dma_semaphore, #tpu.memory_space<semaphore_mem>>)
      %dma_wait3A = arith.constant 0 : i32
      %dma_wait3A_25 = arith.constant 0 : i32
      %dma_wait3A_26 = tpu.memref_slice %arg2[%add3A, %dma_wait3A, %dma_wait3A_25] : memref<32x88x128xi32, #tpu.memory_space<hbm>> -> memref<1x88x128xi32, #tpu.memory_space<hbm>>
      %dma_wait3A_27 = tpu.memref_squeeze %dma_wait3A_26 : memref<1x88x128xi32, #tpu.memory_space<hbm>> -> memref<88x128xi32, #tpu.memory_space<hbm>>
      %dma_wait3A_28 = arith.constant 0 : i32
      %dma_wait3A_29 = arith.constant 0 : i32
      %dma_wait3A_30 = tpu.memref_slice %arg2[%add3A, %dma_wait3A_28, %dma_wait3A_29] : memref<32x88x128xi32, #tpu.memory_space<hbm>> -> memref<1x88x128xi32, #tpu.memory_space<hbm>>
      %dma_wait3A_31 = tpu.memref_squeeze %dma_wait3A_30 : memref<1x88x128xi32, #tpu.memory_space<hbm>> -> memref<88x128xi32, #tpu.memory_space<hbm>>
      tpu.wait_dma2 semaphore(%run_scoped3A : memref<!tpu.dma_semaphore, #tpu.memory_space<semaphore_mem>>) src(%dma_wait3A_31 : memref<88x128xi32, #tpu.memory_space<hbm>>) dst(%arg5 : memref<88x128xi32, #tpu.memory_space<vmem>>)
      tpu.yield
    }) : () -> ()
    "tpu.region"() ({
      %run_scoped3A = tpu.sem_alloc : memref<!tpu.dma_semaphore, #tpu.memory_space<semaphore_mem>>
      %dma_start3A = arith.constant 0 : i32
      %dma_start3A_18 = arith.constant 0 : i32
      %dma_start3A_19 = tpu.memref_slice %arg3[%add3A, %dma_start3A, %dma_start3A_18] : memref<32x88x128xf32, #tpu.memory_space<hbm>> -> memref<1x88x128xf32, #tpu.memory_space<hbm>>
      %dma_start3A_20 = tpu.memref_squeeze %dma_start3A_19 : memref<1x88x128xf32, #tpu.memory_space<hbm>> -> memref<88x128xf32, #tpu.memory_space<hbm>>
      %dma_start3A_21 = arith.constant 0 : i32
      %dma_start3A_22 = arith.constant 0 : i32
      %dma_start3A_23 = tpu.memref_slice %arg3[%add3A, %dma_start3A_21, %dma_start3A_22] : memref<32x88x128xf32, #tpu.memory_space<hbm>> -> memref<1x88x128xf32, #tpu.memory_space<hbm>>
      %dma_start3A_24 = tpu.memref_squeeze %dma_start3A_23 : memref<1x88x128xf32, #tpu.memory_space<hbm>> -> memref<88x128xf32, #tpu.memory_space<hbm>>
      tpu.enqueue_dma source(%dma_start3A_24 : memref<88x128xf32, #tpu.memory_space<hbm>>) target(%arg6 : memref<88x128xf32, #tpu.memory_space<vmem>>) target_semaphore(%run_scoped3A : memref<!tpu.dma_semaphore, #tpu.memory_space<semaphore_mem>>)
      %dma_wait3A = arith.constant 0 : i32
      %dma_wait3A_25 = arith.constant 0 : i32
      %dma_wait3A_26 = tpu.memref_slice %arg3[%add3A, %dma_wait3A, %dma_wait3A_25] : memref<32x88x128xf32, #tpu.memory_space<hbm>> -> memref<1x88x128xf32, #tpu.memory_space<hbm>>
      %dma_wait3A_27 = tpu.memref_squeeze %dma_wait3A_26 : memref<1x88x128xf32, #tpu.memory_space<hbm>> -> memref<88x128xf32, #tpu.memory_space<hbm>>
      %dma_wait3A_28 = arith.constant 0 : i32
      %dma_wait3A_29 = arith.constant 0 : i32
      %dma_wait3A_30 = tpu.memref_slice %arg3[%add3A, %dma_wait3A_28, %dma_wait3A_29] : memref<32x88x128xf32, #tpu.memory_space<hbm>> -> memref<1x88x128xf32, #tpu.memory_space<hbm>>
      %dma_wait3A_31 = tpu.memref_squeeze %dma_wait3A_30 : memref<1x88x128xf32, #tpu.memory_space<hbm>> -> memref<88x128xf32, #tpu.memory_space<hbm>>
      tpu.wait_dma2 semaphore(%run_scoped3A : memref<!tpu.dma_semaphore, #tpu.memory_space<semaphore_mem>>) src(%dma_wait3A_31 : memref<88x128xf32, #tpu.memory_space<hbm>>) dst(%arg6 : memref<88x128xf32, #tpu.memory_space<vmem>>)
      tpu.yield
    }) : () -> ()
    %broadcast_in_dim3A = arith.constant 0.000000e+00 : f32
    %broadcast_in_dim3A_1 = vector.broadcast %broadcast_in_dim3A : f32 to vector<16xf32>
    %scan3A = arith.constant 0 : i32
    %scan3A_2 = arith.constant 0 : i32
    %scan3A_3 = arith.constant 625 : i32
    %scan3A_4 = arith.addi %scan3A_2, %scan3A_3 : i32
    %scan3A_5 = arith.constant 1 : i32
    scf.for %scan3A_18 = %scan3A_2 to %scan3A_4 step %scan3A_5  : i32 {
      %mul3A_19 = arith.constant 16 : i32
      %mul3A_20 = arith.muli %scan3A_18, %mul3A_19 : i32
      %swap3A = arith.index_cast %mul3A_20 : i32 to index
      %swap3A_21 = tpu.vector_load %arg7[%swap3A] {strides = array<i32>} : memref<10000xf32, #tpu.memory_space<vmem>>, vector<16xf32>,
      tpu.vector_store %arg7[%swap3A], %broadcast_in_dim3A_1 {strides = array<i32>} : memref<10000xf32, #tpu.memory_space<vmem>>, vector<16xf32>,
    }
    %scan3A_6 = arith.constant 625 : i32
    %eq3A = arith.constant 0 : i32
    %eq3A_7 = arith.cmpi eq, %arg0, %eq3A : i32
    %jit3A = arith.constant 88 : i32
    %jit3A_8 = arith.constant 69 : i32
    %select_n3A = arith.select %eq3A_7, %jit3A, %jit3A_8 : i32
    %while3A = arith.constant 0 : i32
    %while3A_9 = arith.constant 0 : i32
    %while3A_10 = arith.subi %select_n3A, %while3A_9 : i32
    %while3A_11 = arith.addi %while3A_9, %while3A_10 : i32
    %while3A_12 = arith.constant 1 : i32
    %while3A_13 = arith.divsi %while3A_10, %while3A_12 : i32
    %while3A_14 = arith.muli %while3A_13, %while3A_12 : i32
    %while3A_15 = arith.addi %while3A_9, %while3A_14 : i32
    %while3A_16 = arith.constant 1 : i32
    scf.for %while3A_18 = %while3A_9 to %while3A_15 step %while3A_16  : i32 {
      %get3A = arith.index_cast %while3A_18 : i32 to index
      %get3A_19 = arith.constant 0 : index
      %get3A_20 = tpu.vector_load %arg5[%get3A, %get3A_19] {strides = array<i32>} : memref<88x128xi32, #tpu.memory_space<vmem>>, vector<16xi32>,
      %get3A_21 = arith.index_cast %while3A_18 : i32 to index
      %get3A_22 = arith.constant 0 : index
      %get3A_23 = tpu.vector_load %arg6[%get3A_21, %get3A_22] {strides = array<i32>} : memref<88x128xf32, #tpu.memory_space<vmem>>, vector<16xf32>,
      tpu.vector_store_idx %arg7[%get3A_20], %get3A_23 {add = true} : memref<10000xf32, #tpu.memory_space<vmem>>[vector<16xi32>], vector<16xf32>,
      %get3A_24 = arith.index_cast %while3A_18 : i32 to index
      %get3A_25 = arith.constant 16 : index
      %get3A_26 = tpu.vector_load %arg5[%get3A_24, %get3A_25] {strides = array<i32>} : memref<88x128xi32, #tpu.memory_space<vmem>>, vector<16xi32>,
      %get3A_27 = arith.index_cast %while3A_18 : i32 to index
      %get3A_28 = arith.constant 16 : index
      %get3A_29 = tpu.vector_load %arg6[%get3A_27, %get3A_28] {strides = array<i32>} : memref<88x128xf32, #tpu.memory_space<vmem>>, vector<16xf32>,
      tpu.vector_store_idx %arg7[%get3A_26], %get3A_29 {add = true} : memref<10000xf32, #tpu.memory_space<vmem>>[vector<16xi32>], vector<16xf32>,
      %get3A_30 = arith.index_cast %while3A_18 : i32 to index
      %get3A_31 = arith.constant 32 : index
      %get3A_32 = tpu.vector_load %arg5[%get3A_30, %get3A_31] {strides = array<i32>} : memref<88x128xi32, #tpu.memory_space<vmem>>, vector<16xi32>,
      %get3A_33 = arith.index_cast %while3A_18 : i32 to index
      %get3A_34 = arith.constant 32 : index
      %get3A_35 = tpu.vector_load %arg6[%get3A_33, %get3A_34] {strides = array<i32>} : memref<88x128xf32, #tpu.memory_space<vmem>>, vector<16xf32>,
      tpu.vector_store_idx %arg7[%get3A_32], %get3A_35 {add = true} : memref<10000xf32, #tpu.memory_space<vmem>>[vector<16xi32>], vector<16xf32>,
      %get3A_36 = arith.index_cast %while3A_18 : i32 to index
      %get3A_37 = arith.constant 48 : index
      %get3A_38 = tpu.vector_load %arg5[%get3A_36, %get3A_37] {strides = array<i32>} : memref<88x128xi32, #tpu.memory_space<vmem>>, vector<16xi32>,
      %get3A_39 = arith.index_cast %while3A_18 : i32 to index
      %get3A_40 = arith.constant 48 : index
      %get3A_41 = tpu.vector_load %arg6[%get3A_39, %get3A_40] {strides = array<i32>} : memref<88x128xf32, #tpu.memory_space<vmem>>, vector<16xf32>,
      tpu.vector_store_idx %arg7[%get3A_38], %get3A_41 {add = true} : memref<10000xf32, #tpu.memory_space<vmem>>[vector<16xi32>], vector<16xf32>,
      %get3A_42 = arith.index_cast %while3A_18 : i32 to index
      %get3A_43 = arith.constant 64 : index
      %get3A_44 = tpu.vector_load %arg5[%get3A_42, %get3A_43] {strides = array<i32>} : memref<88x128xi32, #tpu.memory_space<vmem>>, vector<16xi32>,
      %get3A_45 = arith.index_cast %while3A_18 : i32 to index
      %get3A_46 = arith.constant 64 : index
      %get3A_47 = tpu.vector_load %arg6[%get3A_45, %get3A_46] {strides = array<i32>} : memref<88x128xf32, #tpu.memory_space<vmem>>, vector<16xf32>,
      tpu.vector_store_idx %arg7[%get3A_44], %get3A_47 {add = true} : memref<10000xf32, #tpu.memory_space<vmem>>[vector<16xi32>], vector<16xf32>,
      %get3A_48 = arith.index_cast %while3A_18 : i32 to index
      %get3A_49 = arith.constant 80 : index
      %get3A_50 = tpu.vector_load %arg5[%get3A_48, %get3A_49] {strides = array<i32>} : memref<88x128xi32, #tpu.memory_space<vmem>>, vector<16xi32>,
      %get3A_51 = arith.index_cast %while3A_18 : i32 to index
      %get3A_52 = arith.constant 80 : index
      %get3A_53 = tpu.vector_load %arg6[%get3A_51, %get3A_52] {strides = array<i32>} : memref<88x128xf32, #tpu.memory_space<vmem>>, vector<16xf32>,
      tpu.vector_store_idx %arg7[%get3A_50], %get3A_53 {add = true} : memref<10000xf32, #tpu.memory_space<vmem>>[vector<16xi32>], vector<16xf32>,
      %get3A_54 = arith.index_cast %while3A_18 : i32 to index
      %get3A_55 = arith.constant 96 : index
      %get3A_56 = tpu.vector_load %arg5[%get3A_54, %get3A_55] {strides = array<i32>} : memref<88x128xi32, #tpu.memory_space<vmem>>, vector<16xi32>,
      %get3A_57 = arith.index_cast %while3A_18 : i32 to index
      %get3A_58 = arith.constant 96 : index
      %get3A_59 = tpu.vector_load %arg6[%get3A_57, %get3A_58] {strides = array<i32>} : memref<88x128xf32, #tpu.memory_space<vmem>>, vector<16xf32>,
      tpu.vector_store_idx %arg7[%get3A_56], %get3A_59 {add = true} : memref<10000xf32, #tpu.memory_space<vmem>>[vector<16xi32>], vector<16xf32>,
      %get3A_60 = arith.index_cast %while3A_18 : i32 to index
      %get3A_61 = arith.constant 112 : index
      %get3A_62 = tpu.vector_load %arg5[%get3A_60, %get3A_61] {strides = array<i32>} : memref<88x128xi32, #tpu.memory_space<vmem>>, vector<16xi32>,
      %get3A_63 = arith.index_cast %while3A_18 : i32 to index
      %get3A_64 = arith.constant 112 : index
      %get3A_65 = tpu.vector_load %arg6[%get3A_63, %get3A_64] {strides = array<i32>} : memref<88x128xf32, #tpu.memory_space<vmem>>, vector<16xf32>,
      tpu.vector_store_idx %arg7[%get3A_62], %get3A_65 {add = true} : memref<10000xf32, #tpu.memory_space<vmem>>[vector<16xi32>], vector<16xf32>,
    }
    %while3A_17 = arith.constant 1 : i32
    scf.for %while3A_18 = %while3A_15 to %while3A_11 step %while3A_17  : i32 {
      %get3A = arith.index_cast %while3A_18 : i32 to index
      %get3A_19 = arith.constant 0 : index
      %get3A_20 = tpu.vector_load %arg5[%get3A, %get3A_19] {strides = array<i32>} : memref<88x128xi32, #tpu.memory_space<vmem>>, vector<16xi32>,
      %get3A_21 = arith.index_cast %while3A_18 : i32 to index
      %get3A_22 = arith.constant 0 : index
      %get3A_23 = tpu.vector_load %arg6[%get3A_21, %get3A_22] {strides = array<i32>} : memref<88x128xf32, #tpu.memory_space<vmem>>, vector<16xf32>,
      tpu.vector_store_idx %arg7[%get3A_20], %get3A_23 {add = true} : memref<10000xf32, #tpu.memory_space<vmem>>[vector<16xi32>], vector<16xf32>,
      %get3A_24 = arith.index_cast %while3A_18 : i32 to index
      %get3A_25 = arith.constant 16 : index
      %get3A_26 = tpu.vector_load %arg5[%get3A_24, %get3A_25] {strides = array<i32>} : memref<88x128xi32, #tpu.memory_space<vmem>>, vector<16xi32>,
      %get3A_27 = arith.index_cast %while3A_18 : i32 to index
      %get3A_28 = arith.constant 16 : index
      %get3A_29 = tpu.vector_load %arg6[%get3A_27, %get3A_28] {strides = array<i32>} : memref<88x128xf32, #tpu.memory_space<vmem>>, vector<16xf32>,
      tpu.vector_store_idx %arg7[%get3A_26], %get3A_29 {add = true} : memref<10000xf32, #tpu.memory_space<vmem>>[vector<16xi32>], vector<16xf32>,
      %get3A_30 = arith.index_cast %while3A_18 : i32 to index
      %get3A_31 = arith.constant 32 : index
      %get3A_32 = tpu.vector_load %arg5[%get3A_30, %get3A_31] {strides = array<i32>} : memref<88x128xi32, #tpu.memory_space<vmem>>, vector<16xi32>,
      %get3A_33 = arith.index_cast %while3A_18 : i32 to index
      %get3A_34 = arith.constant 32 : index
      %get3A_35 = tpu.vector_load %arg6[%get3A_33, %get3A_34] {strides = array<i32>} : memref<88x128xf32, #tpu.memory_space<vmem>>, vector<16xf32>,
      tpu.vector_store_idx %arg7[%get3A_32], %get3A_35 {add = true} : memref<10000xf32, #tpu.memory_space<vmem>>[vector<16xi32>], vector<16xf32>,
      %get3A_36 = arith.index_cast %while3A_18 : i32 to index
      %get3A_37 = arith.constant 48 : index
      %get3A_38 = tpu.vector_load %arg5[%get3A_36, %get3A_37] {strides = array<i32>} : memref<88x128xi32, #tpu.memory_space<vmem>>, vector<16xi32>,
      %get3A_39 = arith.index_cast %while3A_18 : i32 to index
      %get3A_40 = arith.constant 48 : index
      %get3A_41 = tpu.vector_load %arg6[%get3A_39, %get3A_40] {strides = array<i32>} : memref<88x128xf32, #tpu.memory_space<vmem>>, vector<16xf32>,
      tpu.vector_store_idx %arg7[%get3A_38], %get3A_41 {add = true} : memref<10000xf32, #tpu.memory_space<vmem>>[vector<16xi32>], vector<16xf32>,
      %get3A_42 = arith.index_cast %while3A_18 : i32 to index
      %get3A_43 = arith.constant 64 : index
      %get3A_44 = tpu.vector_load %arg5[%get3A_42, %get3A_43] {strides = array<i32>} : memref<88x128xi32, #tpu.memory_space<vmem>>, vector<16xi32>,
      %get3A_45 = arith.index_cast %while3A_18 : i32 to index
      %get3A_46 = arith.constant 64 : index
      %get3A_47 = tpu.vector_load %arg6[%get3A_45, %get3A_46] {strides = array<i32>} : memref<88x128xf32, #tpu.memory_space<vmem>>, vector<16xf32>,
      tpu.vector_store_idx %arg7[%get3A_44], %get3A_47 {add = true} : memref<10000xf32, #tpu.memory_space<vmem>>[vector<16xi32>], vector<16xf32>,
      %get3A_48 = arith.index_cast %while3A_18 : i32 to index
      %get3A_49 = arith.constant 80 : index
      %get3A_50 = tpu.vector_load %arg5[%get3A_48, %get3A_49] {strides = array<i32>} : memref<88x128xi32, #tpu.memory_space<vmem>>, vector<16xi32>,
      %get3A_51 = arith.index_cast %while3A_18 : i32 to index
      %get3A_52 = arith.constant 80 : index
      %get3A_53 = tpu.vector_load %arg6[%get3A_51, %get3A_52] {strides = array<i32>} : memref<88x128xf32, #tpu.memory_space<vmem>>, vector<16xf32>,
      tpu.vector_store_idx %arg7[%get3A_50], %get3A_53 {add = true} : memref<10000xf32, #tpu.memory_space<vmem>>[vector<16xi32>], vector<16xf32>,
      %get3A_54 = arith.index_cast %while3A_18 : i32 to index
      %get3A_55 = arith.constant 96 : index
      %get3A_56 = tpu.vector_load %arg5[%get3A_54, %get3A_55] {strides = array<i32>} : memref<88x128xi32, #tpu.memory_space<vmem>>, vector<16xi32>,
      %get3A_57 = arith.index_cast %while3A_18 : i32 to index
      %get3A_58 = arith.constant 96 : index
      %get3A_59 = tpu.vector_load %arg6[%get3A_57, %get3A_58] {strides = array<i32>} : memref<88x128xf32, #tpu.memory_space<vmem>>, vector<16xf32>,
      tpu.vector_store_idx %arg7[%get3A_56], %get3A_59 {add = true} : memref<10000xf32, #tpu.memory_space<vmem>>[vector<16xi32>], vector<16xf32>,
      %get3A_60 = arith.index_cast %while3A_18 : i32 to index
      %get3A_61 = arith.constant 112 : index
      %get3A_62 = tpu.vector_load %arg5[%get3A_60, %get3A_61] {strides = array<i32>} : memref<88x128xi32, #tpu.memory_space<vmem>>, vector<16xi32>,
      %get3A_63 = arith.index_cast %while3A_18 : i32 to index
      %get3A_64 = arith.constant 112 : index
      %get3A_65 = tpu.vector_load %arg6[%get3A_63, %get3A_64] {strides = array<i32>} : memref<88x128xf32, #tpu.memory_space<vmem>>, vector<16xf32>,
      tpu.vector_store_idx %arg7[%get3A_62], %get3A_65 {add = true} : memref<10000xf32, #tpu.memory_space<vmem>>[vector<16xi32>], vector<16xf32>,
    }
    "tpu.region"() ({
      %run_scoped3A = tpu.sem_alloc : memref<!tpu.dma_semaphore, #tpu.memory_space<semaphore_mem>>
      %dma_start3A = arith.constant 0 : i32
      %dma_start3A_18 = tpu.memref_slice %arg4[%add3A, %dma_start3A] : memref<32x10000xf32, #tpu.memory_space<hbm>> -> memref<1x10000xf32, #tpu.memory_space<hbm>>
      %dma_start3A_19 = tpu.memref_squeeze %dma_start3A_18 : memref<1x10000xf32, #tpu.memory_space<hbm>> -> memref<10000xf32, #tpu.memory_space<hbm>>
      %dma_start3A_20 = arith.constant 0 : i32
      %dma_start3A_21 = tpu.memref_slice %arg4[%add3A, %dma_start3A_20] : memref<32x10000xf32, #tpu.memory_space<hbm>> -> memref<1x10000xf32, #tpu.memory_space<hbm>>
      %dma_start3A_22 = tpu.memref_squeeze %dma_start3A_21 : memref<1x10000xf32, #tpu.memory_space<hbm>> -> memref<10000xf32, #tpu.memory_space<hbm>>
      tpu.enqueue_dma source(%arg7 : memref<10000xf32, #tpu.memory_space<vmem>>) target(%dma_start3A_22 : memref<10000xf32, #tpu.memory_space<hbm>>) target_semaphore(%run_scoped3A : memref<!tpu.dma_semaphore, #tpu.memory_space<semaphore_mem>>)
      %dma_wait3A = arith.constant 0 : i32
      %dma_wait3A_23 = tpu.memref_slice %arg4[%add3A, %dma_wait3A] : memref<32x10000xf32, #tpu.memory_space<hbm>> -> memref<1x10000xf32, #tpu.memory_space<hbm>>
      %dma_wait3A_24 = tpu.memref_squeeze %dma_wait3A_23 : memref<1x10000xf32, #tpu.memory_space<hbm>> -> memref<10000xf32, #tpu.memory_space<hbm>>
      %dma_wait3A_25 = arith.constant 0 : i32
      %dma_wait3A_26 = tpu.memref_slice %arg4[%add3A, %dma_wait3A_25] : memref<32x10000xf32, #tpu.memory_space<hbm>> -> memref<1x10000xf32, #tpu.memory_space<hbm>>
      %dma_wait3A_27 = tpu.memref_squeeze %dma_wait3A_26 : memref<1x10000xf32, #tpu.memory_space<hbm>> -> memref<10000xf32, #tpu.memory_space<hbm>>
      tpu.wait_dma2 semaphore(%run_scoped3A : memref<!tpu.dma_semaphore, #tpu.memory_space<semaphore_mem>>) src(%arg7 : memref<10000xf32, #tpu.memory_space<vmem>>) dst(%dma_wait3A_27 : memref<10000xf32, #tpu.memory_space<hbm>>)
      tpu.yield
    }) : () -> ()
    return
  }
}

#map = affine_map<(d0, d1) -> (0, 0)>
#map1 = affine_map<(d0, d1) -> (0, 0, 0)>
module attributes {stable_mosaic.version = 14 : i64} {
  func.func @_scat_kernel(%arg0: i32, %arg1: i32, %arg2: memref<10000x128xf32, #tpu.memory_space<hbm>>, %arg3: memref<32x88x128xi32, #tpu.memory_space<hbm>>, %arg4: memref<32x88x128xi32, #tpu.memory_space<hbm>>, %arg5: memref<32x88x128xf32, #tpu.memory_space<hbm>>, %arg6: memref<10000x128xf32, #tpu.memory_space<hbm>>, %arg7: memref<2x10000x128xf32, #tpu.memory_space<hbm>>, %arg8: memref<88x128xi32, #tpu.memory_space<vmem>>, %arg9: memref<88x128xi32, #tpu.memory_space<vmem>>, %arg10: memref<88x128xf32, #tpu.memory_space<vmem>>, %arg11: memref<128x128xf32, #tpu.memory_space<vmem>>, %arg12: memref<10000x128xf32, #tpu.memory_space<vmem_shared>>, %arg13: memref<!tpu.dma_semaphore, #tpu.memory_space<semaphore_mem>>) attributes {dimension_semantics = [#tpu.dimension_semantics<core_parallel>, #tpu.dimension_semantics<subcore_parallel>], iteration_bounds = array<i64: 2, 16>, scalar_prefetch = 0 : i64, scratch_operands = 6 : i64, tpu.core_type = #tpu.core_type<sc_vector_subcore>, window_params = [{transform_indices = #map}, {transform_indices = #map1}, {transform_indices = #map1}, {transform_indices = #map1}, {transform_indices = #map}, {transform_indices = #map1}]} {
    %mul3A = arith.constant 2 : i32
    %mul3A_0 = arith.muli %arg1, %mul3A : i32
    %add3A = arith.addi %mul3A_0, %arg0 : i32
    "tpu.region"() ({
      %run_scoped3A = tpu.sem_alloc : memref<!tpu.dma_semaphore, #tpu.memory_space<semaphore_mem>>
      %dma_start3A = arith.constant 0 : i32
      %dma_start3A_29 = arith.constant 0 : i32
      %dma_start3A_30 = tpu.memref_slice %arg3[%add3A, %dma_start3A, %dma_start3A_29] : memref<32x88x128xi32, #tpu.memory_space<hbm>> -> memref<1x88x128xi32, #tpu.memory_space<hbm>>
      %dma_start3A_31 = tpu.memref_squeeze %dma_start3A_30 : memref<1x88x128xi32, #tpu.memory_space<hbm>> -> memref<88x128xi32, #tpu.memory_space<hbm>>
      %dma_start3A_32 = arith.constant 0 : i32
      %dma_start3A_33 = arith.constant 0 : i32
      %dma_start3A_34 = tpu.memref_slice %arg3[%add3A, %dma_start3A_32, %dma_start3A_33] : memref<32x88x128xi32, #tpu.memory_space<hbm>> -> memref<1x88x128xi32, #tpu.memory_space<hbm>>
      %dma_start3A_35 = tpu.memref_squeeze %dma_start3A_34 : memref<1x88x128xi32, #tpu.memory_space<hbm>> -> memref<88x128xi32, #tpu.memory_space<hbm>>
      tpu.enqueue_dma source(%dma_start3A_35 : memref<88x128xi32, #tpu.memory_space<hbm>>) target(%arg8 : memref<88x128xi32, #tpu.memory_space<vmem>>) target_semaphore(%run_scoped3A : memref<!tpu.dma_semaphore, #tpu.memory_space<semaphore_mem>>)
      %dma_wait3A = arith.constant 0 : i32
      %dma_wait3A_36 = arith.constant 0 : i32
      %dma_wait3A_37 = tpu.memref_slice %arg3[%add3A, %dma_wait3A, %dma_wait3A_36] : memref<32x88x128xi32, #tpu.memory_space<hbm>> -> memref<1x88x128xi32, #tpu.memory_space<hbm>>
      %dma_wait3A_38 = tpu.memref_squeeze %dma_wait3A_37 : memref<1x88x128xi32, #tpu.memory_space<hbm>> -> memref<88x128xi32, #tpu.memory_space<hbm>>
      %dma_wait3A_39 = arith.constant 0 : i32
      %dma_wait3A_40 = arith.constant 0 : i32
      %dma_wait3A_41 = tpu.memref_slice %arg3[%add3A, %dma_wait3A_39, %dma_wait3A_40] : memref<32x88x128xi32, #tpu.memory_space<hbm>> -> memref<1x88x128xi32, #tpu.memory_space<hbm>>
      %dma_wait3A_42 = tpu.memref_squeeze %dma_wait3A_41 : memref<1x88x128xi32, #tpu.memory_space<hbm>> -> memref<88x128xi32, #tpu.memory_space<hbm>>
      tpu.wait_dma2 semaphore(%run_scoped3A : memref<!tpu.dma_semaphore, #tpu.memory_space<semaphore_mem>>) src(%dma_wait3A_42 : memref<88x128xi32, #tpu.memory_space<hbm>>) dst(%arg8 : memref<88x128xi32, #tpu.memory_space<vmem>>)
      tpu.yield
    }) : () -> ()
    "tpu.region"() ({
      %run_scoped3A = tpu.sem_alloc : memref<!tpu.dma_semaphore, #tpu.memory_space<semaphore_mem>>
      %dma_start3A = arith.constant 0 : i32
      %dma_start3A_29 = arith.constant 0 : i32
      %dma_start3A_30 = tpu.memref_slice %arg4[%add3A, %dma_start3A, %dma_start3A_29] : memref<32x88x128xi32, #tpu.memory_space<hbm>> -> memref<1x88x128xi32, #tpu.memory_space<hbm>>
      %dma_start3A_31 = tpu.memref_squeeze %dma_start3A_30 : memref<1x88x128xi32, #tpu.memory_space<hbm>> -> memref<88x128xi32, #tpu.memory_space<hbm>>
      %dma_start3A_32 = arith.constant 0 : i32
      %dma_start3A_33 = arith.constant 0 : i32
      %dma_start3A_34 = tpu.memref_slice %arg4[%add3A, %dma_start3A_32, %dma_start3A_33] : memref<32x88x128xi32, #tpu.memory_space<hbm>> -> memref<1x88x128xi32, #tpu.memory_space<hbm>>
      %dma_start3A_35 = tpu.memref_squeeze %dma_start3A_34 : memref<1x88x128xi32, #tpu.memory_space<hbm>> -> memref<88x128xi32, #tpu.memory_space<hbm>>
      tpu.enqueue_dma source(%dma_start3A_35 : memref<88x128xi32, #tpu.memory_space<hbm>>) target(%arg9 : memref<88x128xi32, #tpu.memory_space<vmem>>) target_semaphore(%run_scoped3A : memref<!tpu.dma_semaphore, #tpu.memory_space<semaphore_mem>>)
      %dma_wait3A = arith.constant 0 : i32
      %dma_wait3A_36 = arith.constant 0 : i32
      %dma_wait3A_37 = tpu.memref_slice %arg4[%add3A, %dma_wait3A, %dma_wait3A_36] : memref<32x88x128xi32, #tpu.memory_space<hbm>> -> memref<1x88x128xi32, #tpu.memory_space<hbm>>
      %dma_wait3A_38 = tpu.memref_squeeze %dma_wait3A_37 : memref<1x88x128xi32, #tpu.memory_space<hbm>> -> memref<88x128xi32, #tpu.memory_space<hbm>>
      %dma_wait3A_39 = arith.constant 0 : i32
      %dma_wait3A_40 = arith.constant 0 : i32
      %dma_wait3A_41 = tpu.memref_slice %arg4[%add3A, %dma_wait3A_39, %dma_wait3A_40] : memref<32x88x128xi32, #tpu.memory_space<hbm>> -> memref<1x88x128xi32, #tpu.memory_space<hbm>>
      %dma_wait3A_42 = tpu.memref_squeeze %dma_wait3A_41 : memref<1x88x128xi32, #tpu.memory_space<hbm>> -> memref<88x128xi32, #tpu.memory_space<hbm>>
      tpu.wait_dma2 semaphore(%run_scoped3A : memref<!tpu.dma_semaphore, #tpu.memory_space<semaphore_mem>>) src(%dma_wait3A_42 : memref<88x128xi32, #tpu.memory_space<hbm>>) dst(%arg9 : memref<88x128xi32, #tpu.memory_space<vmem>>)
      tpu.yield
    }) : () -> ()
    "tpu.region"() ({
      %run_scoped3A = tpu.sem_alloc : memref<!tpu.dma_semaphore, #tpu.memory_space<semaphore_mem>>
      %dma_start3A = arith.constant 0 : i32
      %dma_start3A_29 = arith.constant 0 : i32
      %dma_start3A_30 = tpu.memref_slice %arg5[%add3A, %dma_start3A, %dma_start3A_29] : memref<32x88x128xf32, #tpu.memory_space<hbm>> -> memref<1x88x128xf32, #tpu.memory_space<hbm>>
      %dma_start3A_31 = tpu.memref_squeeze %dma_start3A_30 : memref<1x88x128xf32, #tpu.memory_space<hbm>> -> memref<88x128xf32, #tpu.memory_space<hbm>>
      %dma_start3A_32 = arith.constant 0 : i32
      %dma_start3A_33 = arith.constant 0 : i32
      %dma_start3A_34 = tpu.memref_slice %arg5[%add3A, %dma_start3A_32, %dma_start3A_33] : memref<32x88x128xf32, #tpu.memory_space<hbm>> -> memref<1x88x128xf32, #tpu.memory_space<hbm>>
      %dma_start3A_35 = tpu.memref_squeeze %dma_start3A_34 : memref<1x88x128xf32, #tpu.memory_space<hbm>> -> memref<88x128xf32, #tpu.memory_space<hbm>>
      tpu.enqueue_dma source(%dma_start3A_35 : memref<88x128xf32, #tpu.memory_space<hbm>>) target(%arg10 : memref<88x128xf32, #tpu.memory_space<vmem>>) target_semaphore(%run_scoped3A : memref<!tpu.dma_semaphore, #tpu.memory_space<semaphore_mem>>)
      %dma_wait3A = arith.constant 0 : i32
      %dma_wait3A_36 = arith.constant 0 : i32
      %dma_wait3A_37 = tpu.memref_slice %arg5[%add3A, %dma_wait3A, %dma_wait3A_36] : memref<32x88x128xf32, #tpu.memory_space<hbm>> -> memref<1x88x128xf32, #tpu.memory_space<hbm>>
      %dma_wait3A_38 = tpu.memref_squeeze %dma_wait3A_37 : memref<1x88x128xf32, #tpu.memory_space<hbm>> -> memref<88x128xf32, #tpu.memory_space<hbm>>
      %dma_wait3A_39 = arith.constant 0 : i32
      %dma_wait3A_40 = arith.constant 0 : i32
      %dma_wait3A_41 = tpu.memref_slice %arg5[%add3A, %dma_wait3A_39, %dma_wait3A_40] : memref<32x88x128xf32, #tpu.memory_space<hbm>> -> memref<1x88x128xf32, #tpu.memory_space<hbm>>
      %dma_wait3A_42 = tpu.memref_squeeze %dma_wait3A_41 : memref<1x88x128xf32, #tpu.memory_space<hbm>> -> memref<88x128xf32, #tpu.memory_space<hbm>>
      tpu.wait_dma2 semaphore(%run_scoped3A : memref<!tpu.dma_semaphore, #tpu.memory_space<semaphore_mem>>) src(%dma_wait3A_42 : memref<88x128xf32, #tpu.memory_space<hbm>>) dst(%arg10 : memref<88x128xf32, #tpu.memory_space<vmem>>)
      tpu.yield
    }) : () -> ()
    %mul3A_1 = arith.constant 624 : i32
    %mul3A_2 = arith.muli %arg1, %mul3A_1 : i32
    %mul3A_3 = arith.constant 624 : i32
    %mul3A_4 = arith.muli %arg1, %mul3A_3 : i32
    "tpu.region"() ({
      %run_scoped3A = tpu.sem_alloc : memref<!tpu.dma_semaphore, #tpu.memory_space<semaphore_mem>>
      %dma_start3A = arith.constant 0 : i32
      %dma_start3A_29 = tpu.memref_slice %arg12[%mul3A_4, %dma_start3A] : memref<10000x128xf32, #tpu.memory_space<vmem_shared>> -> memref<624x128xf32, #tpu.memory_space<vmem_shared>>
      %dma_start3A_30 = arith.constant 0 : i32
      %dma_start3A_31 = tpu.memref_slice %arg6[%mul3A_2, %dma_start3A_30] : memref<10000x128xf32, #tpu.memory_space<hbm>> -> memref<624x128xf32, #tpu.memory_space<hbm>>
      tpu.enqueue_dma source(%dma_start3A_31 : memref<624x128xf32, #tpu.memory_space<hbm>>) target(%dma_start3A_29 : memref<624x128xf32, #tpu.memory_space<vmem_shared>>) target_semaphore(%run_scoped3A : memref<!tpu.dma_semaphore, #tpu.memory_space<semaphore_mem>>)
      %dma_wait3A = arith.constant 0 : i32
      %dma_wait3A_32 = tpu.memref_slice %arg12[%mul3A_4, %dma_wait3A] : memref<10000x128xf32, #tpu.memory_space<vmem_shared>> -> memref<624x128xf32, #tpu.memory_space<vmem_shared>>
      %dma_wait3A_33 = arith.constant 0 : i32
      %dma_wait3A_34 = tpu.memref_slice %arg6[%mul3A_2, %dma_wait3A_33] : memref<10000x128xf32, #tpu.memory_space<hbm>> -> memref<624x128xf32, #tpu.memory_space<hbm>>
      tpu.wait_dma2 semaphore(%run_scoped3A : memref<!tpu.dma_semaphore, #tpu.memory_space<semaphore_mem>>) src(%dma_wait3A_34 : memref<624x128xf32, #tpu.memory_space<hbm>>) dst(%dma_wait3A_32 : memref<624x128xf32, #tpu.memory_space<vmem_shared>>)
      tpu.yield
    }) : () -> ()
    %eq3A = arith.constant 15 : i32
    %eq3A_5 = arith.cmpi eq, %arg1, %eq3A : i32
    %convert_element_type3A = arith.extui %eq3A_5 : i1 to i32
    %cond3A = arith.constant 0 : i32
    %cond3A_6 = arith.cmpi ne, %convert_element_type3A, %cond3A : i32
    scf.if %cond3A_6 {
      "tpu.region"() ({
        %run_scoped3A = tpu.sem_alloc : memref<!tpu.dma_semaphore, #tpu.memory_space<semaphore_mem>>
        %dma_start3A = arith.constant 9984 : i32
        %dma_start3A_29 = arith.constant 0 : i32
        %dma_start3A_30 = tpu.memref_slice %arg12[%dma_start3A, %dma_start3A_29] : memref<10000x128xf32, #tpu.memory_space<vmem_shared>> -> memref<16x128xf32, #tpu.memory_space<vmem_shared>>
        %dma_start3A_31 = arith.constant 9984 : i32
        %dma_start3A_32 = arith.constant 0 : i32
        %dma_start3A_33 = tpu.memref_slice %arg6[%dma_start3A_31, %dma_start3A_32] : memref<10000x128xf32, #tpu.memory_space<hbm>> -> memref<16x128xf32, #tpu.memory_space<hbm>>
        tpu.enqueue_dma source(%dma_start3A_33 : memref<16x128xf32, #tpu.memory_space<hbm>>) target(%dma_start3A_30 : memref<16x128xf32, #tpu.memory_space<vmem_shared>>) target_semaphore(%run_scoped3A : memref<!tpu.dma_semaphore, #tpu.memory_space<semaphore_mem>>)
        %dma_wait3A = arith.constant 9984 : i32
        %dma_wait3A_34 = arith.constant 0 : i32
        %dma_wait3A_35 = tpu.memref_slice %arg12[%dma_wait3A, %dma_wait3A_34] : memref<10000x128xf32, #tpu.memory_space<vmem_shared>> -> memref<16x128xf32, #tpu.memory_space<vmem_shared>>
        %dma_wait3A_36 = arith.constant 9984 : i32
        %dma_wait3A_37 = arith.constant 0 : i32
        %dma_wait3A_38 = tpu.memref_slice %arg6[%dma_wait3A_36, %dma_wait3A_37] : memref<10000x128xf32, #tpu.memory_space<hbm>> -> memref<16x128xf32, #tpu.memory_space<hbm>>
        tpu.wait_dma2 semaphore(%run_scoped3A : memref<!tpu.dma_semaphore, #tpu.memory_space<semaphore_mem>>) src(%dma_wait3A_38 : memref<16x128xf32, #tpu.memory_space<hbm>>) dst(%dma_wait3A_35 : memref<16x128xf32, #tpu.memory_space<vmem_shared>>)
        tpu.yield
      }) : () -> ()
    } else {
    }
    %barrier3A = arith.constant 0 : index
    tpu.barrier barrier_id(%barrier3A)
    %eq3A_7 = arith.constant 0 : i32
    %eq3A_8 = arith.cmpi eq, %arg0, %eq3A_7 : i32
    %jit3A = arith.constant 88 : i32
    %jit3A_9 = arith.constant 69 : i32
    %select_n3A = arith.select %eq3A_8, %jit3A, %jit3A_9 : i32
    %while3A = arith.constant 0 : i32
    %while3A_10 = arith.constant 0 : i32
    %while3A_11 = arith.subi %select_n3A, %while3A_10 : i32
    %while3A_12 = arith.addi %while3A_10, %while3A_11 : i32
    %while3A_13 = arith.constant 1 : i32
    %while3A_14 = arith.divsi %while3A_11, %while3A_13 : i32
    %while3A_15 = arith.muli %while3A_14, %while3A_13 : i32
    %while3A_16 = arith.addi %while3A_10, %while3A_15 : i32
    %while3A_17 = arith.constant 1 : i32
    scf.for %while3A_29 = %while3A_10 to %while3A_16 step %while3A_17  : i32 {
      %dma_start3A = arith.constant 0 : i32
      %dma_start3A_30 = tpu.memref_slice %arg8[%while3A_29, %dma_start3A] : memref<88x128xi32, #tpu.memory_space<vmem>> -> memref<1x128xi32, #tpu.memory_space<vmem>>
      %dma_start3A_31 = tpu.memref_squeeze %dma_start3A_30 : memref<1x128xi32, #tpu.memory_space<vmem>> -> memref<128xi32, #tpu.memory_space<vmem>>
      %dma_start3A_32 = arith.constant 0 : i32
      %dma_start3A_33 = arith.constant 0 : i32
      %dma_start3A_34 = tpu.memref_slice %arg2[%dma_start3A_32, %dma_start3A_33] : memref<10000x128xf32, #tpu.memory_space<hbm>> -> memref<10000x128xf32, #tpu.memory_space<hbm>>
      tpu.enqueue_indirect_dma source(%dma_start3A_34 : memref<10000x128xf32, #tpu.memory_space<hbm>>) target(%arg11 : memref<128x128xf32, #tpu.memory_space<vmem>>) offsets(%dma_start3A_31 : memref<128xi32, #tpu.memory_space<vmem>>) semaphore(%arg13 : memref<!tpu.dma_semaphore, #tpu.memory_space<semaphore_mem>>)
      %dma_wait3A = arith.constant 0 : i32
      %dma_wait3A_35 = tpu.memref_slice %arg8[%while3A_29, %dma_wait3A] : memref<88x128xi32, #tpu.memory_space<vmem>> -> memref<1x128xi32, #tpu.memory_space<vmem>>
      %dma_wait3A_36 = tpu.memref_squeeze %dma_wait3A_35 : memref<1x128xi32, #tpu.memory_space<vmem>> -> memref<128xi32, #tpu.memory_space<vmem>>
      %dma_wait3A_37 = arith.constant 0 : i32
      %dma_wait3A_38 = arith.constant 0 : i32
      %dma_wait3A_39 = tpu.memref_slice %arg2[%dma_wait3A_37, %dma_wait3A_38] : memref<10000x128xf32, #tpu.memory_space<hbm>> -> memref<10000x128xf32, #tpu.memory_space<hbm>>
      tpu.wait_indirect_dma semaphore(%arg13 : memref<!tpu.dma_semaphore, #tpu.memory_space<semaphore_mem>>) src(%dma_wait3A_39 : memref<10000x128xf32, #tpu.memory_space<hbm>>) dst(%arg11 : memref<128x128xf32, #tpu.memory_space<vmem>>)
      %scan3A = arith.constant 0 : i32
      %scan3A_40 = arith.constant 0 : i32
      %scan3A_41 = arith.constant 8 : i32
      %scan3A_42 = arith.addi %scan3A_40, %scan3A_41 : i32
      %scan3A_43 = arith.constant 1 : i32
      scf.for %scan3A_45 = %scan3A_40 to %scan3A_42 step %scan3A_43  : i32 {
        %mul3A_46 = arith.constant 16 : i32
        %mul3A_47 = arith.muli %scan3A_45, %mul3A_46 : i32
        %get3A = arith.index_cast %while3A_29 : i32 to index
        %get3A_48 = arith.index_cast %mul3A_47 : i32 to index
        %get3A_49 = tpu.vector_load %arg10[%get3A, %get3A_48] {strides = array<i32>} : memref<88x128xf32, #tpu.memory_space<vmem>>, vector<16xf32>,
        %slice3A = vector.extract_strided_slice %get3A_49 {offsets = [0], sizes = [1], strides = [1]} : vector<16xf32> to vector<1xf32>
        %squeeze3A = vector.extract %slice3A[0] : f32 from vector<1xf32>
        %mul3A_50 = arith.constant 16 : i32
        %mul3A_51 = arith.muli %scan3A_45, %mul3A_50 : i32
        %add3A_52 = arith.constant 0 : i32
        %add3A_53 = arith.addi %mul3A_51, %add3A_52 : i32
        %get3A_54 = arith.index_cast %add3A_53 : i32 to index
        %get3A_55 = arith.constant 0 : index
        %get3A_56 = tpu.vector_load %arg11[%get3A_54, %get3A_55] {strides = array<i32>} : memref<128x128xf32, #tpu.memory_space<vmem>>, vector<16xf32>,
        %mul3A_57 = vector.broadcast %squeeze3A : f32 to vector<16xf32>
        %mul3A_58 = arith.mulf %get3A_56, %mul3A_57 : vector<16xf32>
        %mul3A_59 = arith.constant 16 : i32
        %mul3A_60 = arith.muli %scan3A_45, %mul3A_59 : i32
        %add3A_61 = arith.constant 0 : i32
        %add3A_62 = arith.addi %mul3A_60, %add3A_61 : i32
        %swap3A = arith.index_cast %add3A_62 : i32 to index
        %swap3A_63 = arith.constant 0 : index
        %swap3A_64 = tpu.vector_load %arg11[%swap3A, %swap3A_63] {strides = array<i32>} : memref<128x128xf32, #tpu.memory_space<vmem>>, vector<16xf32>,
        tpu.vector_store %arg11[%swap3A, %swap3A_63], %mul3A_58 {strides = array<i32>} : memref<128x128xf32, #tpu.memory_space<vmem>>, vector<16xf32>,
        %mul3A_65 = arith.constant 16 : i32
        %mul3A_66 = arith.muli %scan3A_45, %mul3A_65 : i32
        %add3A_67 = arith.constant 0 : i32
        %add3A_68 = arith.addi %mul3A_66, %add3A_67 : i32
        %get3A_69 = arith.index_cast %add3A_68 : i32 to index
        %get3A_70 = arith.constant 16 : index
        %get3A_71 = tpu.vector_load %arg11[%get3A_69, %get3A_70] {strides = array<i32>} : memref<128x128xf32, #tpu.memory_space<vmem>>, vector<16xf32>,
        %mul3A_72 = vector.broadcast %squeeze3A : f32 to vector<16xf32>
        %mul3A_73 = arith.mulf %get3A_71, %mul3A_72 : vector<16xf32>
        %mul3A_74 = arith.constant 16 : i32
        %mul3A_75 = arith.muli %scan3A_45, %mul3A_74 : i32
        %add3A_76 = arith.constant 0 : i32
        %add3A_77 = arith.addi %mul3A_75, %add3A_76 : i32
        %swap3A_78 = arith.index_cast %add3A_77 : i32 to index
        %swap3A_79 = arith.constant 16 : index
        %swap3A_80 = tpu.vector_load %arg11[%swap3A_78, %swap3A_79] {strides = array<i32>} : memref<128x128xf32, #tpu.memory_space<vmem>>, vector<16xf32>,
        tpu.vector_store %arg11[%swap3A_78, %swap3A_79], %mul3A_73 {strides = array<i32>} : memref<128x128xf32, #tpu.memory_space<vmem>>, vector<16xf32>,
        %mul3A_81 = arith.constant 16 : i32
        %mul3A_82 = arith.muli %scan3A_45, %mul3A_81 : i32
        %add3A_83 = arith.constant 0 : i32
        %add3A_84 = arith.addi %mul3A_82, %add3A_83 : i32
        %get3A_85 = arith.index_cast %add3A_84 : i32 to index
        %get3A_86 = arith.constant 32 : index
        %get3A_87 = tpu.vector_load %arg11[%get3A_85, %get3A_86] {strides = array<i32>} : memref<128x128xf32, #tpu.memory_space<vmem>>, vector<16xf32>,
        %mul3A_88 = vector.broadcast %squeeze3A : f32 to vector<16xf32>
        %mul3A_89 = arith.mulf %get3A_87, %mul3A_88 : vector<16xf32>
        %mul3A_90 = arith.constant 16 : i32
        %mul3A_91 = arith.muli %scan3A_45, %mul3A_90 : i32
        %add3A_92 = arith.constant 0 : i32
        %add3A_93 = arith.addi %mul3A_91, %add3A_92 : i32
        %swap3A_94 = arith.index_cast %add3A_93 : i32 to index
        %swap3A_95 = arith.constant 32 : index
        %swap3A_96 = tpu.vector_load %arg11[%swap3A_94, %swap3A_95] {strides = array<i32>} : memref<128x128xf32, #tpu.memory_space<vmem>>, vector<16xf32>,
        tpu.vector_store %arg11[%swap3A_94, %swap3A_95], %mul3A_89 {strides = array<i32>} : memref<128x128xf32, #tpu.memory_space<vmem>>, vector<16xf32>,
        %mul3A_97 = arith.constant 16 : i32
        %mul3A_98 = arith.muli %scan3A_45, %mul3A_97 : i32
        %add3A_99 = arith.constant 0 : i32
        %add3A_100 = arith.addi %mul3A_98, %add3A_99 : i32
        %get3A_101 = arith.index_cast %add3A_100 : i32 to index
        %get3A_102 = arith.constant 48 : index
        %get3A_103 = tpu.vector_load %arg11[%get3A_101, %get3A_102] {strides = array<i32>} : memref<128x128xf32, #tpu.memory_space<vmem>>, vector<16xf32>,
        %mul3A_104 = vector.broadcast %squeeze3A : f32 to vector<16xf32>
        %mul3A_105 = arith.mulf %get3A_103, %mul3A_104 : vector<16xf32>
        %mul3A_106 = arith.constant 16 : i32
        %mul3A_107 = arith.muli %scan3A_45, %mul3A_106 : i32
        %add3A_108 = arith.constant 0 : i32
        %add3A_109 = arith.addi %mul3A_107, %add3A_108 : i32
        %swap3A_110 = arith.index_cast %add3A_109 : i32 to index
        %swap3A_111 = arith.constant 48 : index
        %swap3A_112 = tpu.vector_load %arg11[%swap3A_110, %swap3A_111] {strides = array<i32>} : memref<128x128xf32, #tpu.memory_space<vmem>>, vector<16xf32>,
        tpu.vector_store %arg11[%swap3A_110, %swap3A_111], %mul3A_105 {strides = array<i32>} : memref<128x128xf32, #tpu.memory_space<vmem>>, vector<16xf32>,
        %mul3A_113 = arith.constant 16 : i32
        %mul3A_114 = arith.muli %scan3A_45, %mul3A_113 : i32
        %add3A_115 = arith.constant 0 : i32
        %add3A_116 = arith.addi %mul3A_114, %add3A_115 : i32
        %get3A_117 = arith.index_cast %add3A_116 : i32 to index
        %get3A_118 = arith.constant 64 : index
        %get3A_119 = tpu.vector_load %arg11[%get3A_117, %get3A_118] {strides = array<i32>} : memref<128x128xf32, #tpu.memory_space<vmem>>, vector<16xf32>,
        %mul3A_120 = vector.broadcast %squeeze3A : f32 to vector<16xf32>
        %mul3A_121 = arith.mulf %get3A_119, %mul3A_120 : vector<16xf32>
        %mul3A_122 = arith.constant 16 : i32
        %mul3A_123 = arith.muli %scan3A_45, %mul3A_122 : i32
        %add3A_124 = arith.constant 0 : i32
        %add3A_125 = arith.addi %mul3A_123, %add3A_124 : i32
        %swap3A_126 = arith.index_cast %add3A_125 : i32 to index
        %swap3A_127 = arith.constant 64 : index
        %swap3A_128 = tpu.vector_load %arg11[%swap3A_126, %swap3A_127] {strides = array<i32>} : memref<128x128xf32, #tpu.memory_space<vmem>>, vector<16xf32>,
        tpu.vector_store %arg11[%swap3A_126, %swap3A_127], %mul3A_121 {strides = array<i32>} : memref<128x128xf32, #tpu.memory_space<vmem>>, vector<16xf32>,
        %mul3A_129 = arith.constant 16 : i32
        %mul3A_130 = arith.muli %scan3A_45, %mul3A_129 : i32
        %add3A_131 = arith.constant 0 : i32
        %add3A_132 = arith.addi %mul3A_130, %add3A_131 : i32
        %get3A_133 = arith.index_cast %add3A_132 : i32 to index
        %get3A_134 = arith.constant 80 : index
        %get3A_135 = tpu.vector_load %arg11[%get3A_133, %get3A_134] {strides = array<i32>} : memref<128x128xf32, #tpu.memory_space<vmem>>, vector<16xf32>,
        %mul3A_136 = vector.broadcast %squeeze3A : f32 to vector<16xf32>
        %mul3A_137 = arith.mulf %get3A_135, %mul3A_136 : vector<16xf32>
        %mul3A_138 = arith.constant 16 : i32
        %mul3A_139 = arith.muli %scan3A_45, %mul3A_138 : i32
        %add3A_140 = arith.constant 0 : i32
        %add3A_141 = arith.addi %mul3A_139, %add3A_140 : i32
        %swap3A_142 = arith.index_cast %add3A_141 : i32 to index
        %swap3A_143 = arith.constant 80 : index
        %swap3A_144 = tpu.vector_load %arg11[%swap3A_142, %swap3A_143] {strides = array<i32>} : memref<128x128xf32, #tpu.memory_space<vmem>>, vector<16xf32>,
        tpu.vector_store %arg11[%swap3A_142, %swap3A_143], %mul3A_137 {strides = array<i32>} : memref<128x128xf32, #tpu.memory_space<vmem>>, vector<16xf32>,
        %mul3A_145 = arith.constant 16 : i32
        %mul3A_146 = arith.muli %scan3A_45, %mul3A_145 : i32
        %add3A_147 = arith.constant 0 : i32
        %add3A_148 = arith.addi %mul3A_146, %add3A_147 : i32
        %get3A_149 = arith.index_cast %add3A_148 : i32 to index
        %get3A_150 = arith.constant 96 : index
        %get3A_151 = tpu.vector_load %arg11[%get3A_149, %get3A_150] {strides = array<i32>} : memref<128x128xf32, #tpu.memory_space<vmem>>, vector<16xf32>,
        %mul3A_152 = vector.broadcast %squeeze3A : f32 to vector<16xf32>
        %mul3A_153 = arith.mulf %get3A_151, %mul3A_152 : vector<16xf32>
        %mul3A_154 = arith.constant 16 : i32
        %mul3A_155 = arith.muli %scan3A_45, %mul3A_154 : i32
        %add3A_156 = arith.constant 0 : i32
        %add3A_157 = arith.addi %mul3A_155, %add3A_156 : i32
        %swap3A_158 = arith.index_cast %add3A_157 : i32 to index
        %swap3A_159 = arith.constant 96 : index
        %swap3A_160 = tpu.vector_load %arg11[%swap3A_158, %swap3A_159] {strides = array<i32>} : memref<128x128xf32, #tpu.memory_space<vmem>>, vector<16xf32>,
        tpu.vector_store %arg11[%swap3A_158, %swap3A_159], %mul3A_153 {strides = array<i32>} : memref<128x128xf32, #tpu.memory_space<vmem>>, vector<16xf32>,
        %mul3A_161 = arith.constant 16 : i32
        %mul3A_162 = arith.muli %scan3A_45, %mul3A_161 : i32
        %add3A_163 = arith.constant 0 : i32
        %add3A_164 = arith.addi %mul3A_162, %add3A_163 : i32
        %get3A_165 = arith.index_cast %add3A_164 : i32 to index
        %get3A_166 = arith.constant 112 : index
        %get3A_167 = tpu.vector_load %arg11[%get3A_165, %get3A_166] {strides = array<i32>} : memref<128x128xf32, #tpu.memory_space<vmem>>, vector<16xf32>,
        %mul3A_168 = vector.broadcast %squeeze3A : f32 to vector<16xf32>
        %mul3A_169 = arith.mulf %get3A_167, %mul3A_168 : vector<16xf32>
        %mul3A_170 = arith.constant 16 : i32
        %mul3A_171 = arith.muli %scan3A_45, %mul3A_170 : i32
        %add3A_172 = arith.constant 0 : i32
        %add3A_173 = arith.addi %mul3A_171, %add3A_172 : i32
        %swap3A_174 = arith.index_cast %add3A_173 : i32 to index
        %swap3A_175 = arith.constant 112 : index
        %swap3A_176 = tpu.vector_load %arg11[%swap3A_174, %swap3A_175] {strides = array<i32>} : memref<128x128xf32, #tpu.memory_space<vmem>>, vector<16xf32>,
        tpu.vector_store %arg11[%swap3A_174, %swap3A_175], %mul3A_169 {strides = array<i32>} : memref<128x128xf32, #tpu.memory_space<vmem>>, vector<16xf32>,
        %slice3A_177 = vector.extract_strided_slice %get3A_49 {offsets = [1], sizes = [1], strides = [1]} : vector<16xf32> to vector<1xf32>
        %squeeze3A_178 = vector.extract %slice3A_177[0] : f32 from vector<1xf32>
        %mul3A_179 = arith.constant 16 : i32
        %mul3A_180 = arith.muli %scan3A_45, %mul3A_179 : i32
        %add3A_181 = arith.constant 1 : i32
        %add3A_182 = arith.addi %mul3A_180, %add3A_181 : i32
        %get3A_183 = arith.index_cast %add3A_182 : i32 to index
        %get3A_184 = arith.constant 0 : index
        %get3A_185 = tpu.vector_load %arg11[%get3A_183, %get3A_184] {strides = array<i32>} : memref<128x128xf32, #tpu.memory_space<vmem>>, vector<16xf32>,
        %mul3A_186 = vector.broadcast %squeeze3A_178 : f32 to vector<16xf32>
        %mul3A_187 = arith.mulf %get3A_185, %mul3A_186 : vector<16xf32>
        %mul3A_188 = arith.constant 16 : i32
        %mul3A_189 = arith.muli %scan3A_45, %mul3A_188 : i32
        %add3A_190 = arith.constant 1 : i32
        %add3A_191 = arith.addi %mul3A_189, %add3A_190 : i32
        %swap3A_192 = arith.index_cast %add3A_191 : i32 to index
        %swap3A_193 = arith.constant 0 : index
        %swap3A_194 = tpu.vector_load %arg11[%swap3A_192, %swap3A_193] {strides = array<i32>} : memref<128x128xf32, #tpu.memory_space<vmem>>, vector<16xf32>,
        tpu.vector_store %arg11[%swap3A_192, %swap3A_193], %mul3A_187 {strides = array<i32>} : memref<128x128xf32, #tpu.memory_space<vmem>>, vector<16xf32>,
        %mul3A_195 = arith.constant 16 : i32
        %mul3A_196 = arith.muli %scan3A_45, %mul3A_195 : i32
        %add3A_197 = arith.constant 1 : i32
        %add3A_198 = arith.addi %mul3A_196, %add3A_197 : i32
        %get3A_199 = arith.index_cast %add3A_198 : i32 to index
        %get3A_200 = arith.constant 16 : index
        %get3A_201 = tpu.vector_load %arg11[%get3A_199, %get3A_200] {strides = array<i32>} : memref<128x128xf32, #tpu.memory_space<vmem>>, vector<16xf32>,
        %mul3A_202 = vector.broadcast %squeeze3A_178 : f32 to vector<16xf32>
        %mul3A_203 = arith.mulf %get3A_201, %mul3A_202 : vector<16xf32>
        %mul3A_204 = arith.constant 16 : i32
        %mul3A_205 = arith.muli %scan3A_45, %mul3A_204 : i32
        %add3A_206 = arith.constant 1 : i32
        %add3A_207 = arith.addi %mul3A_205, %add3A_206 : i32
        %swap3A_208 = arith.index_cast %add3A_207 : i32 to index
        %swap3A_209 = arith.constant 16 : index
        %swap3A_210 = tpu.vector_load %arg11[%swap3A_208, %swap3A_209] {strides = array<i32>} : memref<128x128xf32, #tpu.memory_space<vmem>>, vector<16xf32>,
        tpu.vector_store %arg11[%swap3A_208, %swap3A_209], %mul3A_203 {strides = array<i32>} : memref<128x128xf32, #tpu.memory_space<vmem>>, vector<16xf32>,
        %mul3A_211 = arith.constant 16 : i32
        %mul3A_212 = arith.muli %scan3A_45, %mul3A_211 : i32
        %add3A_213 = arith.constant 1 : i32
        %add3A_214 = arith.addi %mul3A_212, %add3A_213 : i32
        %get3A_215 = arith.index_cast %add3A_214 : i32 to index
        %get3A_216 = arith.constant 32 : index
        %get3A_217 = tpu.vector_load %arg11[%get3A_215, %get3A_216] {strides = array<i32>} : memref<128x128xf32, #tpu.memory_space<vmem>>, vector<16xf32>,
        %mul3A_218 = vector.broadcast %squeeze3A_178 : f32 to vector<16xf32>
        %mul3A_219 = arith.mulf %get3A_217, %mul3A_218 : vector<16xf32>
        %mul3A_220 = arith.constant 16 : i32
        %mul3A_221 = arith.muli %scan3A_45, %mul3A_220 : i32
        %add3A_222 = arith.constant 1 : i32
        %add3A_223 = arith.addi %mul3A_221, %add3A_222 : i32
        %swap3A_224 = arith.index_cast %add3A_223 : i32 to index
        %swap3A_225 = arith.constant 32 : index
        %swap3A_226 = tpu.vector_load %arg11[%swap3A_224, %swap3A_225] {strides = array<i32>} : memref<128x128xf32, #tpu.memory_space<vmem>>, vector<16xf32>,
        tpu.vector_store %arg11[%swap3A_224, %swap3A_225], %mul3A_219 {strides = array<i32>} : memref<128x128xf32, #tpu.memory_space<vmem>>, vector<16xf32>,
        %mul3A_227 = arith.constant 16 : i32
        %mul3A_228 = arith.muli %scan3A_45, %mul3A_227 : i32
        %add3A_229 = arith.constant 1 : i32
        %add3A_230 = arith.addi %mul3A_228, %add3A_229 : i32
        %get3A_231 = arith.index_cast %add3A_230 : i32 to index
        %get3A_232 = arith.constant 48 : index
        %get3A_233 = tpu.vector_load %arg11[%get3A_231, %get3A_232] {strides = array<i32>} : memref<128x128xf32, #tpu.memory_space<vmem>>, vector<16xf32>,
        %mul3A_234 = vector.broadcast %squeeze3A_178 : f32 to vector<16xf32>
        %mul3A_235 = arith.mulf %get3A_233, %mul3A_234 : vector<16xf32>
        %mul3A_236 = arith.constant 16 : i32
        %mul3A_237 = arith.muli %scan3A_45, %mul3A_236 : i32
        %add3A_238 = arith.constant 1 : i32
        %add3A_239 = arith.addi %mul3A_237, %add3A_238 : i32
        %swap3A_240 = arith.index_cast %add3A_239 : i32 to index
        %swap3A_241 = arith.constant 48 : index
        %swap3A_242 = tpu.vector_load %arg11[%swap3A_240, %swap3A_241] {strides = array<i32>} : memref<128x128xf32, #tpu.memory_space<vmem>>, vector<16xf32>,
        tpu.vector_store %arg11[%swap3A_240, %swap3A_241], %mul3A_235 {strides = array<i32>} : memref<128x128xf32, #tpu.memory_space<vmem>>, vector<16xf32>,
        %mul3A_243 = arith.constant 16 : i32
        %mul3A_244 = arith.muli %scan3A_45, %mul3A_243 : i32
        %add3A_245 = arith.constant 1 : i32
        %add3A_246 = arith.addi %mul3A_244, %add3A_245 : i32
        %get3A_247 = arith.index_cast %add3A_246 : i32 to index
        %get3A_248 = arith.constant 64 : index
        %get3A_249 = tpu.vector_load %arg11[%get3A_247, %get3A_248] {strides = array<i32>} : memref<128x128xf32, #tpu.memory_space<vmem>>, vector<16xf32>,
        %mul3A_250 = vector.broadcast %squeeze3A_178 : f32 to vector<16xf32>
        %mul3A_251 = arith.mulf %get3A_249, %mul3A_250 : vector<16xf32>
        %mul3A_252 = arith.constant 16 : i32
        %mul3A_253 = arith.muli %scan3A_45, %mul3A_252 : i32
        %add3A_254 = arith.constant 1 : i32
        %add3A_255 = arith.addi %mul3A_253, %add3A_254 : i32
        %swap3A_256 = arith.index_cast %add3A_255 : i32 to index
        %swap3A_257 = arith.constant 64 : index
        %swap3A_258 = tpu.vector_load %arg11[%swap3A_256, %swap3A_257] {strides = array<i32>} : memref<128x128xf32, #tpu.memory_space<vmem>>, vector<16xf32>,
        tpu.vector_store %arg11[%swap3A_256, %swap3A_257], %mul3A_251 {strides = array<i32>} : memref<128x128xf32, #tpu.memory_space<vmem>>, vector<16xf32>,
        %mul3A_259 = arith.constant 16 : i32
        %mul3A_260 = arith.muli %scan3A_45, %mul3A_259 : i32
        %add3A_261 = arith.constant 1 : i32
        %add3A_262 = arith.addi %mul3A_260, %add3A_261 : i32
        %get3A_263 = arith.index_cast %add3A_262 : i32 to index
        %get3A_264 = arith.constant 80 : index
        %get3A_265 = tpu.vector_load %arg11[%get3A_263, %get3A_264] {strides = array<i32>} : memref<128x128xf32, #tpu.memory_space<vmem>>, vector<16xf32>,
        %mul3A_266 = vector.broadcast %squeeze3A_178 : f32 to vector<16xf32>
        %mul3A_267 = arith.mulf %get3A_265, %mul3A_266 : vector<16xf32>
        %mul3A_268 = arith.constant 16 : i32
        %mul3A_269 = arith.muli %scan3A_45, %mul3A_268 : i32
        %add3A_270 = arith.constant 1 : i32
        %add3A_271 = arith.addi %mul3A_269, %add3A_270 : i32
        %swap3A_272 = arith.index_cast %add3A_271 : i32 to index
        %swap3A_273 = arith.constant 80 : index
        %swap3A_274 = tpu.vector_load %arg11[%swap3A_272, %swap3A_273] {strides = array<i32>} : memref<128x128xf32, #tpu.memory_space<vmem>>, vector<16xf32>,
        tpu.vector_store %arg11[%swap3A_272, %swap3A_273], %mul3A_267 {strides = array<i32>} : memref<128x128xf32, #tpu.memory_space<vmem>>, vector<16xf32>,
        %mul3A_275 = arith.constant 16 : i32
        %mul3A_276 = arith.muli %scan3A_45, %mul3A_275 : i32
        %add3A_277 = arith.constant 1 : i32
        %add3A_278 = arith.addi %mul3A_276, %add3A_277 : i32
        %get3A_279 = arith.index_cast %add3A_278 : i32 to index
        %get3A_280 = arith.constant 96 : index
        %get3A_281 = tpu.vector_load %arg11[%get3A_279, %get3A_280] {strides = array<i32>} : memref<128x128xf32, #tpu.memory_space<vmem>>, vector<16xf32>,
        %mul3A_282 = vector.broadcast %squeeze3A_178 : f32 to vector<16xf32>
        %mul3A_283 = arith.mulf %get3A_281, %mul3A_282 : vector<16xf32>
        %mul3A_284 = arith.constant 16 : i32
        %mul3A_285 = arith.muli %scan3A_45, %mul3A_284 : i32
        %add3A_286 = arith.constant 1 : i32
        %add3A_287 = arith.addi %mul3A_285, %add3A_286 : i32
        %swap3A_288 = arith.index_cast %add3A_287 : i32 to index
        %swap3A_289 = arith.constant 96 : index
        %swap3A_290 = tpu.vector_load %arg11[%swap3A_288, %swap3A_289] {strides = array<i32>} : memref<128x128xf32, #tpu.memory_space<vmem>>, vector<16xf32>,
        tpu.vector_store %arg11[%swap3A_288, %swap3A_289], %mul3A_283 {strides = array<i32>} : memref<128x128xf32, #tpu.memory_space<vmem>>, vector<16xf32>,
        %mul3A_291 = arith.constant 16 : i32
        %mul3A_292 = arith.muli %scan3A_45, %mul3A_291 : i32
        %add3A_293 = arith.constant 1 : i32
        %add3A_294 = arith.addi %mul3A_292, %add3A_293 : i32
        %get3A_295 = arith.index_cast %add3A_294 : i32 to index
        %get3A_296 = arith.constant 112 : index
        %get3A_297 = tpu.vector_load %arg11[%get3A_295, %get3A_296] {strides = array<i32>} : memref<128x128xf32, #tpu.memory_space<vmem>>, vector<16xf32>,
        %mul3A_298 = vector.broadcast %squeeze3A_178 : f32 to vector<16xf32>
        %mul3A_299 = arith.mulf %get3A_297, %mul3A_298 : vector<16xf32>
        %mul3A_300 = arith.constant 16 : i32
        %mul3A_301 = arith.muli %scan3A_45, %mul3A_300 : i32
        %add3A_302 = arith.constant 1 : i32
        %add3A_303 = arith.addi %mul3A_301, %add3A_302 : i32
        %swap3A_304 = arith.index_cast %add3A_303 : i32 to index
        %swap3A_305 = arith.constant 112 : index
        %swap3A_306 = tpu.vector_load %arg11[%swap3A_304, %swap3A_305] {strides = array<i32>} : memref<128x128xf32, #tpu.memory_space<vmem>>, vector<16xf32>,
        tpu.vector_store %arg11[%swap3A_304, %swap3A_305], %mul3A_299 {strides = array<i32>} : memref<128x128xf32, #tpu.memory_space<vmem>>, vector<16xf32>,
        %slice3A_307 = vector.extract_strided_slice %get3A_49 {offsets = [2], sizes = [1], strides = [1]} : vector<16xf32> to vector<1xf32>
        %squeeze3A_308 = vector.extract %slice3A_307[0] : f32 from vector<1xf32>
        %mul3A_309 = arith.constant 16 : i32
        %mul3A_310 = arith.muli %scan3A_45, %mul3A_309 : i32
        %add3A_311 = arith.constant 2 : i32
        %add3A_312 = arith.addi %mul3A_310, %add3A_311 : i32
        %get3A_313 = arith.index_cast %add3A_312 : i32 to index
        %get3A_314 = arith.constant 0 : index
        %get3A_315 = tpu.vector_load %arg11[%get3A_313, %get3A_314] {strides = array<i32>} : memref<128x128xf32, #tpu.memory_space<vmem>>, vector<16xf32>,
        %mul3A_316 = vector.broadcast %squeeze3A_308 : f32 to vector<16xf32>
        %mul3A_317 = arith.mulf %get3A_315, %mul3A_316 : vector<16xf32>
        %mul3A_318 = arith.constant 16 : i32
        %mul3A_319 = arith.muli %scan3A_45, %mul3A_318 : i32
        %add3A_320 = arith.constant 2 : i32
        %add3A_321 = arith.addi %mul3A_319, %add3A_320 : i32
        %swap3A_322 = arith.index_cast %add3A_321 : i32 to index
        %swap3A_323 = arith.constant 0 : index
        %swap3A_324 = tpu.vector_load %arg11[%swap3A_322, %swap3A_323] {strides = array<i32>} : memref<128x128xf32, #tpu.memory_space<vmem>>, vector<16xf32>,
        tpu.vector_store %arg11[%swap3A_322, %swap3A_323], %mul3A_317 {strides = array<i32>} : memref<128x128xf32, #tpu.memory_space<vmem>>, vector<16xf32>,
        %mul3A_325 = arith.constant 16 : i32
        %mul3A_326 = arith.muli %scan3A_45, %mul3A_325 : i32
        %add3A_327 = arith.constant 2 : i32
        %add3A_328 = arith.addi %mul3A_326, %add3A_327 : i32
        %get3A_329 = arith.index_cast %add3A_328 : i32 to index
        %get3A_330 = arith.constant 16 : index
        %get3A_331 = tpu.vector_load %arg11[%get3A_329, %get3A_330] {strides = array<i32>} : memref<128x128xf32, #tpu.memory_space<vmem>>, vector<16xf32>,
        %mul3A_332 = vector.broadcast %squeeze3A_308 : f32 to vector<16xf32>
        %mul3A_333 = arith.mulf %get3A_331, %mul3A_332 : vector<16xf32>
        %mul3A_334 = arith.constant 16 : i32
        %mul3A_335 = arith.muli %scan3A_45, %mul3A_334 : i32
        %add3A_336 = arith.constant 2 : i32
        %add3A_337 = arith.addi %mul3A_335, %add3A_336 : i32
        %swap3A_338 = arith.index_cast %add3A_337 : i32 to index
        %swap3A_339 = arith.constant 16 : index
        %swap3A_340 = tpu.vector_load %arg11[%swap3A_338, %swap3A_339] {strides = array<i32>} : memref<128x128xf32, #tpu.memory_space<vmem>>, vector<16xf32>,
        tpu.vector_store %arg11[%swap3A_338, %swap3A_339], %mul3A_333 {strides = array<i32>} : memref<128x128xf32, #tpu.memory_space<vmem>>, vector<16xf32>,
        %mul3A_341 = arith.constant 16 : i32
        %mul3A_342 = arith.muli %scan3A_45, %mul3A_341 : i32
        %add3A_343 = arith.constant 2 : i32
        %add3A_344 = arith.addi %mul3A_342, %add3A_343 : i32
        %get3A_345 = arith.index_cast %add3A_344 : i32 to index
        %get3A_346 = arith.constant 32 : index
        %get3A_347 = tpu.vector_load %arg11[%get3A_345, %get3A_346] {strides = array<i32>} : memref<128x128xf32, #tpu.memory_space<vmem>>, vector<16xf32>,
        %mul3A_348 = vector.broadcast %squeeze3A_308 : f32 to vector<16xf32>
        %mul3A_349 = arith.mulf %get3A_347, %mul3A_348 : vector<16xf32>
        %mul3A_350 = arith.constant 16 : i32
        %mul3A_351 = arith.muli %scan3A_45, %mul3A_350 : i32
        %add3A_352 = arith.constant 2 : i32
        %add3A_353 = arith.addi %mul3A_351, %add3A_352 : i32
        %swap3A_354 = arith.index_cast %add3A_353 : i32 to index
        %swap3A_355 = arith.constant 32 : index
        %swap3A_356 = tpu.vector_load %arg11[%swap3A_354, %swap3A_355] {strides = array<i32>} : memref<128x128xf32, #tpu.memory_space<vmem>>, vector<16xf32>,
        tpu.vector_store %arg11[%swap3A_354, %swap3A_355], %mul3A_349 {strides = array<i32>} : memref<128x128xf32, #tpu.memory_space<vmem>>, vector<16xf32>,
        %mul3A_357 = arith.constant 16 : i32
        %mul3A_358 = arith.muli %scan3A_45, %mul3A_357 : i32
        %add3A_359 = arith.constant 2 : i32
        %add3A_360 = arith.addi %mul3A_358, %add3A_359 : i32
        %get3A_361 = arith.index_cast %add3A_360 : i32 to index
        %get3A_362 = arith.constant 48 : index
        %get3A_363 = tpu.vector_load %arg11[%get3A_361, %get3A_362] {strides = array<i32>} : memref<128x128xf32, #tpu.memory_space<vmem>>, vector<16xf32>,
        %mul3A_364 = vector.broadcast %squeeze3A_308 : f32 to vector<16xf32>
        %mul3A_365 = arith.mulf %get3A_363, %mul3A_364 : vector<16xf32>
        %mul3A_366 = arith.constant 16 : i32
        %mul3A_367 = arith.muli %scan3A_45, %mul3A_366 : i32
        %add3A_368 = arith.constant 2 : i32
        %add3A_369 = arith.addi %mul3A_367, %add3A_368 : i32
        %swap3A_370 = arith.index_cast %add3A_369 : i32 to index
        %swap3A_371 = arith.constant 48 : index
        %swap3A_372 = tpu.vector_load %arg11[%swap3A_370, %swap3A_371] {strides = array<i32>} : memref<128x128xf32, #tpu.memory_space<vmem>>, vector<16xf32>,
        tpu.vector_store %arg11[%swap3A_370, %swap3A_371], %mul3A_365 {strides = array<i32>} : memref<128x128xf32, #tpu.memory_space<vmem>>, vector<16xf32>,
        %mul3A_373 = arith.constant 16 : i32
        %mul3A_374 = arith.muli %scan3A_45, %mul3A_373 : i32
        %add3A_375 = arith.constant 2 : i32
        %add3A_376 = arith.addi %mul3A_374, %add3A_375 : i32
        %get3A_377 = arith.index_cast %add3A_376 : i32 to index
        %get3A_378 = arith.constant 64 : index
        %get3A_379 = tpu.vector_load %arg11[%get3A_377, %get3A_378] {strides = array<i32>} : memref<128x128xf32, #tpu.memory_space<vmem>>, vector<16xf32>,
        %mul3A_380 = vector.broadcast %squeeze3A_308 : f32 to vector<16xf32>
        %mul3A_381 = arith.mulf %get3A_379, %mul3A_380 : vector<16xf32>
        %mul3A_382 = arith.constant 16 : i32
        %mul3A_383 = arith.muli %scan3A_45, %mul3A_382 : i32
        %add3A_384 = arith.constant 2 : i32
        %add3A_385 = arith.addi %mul3A_383, %add3A_384 : i32
        %swap3A_386 = arith.index_cast %add3A_385 : i32 to index
        %swap3A_387 = arith.constant 64 : index
        %swap3A_388 = tpu.vector_load %arg11[%swap3A_386, %swap3A_387] {strides = array<i32>} : memref<128x128xf32, #tpu.memory_space<vmem>>, vector<16xf32>,
        tpu.vector_store %arg11[%swap3A_386, %swap3A_387], %mul3A_381 {strides = array<i32>} : memref<128x128xf32, #tpu.memory_space<vmem>>, vector<16xf32>,
        %mul3A_389 = arith.constant 16 : i32
        %mul3A_390 = arith.muli %scan3A_45, %mul3A_389 : i32
        %add3A_391 = arith.constant 2 : i32
        %add3A_392 = arith.addi %mul3A_390, %add3A_391 : i32
        %get3A_393 = arith.index_cast %add3A_392 : i32 to index
        %get3A_394 = arith.constant 80 : index
        %get3A_395 = tpu.vector_load %arg11[%get3A_393, %get3A_394] {strides = array<i32>} : memref<128x128xf32, #tpu.memory_space<vmem>>, vector<16xf32>,
        %mul3A_396 = vector.broadcast %squeeze3A_308 : f32 to vector<16xf32>
        %mul3A_397 = arith.mulf %get3A_395, %mul3A_396 : vector<16xf32>
        %mul3A_398 = arith.constant 16 : i32
        %mul3A_399 = arith.muli %scan3A_45, %mul3A_398 : i32
        %add3A_400 = arith.constant 2 : i32
        %add3A_401 = arith.addi %mul3A_399, %add3A_400 : i32
        %swap3A_402 = arith.index_cast %add3A_401 : i32 to index
        %swap3A_403 = arith.constant 80 : index
        %swap3A_404 = tpu.vector_load %arg11[%swap3A_402, %swap3A_403] {strides = array<i32>} : memref<128x128xf32, #tpu.memory_space<vmem>>, vector<16xf32>,
        tpu.vector_store %arg11[%swap3A_402, %swap3A_403], %mul3A_397 {strides = array<i32>} : memref<128x128xf32, #tpu.memory_space<vmem>>, vector<16xf32>,
        %mul3A_405 = arith.constant 16 : i32
        %mul3A_406 = arith.muli %scan3A_45, %mul3A_405 : i32
        %add3A_407 = arith.constant 2 : i32
        %add3A_408 = arith.addi %mul3A_406, %add3A_407 : i32
        %get3A_409 = arith.index_cast %add3A_408 : i32 to index
        %get3A_410 = arith.constant 96 : index
        %get3A_411 = tpu.vector_load %arg11[%get3A_409, %get3A_410] {strides = array<i32>} : memref<128x128xf32, #tpu.memory_space<vmem>>, vector<16xf32>,
        %mul3A_412 = vector.broadcast %squeeze3A_308 : f32 to vector<16xf32>
        %mul3A_413 = arith.mulf %get3A_411, %mul3A_412 : vector<16xf32>
        %mul3A_414 = arith.constant 16 : i32
        %mul3A_415 = arith.muli %scan3A_45, %mul3A_414 : i32
        %add3A_416 = arith.constant 2 : i32
        %add3A_417 = arith.addi %mul3A_415, %add3A_416 : i32
        %swap3A_418 = arith.index_cast %add3A_417 : i32 to index
        %swap3A_419 = arith.constant 96 : index
        %swap3A_420 = tpu.vector_load %arg11[%swap3A_418, %swap3A_419] {strides = array<i32>} : memref<128x128xf32, #tpu.memory_space<vmem>>, vector<16xf32>,
        tpu.vector_store %arg11[%swap3A_418, %swap3A_419], %mul3A_413 {strides = array<i32>} : memref<128x128xf32, #tpu.memory_space<vmem>>, vector<16xf32>,
        %mul3A_421 = arith.constant 16 : i32
        %mul3A_422 = arith.muli %scan3A_45, %mul3A_421 : i32
        %add3A_423 = arith.constant 2 : i32
        %add3A_424 = arith.addi %mul3A_422, %add3A_423 : i32
        %get3A_425 = arith.index_cast %add3A_424 : i32 to index
        %get3A_426 = arith.constant 112 : index
        %get3A_427 = tpu.vector_load %arg11[%get3A_425, %get3A_426] {strides = array<i32>} : memref<128x128xf32, #tpu.memory_space<vmem>>, vector<16xf32>,
        %mul3A_428 = vector.broadcast %squeeze3A_308 : f32 to vector<16xf32>
        %mul3A_429 = arith.mulf %get3A_427, %mul3A_428 : vector<16xf32>
        %mul3A_430 = arith.constant 16 : i32
        %mul3A_431 = arith.muli %scan3A_45, %mul3A_430 : i32
        %add3A_432 = arith.constant 2 : i32
        %add3A_433 = arith.addi %mul3A_431, %add3A_432 : i32
        %swap3A_434 = arith.index_cast %add3A_433 : i32 to index
        %swap3A_435 = arith.constant 112 : index
        %swap3A_436 = tpu.vector_load %arg11[%swap3A_434, %swap3A_435] {strides = array<i32>} : memref<128x128xf32, #tpu.memory_space<vmem>>, vector<16xf32>,
        tpu.vector_store %arg11[%swap3A_434, %swap3A_435], %mul3A_429 {strides = array<i32>} : memref<128x128xf32, #tpu.memory_space<vmem>>, vector<16xf32>,
        %slice3A_437 = vector.extract_strided_slice %get3A_49 {offsets = [3], sizes = [1], strides = [1]} : vector<16xf32> to vector<1xf32>
        %squeeze3A_438 = vector.extract %slice3A_437[0] : f32 from vector<1xf32>
        %mul3A_439 = arith.constant 16 : i32
        %mul3A_440 = arith.muli %scan3A_45, %mul3A_439 : i32
        %add3A_441 = arith.constant 3 : i32
        %add3A_442 = arith.addi %mul3A_440, %add3A_441 : i32
        %get3A_443 = arith.index_cast %add3A_442 : i32 to index
        %get3A_444 = arith.constant 0 : index
        %get3A_445 = tpu.vector_load %arg11[%get3A_443, %get3A_444] {strides = array<i32>} : memref<128x128xf32, #tpu.memory_space<vmem>>, vector<16xf32>,
        %mul3A_446 = vector.broadcast %squeeze3A_438 : f32 to vector<16xf32>
        %mul3A_447 = arith.mulf %get3A_445, %mul3A_446 : vector<16xf32>
        %mul3A_448 = arith.constant 16 : i32
        %mul3A_449 = arith.muli %scan3A_45, %mul3A_448 : i32
        %add3A_450 = arith.constant 3 : i32
        %add3A_451 = arith.addi %mul3A_449, %add3A_450 : i32
        %swap3A_452 = arith.index_cast %add3A_451 : i32 to index
        %swap3A_453 = arith.constant 0 : index
        %swap3A_454 = tpu.vector_load %arg11[%swap3A_452, %swap3A_453] {strides = array<i32>} : memref<128x128xf32, #tpu.memory_space<vmem>>, vector<16xf32>,
        tpu.vector_store %arg11[%swap3A_452, %swap3A_453], %mul3A_447 {strides = array<i32>} : memref<128x128xf32, #tpu.memory_space<vmem>>, vector<16xf32>,
        %mul3A_455 = arith.constant 16 : i32
        %mul3A_456 = arith.muli %scan3A_45, %mul3A_455 : i32
        %add3A_457 = arith.constant 3 : i32
        %add3A_458 = arith.addi %mul3A_456, %add3A_457 : i32
        %get3A_459 = arith.index_cast %add3A_458 : i32 to index
        %get3A_460 = arith.constant 16 : index
        %get3A_461 = tpu.vector_load %arg11[%get3A_459, %get3A_460] {strides = array<i32>} : memref<128x128xf32, #tpu.memory_space<vmem>>, vector<16xf32>,
        %mul3A_462 = vector.broadcast %squeeze3A_438 : f32 to vector<16xf32>
        %mul3A_463 = arith.mulf %get3A_461, %mul3A_462 : vector<16xf32>
        %mul3A_464 = arith.constant 16 : i32
        %mul3A_465 = arith.muli %scan3A_45, %mul3A_464 : i32
        %add3A_466 = arith.constant 3 : i32
        %add3A_467 = arith.addi %mul3A_465, %add3A_466 : i32
        %swap3A_468 = arith.index_cast %add3A_467 : i32 to index
        %swap3A_469 = arith.constant 16 : index
        %swap3A_470 = tpu.vector_load %arg11[%swap3A_468, %swap3A_469] {strides = array<i32>} : memref<128x128xf32, #tpu.memory_space<vmem>>, vector<16xf32>,
        tpu.vector_store %arg11[%swap3A_468, %swap3A_469], %mul3A_463 {strides = array<i32>} : memref<128x128xf32, #tpu.memory_space<vmem>>, vector<16xf32>,
        %mul3A_471 = arith.constant 16 : i32
        %mul3A_472 = arith.muli %scan3A_45, %mul3A_471 : i32
        %add3A_473 = arith.constant 3 : i32
        %add3A_474 = arith.addi %mul3A_472, %add3A_473 : i32
        %get3A_475 = arith.index_cast %add3A_474 : i32 to index
        %get3A_476 = arith.constant 32 : index
        %get3A_477 = tpu.vector_load %arg11[%get3A_475, %get3A_476] {strides = array<i32>} : memref<128x128xf32, #tpu.memory_space<vmem>>, vector<16xf32>,
        %mul3A_478 = vector.broadcast %squeeze3A_438 : f32 to vector<16xf32>
        %mul3A_479 = arith.mulf %get3A_477, %mul3A_478 : vector<16xf32>
        %mul3A_480 = arith.constant 16 : i32
        %mul3A_481 = arith.muli %scan3A_45, %mul3A_480 : i32
        %add3A_482 = arith.constant 3 : i32
        %add3A_483 = arith.addi %mul3A_481, %add3A_482 : i32
        %swap3A_484 = arith.index_cast %add3A_483 : i32 to index
        %swap3A_485 = arith.constant 32 : index
        %swap3A_486 = tpu.vector_load %arg11[%swap3A_484, %swap3A_485] {strides = array<i32>} : memref<128x128xf32, #tpu.memory_space<vmem>>, vector<16xf32>,
        tpu.vector_store %arg11[%swap3A_484, %swap3A_485], %mul3A_479 {strides = array<i32>} : memref<128x128xf32, #tpu.memory_space<vmem>>, vector<16xf32>,
        %mul3A_487 = arith.constant 16 : i32
        %mul3A_488 = arith.muli %scan3A_45, %mul3A_487 : i32
        %add3A_489 = arith.constant 3 : i32
        %add3A_490 = arith.addi %mul3A_488, %add3A_489 : i32
        %get3A_491 = arith.index_cast %add3A_490 : i32 to index
        %get3A_492 = arith.constant 48 : index
        %get3A_493 = tpu.vector_load %arg11[%get3A_491, %get3A_492] {strides = array<i32>} : memref<128x128xf32, #tpu.memory_space<vmem>>, vector<16xf32>,
        %mul3A_494 = vector.broadcast %squeeze3A_438 : f32 to vector<16xf32>
        %mul3A_495 = arith.mulf %get3A_493, %mul3A_494 : vector<16xf32>
        %mul3A_496 = arith.constant 16 : i32
        %mul3A_497 = arith.muli %scan3A_45, %mul3A_496 : i32
        %add3A_498 = arith.constant 3 : i32
        %add3A_499 = arith.addi %mul3A_497, %add3A_498 : i32
        %swap3A_500 = arith.index_cast %add3A_499 : i32 to index
        %swap3A_501 = arith.constant 48 : index
        %swap3A_502 = tpu.vector_load %arg11[%swap3A_500, %swap3A_501] {strides = array<i32>} : memref<128x128xf32, #tpu.memory_space<vmem>>, vector<16xf32>,
        tpu.vector_store %arg11[%swap3A_500, %swap3A_501], %mul3A_495 {strides = array<i32>} : memref<128x128xf32, #tpu.memory_space<vmem>>, vector<16xf32>,
        %mul3A_503 = arith.constant 16 : i32
        %mul3A_504 = arith.muli %scan3A_45, %mul3A_503 : i32
        %add3A_505 = arith.constant 3 : i32
        %add3A_506 = arith.addi %mul3A_504, %add3A_505 : i32
        %get3A_507 = arith.index_cast %add3A_506 : i32 to index
        %get3A_508 = arith.constant 64 : index
        %get3A_509 = tpu.vector_load %arg11[%get3A_507, %get3A_508] {strides = array<i32>} : memref<128x128xf32, #tpu.memory_space<vmem>>, vector<16xf32>,
        %mul3A_510 = vector.broadcast %squeeze3A_438 : f32 to vector<16xf32>
        %mul3A_511 = arith.mulf %get3A_509, %mul3A_510 : vector<16xf32>
        %mul3A_512 = arith.constant 16 : i32
        %mul3A_513 = arith.muli %scan3A_45, %mul3A_512 : i32
        %add3A_514 = arith.constant 3 : i32
        %add3A_515 = arith.addi %mul3A_513, %add3A_514 : i32
        %swap3A_516 = arith.index_cast %add3A_515 : i32 to index
        %swap3A_517 = arith.constant 64 : index
        %swap3A_518 = tpu.vector_load %arg11[%swap3A_516, %swap3A_517] {strides = array<i32>} : memref<128x128xf32, #tpu.memory_space<vmem>>, vector<16xf32>,
        tpu.vector_store %arg11[%swap3A_516, %swap3A_517], %mul3A_511 {strides = array<i32>} : memref<128x128xf32, #tpu.memory_space<vmem>>, vector<16xf32>,
        %mul3A_519 = arith.constant 16 : i32
        %mul3A_520 = arith.muli %scan3A_45, %mul3A_519 : i32
        %add3A_521 = arith.constant 3 : i32
        %add3A_522 = arith.addi %mul3A_520, %add3A_521 : i32
        %get3A_523 = arith.index_cast %add3A_522 : i32 to index
        %get3A_524 = arith.constant 80 : index
        %get3A_525 = tpu.vector_load %arg11[%get3A_523, %get3A_524] {strides = array<i32>} : memref<128x128xf32, #tpu.memory_space<vmem>>, vector<16xf32>,
        %mul3A_526 = vector.broadcast %squeeze3A_438 : f32 to vector<16xf32>
        %mul3A_527 = arith.mulf %get3A_525, %mul3A_526 : vector<16xf32>
        %mul3A_528 = arith.constant 16 : i32
        %mul3A_529 = arith.muli %scan3A_45, %mul3A_528 : i32
        %add3A_530 = arith.constant 3 : i32
        %add3A_531 = arith.addi %mul3A_529, %add3A_530 : i32
        %swap3A_532 = arith.index_cast %add3A_531 : i32 to index
        %swap3A_533 = arith.constant 80 : index
        %swap3A_534 = tpu.vector_load %arg11[%swap3A_532, %swap3A_533] {strides = array<i32>} : memref<128x128xf32, #tpu.memory_space<vmem>>, vector<16xf32>,
        tpu.vector_store %arg11[%swap3A_532, %swap3A_533], %mul3A_527 {strides = array<i32>} : memref<128x128xf32, #tpu.memory_space<vmem>>, vector<16xf32>,
        %mul3A_535 = arith.constant 16 : i32
        %mul3A_536 = arith.muli %scan3A_45, %mul3A_535 : i32
        %add3A_537 = arith.constant 3 : i32
        %add3A_538 = arith.addi %mul3A_536, %add3A_537 : i32
        %get3A_539 = arith.index_cast %add3A_538 : i32 to index
        %get3A_540 = arith.constant 96 : index
        %get3A_541 = tpu.vector_load %arg11[%get3A_539, %get3A_540] {strides = array<i32>} : memref<128x128xf32, #tpu.memory_space<vmem>>, vector<16xf32>,
        %mul3A_542 = vector.broadcast %squeeze3A_438 : f32 to vector<16xf32>
        %mul3A_543 = arith.mulf %get3A_541, %mul3A_542 : vector<16xf32>
        %mul3A_544 = arith.constant 16 : i32
        %mul3A_545 = arith.muli %scan3A_45, %mul3A_544 : i32
        %add3A_546 = arith.constant 3 : i32
        %add3A_547 = arith.addi %mul3A_545, %add3A_546 : i32
        %swap3A_548 = arith.index_cast %add3A_547 : i32 to index
        %swap3A_549 = arith.constant 96 : index
        %swap3A_550 = tpu.vector_load %arg11[%swap3A_548, %swap3A_549] {strides = array<i32>} : memref<128x128xf32, #tpu.memory_space<vmem>>, vector<16xf32>,
        tpu.vector_store %arg11[%swap3A_548, %swap3A_549], %mul3A_543 {strides = array<i32>} : memref<128x128xf32, #tpu.memory_space<vmem>>, vector<16xf32>,
        %mul3A_551 = arith.constant 16 : i32
        %mul3A_552 = arith.muli %scan3A_45, %mul3A_551 : i32
        %add3A_553 = arith.constant 3 : i32
        %add3A_554 = arith.addi %mul3A_552, %add3A_553 : i32
        %get3A_555 = arith.index_cast %add3A_554 : i32 to index
        %get3A_556 = arith.constant 112 : index
        %get3A_557 = tpu.vector_load %arg11[%get3A_555, %get3A_556] {strides = array<i32>} : memref<128x128xf32, #tpu.memory_space<vmem>>, vector<16xf32>,
        %mul3A_558 = vector.broadcast %squeeze3A_438 : f32 to vector<16xf32>
        %mul3A_559 = arith.mulf %get3A_557, %mul3A_558 : vector<16xf32>
        %mul3A_560 = arith.constant 16 : i32
        %mul3A_561 = arith.muli %scan3A_45, %mul3A_560 : i32
        %add3A_562 = arith.constant 3 : i32
        %add3A_563 = arith.addi %mul3A_561, %add3A_562 : i32
        %swap3A_564 = arith.index_cast %add3A_563 : i32 to index
        %swap3A_565 = arith.constant 112 : index
        %swap3A_566 = tpu.vector_load %arg11[%swap3A_564, %swap3A_565] {strides = array<i32>} : memref<128x128xf32, #tpu.memory_space<vmem>>, vector<16xf32>,
        tpu.vector_store %arg11[%swap3A_564, %swap3A_565], %mul3A_559 {strides = array<i32>} : memref<128x128xf32, #tpu.memory_space<vmem>>, vector<16xf32>,
        %slice3A_567 = vector.extract_strided_slice %get3A_49 {offsets = [4], sizes = [1], strides = [1]} : vector<16xf32> to vector<1xf32>
        %squeeze3A_568 = vector.extract %slice3A_567[0] : f32 from vector<1xf32>
        %mul3A_569 = arith.constant 16 : i32
        %mul3A_570 = arith.muli %scan3A_45, %mul3A_569 : i32
        %add3A_571 = arith.constant 4 : i32
        %add3A_572 = arith.addi %mul3A_570, %add3A_571 : i32
        %get3A_573 = arith.index_cast %add3A_572 : i32 to index
        %get3A_574 = arith.constant 0 : index
        %get3A_575 = tpu.vector_load %arg11[%get3A_573, %get3A_574] {strides = array<i32>} : memref<128x128xf32, #tpu.memory_space<vmem>>, vector<16xf32>,
        %mul3A_576 = vector.broadcast %squeeze3A_568 : f32 to vector<16xf32>
        %mul3A_577 = arith.mulf %get3A_575, %mul3A_576 : vector<16xf32>
        %mul3A_578 = arith.constant 16 : i32
        %mul3A_579 = arith.muli %scan3A_45, %mul3A_578 : i32
        %add3A_580 = arith.constant 4 : i32
        %add3A_581 = arith.addi %mul3A_579, %add3A_580 : i32
        %swap3A_582 = arith.index_cast %add3A_581 : i32 to index
        %swap3A_583 = arith.constant 0 : index
        %swap3A_584 = tpu.vector_load %arg11[%swap3A_582, %swap3A_583] {strides = array<i32>} : memref<128x128xf32, #tpu.memory_space<vmem>>, vector<16xf32>,
        tpu.vector_store %arg11[%swap3A_582, %swap3A_583], %mul3A_577 {strides = array<i32>} : memref<128x128xf32, #tpu.memory_space<vmem>>, vector<16xf32>,
        %mul3A_585 = arith.constant 16 : i32
        %mul3A_586 = arith.muli %scan3A_45, %mul3A_585 : i32
        %add3A_587 = arith.constant 4 : i32
        %add3A_588 = arith.addi %mul3A_586, %add3A_587 : i32
        %get3A_589 = arith.index_cast %add3A_588 : i32 to index
        %get3A_590 = arith.constant 16 : index
        %get3A_591 = tpu.vector_load %arg11[%get3A_589, %get3A_590] {strides = array<i32>} : memref<128x128xf32, #tpu.memory_space<vmem>>, vector<16xf32>,
        %mul3A_592 = vector.broadcast %squeeze3A_568 : f32 to vector<16xf32>
        %mul3A_593 = arith.mulf %get3A_591, %mul3A_592 : vector<16xf32>
        %mul3A_594 = arith.constant 16 : i32
        %mul3A_595 = arith.muli %scan3A_45, %mul3A_594 : i32
        %add3A_596 = arith.constant 4 : i32
        %add3A_597 = arith.addi %mul3A_595, %add3A_596 : i32
        %swap3A_598 = arith.index_cast %add3A_597 : i32 to index
        %swap3A_599 = arith.constant 16 : index
        %swap3A_600 = tpu.vector_load %arg11[%swap3A_598, %swap3A_599] {strides = array<i32>} : memref<128x128xf32, #tpu.memory_space<vmem>>, vector<16xf32>,
        tpu.vector_store %arg11[%swap3A_598, %swap3A_599], %mul3A_593 {strides = array<i32>} : memref<128x128xf32, #tpu.memory_space<vmem>>, vector<16xf32>,
        %mul3A_601 = arith.constant 16 : i32
        %mul3A_602 = arith.muli %scan3A_45, %mul3A_601 : i32
        %add3A_603 = arith.constant 4 : i32
        %add3A_604 = arith.addi %mul3A_602, %add3A_603 : i32
        %get3A_605 = arith.index_cast %add3A_604 : i32 to index
        %get3A_606 = arith.constant 32 : index
        %get3A_607 = tpu.vector_load %arg11[%get3A_605, %get3A_606] {strides = array<i32>} : memref<128x128xf32, #tpu.memory_space<vmem>>, vector<16xf32>,
        %mul3A_608 = vector.broadcast %squeeze3A_568 : f32 to vector<16xf32>
        %mul3A_609 = arith.mulf %get3A_607, %mul3A_608 : vector<16xf32>
        %mul3A_610 = arith.constant 16 : i32
        %mul3A_611 = arith.muli %scan3A_45, %mul3A_610 : i32
        %add3A_612 = arith.constant 4 : i32
        %add3A_613 = arith.addi %mul3A_611, %add3A_612 : i32
        %swap3A_614 = arith.index_cast %add3A_613 : i32 to index
        %swap3A_615 = arith.constant 32 : index
        %swap3A_616 = tpu.vector_load %arg11[%swap3A_614, %swap3A_615] {strides = array<i32>} : memref<128x128xf32, #tpu.memory_space<vmem>>, vector<16xf32>,
        tpu.vector_store %arg11[%swap3A_614, %swap3A_615], %mul3A_609 {strides = array<i32>} : memref<128x128xf32, #tpu.memory_space<vmem>>, vector<16xf32>,
        %mul3A_617 = arith.constant 16 : i32
        %mul3A_618 = arith.muli %scan3A_45, %mul3A_617 : i32
        %add3A_619 = arith.constant 4 : i32
        %add3A_620 = arith.addi %mul3A_618, %add3A_619 : i32
        %get3A_621 = arith.index_cast %add3A_620 : i32 to index
        %get3A_622 = arith.constant 48 : index
        %get3A_623 = tpu.vector_load %arg11[%get3A_621, %get3A_622] {strides = array<i32>} : memref<128x128xf32, #tpu.memory_space<vmem>>, vector<16xf32>,
        %mul3A_624 = vector.broadcast %squeeze3A_568 : f32 to vector<16xf32>
        %mul3A_625 = arith.mulf %get3A_623, %mul3A_624 : vector<16xf32>
        %mul3A_626 = arith.constant 16 : i32
        %mul3A_627 = arith.muli %scan3A_45, %mul3A_626 : i32
        %add3A_628 = arith.constant 4 : i32
        %add3A_629 = arith.addi %mul3A_627, %add3A_628 : i32
        %swap3A_630 = arith.index_cast %add3A_629 : i32 to index
        %swap3A_631 = arith.constant 48 : index
        %swap3A_632 = tpu.vector_load %arg11[%swap3A_630, %swap3A_631] {strides = array<i32>} : memref<128x128xf32, #tpu.memory_space<vmem>>, vector<16xf32>,
        tpu.vector_store %arg11[%swap3A_630, %swap3A_631], %mul3A_625 {strides = array<i32>} : memref<128x128xf32, #tpu.memory_space<vmem>>, vector<16xf32>,
        %mul3A_633 = arith.constant 16 : i32
        %mul3A_634 = arith.muli %scan3A_45, %mul3A_633 : i32
        %add3A_635 = arith.constant 4 : i32
        %add3A_636 = arith.addi %mul3A_634, %add3A_635 : i32
        %get3A_637 = arith.index_cast %add3A_636 : i32 to index
        %get3A_638 = arith.constant 64 : index
        %get3A_639 = tpu.vector_load %arg11[%get3A_637, %get3A_638] {strides = array<i32>} : memref<128x128xf32, #tpu.memory_space<vmem>>, vector<16xf32>,
        %mul3A_640 = vector.broadcast %squeeze3A_568 : f32 to vector<16xf32>
        %mul3A_641 = arith.mulf %get3A_639, %mul3A_640 : vector<16xf32>
        %mul3A_642 = arith.constant 16 : i32
        %mul3A_643 = arith.muli %scan3A_45, %mul3A_642 : i32
        %add3A_644 = arith.constant 4 : i32
        %add3A_645 = arith.addi %mul3A_643, %add3A_644 : i32
        %swap3A_646 = arith.index_cast %add3A_645 : i32 to index
        %swap3A_647 = arith.constant 64 : index
        %swap3A_648 = tpu.vector_load %arg11[%swap3A_646, %swap3A_647] {strides = array<i32>} : memref<128x128xf32, #tpu.memory_space<vmem>>, vector<16xf32>,
        tpu.vector_store %arg11[%swap3A_646, %swap3A_647], %mul3A_641 {strides = array<i32>} : memref<128x128xf32, #tpu.memory_space<vmem>>, vector<16xf32>,
        %mul3A_649 = arith.constant 16 : i32
        %mul3A_650 = arith.muli %scan3A_45, %mul3A_649 : i32
        %add3A_651 = arith.constant 4 : i32
        %add3A_652 = arith.addi %mul3A_650, %add3A_651 : i32
        %get3A_653 = arith.index_cast %add3A_652 : i32 to index
        %get3A_654 = arith.constant 80 : index
        %get3A_655 = tpu.vector_load %arg11[%get3A_653, %get3A_654] {strides = array<i32>} : memref<128x128xf32, #tpu.memory_space<vmem>>, vector<16xf32>,
        %mul3A_656 = vector.broadcast %squeeze3A_568 : f32 to vector<16xf32>
        %mul3A_657 = arith.mulf %get3A_655, %mul3A_656 : vector<16xf32>
        %mul3A_658 = arith.constant 16 : i32
        %mul3A_659 = arith.muli %scan3A_45, %mul3A_658 : i32
        %add3A_660 = arith.constant 4 : i32
        %add3A_661 = arith.addi %mul3A_659, %add3A_660 : i32
        %swap3A_662 = arith.index_cast %add3A_661 : i32 to index
        %swap3A_663 = arith.constant 80 : index
        %swap3A_664 = tpu.vector_load %arg11[%swap3A_662, %swap3A_663] {strides = array<i32>} : memref<128x128xf32, #tpu.memory_space<vmem>>, vector<16xf32>,
        tpu.vector_store %arg11[%swap3A_662, %swap3A_663], %mul3A_657 {strides = array<i32>} : memref<128x128xf32, #tpu.memory_space<vmem>>, vector<16xf32>,
        %mul3A_665 = arith.constant 16 : i32
        %mul3A_666 = arith.muli %scan3A_45, %mul3A_665 : i32
        %add3A_667 = arith.constant 4 : i32
        %add3A_668 = arith.addi %mul3A_666, %add3A_667 : i32
        %get3A_669 = arith.index_cast %add3A_668 : i32 to index
        %get3A_670 = arith.constant 96 : index
        %get3A_671 = tpu.vector_load %arg11[%get3A_669, %get3A_670] {strides = array<i32>} : memref<128x128xf32, #tpu.memory_space<vmem>>, vector<16xf32>,
        %mul3A_672 = vector.broadcast %squeeze3A_568 : f32 to vector<16xf32>
        %mul3A_673 = arith.mulf %get3A_671, %mul3A_672 : vector<16xf32>
        %mul3A_674 = arith.constant 16 : i32
        %mul3A_675 = arith.muli %scan3A_45, %mul3A_674 : i32
        %add3A_676 = arith.constant 4 : i32
        %add3A_677 = arith.addi %mul3A_675, %add3A_676 : i32
        %swap3A_678 = arith.index_cast %add3A_677 : i32 to index
        %swap3A_679 = arith.constant 96 : index
        %swap3A_680 = tpu.vector_load %arg11[%swap3A_678, %swap3A_679] {strides = array<i32>} : memref<128x128xf32, #tpu.memory_space<vmem>>, vector<16xf32>,
        tpu.vector_store %arg11[%swap3A_678, %swap3A_679], %mul3A_673 {strides = array<i32>} : memref<128x128xf32, #tpu.memory_space<vmem>>, vector<16xf32>,
        %mul3A_681 = arith.constant 16 : i32
        %mul3A_682 = arith.muli %scan3A_45, %mul3A_681 : i32
        %add3A_683 = arith.constant 4 : i32
        %add3A_684 = arith.addi %mul3A_682, %add3A_683 : i32
        %get3A_685 = arith.index_cast %add3A_684 : i32 to index
        %get3A_686 = arith.constant 112 : index
        %get3A_687 = tpu.vector_load %arg11[%get3A_685, %get3A_686] {strides = array<i32>} : memref<128x128xf32, #tpu.memory_space<vmem>>, vector<16xf32>,
        %mul3A_688 = vector.broadcast %squeeze3A_568 : f32 to vector<16xf32>
        %mul3A_689 = arith.mulf %get3A_687, %mul3A_688 : vector<16xf32>
        %mul3A_690 = arith.constant 16 : i32
        %mul3A_691 = arith.muli %scan3A_45, %mul3A_690 : i32
        %add3A_692 = arith.constant 4 : i32
        %add3A_693 = arith.addi %mul3A_691, %add3A_692 : i32
        %swap3A_694 = arith.index_cast %add3A_693 : i32 to index
        %swap3A_695 = arith.constant 112 : index
        %swap3A_696 = tpu.vector_load %arg11[%swap3A_694, %swap3A_695] {strides = array<i32>} : memref<128x128xf32, #tpu.memory_space<vmem>>, vector<16xf32>,
        tpu.vector_store %arg11[%swap3A_694, %swap3A_695], %mul3A_689 {strides = array<i32>} : memref<128x128xf32, #tpu.memory_space<vmem>>, vector<16xf32>,
        %slice3A_697 = vector.extract_strided_slice %get3A_49 {offsets = [5], sizes = [1], strides = [1]} : vector<16xf32> to vector<1xf32>
        %squeeze3A_698 = vector.extract %slice3A_697[0] : f32 from vector<1xf32>
        %mul3A_699 = arith.constant 16 : i32
        %mul3A_700 = arith.muli %scan3A_45, %mul3A_699 : i32
        %add3A_701 = arith.constant 5 : i32
        %add3A_702 = arith.addi %mul3A_700, %add3A_701 : i32
        %get3A_703 = arith.index_cast %add3A_702 : i32 to index
        %get3A_704 = arith.constant 0 : index
        %get3A_705 = tpu.vector_load %arg11[%get3A_703, %get3A_704] {strides = array<i32>} : memref<128x128xf32, #tpu.memory_space<vmem>>, vector<16xf32>,
        %mul3A_706 = vector.broadcast %squeeze3A_698 : f32 to vector<16xf32>
        %mul3A_707 = arith.mulf %get3A_705, %mul3A_706 : vector<16xf32>
        %mul3A_708 = arith.constant 16 : i32
        %mul3A_709 = arith.muli %scan3A_45, %mul3A_708 : i32
        %add3A_710 = arith.constant 5 : i32
        %add3A_711 = arith.addi %mul3A_709, %add3A_710 : i32
        %swap3A_712 = arith.index_cast %add3A_711 : i32 to index
        %swap3A_713 = arith.constant 0 : index
        %swap3A_714 = tpu.vector_load %arg11[%swap3A_712, %swap3A_713] {strides = array<i32>} : memref<128x128xf32, #tpu.memory_space<vmem>>, vector<16xf32>,
        tpu.vector_store %arg11[%swap3A_712, %swap3A_713], %mul3A_707 {strides = array<i32>} : memref<128x128xf32, #tpu.memory_space<vmem>>, vector<16xf32>,
        %mul3A_715 = arith.constant 16 : i32
        %mul3A_716 = arith.muli %scan3A_45, %mul3A_715 : i32
        %add3A_717 = arith.constant 5 : i32
        %add3A_718 = arith.addi %mul3A_716, %add3A_717 : i32
        %get3A_719 = arith.index_cast %add3A_718 : i32 to index
        %get3A_720 = arith.constant 16 : index
        %get3A_721 = tpu.vector_load %arg11[%get3A_719, %get3A_720] {strides = array<i32>} : memref<128x128xf32, #tpu.memory_space<vmem>>, vector<16xf32>,
        %mul3A_722 = vector.broadcast %squeeze3A_698 : f32 to vector<16xf32>
        %mul3A_723 = arith.mulf %get3A_721, %mul3A_722 : vector<16xf32>
        %mul3A_724 = arith.constant 16 : i32
        %mul3A_725 = arith.muli %scan3A_45, %mul3A_724 : i32
        %add3A_726 = arith.constant 5 : i32
        %add3A_727 = arith.addi %mul3A_725, %add3A_726 : i32
        %swap3A_728 = arith.index_cast %add3A_727 : i32 to index
        %swap3A_729 = arith.constant 16 : index
        %swap3A_730 = tpu.vector_load %arg11[%swap3A_728, %swap3A_729] {strides = array<i32>} : memref<128x128xf32, #tpu.memory_space<vmem>>, vector<16xf32>,
        tpu.vector_store %arg11[%swap3A_728, %swap3A_729], %mul3A_723 {strides = array<i32>} : memref<128x128xf32, #tpu.memory_space<vmem>>, vector<16xf32>,
        %mul3A_731 = arith.constant 16 : i32
        %mul3A_732 = arith.muli %scan3A_45, %mul3A_731 : i32
        %add3A_733 = arith.constant 5 : i32
        %add3A_734 = arith.addi %mul3A_732, %add3A_733 : i32
        %get3A_735 = arith.index_cast %add3A_734 : i32 to index
        %get3A_736 = arith.constant 32 : index
        %get3A_737 = tpu.vector_load %arg11[%get3A_735, %get3A_736] {strides = array<i32>} : memref<128x128xf32, #tpu.memory_space<vmem>>, vector<16xf32>,
        %mul3A_738 = vector.broadcast %squeeze3A_698 : f32 to vector<16xf32>
        %mul3A_739 = arith.mulf %get3A_737, %mul3A_738 : vector<16xf32>
        %mul3A_740 = arith.constant 16 : i32
        %mul3A_741 = arith.muli %scan3A_45, %mul3A_740 : i32
        %add3A_742 = arith.constant 5 : i32
        %add3A_743 = arith.addi %mul3A_741, %add3A_742 : i32
        %swap3A_744 = arith.index_cast %add3A_743 : i32 to index
        %swap3A_745 = arith.constant 32 : index
        %swap3A_746 = tpu.vector_load %arg11[%swap3A_744, %swap3A_745] {strides = array<i32>} : memref<128x128xf32, #tpu.memory_space<vmem>>, vector<16xf32>,
        tpu.vector_store %arg11[%swap3A_744, %swap3A_745], %mul3A_739 {strides = array<i32>} : memref<128x128xf32, #tpu.memory_space<vmem>>, vector<16xf32>,
        %mul3A_747 = arith.constant 16 : i32
        %mul3A_748 = arith.muli %scan3A_45, %mul3A_747 : i32
        %add3A_749 = arith.constant 5 : i32
        %add3A_750 = arith.addi %mul3A_748, %add3A_749 : i32
        %get3A_751 = arith.index_cast %add3A_750 : i32 to index
        %get3A_752 = arith.constant 48 : index
        %get3A_753 = tpu.vector_load %arg11[%get3A_751, %get3A_752] {strides = array<i32>} : memref<128x128xf32, #tpu.memory_space<vmem>>, vector<16xf32>,
        %mul3A_754 = vector.broadcast %squeeze3A_698 : f32 to vector<16xf32>
        %mul3A_755 = arith.mulf %get3A_753, %mul3A_754 : vector<16xf32>
        %mul3A_756 = arith.constant 16 : i32
        %mul3A_757 = arith.muli %scan3A_45, %mul3A_756 : i32
        %add3A_758 = arith.constant 5 : i32
        %add3A_759 = arith.addi %mul3A_757, %add3A_758 : i32
        %swap3A_760 = arith.index_cast %add3A_759 : i32 to index
        %swap3A_761 = arith.constant 48 : index
        %swap3A_762 = tpu.vector_load %arg11[%swap3A_760, %swap3A_761] {strides = array<i32>} : memref<128x128xf32, #tpu.memory_space<vmem>>, vector<16xf32>,
        tpu.vector_store %arg11[%swap3A_760, %swap3A_761], %mul3A_755 {strides = array<i32>} : memref<128x128xf32, #tpu.memory_space<vmem>>, vector<16xf32>,
        %mul3A_763 = arith.constant 16 : i32
        %mul3A_764 = arith.muli %scan3A_45, %mul3A_763 : i32
        %add3A_765 = arith.constant 5 : i32
        %add3A_766 = arith.addi %mul3A_764, %add3A_765 : i32
        %get3A_767 = arith.index_cast %add3A_766 : i32 to index
        %get3A_768 = arith.constant 64 : index
        %get3A_769 = tpu.vector_load %arg11[%get3A_767, %get3A_768] {strides = array<i32>} : memref<128x128xf32, #tpu.memory_space<vmem>>, vector<16xf32>,
        %mul3A_770 = vector.broadcast %squeeze3A_698 : f32 to vector<16xf32>
        %mul3A_771 = arith.mulf %get3A_769, %mul3A_770 : vector<16xf32>
        %mul3A_772 = arith.constant 16 : i32
        %mul3A_773 = arith.muli %scan3A_45, %mul3A_772 : i32
        %add3A_774 = arith.constant 5 : i32
        %add3A_775 = arith.addi %mul3A_773, %add3A_774 : i32
        %swap3A_776 = arith.index_cast %add3A_775 : i32 to index
        %swap3A_777 = arith.constant 64 : index
        %swap3A_778 = tpu.vector_load %arg11[%swap3A_776, %swap3A_777] {strides = array<i32>} : memref<128x128xf32, #tpu.memory_space<vmem>>, vector<16xf32>,
        tpu.vector_store %arg11[%swap3A_776, %swap3A_777], %mul3A_771 {strides = array<i32>} : memref<128x128xf32, #tpu.memory_space<vmem>>, vector<16xf32>,
        %mul3A_779 = arith.constant 16 : i32
        %mul3A_780 = arith.muli %scan3A_45, %mul3A_779 : i32
        %add3A_781 = arith.constant 5 : i32
        %add3A_782 = arith.addi %mul3A_780, %add3A_781 : i32
        %get3A_783 = arith.index_cast %add3A_782 : i32 to index
        %get3A_784 = arith.constant 80 : index
        %get3A_785 = tpu.vector_load %arg11[%get3A_783, %get3A_784] {strides = array<i32>} : memref<128x128xf32, #tpu.memory_space<vmem>>, vector<16xf32>,
        %mul3A_786 = vector.broadcast %squeeze3A_698 : f32 to vector<16xf32>
        %mul3A_787 = arith.mulf %get3A_785, %mul3A_786 : vector<16xf32>
        %mul3A_788 = arith.constant 16 : i32
        %mul3A_789 = arith.muli %scan3A_45, %mul3A_788 : i32
        %add3A_790 = arith.constant 5 : i32
        %add3A_791 = arith.addi %mul3A_789, %add3A_790 : i32
        %swap3A_792 = arith.index_cast %add3A_791 : i32 to index
        %swap3A_793 = arith.constant 80 : index
        %swap3A_794 = tpu.vector_load %arg11[%swap3A_792, %swap3A_793] {strides = array<i32>} : memref<128x128xf32, #tpu.memory_space<vmem>>, vector<16xf32>,
        tpu.vector_store %arg11[%swap3A_792, %swap3A_793], %mul3A_787 {strides = array<i32>} : memref<128x128xf32, #tpu.memory_space<vmem>>, vector<16xf32>,
        %mul3A_795 = arith.constant 16 : i32
        %mul3A_796 = arith.muli %scan3A_45, %mul3A_795 : i32
        %add3A_797 = arith.constant 5 : i32
        %add3A_798 = arith.addi %mul3A_796, %add3A_797 : i32
        %get3A_799 = arith.index_cast %add3A_798 : i32 to index
        %get3A_800 = arith.constant 96 : index
        %get3A_801 = tpu.vector_load %arg11[%get3A_799, %get3A_800] {strides = array<i32>} : memref<128x128xf32, #tpu.memory_space<vmem>>, vector<16xf32>,
        %mul3A_802 = vector.broadcast %squeeze3A_698 : f32 to vector<16xf32>
        %mul3A_803 = arith.mulf %get3A_801, %mul3A_802 : vector<16xf32>
        %mul3A_804 = arith.constant 16 : i32
        %mul3A_805 = arith.muli %scan3A_45, %mul3A_804 : i32
        %add3A_806 = arith.constant 5 : i32
        %add3A_807 = arith.addi %mul3A_805, %add3A_806 : i32
        %swap3A_808 = arith.index_cast %add3A_807 : i32 to index
        %swap3A_809 = arith.constant 96 : index
        %swap3A_810 = tpu.vector_load %arg11[%swap3A_808, %swap3A_809] {strides = array<i32>} : memref<128x128xf32, #tpu.memory_space<vmem>>, vector<16xf32>,
        tpu.vector_store %arg11[%swap3A_808, %swap3A_809], %mul3A_803 {strides = array<i32>} : memref<128x128xf32, #tpu.memory_space<vmem>>, vector<16xf32>,
        %mul3A_811 = arith.constant 16 : i32
        %mul3A_812 = arith.muli %scan3A_45, %mul3A_811 : i32
        %add3A_813 = arith.constant 5 : i32
        %add3A_814 = arith.addi %mul3A_812, %add3A_813 : i32
        %get3A_815 = arith.index_cast %add3A_814 : i32 to index
        %get3A_816 = arith.constant 112 : index
        %get3A_817 = tpu.vector_load %arg11[%get3A_815, %get3A_816] {strides = array<i32>} : memref<128x128xf32, #tpu.memory_space<vmem>>, vector<16xf32>,
        %mul3A_818 = vector.broadcast %squeeze3A_698 : f32 to vector<16xf32>
        %mul3A_819 = arith.mulf %get3A_817, %mul3A_818 : vector<16xf32>
        %mul3A_820 = arith.constant 16 : i32
        %mul3A_821 = arith.muli %scan3A_45, %mul3A_820 : i32
        %add3A_822 = arith.constant 5 : i32
        %add3A_823 = arith.addi %mul3A_821, %add3A_822 : i32
        %swap3A_824 = arith.index_cast %add3A_823 : i32 to index
        %swap3A_825 = arith.constant 112 : index
        %swap3A_826 = tpu.vector_load %arg11[%swap3A_824, %swap3A_825] {strides = array<i32>} : memref<128x128xf32, #tpu.memory_space<vmem>>, vector<16xf32>,
        tpu.vector_store %arg11[%swap3A_824, %swap3A_825], %mul3A_819 {strides = array<i32>} : memref<128x128xf32, #tpu.memory_space<vmem>>, vector<16xf32>,
        %slice3A_827 = vector.extract_strided_slice %get3A_49 {offsets = [6], sizes = [1], strides = [1]} : vector<16xf32> to vector<1xf32>
        %squeeze3A_828 = vector.extract %slice3A_827[0] : f32 from vector<1xf32>
        %mul3A_829 = arith.constant 16 : i32
        %mul3A_830 = arith.muli %scan3A_45, %mul3A_829 : i32
        %add3A_831 = arith.constant 6 : i32
        %add3A_832 = arith.addi %mul3A_830, %add3A_831 : i32
        %get3A_833 = arith.index_cast %add3A_832 : i32 to index
        %get3A_834 = arith.constant 0 : index
        %get3A_835 = tpu.vector_load %arg11[%get3A_833, %get3A_834] {strides = array<i32>} : memref<128x128xf32, #tpu.memory_space<vmem>>, vector<16xf32>,
        %mul3A_836 = vector.broadcast %squeeze3A_828 : f32 to vector<16xf32>
        %mul3A_837 = arith.mulf %get3A_835, %mul3A_836 : vector<16xf32>
        %mul3A_838 = arith.constant 16 : i32
        %mul3A_839 = arith.muli %scan3A_45, %mul3A_838 : i32
        %add3A_840 = arith.constant 6 : i32
        %add3A_841 = arith.addi %mul3A_839, %add3A_840 : i32
        %swap3A_842 = arith.index_cast %add3A_841 : i32 to index
        %swap3A_843 = arith.constant 0 : index
        %swap3A_844 = tpu.vector_load %arg11[%swap3A_842, %swap3A_843] {strides = array<i32>} : memref<128x128xf32, #tpu.memory_space<vmem>>, vector<16xf32>,
        tpu.vector_store %arg11[%swap3A_842, %swap3A_843], %mul3A_837 {strides = array<i32>} : memref<128x128xf32, #tpu.memory_space<vmem>>, vector<16xf32>,
        %mul3A_845 = arith.constant 16 : i32
        %mul3A_846 = arith.muli %scan3A_45, %mul3A_845 : i32
        %add3A_847 = arith.constant 6 : i32
        %add3A_848 = arith.addi %mul3A_846, %add3A_847 : i32
        %get3A_849 = arith.index_cast %add3A_848 : i32 to index
        %get3A_850 = arith.constant 16 : index
        %get3A_851 = tpu.vector_load %arg11[%get3A_849, %get3A_850] {strides = array<i32>} : memref<128x128xf32, #tpu.memory_space<vmem>>, vector<16xf32>,
        %mul3A_852 = vector.broadcast %squeeze3A_828 : f32 to vector<16xf32>
        %mul3A_853 = arith.mulf %get3A_851, %mul3A_852 : vector<16xf32>
        %mul3A_854 = arith.constant 16 : i32
        %mul3A_855 = arith.muli %scan3A_45, %mul3A_854 : i32
        %add3A_856 = arith.constant 6 : i32
        %add3A_857 = arith.addi %mul3A_855, %add3A_856 : i32
        %swap3A_858 = arith.index_cast %add3A_857 : i32 to index
        %swap3A_859 = arith.constant 16 : index
        %swap3A_860 = tpu.vector_load %arg11[%swap3A_858, %swap3A_859] {strides = array<i32>} : memref<128x128xf32, #tpu.memory_space<vmem>>, vector<16xf32>,
        tpu.vector_store %arg11[%swap3A_858, %swap3A_859], %mul3A_853 {strides = array<i32>} : memref<128x128xf32, #tpu.memory_space<vmem>>, vector<16xf32>,
        %mul3A_861 = arith.constant 16 : i32
        %mul3A_862 = arith.muli %scan3A_45, %mul3A_861 : i32
        %add3A_863 = arith.constant 6 : i32
        %add3A_864 = arith.addi %mul3A_862, %add3A_863 : i32
        %get3A_865 = arith.index_cast %add3A_864 : i32 to index
        %get3A_866 = arith.constant 32 : index
        %get3A_867 = tpu.vector_load %arg11[%get3A_865, %get3A_866] {strides = array<i32>} : memref<128x128xf32, #tpu.memory_space<vmem>>, vector<16xf32>,
        %mul3A_868 = vector.broadcast %squeeze3A_828 : f32 to vector<16xf32>
        %mul3A_869 = arith.mulf %get3A_867, %mul3A_868 : vector<16xf32>
        %mul3A_870 = arith.constant 16 : i32
        %mul3A_871 = arith.muli %scan3A_45, %mul3A_870 : i32
        %add3A_872 = arith.constant 6 : i32
        %add3A_873 = arith.addi %mul3A_871, %add3A_872 : i32
        %swap3A_874 = arith.index_cast %add3A_873 : i32 to index
        %swap3A_875 = arith.constant 32 : index
        %swap3A_876 = tpu.vector_load %arg11[%swap3A_874, %swap3A_875] {strides = array<i32>} : memref<128x128xf32, #tpu.memory_space<vmem>>, vector<16xf32>,
        tpu.vector_store %arg11[%swap3A_874, %swap3A_875], %mul3A_869 {strides = array<i32>} : memref<128x128xf32, #tpu.memory_space<vmem>>, vector<16xf32>,
        %mul3A_877 = arith.constant 16 : i32
        %mul3A_878 = arith.muli %scan3A_45, %mul3A_877 : i32
        %add3A_879 = arith.constant 6 : i32
        %add3A_880 = arith.addi %mul3A_878, %add3A_879 : i32
        %get3A_881 = arith.index_cast %add3A_880 : i32 to index
        %get3A_882 = arith.constant 48 : index
        %get3A_883 = tpu.vector_load %arg11[%get3A_881, %get3A_882] {strides = array<i32>} : memref<128x128xf32, #tpu.memory_space<vmem>>, vector<16xf32>,
        %mul3A_884 = vector.broadcast %squeeze3A_828 : f32 to vector<16xf32>
        %mul3A_885 = arith.mulf %get3A_883, %mul3A_884 : vector<16xf32>
        %mul3A_886 = arith.constant 16 : i32
        %mul3A_887 = arith.muli %scan3A_45, %mul3A_886 : i32
        %add3A_888 = arith.constant 6 : i32
        %add3A_889 = arith.addi %mul3A_887, %add3A_888 : i32
        %swap3A_890 = arith.index_cast %add3A_889 : i32 to index
        %swap3A_891 = arith.constant 48 : index
        %swap3A_892 = tpu.vector_load %arg11[%swap3A_890, %swap3A_891] {strides = array<i32>} : memref<128x128xf32, #tpu.memory_space<vmem>>, vector<16xf32>,
        tpu.vector_store %arg11[%swap3A_890, %swap3A_891], %mul3A_885 {strides = array<i32>} : memref<128x128xf32, #tpu.memory_space<vmem>>, vector<16xf32>,
        %mul3A_893 = arith.constant 16 : i32
        %mul3A_894 = arith.muli %scan3A_45, %mul3A_893 : i32
        %add3A_895 = arith.constant 6 : i32
        %add3A_896 = arith.addi %mul3A_894, %add3A_895 : i32
        %get3A_897 = arith.index_cast %add3A_896 : i32 to index
        %get3A_898 = arith.constant 64 : index
        %get3A_899 = tpu.vector_load %arg11[%get3A_897, %get3A_898] {strides = array<i32>} : memref<128x128xf32, #tpu.memory_space<vmem>>, vector<16xf32>,
        %mul3A_900 = vector.broadcast %squeeze3A_828 : f32 to vector<16xf32>
        %mul3A_901 = arith.mulf %get3A_899, %mul3A_900 : vector<16xf32>
        %mul3A_902 = arith.constant 16 : i32
        %mul3A_903 = arith.muli %scan3A_45, %mul3A_902 : i32
        %add3A_904 = arith.constant 6 : i32
        %add3A_905 = arith.addi %mul3A_903, %add3A_904 : i32
        %swap3A_906 = arith.index_cast %add3A_905 : i32 to index
        %swap3A_907 = arith.constant 64 : index
        %swap3A_908 = tpu.vector_load %arg11[%swap3A_906, %swap3A_907] {strides = array<i32>} : memref<128x128xf32, #tpu.memory_space<vmem>>, vector<16xf32>,
        tpu.vector_store %arg11[%swap3A_906, %swap3A_907], %mul3A_901 {strides = array<i32>} : memref<128x128xf32, #tpu.memory_space<vmem>>, vector<16xf32>,
        %mul3A_909 = arith.constant 16 : i32
        %mul3A_910 = arith.muli %scan3A_45, %mul3A_909 : i32
        %add3A_911 = arith.constant 6 : i32
        %add3A_912 = arith.addi %mul3A_910, %add3A_911 : i32
        %get3A_913 = arith.index_cast %add3A_912 : i32 to index
        %get3A_914 = arith.constant 80 : index
        %get3A_915 = tpu.vector_load %arg11[%get3A_913, %get3A_914] {strides = array<i32>} : memref<128x128xf32, #tpu.memory_space<vmem>>, vector<16xf32>,
        %mul3A_916 = vector.broadcast %squeeze3A_828 : f32 to vector<16xf32>
        %mul3A_917 = arith.mulf %get3A_915, %mul3A_916 : vector<16xf32>
        %mul3A_918 = arith.constant 16 : i32
        %mul3A_919 = arith.muli %scan3A_45, %mul3A_918 : i32
        %add3A_920 = arith.constant 6 : i32
        %add3A_921 = arith.addi %mul3A_919, %add3A_920 : i32
        %swap3A_922 = arith.index_cast %add3A_921 : i32 to index
        %swap3A_923 = arith.constant 80 : index
        %swap3A_924 = tpu.vector_load %arg11[%swap3A_922, %swap3A_923] {strides = array<i32>} : memref<128x128xf32, #tpu.memory_space<vmem>>, vector<16xf32>,
        tpu.vector_store %arg11[%swap3A_922, %swap3A_923], %mul3A_917 {strides = array<i32>} : memref<128x128xf32, #tpu.memory_space<vmem>>, vector<16xf32>,
        %mul3A_925 = arith.constant 16 : i32
        %mul3A_926 = arith.muli %scan3A_45, %mul3A_925 : i32
        %add3A_927 = arith.constant 6 : i32
        %add3A_928 = arith.addi %mul3A_926, %add3A_927 : i32
        %get3A_929 = arith.index_cast %add3A_928 : i32 to index
        %get3A_930 = arith.constant 96 : index
        %get3A_931 = tpu.vector_load %arg11[%get3A_929, %get3A_930] {strides = array<i32>} : memref<128x128xf32, #tpu.memory_space<vmem>>, vector<16xf32>,
        %mul3A_932 = vector.broadcast %squeeze3A_828 : f32 to vector<16xf32>
        %mul3A_933 = arith.mulf %get3A_931, %mul3A_932 : vector<16xf32>
        %mul3A_934 = arith.constant 16 : i32
        %mul3A_935 = arith.muli %scan3A_45, %mul3A_934 : i32
        %add3A_936 = arith.constant 6 : i32
        %add3A_937 = arith.addi %mul3A_935, %add3A_936 : i32
        %swap3A_938 = arith.index_cast %add3A_937 : i32 to index
        %swap3A_939 = arith.constant 96 : index
        %swap3A_940 = tpu.vector_load %arg11[%swap3A_938, %swap3A_939] {strides = array<i32>} : memref<128x128xf32, #tpu.memory_space<vmem>>, vector<16xf32>,
        tpu.vector_store %arg11[%swap3A_938, %swap3A_939], %mul3A_933 {strides = array<i32>} : memref<128x128xf32, #tpu.memory_space<vmem>>, vector<16xf32>,
        %mul3A_941 = arith.constant 16 : i32
        %mul3A_942 = arith.muli %scan3A_45, %mul3A_941 : i32
        %add3A_943 = arith.constant 6 : i32
        %add3A_944 = arith.addi %mul3A_942, %add3A_943 : i32
        %get3A_945 = arith.index_cast %add3A_944 : i32 to index
        %get3A_946 = arith.constant 112 : index
        %get3A_947 = tpu.vector_load %arg11[%get3A_945, %get3A_946] {strides = array<i32>} : memref<128x128xf32, #tpu.memory_space<vmem>>, vector<16xf32>,
        %mul3A_948 = vector.broadcast %squeeze3A_828 : f32 to vector<16xf32>
        %mul3A_949 = arith.mulf %get3A_947, %mul3A_948 : vector<16xf32>
        %mul3A_950 = arith.constant 16 : i32
        %mul3A_951 = arith.muli %scan3A_45, %mul3A_950 : i32
        %add3A_952 = arith.constant 6 : i32
        %add3A_953 = arith.addi %mul3A_951, %add3A_952 : i32
        %swap3A_954 = arith.index_cast %add3A_953 : i32 to index
        %swap3A_955 = arith.constant 112 : index
        %swap3A_956 = tpu.vector_load %arg11[%swap3A_954, %swap3A_955] {strides = array<i32>} : memref<128x128xf32, #tpu.memory_space<vmem>>, vector<16xf32>,
        tpu.vector_store %arg11[%swap3A_954, %swap3A_955], %mul3A_949 {strides = array<i32>} : memref<128x128xf32, #tpu.memory_space<vmem>>, vector<16xf32>,
        %slice3A_957 = vector.extract_strided_slice %get3A_49 {offsets = [7], sizes = [1], strides = [1]} : vector<16xf32> to vector<1xf32>
        %squeeze3A_958 = vector.extract %slice3A_957[0] : f32 from vector<1xf32>
        %mul3A_959 = arith.constant 16 : i32
        %mul3A_960 = arith.muli %scan3A_45, %mul3A_959 : i32
        %add3A_961 = arith.constant 7 : i32
        %add3A_962 = arith.addi %mul3A_960, %add3A_961 : i32
        %get3A_963 = arith.index_cast %add3A_962 : i32 to index
        %get3A_964 = arith.constant 0 : index
        %get3A_965 = tpu.vector_load %arg11[%get3A_963, %get3A_964] {strides = array<i32>} : memref<128x128xf32, #tpu.memory_space<vmem>>, vector<16xf32>,
        %mul3A_966 = vector.broadcast %squeeze3A_958 : f32 to vector<16xf32>
        %mul3A_967 = arith.mulf %get3A_965, %mul3A_966 : vector<16xf32>
        %mul3A_968 = arith.constant 16 : i32
        %mul3A_969 = arith.muli %scan3A_45, %mul3A_968 : i32
        %add3A_970 = arith.constant 7 : i32
        %add3A_971 = arith.addi %mul3A_969, %add3A_970 : i32
        %swap3A_972 = arith.index_cast %add3A_971 : i32 to index
        %swap3A_973 = arith.constant 0 : index
        %swap3A_974 = tpu.vector_load %arg11[%swap3A_972, %swap3A_973] {strides = array<i32>} : memref<128x128xf32, #tpu.memory_space<vmem>>, vector<16xf32>,
        tpu.vector_store %arg11[%swap3A_972, %swap3A_973], %mul3A_967 {strides = array<i32>} : memref<128x128xf32, #tpu.memory_space<vmem>>, vector<16xf32>,
        %mul3A_975 = arith.constant 16 : i32
        %mul3A_976 = arith.muli %scan3A_45, %mul3A_975 : i32
        %add3A_977 = arith.constant 7 : i32
        %add3A_978 = arith.addi %mul3A_976, %add3A_977 : i32
        %get3A_979 = arith.index_cast %add3A_978 : i32 to index
        %get3A_980 = arith.constant 16 : index
        %get3A_981 = tpu.vector_load %arg11[%get3A_979, %get3A_980] {strides = array<i32>} : memref<128x128xf32, #tpu.memory_space<vmem>>, vector<16xf32>,
        %mul3A_982 = vector.broadcast %squeeze3A_958 : f32 to vector<16xf32>
        %mul3A_983 = arith.mulf %get3A_981, %mul3A_982 : vector<16xf32>
        %mul3A_984 = arith.constant 16 : i32
        %mul3A_985 = arith.muli %scan3A_45, %mul3A_984 : i32
        %add3A_986 = arith.constant 7 : i32
        %add3A_987 = arith.addi %mul3A_985, %add3A_986 : i32
        %swap3A_988 = arith.index_cast %add3A_987 : i32 to index
        %swap3A_989 = arith.constant 16 : index
        %swap3A_990 = tpu.vector_load %arg11[%swap3A_988, %swap3A_989] {strides = array<i32>} : memref<128x128xf32, #tpu.memory_space<vmem>>, vector<16xf32>,
        tpu.vector_store %arg11[%swap3A_988, %swap3A_989], %mul3A_983 {strides = array<i32>} : memref<128x128xf32, #tpu.memory_space<vmem>>, vector<16xf32>,
        %mul3A_991 = arith.constant 16 : i32
        %mul3A_992 = arith.muli %scan3A_45, %mul3A_991 : i32
        %add3A_993 = arith.constant 7 : i32
        %add3A_994 = arith.addi %mul3A_992, %add3A_993 : i32
        %get3A_995 = arith.index_cast %add3A_994 : i32 to index
        %get3A_996 = arith.constant 32 : index
        %get3A_997 = tpu.vector_load %arg11[%get3A_995, %get3A_996] {strides = array<i32>} : memref<128x128xf32, #tpu.memory_space<vmem>>, vector<16xf32>,
        %mul3A_998 = vector.broadcast %squeeze3A_958 : f32 to vector<16xf32>
        %mul3A_999 = arith.mulf %get3A_997, %mul3A_998 : vector<16xf32>
        %mul3A_1000 = arith.constant 16 : i32
        %mul3A_1001 = arith.muli %scan3A_45, %mul3A_1000 : i32
        %add3A_1002 = arith.constant 7 : i32
        %add3A_1003 = arith.addi %mul3A_1001, %add3A_1002 : i32
        %swap3A_1004 = arith.index_cast %add3A_1003 : i32 to index
        %swap3A_1005 = arith.constant 32 : index
        %swap3A_1006 = tpu.vector_load %arg11[%swap3A_1004, %swap3A_1005] {strides = array<i32>} : memref<128x128xf32, #tpu.memory_space<vmem>>, vector<16xf32>,
        tpu.vector_store %arg11[%swap3A_1004, %swap3A_1005], %mul3A_999 {strides = array<i32>} : memref<128x128xf32, #tpu.memory_space<vmem>>, vector<16xf32>,
        %mul3A_1007 = arith.constant 16 : i32
        %mul3A_1008 = arith.muli %scan3A_45, %mul3A_1007 : i32
        %add3A_1009 = arith.constant 7 : i32
        %add3A_1010 = arith.addi %mul3A_1008, %add3A_1009 : i32
        %get3A_1011 = arith.index_cast %add3A_1010 : i32 to index
        %get3A_1012 = arith.constant 48 : index
        %get3A_1013 = tpu.vector_load %arg11[%get3A_1011, %get3A_1012] {strides = array<i32>} : memref<128x128xf32, #tpu.memory_space<vmem>>, vector<16xf32>,
        %mul3A_1014 = vector.broadcast %squeeze3A_958 : f32 to vector<16xf32>
        %mul3A_1015 = arith.mulf %get3A_1013, %mul3A_1014 : vector<16xf32>
        %mul3A_1016 = arith.constant 16 : i32
        %mul3A_1017 = arith.muli %scan3A_45, %mul3A_1016 : i32
        %add3A_1018 = arith.constant 7 : i32
        %add3A_1019 = arith.addi %mul3A_1017, %add3A_1018 : i32
        %swap3A_1020 = arith.index_cast %add3A_1019 : i32 to index
        %swap3A_1021 = arith.constant 48 : index
        %swap3A_1022 = tpu.vector_load %arg11[%swap3A_1020, %swap3A_1021] {strides = array<i32>} : memref<128x128xf32, #tpu.memory_space<vmem>>, vector<16xf32>,
        tpu.vector_store %arg11[%swap3A_1020, %swap3A_1021], %mul3A_1015 {strides = array<i32>} : memref<128x128xf32, #tpu.memory_space<vmem>>, vector<16xf32>,
        %mul3A_1023 = arith.constant 16 : i32
        %mul3A_1024 = arith.muli %scan3A_45, %mul3A_1023 : i32
        %add3A_1025 = arith.constant 7 : i32
        %add3A_1026 = arith.addi %mul3A_1024, %add3A_1025 : i32
        %get3A_1027 = arith.index_cast %add3A_1026 : i32 to index
        %get3A_1028 = arith.constant 64 : index
        %get3A_1029 = tpu.vector_load %arg11[%get3A_1027, %get3A_1028] {strides = array<i32>} : memref<128x128xf32, #tpu.memory_space<vmem>>, vector<16xf32>,
        %mul3A_1030 = vector.broadcast %squeeze3A_958 : f32 to vector<16xf32>
        %mul3A_1031 = arith.mulf %get3A_1029, %mul3A_1030 : vector<16xf32>
        %mul3A_1032 = arith.constant 16 : i32
        %mul3A_1033 = arith.muli %scan3A_45, %mul3A_1032 : i32
        %add3A_1034 = arith.constant 7 : i32
        %add3A_1035 = arith.addi %mul3A_1033, %add3A_1034 : i32
        %swap3A_1036 = arith.index_cast %add3A_1035 : i32 to index
        %swap3A_1037 = arith.constant 64 : index
        %swap3A_1038 = tpu.vector_load %arg11[%swap3A_1036, %swap3A_1037] {strides = array<i32>} : memref<128x128xf32, #tpu.memory_space<vmem>>, vector<16xf32>,
        tpu.vector_store %arg11[%swap3A_1036, %swap3A_1037], %mul3A_1031 {strides = array<i32>} : memref<128x128xf32, #tpu.memory_space<vmem>>, vector<16xf32>,
        %mul3A_1039 = arith.constant 16 : i32
        %mul3A_1040 = arith.muli %scan3A_45, %mul3A_1039 : i32
        %add3A_1041 = arith.constant 7 : i32
        %add3A_1042 = arith.addi %mul3A_1040, %add3A_1041 : i32
        %get3A_1043 = arith.index_cast %add3A_1042 : i32 to index
        %get3A_1044 = arith.constant 80 : index
        %get3A_1045 = tpu.vector_load %arg11[%get3A_1043, %get3A_1044] {strides = array<i32>} : memref<128x128xf32, #tpu.memory_space<vmem>>, vector<16xf32>,
        %mul3A_1046 = vector.broadcast %squeeze3A_958 : f32 to vector<16xf32>
        %mul3A_1047 = arith.mulf %get3A_1045, %mul3A_1046 : vector<16xf32>
        %mul3A_1048 = arith.constant 16 : i32
        %mul3A_1049 = arith.muli %scan3A_45, %mul3A_1048 : i32
        %add3A_1050 = arith.constant 7 : i32
        %add3A_1051 = arith.addi %mul3A_1049, %add3A_1050 : i32
        %swap3A_1052 = arith.index_cast %add3A_1051 : i32 to index
        %swap3A_1053 = arith.constant 80 : index
        %swap3A_1054 = tpu.vector_load %arg11[%swap3A_1052, %swap3A_1053] {strides = array<i32>} : memref<128x128xf32, #tpu.memory_space<vmem>>, vector<16xf32>,
        tpu.vector_store %arg11[%swap3A_1052, %swap3A_1053], %mul3A_1047 {strides = array<i32>} : memref<128x128xf32, #tpu.memory_space<vmem>>, vector<16xf32>,
        %mul3A_1055 = arith.constant 16 : i32
        %mul3A_1056 = arith.muli %scan3A_45, %mul3A_1055 : i32
        %add3A_1057 = arith.constant 7 : i32
        %add3A_1058 = arith.addi %mul3A_1056, %add3A_1057 : i32
        %get3A_1059 = arith.index_cast %add3A_1058 : i32 to index
        %get3A_1060 = arith.constant 96 : index
        %get3A_1061 = tpu.vector_load %arg11[%get3A_1059, %get3A_1060] {strides = array<i32>} : memref<128x128xf32, #tpu.memory_space<vmem>>, vector<16xf32>,
        %mul3A_1062 = vector.broadcast %squeeze3A_958 : f32 to vector<16xf32>
        %mul3A_1063 = arith.mulf %get3A_1061, %mul3A_1062 : vector<16xf32>
        %mul3A_1064 = arith.constant 16 : i32
        %mul3A_1065 = arith.muli %scan3A_45, %mul3A_1064 : i32
        %add3A_1066 = arith.constant 7 : i32
        %add3A_1067 = arith.addi %mul3A_1065, %add3A_1066 : i32
        %swap3A_1068 = arith.index_cast %add3A_1067 : i32 to index
        %swap3A_1069 = arith.constant 96 : index
        %swap3A_1070 = tpu.vector_load %arg11[%swap3A_1068, %swap3A_1069] {strides = array<i32>} : memref<128x128xf32, #tpu.memory_space<vmem>>, vector<16xf32>,
        tpu.vector_store %arg11[%swap3A_1068, %swap3A_1069], %mul3A_1063 {strides = array<i32>} : memref<128x128xf32, #tpu.memory_space<vmem>>, vector<16xf32>,
        %mul3A_1071 = arith.constant 16 : i32
        %mul3A_1072 = arith.muli %scan3A_45, %mul3A_1071 : i32
        %add3A_1073 = arith.constant 7 : i32
        %add3A_1074 = arith.addi %mul3A_1072, %add3A_1073 : i32
        %get3A_1075 = arith.index_cast %add3A_1074 : i32 to index
        %get3A_1076 = arith.constant 112 : index
        %get3A_1077 = tpu.vector_load %arg11[%get3A_1075, %get3A_1076] {strides = array<i32>} : memref<128x128xf32, #tpu.memory_space<vmem>>, vector<16xf32>,
        %mul3A_1078 = vector.broadcast %squeeze3A_958 : f32 to vector<16xf32>
        %mul3A_1079 = arith.mulf %get3A_1077, %mul3A_1078 : vector<16xf32>
        %mul3A_1080 = arith.constant 16 : i32
        %mul3A_1081 = arith.muli %scan3A_45, %mul3A_1080 : i32
        %add3A_1082 = arith.constant 7 : i32
        %add3A_1083 = arith.addi %mul3A_1081, %add3A_1082 : i32
        %swap3A_1084 = arith.index_cast %add3A_1083 : i32 to index
        %swap3A_1085 = arith.constant 112 : index
        %swap3A_1086 = tpu.vector_load %arg11[%swap3A_1084, %swap3A_1085] {strides = array<i32>} : memref<128x128xf32, #tpu.memory_space<vmem>>, vector<16xf32>,
        tpu.vector_store %arg11[%swap3A_1084, %swap3A_1085], %mul3A_1079 {strides = array<i32>} : memref<128x128xf32, #tpu.memory_space<vmem>>, vector<16xf32>,
        %slice3A_1087 = vector.extract_strided_slice %get3A_49 {offsets = [8], sizes = [1], strides = [1]} : vector<16xf32> to vector<1xf32>
        %squeeze3A_1088 = vector.extract %slice3A_1087[0] : f32 from vector<1xf32>
        %mul3A_1089 = arith.constant 16 : i32
        %mul3A_1090 = arith.muli %scan3A_45, %mul3A_1089 : i32
        %add3A_1091 = arith.constant 8 : i32
        %add3A_1092 = arith.addi %mul3A_1090, %add3A_1091 : i32
        %get3A_1093 = arith.index_cast %add3A_1092 : i32 to index
        %get3A_1094 = arith.constant 0 : index
        %get3A_1095 = tpu.vector_load %arg11[%get3A_1093, %get3A_1094] {strides = array<i32>} : memref<128x128xf32, #tpu.memory_space<vmem>>, vector<16xf32>,
        %mul3A_1096 = vector.broadcast %squeeze3A_1088 : f32 to vector<16xf32>
        %mul3A_1097 = arith.mulf %get3A_1095, %mul3A_1096 : vector<16xf32>
        %mul3A_1098 = arith.constant 16 : i32
        %mul3A_1099 = arith.muli %scan3A_45, %mul3A_1098 : i32
        %add3A_1100 = arith.constant 8 : i32
        %add3A_1101 = arith.addi %mul3A_1099, %add3A_1100 : i32
        %swap3A_1102 = arith.index_cast %add3A_1101 : i32 to index
        %swap3A_1103 = arith.constant 0 : index
        %swap3A_1104 = tpu.vector_load %arg11[%swap3A_1102, %swap3A_1103] {strides = array<i32>} : memref<128x128xf32, #tpu.memory_space<vmem>>, vector<16xf32>,
        tpu.vector_store %arg11[%swap3A_1102, %swap3A_1103], %mul3A_1097 {strides = array<i32>} : memref<128x128xf32, #tpu.memory_space<vmem>>, vector<16xf32>,
        %mul3A_1105 = arith.constant 16 : i32
        %mul3A_1106 = arith.muli %scan3A_45, %mul3A_1105 : i32
        %add3A_1107 = arith.constant 8 : i32
        %add3A_1108 = arith.addi %mul3A_1106, %add3A_1107 : i32
        %get3A_1109 = arith.index_cast %add3A_1108 : i32 to index
        %get3A_1110 = arith.constant 16 : index
        %get3A_1111 = tpu.vector_load %arg11[%get3A_1109, %get3A_1110] {strides = array<i32>} : memref<128x128xf32, #tpu.memory_space<vmem>>, vector<16xf32>,
        %mul3A_1112 = vector.broadcast %squeeze3A_1088 : f32 to vector<16xf32>
        %mul3A_1113 = arith.mulf %get3A_1111, %mul3A_1112 : vector<16xf32>
        %mul3A_1114 = arith.constant 16 : i32
        %mul3A_1115 = arith.muli %scan3A_45, %mul3A_1114 : i32
        %add3A_1116 = arith.constant 8 : i32
        %add3A_1117 = arith.addi %mul3A_1115, %add3A_1116 : i32
        %swap3A_1118 = arith.index_cast %add3A_1117 : i32 to index
        %swap3A_1119 = arith.constant 16 : index
        %swap3A_1120 = tpu.vector_load %arg11[%swap3A_1118, %swap3A_1119] {strides = array<i32>} : memref<128x128xf32, #tpu.memory_space<vmem>>, vector<16xf32>,
        tpu.vector_store %arg11[%swap3A_1118, %swap3A_1119], %mul3A_1113 {strides = array<i32>} : memref<128x128xf32, #tpu.memory_space<vmem>>, vector<16xf32>,
        %mul3A_1121 = arith.constant 16 : i32
        %mul3A_1122 = arith.muli %scan3A_45, %mul3A_1121 : i32
        %add3A_1123 = arith.constant 8 : i32
        %add3A_1124 = arith.addi %mul3A_1122, %add3A_1123 : i32
        %get3A_1125 = arith.index_cast %add3A_1124 : i32 to index
        %get3A_1126 = arith.constant 32 : index
        %get3A_1127 = tpu.vector_load %arg11[%get3A_1125, %get3A_1126] {strides = array<i32>} : memref<128x128xf32, #tpu.memory_space<vmem>>, vector<16xf32>,
        %mul3A_1128 = vector.broadcast %squeeze3A_1088 : f32 to vector<16xf32>
        %mul3A_1129 = arith.mulf %get3A_1127, %mul3A_1128 : vector<16xf32>
        %mul3A_1130 = arith.constant 16 : i32
        %mul3A_1131 = arith.muli %scan3A_45, %mul3A_1130 : i32
        %add3A_1132 = arith.constant 8 : i32
        %add3A_1133 = arith.addi %mul3A_1131, %add3A_1132 : i32
        %swap3A_1134 = arith.index_cast %add3A_1133 : i32 to index
        %swap3A_1135 = arith.constant 32 : index
        %swap3A_1136 = tpu.vector_load %arg11[%swap3A_1134, %swap3A_1135] {strides = array<i32>} : memref<128x128xf32, #tpu.memory_space<vmem>>, vector<16xf32>,
        tpu.vector_store %arg11[%swap3A_1134, %swap3A_1135], %mul3A_1129 {strides = array<i32>} : memref<128x128xf32, #tpu.memory_space<vmem>>, vector<16xf32>,
        %mul3A_1137 = arith.constant 16 : i32
        %mul3A_1138 = arith.muli %scan3A_45, %mul3A_1137 : i32
        %add3A_1139 = arith.constant 8 : i32
        %add3A_1140 = arith.addi %mul3A_1138, %add3A_1139 : i32
        %get3A_1141 = arith.index_cast %add3A_1140 : i32 to index
        %get3A_1142 = arith.constant 48 : index
        %get3A_1143 = tpu.vector_load %arg11[%get3A_1141, %get3A_1142] {strides = array<i32>} : memref<128x128xf32, #tpu.memory_space<vmem>>, vector<16xf32>,
        %mul3A_1144 = vector.broadcast %squeeze3A_1088 : f32 to vector<16xf32>
        %mul3A_1145 = arith.mulf %get3A_1143, %mul3A_1144 : vector<16xf32>
        %mul3A_1146 = arith.constant 16 : i32
        %mul3A_1147 = arith.muli %scan3A_45, %mul3A_1146 : i32
        %add3A_1148 = arith.constant 8 : i32
        %add3A_1149 = arith.addi %mul3A_1147, %add3A_1148 : i32
        %swap3A_1150 = arith.index_cast %add3A_1149 : i32 to index
        %swap3A_1151 = arith.constant 48 : index
        %swap3A_1152 = tpu.vector_load %arg11[%swap3A_1150, %swap3A_1151] {strides = array<i32>} : memref<128x128xf32, #tpu.memory_space<vmem>>, vector<16xf32>,
        tpu.vector_store %arg11[%swap3A_1150, %swap3A_1151], %mul3A_1145 {strides = array<i32>} : memref<128x128xf32, #tpu.memory_space<vmem>>, vector<16xf32>,
        %mul3A_1153 = arith.constant 16 : i32
        %mul3A_1154 = arith.muli %scan3A_45, %mul3A_1153 : i32
        %add3A_1155 = arith.constant 8 : i32
        %add3A_1156 = arith.addi %mul3A_1154, %add3A_1155 : i32
        %get3A_1157 = arith.index_cast %add3A_1156 : i32 to index
        %get3A_1158 = arith.constant 64 : index
        %get3A_1159 = tpu.vector_load %arg11[%get3A_1157, %get3A_1158] {strides = array<i32>} : memref<128x128xf32, #tpu.memory_space<vmem>>, vector<16xf32>,
        %mul3A_1160 = vector.broadcast %squeeze3A_1088 : f32 to vector<16xf32>
        %mul3A_1161 = arith.mulf %get3A_1159, %mul3A_1160 : vector<16xf32>
        %mul3A_1162 = arith.constant 16 : i32
        %mul3A_1163 = arith.muli %scan3A_45, %mul3A_1162 : i32
        %add3A_1164 = arith.constant 8 : i32
        %add3A_1165 = arith.addi %mul3A_1163, %add3A_1164 : i32
        %swap3A_1166 = arith.index_cast %add3A_1165 : i32 to index
        %swap3A_1167 = arith.constant 64 : index
        %swap3A_1168 = tpu.vector_load %arg11[%swap3A_1166, %swap3A_1167] {strides = array<i32>} : memref<128x128xf32, #tpu.memory_space<vmem>>, vector<16xf32>,
        tpu.vector_store %arg11[%swap3A_1166, %swap3A_1167], %mul3A_1161 {strides = array<i32>} : memref<128x128xf32, #tpu.memory_space<vmem>>, vector<16xf32>,
        %mul3A_1169 = arith.constant 16 : i32
        %mul3A_1170 = arith.muli %scan3A_45, %mul3A_1169 : i32
        %add3A_1171 = arith.constant 8 : i32
        %add3A_1172 = arith.addi %mul3A_1170, %add3A_1171 : i32
        %get3A_1173 = arith.index_cast %add3A_1172 : i32 to index
        %get3A_1174 = arith.constant 80 : index
        %get3A_1175 = tpu.vector_load %arg11[%get3A_1173, %get3A_1174] {strides = array<i32>} : memref<128x128xf32, #tpu.memory_space<vmem>>, vector<16xf32>,
        %mul3A_1176 = vector.broadcast %squeeze3A_1088 : f32 to vector<16xf32>
        %mul3A_1177 = arith.mulf %get3A_1175, %mul3A_1176 : vector<16xf32>
        %mul3A_1178 = arith.constant 16 : i32
        %mul3A_1179 = arith.muli %scan3A_45, %mul3A_1178 : i32
        %add3A_1180 = arith.constant 8 : i32
        %add3A_1181 = arith.addi %mul3A_1179, %add3A_1180 : i32
        %swap3A_1182 = arith.index_cast %add3A_1181 : i32 to index
        %swap3A_1183 = arith.constant 80 : index
        %swap3A_1184 = tpu.vector_load %arg11[%swap3A_1182, %swap3A_1183] {strides = array<i32>} : memref<128x128xf32, #tpu.memory_space<vmem>>, vector<16xf32>,
        tpu.vector_store %arg11[%swap3A_1182, %swap3A_1183], %mul3A_1177 {strides = array<i32>} : memref<128x128xf32, #tpu.memory_space<vmem>>, vector<16xf32>,
        %mul3A_1185 = arith.constant 16 : i32
        %mul3A_1186 = arith.muli %scan3A_45, %mul3A_1185 : i32
        %add3A_1187 = arith.constant 8 : i32
        %add3A_1188 = arith.addi %mul3A_1186, %add3A_1187 : i32
        %get3A_1189 = arith.index_cast %add3A_1188 : i32 to index
        %get3A_1190 = arith.constant 96 : index
        %get3A_1191 = tpu.vector_load %arg11[%get3A_1189, %get3A_1190] {strides = array<i32>} : memref<128x128xf32, #tpu.memory_space<vmem>>, vector<16xf32>,
        %mul3A_1192 = vector.broadcast %squeeze3A_1088 : f32 to vector<16xf32>
        %mul3A_1193 = arith.mulf %get3A_1191, %mul3A_1192 : vector<16xf32>
        %mul3A_1194 = arith.constant 16 : i32
        %mul3A_1195 = arith.muli %scan3A_45, %mul3A_1194 : i32
        %add3A_1196 = arith.constant 8 : i32
        %add3A_1197 = arith.addi %mul3A_1195, %add3A_1196 : i32
        %swap3A_1198 = arith.index_cast %add3A_1197 : i32 to index
        %swap3A_1199 = arith.constant 96 : index
        %swap3A_1200 = tpu.vector_load %arg11[%swap3A_1198, %swap3A_1199] {strides = array<i32>} : memref<128x128xf32, #tpu.memory_space<vmem>>, vector<16xf32>,
        tpu.vector_store %arg11[%swap3A_1198, %swap3A_1199], %mul3A_1193 {strides = array<i32>} : memref<128x128xf32, #tpu.memory_space<vmem>>, vector<16xf32>,
        %mul3A_1201 = arith.constant 16 : i32
        %mul3A_1202 = arith.muli %scan3A_45, %mul3A_1201 : i32
        %add3A_1203 = arith.constant 8 : i32
        %add3A_1204 = arith.addi %mul3A_1202, %add3A_1203 : i32
        %get3A_1205 = arith.index_cast %add3A_1204 : i32 to index
        %get3A_1206 = arith.constant 112 : index
        %get3A_1207 = tpu.vector_load %arg11[%get3A_1205, %get3A_1206] {strides = array<i32>} : memref<128x128xf32, #tpu.memory_space<vmem>>, vector<16xf32>,
        %mul3A_1208 = vector.broadcast %squeeze3A_1088 : f32 to vector<16xf32>
        %mul3A_1209 = arith.mulf %get3A_1207, %mul3A_1208 : vector<16xf32>
        %mul3A_1210 = arith.constant 16 : i32
        %mul3A_1211 = arith.muli %scan3A_45, %mul3A_1210 : i32
        %add3A_1212 = arith.constant 8 : i32
        %add3A_1213 = arith.addi %mul3A_1211, %add3A_1212 : i32
        %swap3A_1214 = arith.index_cast %add3A_1213 : i32 to index
        %swap3A_1215 = arith.constant 112 : index
        %swap3A_1216 = tpu.vector_load %arg11[%swap3A_1214, %swap3A_1215] {strides = array<i32>} : memref<128x128xf32, #tpu.memory_space<vmem>>, vector<16xf32>,
        tpu.vector_store %arg11[%swap3A_1214, %swap3A_1215], %mul3A_1209 {strides = array<i32>} : memref<128x128xf32, #tpu.memory_space<vmem>>, vector<16xf32>,
        %slice3A_1217 = vector.extract_strided_slice %get3A_49 {offsets = [9], sizes = [1], strides = [1]} : vector<16xf32> to vector<1xf32>
        %squeeze3A_1218 = vector.extract %slice3A_1217[0] : f32 from vector<1xf32>
        %mul3A_1219 = arith.constant 16 : i32
        %mul3A_1220 = arith.muli %scan3A_45, %mul3A_1219 : i32
        %add3A_1221 = arith.constant 9 : i32
        %add3A_1222 = arith.addi %mul3A_1220, %add3A_1221 : i32
        %get3A_1223 = arith.index_cast %add3A_1222 : i32 to index
        %get3A_1224 = arith.constant 0 : index
        %get3A_1225 = tpu.vector_load %arg11[%get3A_1223, %get3A_1224] {strides = array<i32>} : memref<128x128xf32, #tpu.memory_space<vmem>>, vector<16xf32>,
        %mul3A_1226 = vector.broadcast %squeeze3A_1218 : f32 to vector<16xf32>
        %mul3A_1227 = arith.mulf %get3A_1225, %mul3A_1226 : vector<16xf32>
        %mul3A_1228 = arith.constant 16 : i32
        %mul3A_1229 = arith.muli %scan3A_45, %mul3A_1228 : i32
        %add3A_1230 = arith.constant 9 : i32
        %add3A_1231 = arith.addi %mul3A_1229, %add3A_1230 : i32
        %swap3A_1232 = arith.index_cast %add3A_1231 : i32 to index
        %swap3A_1233 = arith.constant 0 : index
        %swap3A_1234 = tpu.vector_load %arg11[%swap3A_1232, %swap3A_1233] {strides = array<i32>} : memref<128x128xf32, #tpu.memory_space<vmem>>, vector<16xf32>,
        tpu.vector_store %arg11[%swap3A_1232, %swap3A_1233], %mul3A_1227 {strides = array<i32>} : memref<128x128xf32, #tpu.memory_space<vmem>>, vector<16xf32>,
        %mul3A_1235 = arith.constant 16 : i32
        %mul3A_1236 = arith.muli %scan3A_45, %mul3A_1235 : i32
        %add3A_1237 = arith.constant 9 : i32
        %add3A_1238 = arith.addi %mul3A_1236, %add3A_1237 : i32
        %get3A_1239 = arith.index_cast %add3A_1238 : i32 to index
        %get3A_1240 = arith.constant 16 : index
        %get3A_1241 = tpu.vector_load %arg11[%get3A_1239, %get3A_1240] {strides = array<i32>} : memref<128x128xf32, #tpu.memory_space<vmem>>, vector<16xf32>,
        %mul3A_1242 = vector.broadcast %squeeze3A_1218 : f32 to vector<16xf32>
        %mul3A_1243 = arith.mulf %get3A_1241, %mul3A_1242 : vector<16xf32>
        %mul3A_1244 = arith.constant 16 : i32
        %mul3A_1245 = arith.muli %scan3A_45, %mul3A_1244 : i32
        %add3A_1246 = arith.constant 9 : i32
        %add3A_1247 = arith.addi %mul3A_1245, %add3A_1246 : i32
        %swap3A_1248 = arith.index_cast %add3A_1247 : i32 to index
        %swap3A_1249 = arith.constant 16 : index
        %swap3A_1250 = tpu.vector_load %arg11[%swap3A_1248, %swap3A_1249] {strides = array<i32>} : memref<128x128xf32, #tpu.memory_space<vmem>>, vector<16xf32>,
        tpu.vector_store %arg11[%swap3A_1248, %swap3A_1249], %mul3A_1243 {strides = array<i32>} : memref<128x128xf32, #tpu.memory_space<vmem>>, vector<16xf32>,
        %mul3A_1251 = arith.constant 16 : i32
        %mul3A_1252 = arith.muli %scan3A_45, %mul3A_1251 : i32
        %add3A_1253 = arith.constant 9 : i32
        %add3A_1254 = arith.addi %mul3A_1252, %add3A_1253 : i32
        %get3A_1255 = arith.index_cast %add3A_1254 : i32 to index
        %get3A_1256 = arith.constant 32 : index
        %get3A_1257 = tpu.vector_load %arg11[%get3A_1255, %get3A_1256] {strides = array<i32>} : memref<128x128xf32, #tpu.memory_space<vmem>>, vector<16xf32>,
        %mul3A_1258 = vector.broadcast %squeeze3A_1218 : f32 to vector<16xf32>
        %mul3A_1259 = arith.mulf %get3A_1257, %mul3A_1258 : vector<16xf32>
        %mul3A_1260 = arith.constant 16 : i32
        %mul3A_1261 = arith.muli %scan3A_45, %mul3A_1260 : i32
        %add3A_1262 = arith.constant 9 : i32
        %add3A_1263 = arith.addi %mul3A_1261, %add3A_1262 : i32
        %swap3A_1264 = arith.index_cast %add3A_1263 : i32 to index
        %swap3A_1265 = arith.constant 32 : index
        %swap3A_1266 = tpu.vector_load %arg11[%swap3A_1264, %swap3A_1265] {strides = array<i32>} : memref<128x128xf32, #tpu.memory_space<vmem>>, vector<16xf32>,
        tpu.vector_store %arg11[%swap3A_1264, %swap3A_1265], %mul3A_1259 {strides = array<i32>} : memref<128x128xf32, #tpu.memory_space<vmem>>, vector<16xf32>,
        %mul3A_1267 = arith.constant 16 : i32
        %mul3A_1268 = arith.muli %scan3A_45, %mul3A_1267 : i32
        %add3A_1269 = arith.constant 9 : i32
        %add3A_1270 = arith.addi %mul3A_1268, %add3A_1269 : i32
        %get3A_1271 = arith.index_cast %add3A_1270 : i32 to index
        %get3A_1272 = arith.constant 48 : index
        %get3A_1273 = tpu.vector_load %arg11[%get3A_1271, %get3A_1272] {strides = array<i32>} : memref<128x128xf32, #tpu.memory_space<vmem>>, vector<16xf32>,
        %mul3A_1274 = vector.broadcast %squeeze3A_1218 : f32 to vector<16xf32>
        %mul3A_1275 = arith.mulf %get3A_1273, %mul3A_1274 : vector<16xf32>
        %mul3A_1276 = arith.constant 16 : i32
        %mul3A_1277 = arith.muli %scan3A_45, %mul3A_1276 : i32
        %add3A_1278 = arith.constant 9 : i32
        %add3A_1279 = arith.addi %mul3A_1277, %add3A_1278 : i32
        %swap3A_1280 = arith.index_cast %add3A_1279 : i32 to index
        %swap3A_1281 = arith.constant 48 : index
        %swap3A_1282 = tpu.vector_load %arg11[%swap3A_1280, %swap3A_1281] {strides = array<i32>} : memref<128x128xf32, #tpu.memory_space<vmem>>, vector<16xf32>,
        tpu.vector_store %arg11[%swap3A_1280, %swap3A_1281], %mul3A_1275 {strides = array<i32>} : memref<128x128xf32, #tpu.memory_space<vmem>>, vector<16xf32>,
        %mul3A_1283 = arith.constant 16 : i32
        %mul3A_1284 = arith.muli %scan3A_45, %mul3A_1283 : i32
        %add3A_1285 = arith.constant 9 : i32
        %add3A_1286 = arith.addi %mul3A_1284, %add3A_1285 : i32
        %get3A_1287 = arith.index_cast %add3A_1286 : i32 to index
        %get3A_1288 = arith.constant 64 : index
        %get3A_1289 = tpu.vector_load %arg11[%get3A_1287, %get3A_1288] {strides = array<i32>} : memref<128x128xf32, #tpu.memory_space<vmem>>, vector<16xf32>,
        %mul3A_1290 = vector.broadcast %squeeze3A_1218 : f32 to vector<16xf32>
        %mul3A_1291 = arith.mulf %get3A_1289, %mul3A_1290 : vector<16xf32>
        %mul3A_1292 = arith.constant 16 : i32
        %mul3A_1293 = arith.muli %scan3A_45, %mul3A_1292 : i32
        %add3A_1294 = arith.constant 9 : i32
        %add3A_1295 = arith.addi %mul3A_1293, %add3A_1294 : i32
        %swap3A_1296 = arith.index_cast %add3A_1295 : i32 to index
        %swap3A_1297 = arith.constant 64 : index
        %swap3A_1298 = tpu.vector_load %arg11[%swap3A_1296, %swap3A_1297] {strides = array<i32>} : memref<128x128xf32, #tpu.memory_space<vmem>>, vector<16xf32>,
        tpu.vector_store %arg11[%swap3A_1296, %swap3A_1297], %mul3A_1291 {strides = array<i32>} : memref<128x128xf32, #tpu.memory_space<vmem>>, vector<16xf32>,
        %mul3A_1299 = arith.constant 16 : i32
        %mul3A_1300 = arith.muli %scan3A_45, %mul3A_1299 : i32
        %add3A_1301 = arith.constant 9 : i32
        %add3A_1302 = arith.addi %mul3A_1300, %add3A_1301 : i32
        %get3A_1303 = arith.index_cast %add3A_1302 : i32 to index
        %get3A_1304 = arith.constant 80 : index
        %get3A_1305 = tpu.vector_load %arg11[%get3A_1303, %get3A_1304] {strides = array<i32>} : memref<128x128xf32, #tpu.memory_space<vmem>>, vector<16xf32>,
        %mul3A_1306 = vector.broadcast %squeeze3A_1218 : f32 to vector<16xf32>
        %mul3A_1307 = arith.mulf %get3A_1305, %mul3A_1306 : vector<16xf32>
        %mul3A_1308 = arith.constant 16 : i32
        %mul3A_1309 = arith.muli %scan3A_45, %mul3A_1308 : i32
        %add3A_1310 = arith.constant 9 : i32
        %add3A_1311 = arith.addi %mul3A_1309, %add3A_1310 : i32
        %swap3A_1312 = arith.index_cast %add3A_1311 : i32 to index
        %swap3A_1313 = arith.constant 80 : index
        %swap3A_1314 = tpu.vector_load %arg11[%swap3A_1312, %swap3A_1313] {strides = array<i32>} : memref<128x128xf32, #tpu.memory_space<vmem>>, vector<16xf32>,
        tpu.vector_store %arg11[%swap3A_1312, %swap3A_1313], %mul3A_1307 {strides = array<i32>} : memref<128x128xf32, #tpu.memory_space<vmem>>, vector<16xf32>,
        %mul3A_1315 = arith.constant 16 : i32
        %mul3A_1316 = arith.muli %scan3A_45, %mul3A_1315 : i32
        %add3A_1317 = arith.constant 9 : i32
        %add3A_1318 = arith.addi %mul3A_1316, %add3A_1317 : i32
        %get3A_1319 = arith.index_cast %add3A_1318 : i32 to index
        %get3A_1320 = arith.constant 96 : index
        %get3A_1321 = tpu.vector_load %arg11[%get3A_1319, %get3A_1320] {strides = array<i32>} : memref<128x128xf32, #tpu.memory_space<vmem>>, vector<16xf32>,
        %mul3A_1322 = vector.broadcast %squeeze3A_1218 : f32 to vector<16xf32>
        %mul3A_1323 = arith.mulf %get3A_1321, %mul3A_1322 : vector<16xf32>
        %mul3A_1324 = arith.constant 16 : i32
        %mul3A_1325 = arith.muli %scan3A_45, %mul3A_1324 : i32
        %add3A_1326 = arith.constant 9 : i32
        %add3A_1327 = arith.addi %mul3A_1325, %add3A_1326 : i32
        %swap3A_1328 = arith.index_cast %add3A_1327 : i32 to index
        %swap3A_1329 = arith.constant 96 : index
        %swap3A_1330 = tpu.vector_load %arg11[%swap3A_1328, %swap3A_1329] {strides = array<i32>} : memref<128x128xf32, #tpu.memory_space<vmem>>, vector<16xf32>,
        tpu.vector_store %arg11[%swap3A_1328, %swap3A_1329], %mul3A_1323 {strides = array<i32>} : memref<128x128xf32, #tpu.memory_space<vmem>>, vector<16xf32>,
        %mul3A_1331 = arith.constant 16 : i32
        %mul3A_1332 = arith.muli %scan3A_45, %mul3A_1331 : i32
        %add3A_1333 = arith.constant 9 : i32
        %add3A_1334 = arith.addi %mul3A_1332, %add3A_1333 : i32
        %get3A_1335 = arith.index_cast %add3A_1334 : i32 to index
        %get3A_1336 = arith.constant 112 : index
        %get3A_1337 = tpu.vector_load %arg11[%get3A_1335, %get3A_1336] {strides = array<i32>} : memref<128x128xf32, #tpu.memory_space<vmem>>, vector<16xf32>,
        %mul3A_1338 = vector.broadcast %squeeze3A_1218 : f32 to vector<16xf32>
        %mul3A_1339 = arith.mulf %get3A_1337, %mul3A_1338 : vector<16xf32>
        %mul3A_1340 = arith.constant 16 : i32
        %mul3A_1341 = arith.muli %scan3A_45, %mul3A_1340 : i32
        %add3A_1342 = arith.constant 9 : i32
        %add3A_1343 = arith.addi %mul3A_1341, %add3A_1342 : i32
        %swap3A_1344 = arith.index_cast %add3A_1343 : i32 to index
        %swap3A_1345 = arith.constant 112 : index
        %swap3A_1346 = tpu.vector_load %arg11[%swap3A_1344, %swap3A_1345] {strides = array<i32>} : memref<128x128xf32, #tpu.memory_space<vmem>>, vector<16xf32>,
        tpu.vector_store %arg11[%swap3A_1344, %swap3A_1345], %mul3A_1339 {strides = array<i32>} : memref<128x128xf32, #tpu.memory_space<vmem>>, vector<16xf32>,
        %slice3A_1347 = vector.extract_strided_slice %get3A_49 {offsets = [10], sizes = [1], strides = [1]} : vector<16xf32> to vector<1xf32>
        %squeeze3A_1348 = vector.extract %slice3A_1347[0] : f32 from vector<1xf32>
        %mul3A_1349 = arith.constant 16 : i32
        %mul3A_1350 = arith.muli %scan3A_45, %mul3A_1349 : i32
        %add3A_1351 = arith.constant 10 : i32
        %add3A_1352 = arith.addi %mul3A_1350, %add3A_1351 : i32
        %get3A_1353 = arith.index_cast %add3A_1352 : i32 to index
        %get3A_1354 = arith.constant 0 : index
        %get3A_1355 = tpu.vector_load %arg11[%get3A_1353, %get3A_1354] {strides = array<i32>} : memref<128x128xf32, #tpu.memory_space<vmem>>, vector<16xf32>,
        %mul3A_1356 = vector.broadcast %squeeze3A_1348 : f32 to vector<16xf32>
        %mul3A_1357 = arith.mulf %get3A_1355, %mul3A_1356 : vector<16xf32>
        %mul3A_1358 = arith.constant 16 : i32
        %mul3A_1359 = arith.muli %scan3A_45, %mul3A_1358 : i32
        %add3A_1360 = arith.constant 10 : i32
        %add3A_1361 = arith.addi %mul3A_1359, %add3A_1360 : i32
        %swap3A_1362 = arith.index_cast %add3A_1361 : i32 to index
        %swap3A_1363 = arith.constant 0 : index
        %swap3A_1364 = tpu.vector_load %arg11[%swap3A_1362, %swap3A_1363] {strides = array<i32>} : memref<128x128xf32, #tpu.memory_space<vmem>>, vector<16xf32>,
        tpu.vector_store %arg11[%swap3A_1362, %swap3A_1363], %mul3A_1357 {strides = array<i32>} : memref<128x128xf32, #tpu.memory_space<vmem>>, vector<16xf32>,
        %mul3A_1365 = arith.constant 16 : i32
        %mul3A_1366 = arith.muli %scan3A_45, %mul3A_1365 : i32
        %add3A_1367 = arith.constant 10 : i32
        %add3A_1368 = arith.addi %mul3A_1366, %add3A_1367 : i32
        %get3A_1369 = arith.index_cast %add3A_1368 : i32 to index
        %get3A_1370 = arith.constant 16 : index
        %get3A_1371 = tpu.vector_load %arg11[%get3A_1369, %get3A_1370] {strides = array<i32>} : memref<128x128xf32, #tpu.memory_space<vmem>>, vector<16xf32>,
        %mul3A_1372 = vector.broadcast %squeeze3A_1348 : f32 to vector<16xf32>
        %mul3A_1373 = arith.mulf %get3A_1371, %mul3A_1372 : vector<16xf32>
        %mul3A_1374 = arith.constant 16 : i32
        %mul3A_1375 = arith.muli %scan3A_45, %mul3A_1374 : i32
        %add3A_1376 = arith.constant 10 : i32
        %add3A_1377 = arith.addi %mul3A_1375, %add3A_1376 : i32
        %swap3A_1378 = arith.index_cast %add3A_1377 : i32 to index
        %swap3A_1379 = arith.constant 16 : index
        %swap3A_1380 = tpu.vector_load %arg11[%swap3A_1378, %swap3A_1379] {strides = array<i32>} : memref<128x128xf32, #tpu.memory_space<vmem>>, vector<16xf32>,
        tpu.vector_store %arg11[%swap3A_1378, %swap3A_1379], %mul3A_1373 {strides = array<i32>} : memref<128x128xf32, #tpu.memory_space<vmem>>, vector<16xf32>,
        %mul3A_1381 = arith.constant 16 : i32
        %mul3A_1382 = arith.muli %scan3A_45, %mul3A_1381 : i32
        %add3A_1383 = arith.constant 10 : i32
        %add3A_1384 = arith.addi %mul3A_1382, %add3A_1383 : i32
        %get3A_1385 = arith.index_cast %add3A_1384 : i32 to index
        %get3A_1386 = arith.constant 32 : index
        %get3A_1387 = tpu.vector_load %arg11[%get3A_1385, %get3A_1386] {strides = array<i32>} : memref<128x128xf32, #tpu.memory_space<vmem>>, vector<16xf32>,
        %mul3A_1388 = vector.broadcast %squeeze3A_1348 : f32 to vector<16xf32>
        %mul3A_1389 = arith.mulf %get3A_1387, %mul3A_1388 : vector<16xf32>
        %mul3A_1390 = arith.constant 16 : i32
        %mul3A_1391 = arith.muli %scan3A_45, %mul3A_1390 : i32
        %add3A_1392 = arith.constant 10 : i32
        %add3A_1393 = arith.addi %mul3A_1391, %add3A_1392 : i32
        %swap3A_1394 = arith.index_cast %add3A_1393 : i32 to index
        %swap3A_1395 = arith.constant 32 : index
        %swap3A_1396 = tpu.vector_load %arg11[%swap3A_1394, %swap3A_1395] {strides = array<i32>} : memref<128x128xf32, #tpu.memory_space<vmem>>, vector<16xf32>,
        tpu.vector_store %arg11[%swap3A_1394, %swap3A_1395], %mul3A_1389 {strides = array<i32>} : memref<128x128xf32, #tpu.memory_space<vmem>>, vector<16xf32>,
        %mul3A_1397 = arith.constant 16 : i32
        %mul3A_1398 = arith.muli %scan3A_45, %mul3A_1397 : i32
        %add3A_1399 = arith.constant 10 : i32
        %add3A_1400 = arith.addi %mul3A_1398, %add3A_1399 : i32
        %get3A_1401 = arith.index_cast %add3A_1400 : i32 to index
        %get3A_1402 = arith.constant 48 : index
        %get3A_1403 = tpu.vector_load %arg11[%get3A_1401, %get3A_1402] {strides = array<i32>} : memref<128x128xf32, #tpu.memory_space<vmem>>, vector<16xf32>,
        %mul3A_1404 = vector.broadcast %squeeze3A_1348 : f32 to vector<16xf32>
        %mul3A_1405 = arith.mulf %get3A_1403, %mul3A_1404 : vector<16xf32>
        %mul3A_1406 = arith.constant 16 : i32
        %mul3A_1407 = arith.muli %scan3A_45, %mul3A_1406 : i32
        %add3A_1408 = arith.constant 10 : i32
        %add3A_1409 = arith.addi %mul3A_1407, %add3A_1408 : i32
        %swap3A_1410 = arith.index_cast %add3A_1409 : i32 to index
        %swap3A_1411 = arith.constant 48 : index
        %swap3A_1412 = tpu.vector_load %arg11[%swap3A_1410, %swap3A_1411] {strides = array<i32>} : memref<128x128xf32, #tpu.memory_space<vmem>>, vector<16xf32>,
        tpu.vector_store %arg11[%swap3A_1410, %swap3A_1411], %mul3A_1405 {strides = array<i32>} : memref<128x128xf32, #tpu.memory_space<vmem>>, vector<16xf32>,
        %mul3A_1413 = arith.constant 16 : i32
        %mul3A_1414 = arith.muli %scan3A_45, %mul3A_1413 : i32
        %add3A_1415 = arith.constant 10 : i32
        %add3A_1416 = arith.addi %mul3A_1414, %add3A_1415 : i32
        %get3A_1417 = arith.index_cast %add3A_1416 : i32 to index
        %get3A_1418 = arith.constant 64 : index
        %get3A_1419 = tpu.vector_load %arg11[%get3A_1417, %get3A_1418] {strides = array<i32>} : memref<128x128xf32, #tpu.memory_space<vmem>>, vector<16xf32>,
        %mul3A_1420 = vector.broadcast %squeeze3A_1348 : f32 to vector<16xf32>
        %mul3A_1421 = arith.mulf %get3A_1419, %mul3A_1420 : vector<16xf32>
        %mul3A_1422 = arith.constant 16 : i32
        %mul3A_1423 = arith.muli %scan3A_45, %mul3A_1422 : i32
        %add3A_1424 = arith.constant 10 : i32
        %add3A_1425 = arith.addi %mul3A_1423, %add3A_1424 : i32
        %swap3A_1426 = arith.index_cast %add3A_1425 : i32 to index
        %swap3A_1427 = arith.constant 64 : index
        %swap3A_1428 = tpu.vector_load %arg11[%swap3A_1426, %swap3A_1427] {strides = array<i32>} : memref<128x128xf32, #tpu.memory_space<vmem>>, vector<16xf32>,
        tpu.vector_store %arg11[%swap3A_1426, %swap3A_1427], %mul3A_1421 {strides = array<i32>} : memref<128x128xf32, #tpu.memory_space<vmem>>, vector<16xf32>,
        %mul3A_1429 = arith.constant 16 : i32
        %mul3A_1430 = arith.muli %scan3A_45, %mul3A_1429 : i32
        %add3A_1431 = arith.constant 10 : i32
        %add3A_1432 = arith.addi %mul3A_1430, %add3A_1431 : i32
        %get3A_1433 = arith.index_cast %add3A_1432 : i32 to index
        %get3A_1434 = arith.constant 80 : index
        %get3A_1435 = tpu.vector_load %arg11[%get3A_1433, %get3A_1434] {strides = array<i32>} : memref<128x128xf32, #tpu.memory_space<vmem>>, vector<16xf32>,
        %mul3A_1436 = vector.broadcast %squeeze3A_1348 : f32 to vector<16xf32>
        %mul3A_1437 = arith.mulf %get3A_1435, %mul3A_1436 : vector<16xf32>
        %mul3A_1438 = arith.constant 16 : i32
        %mul3A_1439 = arith.muli %scan3A_45, %mul3A_1438 : i32
        %add3A_1440 = arith.constant 10 : i32
        %add3A_1441 = arith.addi %mul3A_1439, %add3A_1440 : i32
        %swap3A_1442 = arith.index_cast %add3A_1441 : i32 to index
        %swap3A_1443 = arith.constant 80 : index
        %swap3A_1444 = tpu.vector_load %arg11[%swap3A_1442, %swap3A_1443] {strides = array<i32>} : memref<128x128xf32, #tpu.memory_space<vmem>>, vector<16xf32>,
        tpu.vector_store %arg11[%swap3A_1442, %swap3A_1443], %mul3A_1437 {strides = array<i32>} : memref<128x128xf32, #tpu.memory_space<vmem>>, vector<16xf32>,
        %mul3A_1445 = arith.constant 16 : i32
        %mul3A_1446 = arith.muli %scan3A_45, %mul3A_1445 : i32
        %add3A_1447 = arith.constant 10 : i32
        %add3A_1448 = arith.addi %mul3A_1446, %add3A_1447 : i32
        %get3A_1449 = arith.index_cast %add3A_1448 : i32 to index
        %get3A_1450 = arith.constant 96 : index
        %get3A_1451 = tpu.vector_load %arg11[%get3A_1449, %get3A_1450] {strides = array<i32>} : memref<128x128xf32, #tpu.memory_space<vmem>>, vector<16xf32>,
        %mul3A_1452 = vector.broadcast %squeeze3A_1348 : f32 to vector<16xf32>
        %mul3A_1453 = arith.mulf %get3A_1451, %mul3A_1452 : vector<16xf32>
        %mul3A_1454 = arith.constant 16 : i32
        %mul3A_1455 = arith.muli %scan3A_45, %mul3A_1454 : i32
        %add3A_1456 = arith.constant 10 : i32
        %add3A_1457 = arith.addi %mul3A_1455, %add3A_1456 : i32
        %swap3A_1458 = arith.index_cast %add3A_1457 : i32 to index
        %swap3A_1459 = arith.constant 96 : index
        %swap3A_1460 = tpu.vector_load %arg11[%swap3A_1458, %swap3A_1459] {strides = array<i32>} : memref<128x128xf32, #tpu.memory_space<vmem>>, vector<16xf32>,
        tpu.vector_store %arg11[%swap3A_1458, %swap3A_1459], %mul3A_1453 {strides = array<i32>} : memref<128x128xf32, #tpu.memory_space<vmem>>, vector<16xf32>,
        %mul3A_1461 = arith.constant 16 : i32
        %mul3A_1462 = arith.muli %scan3A_45, %mul3A_1461 : i32
        %add3A_1463 = arith.constant 10 : i32
        %add3A_1464 = arith.addi %mul3A_1462, %add3A_1463 : i32
        %get3A_1465 = arith.index_cast %add3A_1464 : i32 to index
        %get3A_1466 = arith.constant 112 : index
        %get3A_1467 = tpu.vector_load %arg11[%get3A_1465, %get3A_1466] {strides = array<i32>} : memref<128x128xf32, #tpu.memory_space<vmem>>, vector<16xf32>,
        %mul3A_1468 = vector.broadcast %squeeze3A_1348 : f32 to vector<16xf32>
        %mul3A_1469 = arith.mulf %get3A_1467, %mul3A_1468 : vector<16xf32>
        %mul3A_1470 = arith.constant 16 : i32
        %mul3A_1471 = arith.muli %scan3A_45, %mul3A_1470 : i32
        %add3A_1472 = arith.constant 10 : i32
        %add3A_1473 = arith.addi %mul3A_1471, %add3A_1472 : i32
        %swap3A_1474 = arith.index_cast %add3A_1473 : i32 to index
        %swap3A_1475 = arith.constant 112 : index
        %swap3A_1476 = tpu.vector_load %arg11[%swap3A_1474, %swap3A_1475] {strides = array<i32>} : memref<128x128xf32, #tpu.memory_space<vmem>>, vector<16xf32>,
        tpu.vector_store %arg11[%swap3A_1474, %swap3A_1475], %mul3A_1469 {strides = array<i32>} : memref<128x128xf32, #tpu.memory_space<vmem>>, vector<16xf32>,
        %slice3A_1477 = vector.extract_strided_slice %get3A_49 {offsets = [11], sizes = [1], strides = [1]} : vector<16xf32> to vector<1xf32>
        %squeeze3A_1478 = vector.extract %slice3A_1477[0] : f32 from vector<1xf32>
        %mul3A_1479 = arith.constant 16 : i32
        %mul3A_1480 = arith.muli %scan3A_45, %mul3A_1479 : i32
        %add3A_1481 = arith.constant 11 : i32
        %add3A_1482 = arith.addi %mul3A_1480, %add3A_1481 : i32
        %get3A_1483 = arith.index_cast %add3A_1482 : i32 to index
        %get3A_1484 = arith.constant 0 : index
        %get3A_1485 = tpu.vector_load %arg11[%get3A_1483, %get3A_1484] {strides = array<i32>} : memref<128x128xf32, #tpu.memory_space<vmem>>, vector<16xf32>,
        %mul3A_1486 = vector.broadcast %squeeze3A_1478 : f32 to vector<16xf32>
        %mul3A_1487 = arith.mulf %get3A_1485, %mul3A_1486 : vector<16xf32>
        %mul3A_1488 = arith.constant 16 : i32
        %mul3A_1489 = arith.muli %scan3A_45, %mul3A_1488 : i32
        %add3A_1490 = arith.constant 11 : i32
        %add3A_1491 = arith.addi %mul3A_1489, %add3A_1490 : i32
        %swap3A_1492 = arith.index_cast %add3A_1491 : i32 to index
        %swap3A_1493 = arith.constant 0 : index
        %swap3A_1494 = tpu.vector_load %arg11[%swap3A_1492, %swap3A_1493] {strides = array<i32>} : memref<128x128xf32, #tpu.memory_space<vmem>>, vector<16xf32>,
        tpu.vector_store %arg11[%swap3A_1492, %swap3A_1493], %mul3A_1487 {strides = array<i32>} : memref<128x128xf32, #tpu.memory_space<vmem>>, vector<16xf32>,
        %mul3A_1495 = arith.constant 16 : i32
        %mul3A_1496 = arith.muli %scan3A_45, %mul3A_1495 : i32
        %add3A_1497 = arith.constant 11 : i32
        %add3A_1498 = arith.addi %mul3A_1496, %add3A_1497 : i32
        %get3A_1499 = arith.index_cast %add3A_1498 : i32 to index
        %get3A_1500 = arith.constant 16 : index
        %get3A_1501 = tpu.vector_load %arg11[%get3A_1499, %get3A_1500] {strides = array<i32>} : memref<128x128xf32, #tpu.memory_space<vmem>>, vector<16xf32>,
        %mul3A_1502 = vector.broadcast %squeeze3A_1478 : f32 to vector<16xf32>
        %mul3A_1503 = arith.mulf %get3A_1501, %mul3A_1502 : vector<16xf32>
        %mul3A_1504 = arith.constant 16 : i32
        %mul3A_1505 = arith.muli %scan3A_45, %mul3A_1504 : i32
        %add3A_1506 = arith.constant 11 : i32
        %add3A_1507 = arith.addi %mul3A_1505, %add3A_1506 : i32
        %swap3A_1508 = arith.index_cast %add3A_1507 : i32 to index
        %swap3A_1509 = arith.constant 16 : index
        %swap3A_1510 = tpu.vector_load %arg11[%swap3A_1508, %swap3A_1509] {strides = array<i32>} : memref<128x128xf32, #tpu.memory_space<vmem>>, vector<16xf32>,
        tpu.vector_store %arg11[%swap3A_1508, %swap3A_1509], %mul3A_1503 {strides = array<i32>} : memref<128x128xf32, #tpu.memory_space<vmem>>, vector<16xf32>,
        %mul3A_1511 = arith.constant 16 : i32
        %mul3A_1512 = arith.muli %scan3A_45, %mul3A_1511 : i32
        %add3A_1513 = arith.constant 11 : i32
        %add3A_1514 = arith.addi %mul3A_1512, %add3A_1513 : i32
        %get3A_1515 = arith.index_cast %add3A_1514 : i32 to index
        %get3A_1516 = arith.constant 32 : index
        %get3A_1517 = tpu.vector_load %arg11[%get3A_1515, %get3A_1516] {strides = array<i32>} : memref<128x128xf32, #tpu.memory_space<vmem>>, vector<16xf32>,
        %mul3A_1518 = vector.broadcast %squeeze3A_1478 : f32 to vector<16xf32>
        %mul3A_1519 = arith.mulf %get3A_1517, %mul3A_1518 : vector<16xf32>
        %mul3A_1520 = arith.constant 16 : i32
        %mul3A_1521 = arith.muli %scan3A_45, %mul3A_1520 : i32
        %add3A_1522 = arith.constant 11 : i32
        %add3A_1523 = arith.addi %mul3A_1521, %add3A_1522 : i32
        %swap3A_1524 = arith.index_cast %add3A_1523 : i32 to index
        %swap3A_1525 = arith.constant 32 : index
        %swap3A_1526 = tpu.vector_load %arg11[%swap3A_1524, %swap3A_1525] {strides = array<i32>} : memref<128x128xf32, #tpu.memory_space<vmem>>, vector<16xf32>,
        tpu.vector_store %arg11[%swap3A_1524, %swap3A_1525], %mul3A_1519 {strides = array<i32>} : memref<128x128xf32, #tpu.memory_space<vmem>>, vector<16xf32>,
        %mul3A_1527 = arith.constant 16 : i32
        %mul3A_1528 = arith.muli %scan3A_45, %mul3A_1527 : i32
        %add3A_1529 = arith.constant 11 : i32
        %add3A_1530 = arith.addi %mul3A_1528, %add3A_1529 : i32
        %get3A_1531 = arith.index_cast %add3A_1530 : i32 to index
        %get3A_1532 = arith.constant 48 : index
        %get3A_1533 = tpu.vector_load %arg11[%get3A_1531, %get3A_1532] {strides = array<i32>} : memref<128x128xf32, #tpu.memory_space<vmem>>, vector<16xf32>,
        %mul3A_1534 = vector.broadcast %squeeze3A_1478 : f32 to vector<16xf32>
        %mul3A_1535 = arith.mulf %get3A_1533, %mul3A_1534 : vector<16xf32>
        %mul3A_1536 = arith.constant 16 : i32
        %mul3A_1537 = arith.muli %scan3A_45, %mul3A_1536 : i32
        %add3A_1538 = arith.constant 11 : i32
        %add3A_1539 = arith.addi %mul3A_1537, %add3A_1538 : i32
        %swap3A_1540 = arith.index_cast %add3A_1539 : i32 to index
        %swap3A_1541 = arith.constant 48 : index
        %swap3A_1542 = tpu.vector_load %arg11[%swap3A_1540, %swap3A_1541] {strides = array<i32>} : memref<128x128xf32, #tpu.memory_space<vmem>>, vector<16xf32>,
        tpu.vector_store %arg11[%swap3A_1540, %swap3A_1541], %mul3A_1535 {strides = array<i32>} : memref<128x128xf32, #tpu.memory_space<vmem>>, vector<16xf32>,
        %mul3A_1543 = arith.constant 16 : i32
        %mul3A_1544 = arith.muli %scan3A_45, %mul3A_1543 : i32
        %add3A_1545 = arith.constant 11 : i32
        %add3A_1546 = arith.addi %mul3A_1544, %add3A_1545 : i32
        %get3A_1547 = arith.index_cast %add3A_1546 : i32 to index
        %get3A_1548 = arith.constant 64 : index
        %get3A_1549 = tpu.vector_load %arg11[%get3A_1547, %get3A_1548] {strides = array<i32>} : memref<128x128xf32, #tpu.memory_space<vmem>>, vector<16xf32>,
        %mul3A_1550 = vector.broadcast %squeeze3A_1478 : f32 to vector<16xf32>
        %mul3A_1551 = arith.mulf %get3A_1549, %mul3A_1550 : vector<16xf32>
        %mul3A_1552 = arith.constant 16 : i32
        %mul3A_1553 = arith.muli %scan3A_45, %mul3A_1552 : i32
        %add3A_1554 = arith.constant 11 : i32
        %add3A_1555 = arith.addi %mul3A_1553, %add3A_1554 : i32
        %swap3A_1556 = arith.index_cast %add3A_1555 : i32 to index
        %swap3A_1557 = arith.constant 64 : index
        %swap3A_1558 = tpu.vector_load %arg11[%swap3A_1556, %swap3A_1557] {strides = array<i32>} : memref<128x128xf32, #tpu.memory_space<vmem>>, vector<16xf32>,
        tpu.vector_store %arg11[%swap3A_1556, %swap3A_1557], %mul3A_1551 {strides = array<i32>} : memref<128x128xf32, #tpu.memory_space<vmem>>, vector<16xf32>,
        %mul3A_1559 = arith.constant 16 : i32
        %mul3A_1560 = arith.muli %scan3A_45, %mul3A_1559 : i32
        %add3A_1561 = arith.constant 11 : i32
        %add3A_1562 = arith.addi %mul3A_1560, %add3A_1561 : i32
        %get3A_1563 = arith.index_cast %add3A_1562 : i32 to index
        %get3A_1564 = arith.constant 80 : index
        %get3A_1565 = tpu.vector_load %arg11[%get3A_1563, %get3A_1564] {strides = array<i32>} : memref<128x128xf32, #tpu.memory_space<vmem>>, vector<16xf32>,
        %mul3A_1566 = vector.broadcast %squeeze3A_1478 : f32 to vector<16xf32>
        %mul3A_1567 = arith.mulf %get3A_1565, %mul3A_1566 : vector<16xf32>
        %mul3A_1568 = arith.constant 16 : i32
        %mul3A_1569 = arith.muli %scan3A_45, %mul3A_1568 : i32
        %add3A_1570 = arith.constant 11 : i32
        %add3A_1571 = arith.addi %mul3A_1569, %add3A_1570 : i32
        %swap3A_1572 = arith.index_cast %add3A_1571 : i32 to index
        %swap3A_1573 = arith.constant 80 : index
        %swap3A_1574 = tpu.vector_load %arg11[%swap3A_1572, %swap3A_1573] {strides = array<i32>} : memref<128x128xf32, #tpu.memory_space<vmem>>, vector<16xf32>,
        tpu.vector_store %arg11[%swap3A_1572, %swap3A_1573], %mul3A_1567 {strides = array<i32>} : memref<128x128xf32, #tpu.memory_space<vmem>>, vector<16xf32>,
        %mul3A_1575 = arith.constant 16 : i32
        %mul3A_1576 = arith.muli %scan3A_45, %mul3A_1575 : i32
        %add3A_1577 = arith.constant 11 : i32
        %add3A_1578 = arith.addi %mul3A_1576, %add3A_1577 : i32
        %get3A_1579 = arith.index_cast %add3A_1578 : i32 to index
        %get3A_1580 = arith.constant 96 : index
        %get3A_1581 = tpu.vector_load %arg11[%get3A_1579, %get3A_1580] {strides = array<i32>} : memref<128x128xf32, #tpu.memory_space<vmem>>, vector<16xf32>,
        %mul3A_1582 = vector.broadcast %squeeze3A_1478 : f32 to vector<16xf32>
        %mul3A_1583 = arith.mulf %get3A_1581, %mul3A_1582 : vector<16xf32>
        %mul3A_1584 = arith.constant 16 : i32
        %mul3A_1585 = arith.muli %scan3A_45, %mul3A_1584 : i32
        %add3A_1586 = arith.constant 11 : i32
        %add3A_1587 = arith.addi %mul3A_1585, %add3A_1586 : i32
        %swap3A_1588 = arith.index_cast %add3A_1587 : i32 to index
        %swap3A_1589 = arith.constant 96 : index
        %swap3A_1590 = tpu.vector_load %arg11[%swap3A_1588, %swap3A_1589] {strides = array<i32>} : memref<128x128xf32, #tpu.memory_space<vmem>>, vector<16xf32>,
        tpu.vector_store %arg11[%swap3A_1588, %swap3A_1589], %mul3A_1583 {strides = array<i32>} : memref<128x128xf32, #tpu.memory_space<vmem>>, vector<16xf32>,
        %mul3A_1591 = arith.constant 16 : i32
        %mul3A_1592 = arith.muli %scan3A_45, %mul3A_1591 : i32
        %add3A_1593 = arith.constant 11 : i32
        %add3A_1594 = arith.addi %mul3A_1592, %add3A_1593 : i32
        %get3A_1595 = arith.index_cast %add3A_1594 : i32 to index
        %get3A_1596 = arith.constant 112 : index
        %get3A_1597 = tpu.vector_load %arg11[%get3A_1595, %get3A_1596] {strides = array<i32>} : memref<128x128xf32, #tpu.memory_space<vmem>>, vector<16xf32>,
        %mul3A_1598 = vector.broadcast %squeeze3A_1478 : f32 to vector<16xf32>
        %mul3A_1599 = arith.mulf %get3A_1597, %mul3A_1598 : vector<16xf32>
        %mul3A_1600 = arith.constant 16 : i32
        %mul3A_1601 = arith.muli %scan3A_45, %mul3A_1600 : i32
        %add3A_1602 = arith.constant 11 : i32
        %add3A_1603 = arith.addi %mul3A_1601, %add3A_1602 : i32
        %swap3A_1604 = arith.index_cast %add3A_1603 : i32 to index
        %swap3A_1605 = arith.constant 112 : index
        %swap3A_1606 = tpu.vector_load %arg11[%swap3A_1604, %swap3A_1605] {strides = array<i32>} : memref<128x128xf32, #tpu.memory_space<vmem>>, vector<16xf32>,
        tpu.vector_store %arg11[%swap3A_1604, %swap3A_1605], %mul3A_1599 {strides = array<i32>} : memref<128x128xf32, #tpu.memory_space<vmem>>, vector<16xf32>,
        %slice3A_1607 = vector.extract_strided_slice %get3A_49 {offsets = [12], sizes = [1], strides = [1]} : vector<16xf32> to vector<1xf32>
        %squeeze3A_1608 = vector.extract %slice3A_1607[0] : f32 from vector<1xf32>
        %mul3A_1609 = arith.constant 16 : i32
        %mul3A_1610 = arith.muli %scan3A_45, %mul3A_1609 : i32
        %add3A_1611 = arith.constant 12 : i32
        %add3A_1612 = arith.addi %mul3A_1610, %add3A_1611 : i32
        %get3A_1613 = arith.index_cast %add3A_1612 : i32 to index
        %get3A_1614 = arith.constant 0 : index
        %get3A_1615 = tpu.vector_load %arg11[%get3A_1613, %get3A_1614] {strides = array<i32>} : memref<128x128xf32, #tpu.memory_space<vmem>>, vector<16xf32>,
        %mul3A_1616 = vector.broadcast %squeeze3A_1608 : f32 to vector<16xf32>
        %mul3A_1617 = arith.mulf %get3A_1615, %mul3A_1616 : vector<16xf32>
        %mul3A_1618 = arith.constant 16 : i32
        %mul3A_1619 = arith.muli %scan3A_45, %mul3A_1618 : i32
        %add3A_1620 = arith.constant 12 : i32
        %add3A_1621 = arith.addi %mul3A_1619, %add3A_1620 : i32
        %swap3A_1622 = arith.index_cast %add3A_1621 : i32 to index
        %swap3A_1623 = arith.constant 0 : index
        %swap3A_1624 = tpu.vector_load %arg11[%swap3A_1622, %swap3A_1623] {strides = array<i32>} : memref<128x128xf32, #tpu.memory_space<vmem>>, vector<16xf32>,
        tpu.vector_store %arg11[%swap3A_1622, %swap3A_1623], %mul3A_1617 {strides = array<i32>} : memref<128x128xf32, #tpu.memory_space<vmem>>, vector<16xf32>,
        %mul3A_1625 = arith.constant 16 : i32
        %mul3A_1626 = arith.muli %scan3A_45, %mul3A_1625 : i32
        %add3A_1627 = arith.constant 12 : i32
        %add3A_1628 = arith.addi %mul3A_1626, %add3A_1627 : i32
        %get3A_1629 = arith.index_cast %add3A_1628 : i32 to index
        %get3A_1630 = arith.constant 16 : index
        %get3A_1631 = tpu.vector_load %arg11[%get3A_1629, %get3A_1630] {strides = array<i32>} : memref<128x128xf32, #tpu.memory_space<vmem>>, vector<16xf32>,
        %mul3A_1632 = vector.broadcast %squeeze3A_1608 : f32 to vector<16xf32>
        %mul3A_1633 = arith.mulf %get3A_1631, %mul3A_1632 : vector<16xf32>
        %mul3A_1634 = arith.constant 16 : i32
        %mul3A_1635 = arith.muli %scan3A_45, %mul3A_1634 : i32
        %add3A_1636 = arith.constant 12 : i32
        %add3A_1637 = arith.addi %mul3A_1635, %add3A_1636 : i32
        %swap3A_1638 = arith.index_cast %add3A_1637 : i32 to index
        %swap3A_1639 = arith.constant 16 : index
        %swap3A_1640 = tpu.vector_load %arg11[%swap3A_1638, %swap3A_1639] {strides = array<i32>} : memref<128x128xf32, #tpu.memory_space<vmem>>, vector<16xf32>,
        tpu.vector_store %arg11[%swap3A_1638, %swap3A_1639], %mul3A_1633 {strides = array<i32>} : memref<128x128xf32, #tpu.memory_space<vmem>>, vector<16xf32>,
        %mul3A_1641 = arith.constant 16 : i32
        %mul3A_1642 = arith.muli %scan3A_45, %mul3A_1641 : i32
        %add3A_1643 = arith.constant 12 : i32
        %add3A_1644 = arith.addi %mul3A_1642, %add3A_1643 : i32
        %get3A_1645 = arith.index_cast %add3A_1644 : i32 to index
        %get3A_1646 = arith.constant 32 : index
        %get3A_1647 = tpu.vector_load %arg11[%get3A_1645, %get3A_1646] {strides = array<i32>} : memref<128x128xf32, #tpu.memory_space<vmem>>, vector<16xf32>,
        %mul3A_1648 = vector.broadcast %squeeze3A_1608 : f32 to vector<16xf32>
        %mul3A_1649 = arith.mulf %get3A_1647, %mul3A_1648 : vector<16xf32>
        %mul3A_1650 = arith.constant 16 : i32
        %mul3A_1651 = arith.muli %scan3A_45, %mul3A_1650 : i32
        %add3A_1652 = arith.constant 12 : i32
        %add3A_1653 = arith.addi %mul3A_1651, %add3A_1652 : i32
        %swap3A_1654 = arith.index_cast %add3A_1653 : i32 to index
        %swap3A_1655 = arith.constant 32 : index
        %swap3A_1656 = tpu.vector_load %arg11[%swap3A_1654, %swap3A_1655] {strides = array<i32>} : memref<128x128xf32, #tpu.memory_space<vmem>>, vector<16xf32>,
        tpu.vector_store %arg11[%swap3A_1654, %swap3A_1655], %mul3A_1649 {strides = array<i32>} : memref<128x128xf32, #tpu.memory_space<vmem>>, vector<16xf32>,
        %mul3A_1657 = arith.constant 16 : i32
        %mul3A_1658 = arith.muli %scan3A_45, %mul3A_1657 : i32
        %add3A_1659 = arith.constant 12 : i32
        %add3A_1660 = arith.addi %mul3A_1658, %add3A_1659 : i32
        %get3A_1661 = arith.index_cast %add3A_1660 : i32 to index
        %get3A_1662 = arith.constant 48 : index
        %get3A_1663 = tpu.vector_load %arg11[%get3A_1661, %get3A_1662] {strides = array<i32>} : memref<128x128xf32, #tpu.memory_space<vmem>>, vector<16xf32>,
        %mul3A_1664 = vector.broadcast %squeeze3A_1608 : f32 to vector<16xf32>
        %mul3A_1665 = arith.mulf %get3A_1663, %mul3A_1664 : vector<16xf32>
        %mul3A_1666 = arith.constant 16 : i32
        %mul3A_1667 = arith.muli %scan3A_45, %mul3A_1666 : i32
        %add3A_1668 = arith.constant 12 : i32
        %add3A_1669 = arith.addi %mul3A_1667, %add3A_1668 : i32
        %swap3A_1670 = arith.index_cast %add3A_1669 : i32 to index
        %swap3A_1671 = arith.constant 48 : index
        %swap3A_1672 = tpu.vector_load %arg11[%swap3A_1670, %swap3A_1671] {strides = array<i32>} : memref<128x128xf32, #tpu.memory_space<vmem>>, vector<16xf32>,
        tpu.vector_store %arg11[%swap3A_1670, %swap3A_1671], %mul3A_1665 {strides = array<i32>} : memref<128x128xf32, #tpu.memory_space<vmem>>, vector<16xf32>,
        %mul3A_1673 = arith.constant 16 : i32
        %mul3A_1674 = arith.muli %scan3A_45, %mul3A_1673 : i32
        %add3A_1675 = arith.constant 12 : i32
        %add3A_1676 = arith.addi %mul3A_1674, %add3A_1675 : i32
        %get3A_1677 = arith.index_cast %add3A_1676 : i32 to index
        %get3A_1678 = arith.constant 64 : index
        %get3A_1679 = tpu.vector_load %arg11[%get3A_1677, %get3A_1678] {strides = array<i32>} : memref<128x128xf32, #tpu.memory_space<vmem>>, vector<16xf32>,
        %mul3A_1680 = vector.broadcast %squeeze3A_1608 : f32 to vector<16xf32>
        %mul3A_1681 = arith.mulf %get3A_1679, %mul3A_1680 : vector<16xf32>
        %mul3A_1682 = arith.constant 16 : i32
        %mul3A_1683 = arith.muli %scan3A_45, %mul3A_1682 : i32
        %add3A_1684 = arith.constant 12 : i32
        %add3A_1685 = arith.addi %mul3A_1683, %add3A_1684 : i32
        %swap3A_1686 = arith.index_cast %add3A_1685 : i32 to index
        %swap3A_1687 = arith.constant 64 : index
        %swap3A_1688 = tpu.vector_load %arg11[%swap3A_1686, %swap3A_1687] {strides = array<i32>} : memref<128x128xf32, #tpu.memory_space<vmem>>, vector<16xf32>,
        tpu.vector_store %arg11[%swap3A_1686, %swap3A_1687], %mul3A_1681 {strides = array<i32>} : memref<128x128xf32, #tpu.memory_space<vmem>>, vector<16xf32>,
        %mul3A_1689 = arith.constant 16 : i32
        %mul3A_1690 = arith.muli %scan3A_45, %mul3A_1689 : i32
        %add3A_1691 = arith.constant 12 : i32
        %add3A_1692 = arith.addi %mul3A_1690, %add3A_1691 : i32
        %get3A_1693 = arith.index_cast %add3A_1692 : i32 to index
        %get3A_1694 = arith.constant 80 : index
        %get3A_1695 = tpu.vector_load %arg11[%get3A_1693, %get3A_1694] {strides = array<i32>} : memref<128x128xf32, #tpu.memory_space<vmem>>, vector<16xf32>,
        %mul3A_1696 = vector.broadcast %squeeze3A_1608 : f32 to vector<16xf32>
        %mul3A_1697 = arith.mulf %get3A_1695, %mul3A_1696 : vector<16xf32>
        %mul3A_1698 = arith.constant 16 : i32
        %mul3A_1699 = arith.muli %scan3A_45, %mul3A_1698 : i32
        %add3A_1700 = arith.constant 12 : i32
        %add3A_1701 = arith.addi %mul3A_1699, %add3A_1700 : i32
        %swap3A_1702 = arith.index_cast %add3A_1701 : i32 to index
        %swap3A_1703 = arith.constant 80 : index
        %swap3A_1704 = tpu.vector_load %arg11[%swap3A_1702, %swap3A_1703] {strides = array<i32>} : memref<128x128xf32, #tpu.memory_space<vmem>>, vector<16xf32>,
        tpu.vector_store %arg11[%swap3A_1702, %swap3A_1703], %mul3A_1697 {strides = array<i32>} : memref<128x128xf32, #tpu.memory_space<vmem>>, vector<16xf32>,
        %mul3A_1705 = arith.constant 16 : i32
        %mul3A_1706 = arith.muli %scan3A_45, %mul3A_1705 : i32
        %add3A_1707 = arith.constant 12 : i32
        %add3A_1708 = arith.addi %mul3A_1706, %add3A_1707 : i32
        %get3A_1709 = arith.index_cast %add3A_1708 : i32 to index
        %get3A_1710 = arith.constant 96 : index
        %get3A_1711 = tpu.vector_load %arg11[%get3A_1709, %get3A_1710] {strides = array<i32>} : memref<128x128xf32, #tpu.memory_space<vmem>>, vector<16xf32>,
        %mul3A_1712 = vector.broadcast %squeeze3A_1608 : f32 to vector<16xf32>
        %mul3A_1713 = arith.mulf %get3A_1711, %mul3A_1712 : vector<16xf32>
        %mul3A_1714 = arith.constant 16 : i32
        %mul3A_1715 = arith.muli %scan3A_45, %mul3A_1714 : i32
        %add3A_1716 = arith.constant 12 : i32
        %add3A_1717 = arith.addi %mul3A_1715, %add3A_1716 : i32
        %swap3A_1718 = arith.index_cast %add3A_1717 : i32 to index
        %swap3A_1719 = arith.constant 96 : index
        %swap3A_1720 = tpu.vector_load %arg11[%swap3A_1718, %swap3A_1719] {strides = array<i32>} : memref<128x128xf32, #tpu.memory_space<vmem>>, vector<16xf32>,
        tpu.vector_store %arg11[%swap3A_1718, %swap3A_1719], %mul3A_1713 {strides = array<i32>} : memref<128x128xf32, #tpu.memory_space<vmem>>, vector<16xf32>,
        %mul3A_1721 = arith.constant 16 : i32
        %mul3A_1722 = arith.muli %scan3A_45, %mul3A_1721 : i32
        %add3A_1723 = arith.constant 12 : i32
        %add3A_1724 = arith.addi %mul3A_1722, %add3A_1723 : i32
        %get3A_1725 = arith.index_cast %add3A_1724 : i32 to index
        %get3A_1726 = arith.constant 112 : index
        %get3A_1727 = tpu.vector_load %arg11[%get3A_1725, %get3A_1726] {strides = array<i32>} : memref<128x128xf32, #tpu.memory_space<vmem>>, vector<16xf32>,
        %mul3A_1728 = vector.broadcast %squeeze3A_1608 : f32 to vector<16xf32>
        %mul3A_1729 = arith.mulf %get3A_1727, %mul3A_1728 : vector<16xf32>
        %mul3A_1730 = arith.constant 16 : i32
        %mul3A_1731 = arith.muli %scan3A_45, %mul3A_1730 : i32
        %add3A_1732 = arith.constant 12 : i32
        %add3A_1733 = arith.addi %mul3A_1731, %add3A_1732 : i32
        %swap3A_1734 = arith.index_cast %add3A_1733 : i32 to index
        %swap3A_1735 = arith.constant 112 : index
        %swap3A_1736 = tpu.vector_load %arg11[%swap3A_1734, %swap3A_1735] {strides = array<i32>} : memref<128x128xf32, #tpu.memory_space<vmem>>, vector<16xf32>,
        tpu.vector_store %arg11[%swap3A_1734, %swap3A_1735], %mul3A_1729 {strides = array<i32>} : memref<128x128xf32, #tpu.memory_space<vmem>>, vector<16xf32>,
        %slice3A_1737 = vector.extract_strided_slice %get3A_49 {offsets = [13], sizes = [1], strides = [1]} : vector<16xf32> to vector<1xf32>
        %squeeze3A_1738 = vector.extract %slice3A_1737[0] : f32 from vector<1xf32>
        %mul3A_1739 = arith.constant 16 : i32
        %mul3A_1740 = arith.muli %scan3A_45, %mul3A_1739 : i32
        %add3A_1741 = arith.constant 13 : i32
        %add3A_1742 = arith.addi %mul3A_1740, %add3A_1741 : i32
        %get3A_1743 = arith.index_cast %add3A_1742 : i32 to index
        %get3A_1744 = arith.constant 0 : index
        %get3A_1745 = tpu.vector_load %arg11[%get3A_1743, %get3A_1744] {strides = array<i32>} : memref<128x128xf32, #tpu.memory_space<vmem>>, vector<16xf32>,
        %mul3A_1746 = vector.broadcast %squeeze3A_1738 : f32 to vector<16xf32>
        %mul3A_1747 = arith.mulf %get3A_1745, %mul3A_1746 : vector<16xf32>
        %mul3A_1748 = arith.constant 16 : i32
        %mul3A_1749 = arith.muli %scan3A_45, %mul3A_1748 : i32
        %add3A_1750 = arith.constant 13 : i32
        %add3A_1751 = arith.addi %mul3A_1749, %add3A_1750 : i32
        %swap3A_1752 = arith.index_cast %add3A_1751 : i32 to index
        %swap3A_1753 = arith.constant 0 : index
        %swap3A_1754 = tpu.vector_load %arg11[%swap3A_1752, %swap3A_1753] {strides = array<i32>} : memref<128x128xf32, #tpu.memory_space<vmem>>, vector<16xf32>,
        tpu.vector_store %arg11[%swap3A_1752, %swap3A_1753], %mul3A_1747 {strides = array<i32>} : memref<128x128xf32, #tpu.memory_space<vmem>>, vector<16xf32>,
        %mul3A_1755 = arith.constant 16 : i32
        %mul3A_1756 = arith.muli %scan3A_45, %mul3A_1755 : i32
        %add3A_1757 = arith.constant 13 : i32
        %add3A_1758 = arith.addi %mul3A_1756, %add3A_1757 : i32
        %get3A_1759 = arith.index_cast %add3A_1758 : i32 to index
        %get3A_1760 = arith.constant 16 : index
        %get3A_1761 = tpu.vector_load %arg11[%get3A_1759, %get3A_1760] {strides = array<i32>} : memref<128x128xf32, #tpu.memory_space<vmem>>, vector<16xf32>,
        %mul3A_1762 = vector.broadcast %squeeze3A_1738 : f32 to vector<16xf32>
        %mul3A_1763 = arith.mulf %get3A_1761, %mul3A_1762 : vector<16xf32>
        %mul3A_1764 = arith.constant 16 : i32
        %mul3A_1765 = arith.muli %scan3A_45, %mul3A_1764 : i32
        %add3A_1766 = arith.constant 13 : i32
        %add3A_1767 = arith.addi %mul3A_1765, %add3A_1766 : i32
        %swap3A_1768 = arith.index_cast %add3A_1767 : i32 to index
        %swap3A_1769 = arith.constant 16 : index
        %swap3A_1770 = tpu.vector_load %arg11[%swap3A_1768, %swap3A_1769] {strides = array<i32>} : memref<128x128xf32, #tpu.memory_space<vmem>>, vector<16xf32>,
        tpu.vector_store %arg11[%swap3A_1768, %swap3A_1769], %mul3A_1763 {strides = array<i32>} : memref<128x128xf32, #tpu.memory_space<vmem>>, vector<16xf32>,
        %mul3A_1771 = arith.constant 16 : i32
        %mul3A_1772 = arith.muli %scan3A_45, %mul3A_1771 : i32
        %add3A_1773 = arith.constant 13 : i32
        %add3A_1774 = arith.addi %mul3A_1772, %add3A_1773 : i32
        %get3A_1775 = arith.index_cast %add3A_1774 : i32 to index
        %get3A_1776 = arith.constant 32 : index
        %get3A_1777 = tpu.vector_load %arg11[%get3A_1775, %get3A_1776] {strides = array<i32>} : memref<128x128xf32, #tpu.memory_space<vmem>>, vector<16xf32>,
        %mul3A_1778 = vector.broadcast %squeeze3A_1738 : f32 to vector<16xf32>
        %mul3A_1779 = arith.mulf %get3A_1777, %mul3A_1778 : vector<16xf32>
        %mul3A_1780 = arith.constant 16 : i32
        %mul3A_1781 = arith.muli %scan3A_45, %mul3A_1780 : i32
        %add3A_1782 = arith.constant 13 : i32
        %add3A_1783 = arith.addi %mul3A_1781, %add3A_1782 : i32
        %swap3A_1784 = arith.index_cast %add3A_1783 : i32 to index
        %swap3A_1785 = arith.constant 32 : index
        %swap3A_1786 = tpu.vector_load %arg11[%swap3A_1784, %swap3A_1785] {strides = array<i32>} : memref<128x128xf32, #tpu.memory_space<vmem>>, vector<16xf32>,
        tpu.vector_store %arg11[%swap3A_1784, %swap3A_1785], %mul3A_1779 {strides = array<i32>} : memref<128x128xf32, #tpu.memory_space<vmem>>, vector<16xf32>,
        %mul3A_1787 = arith.constant 16 : i32
        %mul3A_1788 = arith.muli %scan3A_45, %mul3A_1787 : i32
        %add3A_1789 = arith.constant 13 : i32
        %add3A_1790 = arith.addi %mul3A_1788, %add3A_1789 : i32
        %get3A_1791 = arith.index_cast %add3A_1790 : i32 to index
        %get3A_1792 = arith.constant 48 : index
        %get3A_1793 = tpu.vector_load %arg11[%get3A_1791, %get3A_1792] {strides = array<i32>} : memref<128x128xf32, #tpu.memory_space<vmem>>, vector<16xf32>,
        %mul3A_1794 = vector.broadcast %squeeze3A_1738 : f32 to vector<16xf32>
        %mul3A_1795 = arith.mulf %get3A_1793, %mul3A_1794 : vector<16xf32>
        %mul3A_1796 = arith.constant 16 : i32
        %mul3A_1797 = arith.muli %scan3A_45, %mul3A_1796 : i32
        %add3A_1798 = arith.constant 13 : i32
        %add3A_1799 = arith.addi %mul3A_1797, %add3A_1798 : i32
        %swap3A_1800 = arith.index_cast %add3A_1799 : i32 to index
        %swap3A_1801 = arith.constant 48 : index
        %swap3A_1802 = tpu.vector_load %arg11[%swap3A_1800, %swap3A_1801] {strides = array<i32>} : memref<128x128xf32, #tpu.memory_space<vmem>>, vector<16xf32>,
        tpu.vector_store %arg11[%swap3A_1800, %swap3A_1801], %mul3A_1795 {strides = array<i32>} : memref<128x128xf32, #tpu.memory_space<vmem>>, vector<16xf32>,
        %mul3A_1803 = arith.constant 16 : i32
        %mul3A_1804 = arith.muli %scan3A_45, %mul3A_1803 : i32
        %add3A_1805 = arith.constant 13 : i32
        %add3A_1806 = arith.addi %mul3A_1804, %add3A_1805 : i32
        %get3A_1807 = arith.index_cast %add3A_1806 : i32 to index
        %get3A_1808 = arith.constant 64 : index
        %get3A_1809 = tpu.vector_load %arg11[%get3A_1807, %get3A_1808] {strides = array<i32>} : memref<128x128xf32, #tpu.memory_space<vmem>>, vector<16xf32>,
        %mul3A_1810 = vector.broadcast %squeeze3A_1738 : f32 to vector<16xf32>
        %mul3A_1811 = arith.mulf %get3A_1809, %mul3A_1810 : vector<16xf32>
        %mul3A_1812 = arith.constant 16 : i32
        %mul3A_1813 = arith.muli %scan3A_45, %mul3A_1812 : i32
        %add3A_1814 = arith.constant 13 : i32
        %add3A_1815 = arith.addi %mul3A_1813, %add3A_1814 : i32
        %swap3A_1816 = arith.index_cast %add3A_1815 : i32 to index
        %swap3A_1817 = arith.constant 64 : index
        %swap3A_1818 = tpu.vector_load %arg11[%swap3A_1816, %swap3A_1817] {strides = array<i32>} : memref<128x128xf32, #tpu.memory_space<vmem>>, vector<16xf32>,
        tpu.vector_store %arg11[%swap3A_1816, %swap3A_1817], %mul3A_1811 {strides = array<i32>} : memref<128x128xf32, #tpu.memory_space<vmem>>, vector<16xf32>,
        %mul3A_1819 = arith.constant 16 : i32
        %mul3A_1820 = arith.muli %scan3A_45, %mul3A_1819 : i32
        %add3A_1821 = arith.constant 13 : i32
        %add3A_1822 = arith.addi %mul3A_1820, %add3A_1821 : i32
        %get3A_1823 = arith.index_cast %add3A_1822 : i32 to index
        %get3A_1824 = arith.constant 80 : index
        %get3A_1825 = tpu.vector_load %arg11[%get3A_1823, %get3A_1824] {strides = array<i32>} : memref<128x128xf32, #tpu.memory_space<vmem>>, vector<16xf32>,
        %mul3A_1826 = vector.broadcast %squeeze3A_1738 : f32 to vector<16xf32>
        %mul3A_1827 = arith.mulf %get3A_1825, %mul3A_1826 : vector<16xf32>
        %mul3A_1828 = arith.constant 16 : i32
        %mul3A_1829 = arith.muli %scan3A_45, %mul3A_1828 : i32
        %add3A_1830 = arith.constant 13 : i32
        %add3A_1831 = arith.addi %mul3A_1829, %add3A_1830 : i32
        %swap3A_1832 = arith.index_cast %add3A_1831 : i32 to index
        %swap3A_1833 = arith.constant 80 : index
        %swap3A_1834 = tpu.vector_load %arg11[%swap3A_1832, %swap3A_1833] {strides = array<i32>} : memref<128x128xf32, #tpu.memory_space<vmem>>, vector<16xf32>,
        tpu.vector_store %arg11[%swap3A_1832, %swap3A_1833], %mul3A_1827 {strides = array<i32>} : memref<128x128xf32, #tpu.memory_space<vmem>>, vector<16xf32>,
        %mul3A_1835 = arith.constant 16 : i32
        %mul3A_1836 = arith.muli %scan3A_45, %mul3A_1835 : i32
        %add3A_1837 = arith.constant 13 : i32
        %add3A_1838 = arith.addi %mul3A_1836, %add3A_1837 : i32
        %get3A_1839 = arith.index_cast %add3A_1838 : i32 to index
        %get3A_1840 = arith.constant 96 : index
        %get3A_1841 = tpu.vector_load %arg11[%get3A_1839, %get3A_1840] {strides = array<i32>} : memref<128x128xf32, #tpu.memory_space<vmem>>, vector<16xf32>,
        %mul3A_1842 = vector.broadcast %squeeze3A_1738 : f32 to vector<16xf32>
        %mul3A_1843 = arith.mulf %get3A_1841, %mul3A_1842 : vector<16xf32>
        %mul3A_1844 = arith.constant 16 : i32
        %mul3A_1845 = arith.muli %scan3A_45, %mul3A_1844 : i32
        %add3A_1846 = arith.constant 13 : i32
        %add3A_1847 = arith.addi %mul3A_1845, %add3A_1846 : i32
        %swap3A_1848 = arith.index_cast %add3A_1847 : i32 to index
        %swap3A_1849 = arith.constant 96 : index
        %swap3A_1850 = tpu.vector_load %arg11[%swap3A_1848, %swap3A_1849] {strides = array<i32>} : memref<128x128xf32, #tpu.memory_space<vmem>>, vector<16xf32>,
        tpu.vector_store %arg11[%swap3A_1848, %swap3A_1849], %mul3A_1843 {strides = array<i32>} : memref<128x128xf32, #tpu.memory_space<vmem>>, vector<16xf32>,
        %mul3A_1851 = arith.constant 16 : i32
        %mul3A_1852 = arith.muli %scan3A_45, %mul3A_1851 : i32
        %add3A_1853 = arith.constant 13 : i32
        %add3A_1854 = arith.addi %mul3A_1852, %add3A_1853 : i32
        %get3A_1855 = arith.index_cast %add3A_1854 : i32 to index
        %get3A_1856 = arith.constant 112 : index
        %get3A_1857 = tpu.vector_load %arg11[%get3A_1855, %get3A_1856] {strides = array<i32>} : memref<128x128xf32, #tpu.memory_space<vmem>>, vector<16xf32>,
        %mul3A_1858 = vector.broadcast %squeeze3A_1738 : f32 to vector<16xf32>
        %mul3A_1859 = arith.mulf %get3A_1857, %mul3A_1858 : vector<16xf32>
        %mul3A_1860 = arith.constant 16 : i32
        %mul3A_1861 = arith.muli %scan3A_45, %mul3A_1860 : i32
        %add3A_1862 = arith.constant 13 : i32
        %add3A_1863 = arith.addi %mul3A_1861, %add3A_1862 : i32
        %swap3A_1864 = arith.index_cast %add3A_1863 : i32 to index
        %swap3A_1865 = arith.constant 112 : index
        %swap3A_1866 = tpu.vector_load %arg11[%swap3A_1864, %swap3A_1865] {strides = array<i32>} : memref<128x128xf32, #tpu.memory_space<vmem>>, vector<16xf32>,
        tpu.vector_store %arg11[%swap3A_1864, %swap3A_1865], %mul3A_1859 {strides = array<i32>} : memref<128x128xf32, #tpu.memory_space<vmem>>, vector<16xf32>,
        %slice3A_1867 = vector.extract_strided_slice %get3A_49 {offsets = [14], sizes = [1], strides = [1]} : vector<16xf32> to vector<1xf32>
        %squeeze3A_1868 = vector.extract %slice3A_1867[0] : f32 from vector<1xf32>
        %mul3A_1869 = arith.constant 16 : i32
        %mul3A_1870 = arith.muli %scan3A_45, %mul3A_1869 : i32
        %add3A_1871 = arith.constant 14 : i32
        %add3A_1872 = arith.addi %mul3A_1870, %add3A_1871 : i32
        %get3A_1873 = arith.index_cast %add3A_1872 : i32 to index
        %get3A_1874 = arith.constant 0 : index
        %get3A_1875 = tpu.vector_load %arg11[%get3A_1873, %get3A_1874] {strides = array<i32>} : memref<128x128xf32, #tpu.memory_space<vmem>>, vector<16xf32>,
        %mul3A_1876 = vector.broadcast %squeeze3A_1868 : f32 to vector<16xf32>
        %mul3A_1877 = arith.mulf %get3A_1875, %mul3A_1876 : vector<16xf32>
        %mul3A_1878 = arith.constant 16 : i32
        %mul3A_1879 = arith.muli %scan3A_45, %mul3A_1878 : i32
        %add3A_1880 = arith.constant 14 : i32
        %add3A_1881 = arith.addi %mul3A_1879, %add3A_1880 : i32
        %swap3A_1882 = arith.index_cast %add3A_1881 : i32 to index
        %swap3A_1883 = arith.constant 0 : index
        %swap3A_1884 = tpu.vector_load %arg11[%swap3A_1882, %swap3A_1883] {strides = array<i32>} : memref<128x128xf32, #tpu.memory_space<vmem>>, vector<16xf32>,
        tpu.vector_store %arg11[%swap3A_1882, %swap3A_1883], %mul3A_1877 {strides = array<i32>} : memref<128x128xf32, #tpu.memory_space<vmem>>, vector<16xf32>,
        %mul3A_1885 = arith.constant 16 : i32
        %mul3A_1886 = arith.muli %scan3A_45, %mul3A_1885 : i32
        %add3A_1887 = arith.constant 14 : i32
        %add3A_1888 = arith.addi %mul3A_1886, %add3A_1887 : i32
        %get3A_1889 = arith.index_cast %add3A_1888 : i32 to index
        %get3A_1890 = arith.constant 16 : index
        %get3A_1891 = tpu.vector_load %arg11[%get3A_1889, %get3A_1890] {strides = array<i32>} : memref<128x128xf32, #tpu.memory_space<vmem>>, vector<16xf32>,
        %mul3A_1892 = vector.broadcast %squeeze3A_1868 : f32 to vector<16xf32>
        %mul3A_1893 = arith.mulf %get3A_1891, %mul3A_1892 : vector<16xf32>
        %mul3A_1894 = arith.constant 16 : i32
        %mul3A_1895 = arith.muli %scan3A_45, %mul3A_1894 : i32
        %add3A_1896 = arith.constant 14 : i32
        %add3A_1897 = arith.addi %mul3A_1895, %add3A_1896 : i32
        %swap3A_1898 = arith.index_cast %add3A_1897 : i32 to index
        %swap3A_1899 = arith.constant 16 : index
        %swap3A_1900 = tpu.vector_load %arg11[%swap3A_1898, %swap3A_1899] {strides = array<i32>} : memref<128x128xf32, #tpu.memory_space<vmem>>, vector<16xf32>,
        tpu.vector_store %arg11[%swap3A_1898, %swap3A_1899], %mul3A_1893 {strides = array<i32>} : memref<128x128xf32, #tpu.memory_space<vmem>>, vector<16xf32>,
        %mul3A_1901 = arith.constant 16 : i32
        %mul3A_1902 = arith.muli %scan3A_45, %mul3A_1901 : i32
        %add3A_1903 = arith.constant 14 : i32
        %add3A_1904 = arith.addi %mul3A_1902, %add3A_1903 : i32
        %get3A_1905 = arith.index_cast %add3A_1904 : i32 to index
        %get3A_1906 = arith.constant 32 : index
        %get3A_1907 = tpu.vector_load %arg11[%get3A_1905, %get3A_1906] {strides = array<i32>} : memref<128x128xf32, #tpu.memory_space<vmem>>, vector<16xf32>,
        %mul3A_1908 = vector.broadcast %squeeze3A_1868 : f32 to vector<16xf32>
        %mul3A_1909 = arith.mulf %get3A_1907, %mul3A_1908 : vector<16xf32>
        %mul3A_1910 = arith.constant 16 : i32
        %mul3A_1911 = arith.muli %scan3A_45, %mul3A_1910 : i32
        %add3A_1912 = arith.constant 14 : i32
        %add3A_1913 = arith.addi %mul3A_1911, %add3A_1912 : i32
        %swap3A_1914 = arith.index_cast %add3A_1913 : i32 to index
        %swap3A_1915 = arith.constant 32 : index
        %swap3A_1916 = tpu.vector_load %arg11[%swap3A_1914, %swap3A_1915] {strides = array<i32>} : memref<128x128xf32, #tpu.memory_space<vmem>>, vector<16xf32>,
        tpu.vector_store %arg11[%swap3A_1914, %swap3A_1915], %mul3A_1909 {strides = array<i32>} : memref<128x128xf32, #tpu.memory_space<vmem>>, vector<16xf32>,
        %mul3A_1917 = arith.constant 16 : i32
        %mul3A_1918 = arith.muli %scan3A_45, %mul3A_1917 : i32
        %add3A_1919 = arith.constant 14 : i32
        %add3A_1920 = arith.addi %mul3A_1918, %add3A_1919 : i32
        %get3A_1921 = arith.index_cast %add3A_1920 : i32 to index
        %get3A_1922 = arith.constant 48 : index
        %get3A_1923 = tpu.vector_load %arg11[%get3A_1921, %get3A_1922] {strides = array<i32>} : memref<128x128xf32, #tpu.memory_space<vmem>>, vector<16xf32>,
        %mul3A_1924 = vector.broadcast %squeeze3A_1868 : f32 to vector<16xf32>
        %mul3A_1925 = arith.mulf %get3A_1923, %mul3A_1924 : vector<16xf32>
        %mul3A_1926 = arith.constant 16 : i32
        %mul3A_1927 = arith.muli %scan3A_45, %mul3A_1926 : i32
        %add3A_1928 = arith.constant 14 : i32
        %add3A_1929 = arith.addi %mul3A_1927, %add3A_1928 : i32
        %swap3A_1930 = arith.index_cast %add3A_1929 : i32 to index
        %swap3A_1931 = arith.constant 48 : index
        %swap3A_1932 = tpu.vector_load %arg11[%swap3A_1930, %swap3A_1931] {strides = array<i32>} : memref<128x128xf32, #tpu.memory_space<vmem>>, vector<16xf32>,
        tpu.vector_store %arg11[%swap3A_1930, %swap3A_1931], %mul3A_1925 {strides = array<i32>} : memref<128x128xf32, #tpu.memory_space<vmem>>, vector<16xf32>,
        %mul3A_1933 = arith.constant 16 : i32
        %mul3A_1934 = arith.muli %scan3A_45, %mul3A_1933 : i32
        %add3A_1935 = arith.constant 14 : i32
        %add3A_1936 = arith.addi %mul3A_1934, %add3A_1935 : i32
        %get3A_1937 = arith.index_cast %add3A_1936 : i32 to index
        %get3A_1938 = arith.constant 64 : index
        %get3A_1939 = tpu.vector_load %arg11[%get3A_1937, %get3A_1938] {strides = array<i32>} : memref<128x128xf32, #tpu.memory_space<vmem>>, vector<16xf32>,
        %mul3A_1940 = vector.broadcast %squeeze3A_1868 : f32 to vector<16xf32>
        %mul3A_1941 = arith.mulf %get3A_1939, %mul3A_1940 : vector<16xf32>
        %mul3A_1942 = arith.constant 16 : i32
        %mul3A_1943 = arith.muli %scan3A_45, %mul3A_1942 : i32
        %add3A_1944 = arith.constant 14 : i32
        %add3A_1945 = arith.addi %mul3A_1943, %add3A_1944 : i32
        %swap3A_1946 = arith.index_cast %add3A_1945 : i32 to index
        %swap3A_1947 = arith.constant 64 : index
        %swap3A_1948 = tpu.vector_load %arg11[%swap3A_1946, %swap3A_1947] {strides = array<i32>} : memref<128x128xf32, #tpu.memory_space<vmem>>, vector<16xf32>,
        tpu.vector_store %arg11[%swap3A_1946, %swap3A_1947], %mul3A_1941 {strides = array<i32>} : memref<128x128xf32, #tpu.memory_space<vmem>>, vector<16xf32>,
        %mul3A_1949 = arith.constant 16 : i32
        %mul3A_1950 = arith.muli %scan3A_45, %mul3A_1949 : i32
        %add3A_1951 = arith.constant 14 : i32
        %add3A_1952 = arith.addi %mul3A_1950, %add3A_1951 : i32
        %get3A_1953 = arith.index_cast %add3A_1952 : i32 to index
        %get3A_1954 = arith.constant 80 : index
        %get3A_1955 = tpu.vector_load %arg11[%get3A_1953, %get3A_1954] {strides = array<i32>} : memref<128x128xf32, #tpu.memory_space<vmem>>, vector<16xf32>,
        %mul3A_1956 = vector.broadcast %squeeze3A_1868 : f32 to vector<16xf32>
        %mul3A_1957 = arith.mulf %get3A_1955, %mul3A_1956 : vector<16xf32>
        %mul3A_1958 = arith.constant 16 : i32
        %mul3A_1959 = arith.muli %scan3A_45, %mul3A_1958 : i32
        %add3A_1960 = arith.constant 14 : i32
        %add3A_1961 = arith.addi %mul3A_1959, %add3A_1960 : i32
        %swap3A_1962 = arith.index_cast %add3A_1961 : i32 to index
        %swap3A_1963 = arith.constant 80 : index
        %swap3A_1964 = tpu.vector_load %arg11[%swap3A_1962, %swap3A_1963] {strides = array<i32>} : memref<128x128xf32, #tpu.memory_space<vmem>>, vector<16xf32>,
        tpu.vector_store %arg11[%swap3A_1962, %swap3A_1963], %mul3A_1957 {strides = array<i32>} : memref<128x128xf32, #tpu.memory_space<vmem>>, vector<16xf32>,
        %mul3A_1965 = arith.constant 16 : i32
        %mul3A_1966 = arith.muli %scan3A_45, %mul3A_1965 : i32
        %add3A_1967 = arith.constant 14 : i32
        %add3A_1968 = arith.addi %mul3A_1966, %add3A_1967 : i32
        %get3A_1969 = arith.index_cast %add3A_1968 : i32 to index
        %get3A_1970 = arith.constant 96 : index
        %get3A_1971 = tpu.vector_load %arg11[%get3A_1969, %get3A_1970] {strides = array<i32>} : memref<128x128xf32, #tpu.memory_space<vmem>>, vector<16xf32>,
        %mul3A_1972 = vector.broadcast %squeeze3A_1868 : f32 to vector<16xf32>
        %mul3A_1973 = arith.mulf %get3A_1971, %mul3A_1972 : vector<16xf32>
        %mul3A_1974 = arith.constant 16 : i32
        %mul3A_1975 = arith.muli %scan3A_45, %mul3A_1974 : i32
        %add3A_1976 = arith.constant 14 : i32
        %add3A_1977 = arith.addi %mul3A_1975, %add3A_1976 : i32
        %swap3A_1978 = arith.index_cast %add3A_1977 : i32 to index
        %swap3A_1979 = arith.constant 96 : index
        %swap3A_1980 = tpu.vector_load %arg11[%swap3A_1978, %swap3A_1979] {strides = array<i32>} : memref<128x128xf32, #tpu.memory_space<vmem>>, vector<16xf32>,
        tpu.vector_store %arg11[%swap3A_1978, %swap3A_1979], %mul3A_1973 {strides = array<i32>} : memref<128x128xf32, #tpu.memory_space<vmem>>, vector<16xf32>,
        %mul3A_1981 = arith.constant 16 : i32
        %mul3A_1982 = arith.muli %scan3A_45, %mul3A_1981 : i32
        %add3A_1983 = arith.constant 14 : i32
        %add3A_1984 = arith.addi %mul3A_1982, %add3A_1983 : i32
        %get3A_1985 = arith.index_cast %add3A_1984 : i32 to index
        %get3A_1986 = arith.constant 112 : index
        %get3A_1987 = tpu.vector_load %arg11[%get3A_1985, %get3A_1986] {strides = array<i32>} : memref<128x128xf32, #tpu.memory_space<vmem>>, vector<16xf32>,
        %mul3A_1988 = vector.broadcast %squeeze3A_1868 : f32 to vector<16xf32>
        %mul3A_1989 = arith.mulf %get3A_1987, %mul3A_1988 : vector<16xf32>
        %mul3A_1990 = arith.constant 16 : i32
        %mul3A_1991 = arith.muli %scan3A_45, %mul3A_1990 : i32
        %add3A_1992 = arith.constant 14 : i32
        %add3A_1993 = arith.addi %mul3A_1991, %add3A_1992 : i32
        %swap3A_1994 = arith.index_cast %add3A_1993 : i32 to index
        %swap3A_1995 = arith.constant 112 : index
        %swap3A_1996 = tpu.vector_load %arg11[%swap3A_1994, %swap3A_1995] {strides = array<i32>} : memref<128x128xf32, #tpu.memory_space<vmem>>, vector<16xf32>,
        tpu.vector_store %arg11[%swap3A_1994, %swap3A_1995], %mul3A_1989 {strides = array<i32>} : memref<128x128xf32, #tpu.memory_space<vmem>>, vector<16xf32>,
        %slice3A_1997 = vector.extract_strided_slice %get3A_49 {offsets = [15], sizes = [1], strides = [1]} : vector<16xf32> to vector<1xf32>
        %squeeze3A_1998 = vector.extract %slice3A_1997[0] : f32 from vector<1xf32>
        %mul3A_1999 = arith.constant 16 : i32
        %mul3A_2000 = arith.muli %scan3A_45, %mul3A_1999 : i32
        %add3A_2001 = arith.constant 15 : i32
        %add3A_2002 = arith.addi %mul3A_2000, %add3A_2001 : i32
        %get3A_2003 = arith.index_cast %add3A_2002 : i32 to index
        %get3A_2004 = arith.constant 0 : index
        %get3A_2005 = tpu.vector_load %arg11[%get3A_2003, %get3A_2004] {strides = array<i32>} : memref<128x128xf32, #tpu.memory_space<vmem>>, vector<16xf32>,
        %mul3A_2006 = vector.broadcast %squeeze3A_1998 : f32 to vector<16xf32>
        %mul3A_2007 = arith.mulf %get3A_2005, %mul3A_2006 : vector<16xf32>
        %mul3A_2008 = arith.constant 16 : i32
        %mul3A_2009 = arith.muli %scan3A_45, %mul3A_2008 : i32
        %add3A_2010 = arith.constant 15 : i32
        %add3A_2011 = arith.addi %mul3A_2009, %add3A_2010 : i32
        %swap3A_2012 = arith.index_cast %add3A_2011 : i32 to index
        %swap3A_2013 = arith.constant 0 : index
        %swap3A_2014 = tpu.vector_load %arg11[%swap3A_2012, %swap3A_2013] {strides = array<i32>} : memref<128x128xf32, #tpu.memory_space<vmem>>, vector<16xf32>,
        tpu.vector_store %arg11[%swap3A_2012, %swap3A_2013], %mul3A_2007 {strides = array<i32>} : memref<128x128xf32, #tpu.memory_space<vmem>>, vector<16xf32>,
        %mul3A_2015 = arith.constant 16 : i32
        %mul3A_2016 = arith.muli %scan3A_45, %mul3A_2015 : i32
        %add3A_2017 = arith.constant 15 : i32
        %add3A_2018 = arith.addi %mul3A_2016, %add3A_2017 : i32
        %get3A_2019 = arith.index_cast %add3A_2018 : i32 to index
        %get3A_2020 = arith.constant 16 : index
        %get3A_2021 = tpu.vector_load %arg11[%get3A_2019, %get3A_2020] {strides = array<i32>} : memref<128x128xf32, #tpu.memory_space<vmem>>, vector<16xf32>,
        %mul3A_2022 = vector.broadcast %squeeze3A_1998 : f32 to vector<16xf32>
        %mul3A_2023 = arith.mulf %get3A_2021, %mul3A_2022 : vector<16xf32>
        %mul3A_2024 = arith.constant 16 : i32
        %mul3A_2025 = arith.muli %scan3A_45, %mul3A_2024 : i32
        %add3A_2026 = arith.constant 15 : i32
        %add3A_2027 = arith.addi %mul3A_2025, %add3A_2026 : i32
        %swap3A_2028 = arith.index_cast %add3A_2027 : i32 to index
        %swap3A_2029 = arith.constant 16 : index
        %swap3A_2030 = tpu.vector_load %arg11[%swap3A_2028, %swap3A_2029] {strides = array<i32>} : memref<128x128xf32, #tpu.memory_space<vmem>>, vector<16xf32>,
        tpu.vector_store %arg11[%swap3A_2028, %swap3A_2029], %mul3A_2023 {strides = array<i32>} : memref<128x128xf32, #tpu.memory_space<vmem>>, vector<16xf32>,
        %mul3A_2031 = arith.constant 16 : i32
        %mul3A_2032 = arith.muli %scan3A_45, %mul3A_2031 : i32
        %add3A_2033 = arith.constant 15 : i32
        %add3A_2034 = arith.addi %mul3A_2032, %add3A_2033 : i32
        %get3A_2035 = arith.index_cast %add3A_2034 : i32 to index
        %get3A_2036 = arith.constant 32 : index
        %get3A_2037 = tpu.vector_load %arg11[%get3A_2035, %get3A_2036] {strides = array<i32>} : memref<128x128xf32, #tpu.memory_space<vmem>>, vector<16xf32>,
        %mul3A_2038 = vector.broadcast %squeeze3A_1998 : f32 to vector<16xf32>
        %mul3A_2039 = arith.mulf %get3A_2037, %mul3A_2038 : vector<16xf32>
        %mul3A_2040 = arith.constant 16 : i32
        %mul3A_2041 = arith.muli %scan3A_45, %mul3A_2040 : i32
        %add3A_2042 = arith.constant 15 : i32
        %add3A_2043 = arith.addi %mul3A_2041, %add3A_2042 : i32
        %swap3A_2044 = arith.index_cast %add3A_2043 : i32 to index
        %swap3A_2045 = arith.constant 32 : index
        %swap3A_2046 = tpu.vector_load %arg11[%swap3A_2044, %swap3A_2045] {strides = array<i32>} : memref<128x128xf32, #tpu.memory_space<vmem>>, vector<16xf32>,
        tpu.vector_store %arg11[%swap3A_2044, %swap3A_2045], %mul3A_2039 {strides = array<i32>} : memref<128x128xf32, #tpu.memory_space<vmem>>, vector<16xf32>,
        %mul3A_2047 = arith.constant 16 : i32
        %mul3A_2048 = arith.muli %scan3A_45, %mul3A_2047 : i32
        %add3A_2049 = arith.constant 15 : i32
        %add3A_2050 = arith.addi %mul3A_2048, %add3A_2049 : i32
        %get3A_2051 = arith.index_cast %add3A_2050 : i32 to index
        %get3A_2052 = arith.constant 48 : index
        %get3A_2053 = tpu.vector_load %arg11[%get3A_2051, %get3A_2052] {strides = array<i32>} : memref<128x128xf32, #tpu.memory_space<vmem>>, vector<16xf32>,
        %mul3A_2054 = vector.broadcast %squeeze3A_1998 : f32 to vector<16xf32>
        %mul3A_2055 = arith.mulf %get3A_2053, %mul3A_2054 : vector<16xf32>
        %mul3A_2056 = arith.constant 16 : i32
        %mul3A_2057 = arith.muli %scan3A_45, %mul3A_2056 : i32
        %add3A_2058 = arith.constant 15 : i32
        %add3A_2059 = arith.addi %mul3A_2057, %add3A_2058 : i32
        %swap3A_2060 = arith.index_cast %add3A_2059 : i32 to index
        %swap3A_2061 = arith.constant 48 : index
        %swap3A_2062 = tpu.vector_load %arg11[%swap3A_2060, %swap3A_2061] {strides = array<i32>} : memref<128x128xf32, #tpu.memory_space<vmem>>, vector<16xf32>,
        tpu.vector_store %arg11[%swap3A_2060, %swap3A_2061], %mul3A_2055 {strides = array<i32>} : memref<128x128xf32, #tpu.memory_space<vmem>>, vector<16xf32>,
        %mul3A_2063 = arith.constant 16 : i32
        %mul3A_2064 = arith.muli %scan3A_45, %mul3A_2063 : i32
        %add3A_2065 = arith.constant 15 : i32
        %add3A_2066 = arith.addi %mul3A_2064, %add3A_2065 : i32
        %get3A_2067 = arith.index_cast %add3A_2066 : i32 to index
        %get3A_2068 = arith.constant 64 : index
        %get3A_2069 = tpu.vector_load %arg11[%get3A_2067, %get3A_2068] {strides = array<i32>} : memref<128x128xf32, #tpu.memory_space<vmem>>, vector<16xf32>,
        %mul3A_2070 = vector.broadcast %squeeze3A_1998 : f32 to vector<16xf32>
        %mul3A_2071 = arith.mulf %get3A_2069, %mul3A_2070 : vector<16xf32>
        %mul3A_2072 = arith.constant 16 : i32
        %mul3A_2073 = arith.muli %scan3A_45, %mul3A_2072 : i32
        %add3A_2074 = arith.constant 15 : i32
        %add3A_2075 = arith.addi %mul3A_2073, %add3A_2074 : i32
        %swap3A_2076 = arith.index_cast %add3A_2075 : i32 to index
        %swap3A_2077 = arith.constant 64 : index
        %swap3A_2078 = tpu.vector_load %arg11[%swap3A_2076, %swap3A_2077] {strides = array<i32>} : memref<128x128xf32, #tpu.memory_space<vmem>>, vector<16xf32>,
        tpu.vector_store %arg11[%swap3A_2076, %swap3A_2077], %mul3A_2071 {strides = array<i32>} : memref<128x128xf32, #tpu.memory_space<vmem>>, vector<16xf32>,
        %mul3A_2079 = arith.constant 16 : i32
        %mul3A_2080 = arith.muli %scan3A_45, %mul3A_2079 : i32
        %add3A_2081 = arith.constant 15 : i32
        %add3A_2082 = arith.addi %mul3A_2080, %add3A_2081 : i32
        %get3A_2083 = arith.index_cast %add3A_2082 : i32 to index
        %get3A_2084 = arith.constant 80 : index
        %get3A_2085 = tpu.vector_load %arg11[%get3A_2083, %get3A_2084] {strides = array<i32>} : memref<128x128xf32, #tpu.memory_space<vmem>>, vector<16xf32>,
        %mul3A_2086 = vector.broadcast %squeeze3A_1998 : f32 to vector<16xf32>
        %mul3A_2087 = arith.mulf %get3A_2085, %mul3A_2086 : vector<16xf32>
        %mul3A_2088 = arith.constant 16 : i32
        %mul3A_2089 = arith.muli %scan3A_45, %mul3A_2088 : i32
        %add3A_2090 = arith.constant 15 : i32
        %add3A_2091 = arith.addi %mul3A_2089, %add3A_2090 : i32
        %swap3A_2092 = arith.index_cast %add3A_2091 : i32 to index
        %swap3A_2093 = arith.constant 80 : index
        %swap3A_2094 = tpu.vector_load %arg11[%swap3A_2092, %swap3A_2093] {strides = array<i32>} : memref<128x128xf32, #tpu.memory_space<vmem>>, vector<16xf32>,
        tpu.vector_store %arg11[%swap3A_2092, %swap3A_2093], %mul3A_2087 {strides = array<i32>} : memref<128x128xf32, #tpu.memory_space<vmem>>, vector<16xf32>,
        %mul3A_2095 = arith.constant 16 : i32
        %mul3A_2096 = arith.muli %scan3A_45, %mul3A_2095 : i32
        %add3A_2097 = arith.constant 15 : i32
        %add3A_2098 = arith.addi %mul3A_2096, %add3A_2097 : i32
        %get3A_2099 = arith.index_cast %add3A_2098 : i32 to index
        %get3A_2100 = arith.constant 96 : index
        %get3A_2101 = tpu.vector_load %arg11[%get3A_2099, %get3A_2100] {strides = array<i32>} : memref<128x128xf32, #tpu.memory_space<vmem>>, vector<16xf32>,
        %mul3A_2102 = vector.broadcast %squeeze3A_1998 : f32 to vector<16xf32>
        %mul3A_2103 = arith.mulf %get3A_2101, %mul3A_2102 : vector<16xf32>
        %mul3A_2104 = arith.constant 16 : i32
        %mul3A_2105 = arith.muli %scan3A_45, %mul3A_2104 : i32
        %add3A_2106 = arith.constant 15 : i32
        %add3A_2107 = arith.addi %mul3A_2105, %add3A_2106 : i32
        %swap3A_2108 = arith.index_cast %add3A_2107 : i32 to index
        %swap3A_2109 = arith.constant 96 : index
        %swap3A_2110 = tpu.vector_load %arg11[%swap3A_2108, %swap3A_2109] {strides = array<i32>} : memref<128x128xf32, #tpu.memory_space<vmem>>, vector<16xf32>,
        tpu.vector_store %arg11[%swap3A_2108, %swap3A_2109], %mul3A_2103 {strides = array<i32>} : memref<128x128xf32, #tpu.memory_space<vmem>>, vector<16xf32>,
        %mul3A_2111 = arith.constant 16 : i32
        %mul3A_2112 = arith.muli %scan3A_45, %mul3A_2111 : i32
        %add3A_2113 = arith.constant 15 : i32
        %add3A_2114 = arith.addi %mul3A_2112, %add3A_2113 : i32
        %get3A_2115 = arith.index_cast %add3A_2114 : i32 to index
        %get3A_2116 = arith.constant 112 : index
        %get3A_2117 = tpu.vector_load %arg11[%get3A_2115, %get3A_2116] {strides = array<i32>} : memref<128x128xf32, #tpu.memory_space<vmem>>, vector<16xf32>,
        %mul3A_2118 = vector.broadcast %squeeze3A_1998 : f32 to vector<16xf32>
        %mul3A_2119 = arith.mulf %get3A_2117, %mul3A_2118 : vector<16xf32>
        %mul3A_2120 = arith.constant 16 : i32
        %mul3A_2121 = arith.muli %scan3A_45, %mul3A_2120 : i32
        %add3A_2122 = arith.constant 15 : i32
        %add3A_2123 = arith.addi %mul3A_2121, %add3A_2122 : i32
        %swap3A_2124 = arith.index_cast %add3A_2123 : i32 to index
        %swap3A_2125 = arith.constant 112 : index
        %swap3A_2126 = tpu.vector_load %arg11[%swap3A_2124, %swap3A_2125] {strides = array<i32>} : memref<128x128xf32, #tpu.memory_space<vmem>>, vector<16xf32>,
        tpu.vector_store %arg11[%swap3A_2124, %swap3A_2125], %mul3A_2119 {strides = array<i32>} : memref<128x128xf32, #tpu.memory_space<vmem>>, vector<16xf32>,
      }
      %scan3A_44 = arith.constant 8 : i32
      "tpu.region"() ({
        %run_scoped3A = tpu.sem_alloc : memref<!tpu.dma_semaphore, #tpu.memory_space<semaphore_mem>>
        %dma_start3A_45 = arith.constant 0 : i32
        %dma_start3A_46 = tpu.memref_slice %arg9[%while3A_29, %dma_start3A_45] : memref<88x128xi32, #tpu.memory_space<vmem>> -> memref<1x128xi32, #tpu.memory_space<vmem>>
        %dma_start3A_47 = tpu.memref_squeeze %dma_start3A_46 : memref<1x128xi32, #tpu.memory_space<vmem>> -> memref<128xi32, #tpu.memory_space<vmem>>
        %dma_start3A_48 = arith.constant 0 : i32
        %dma_start3A_49 = arith.constant 0 : i32
        %dma_start3A_50 = tpu.memref_slice %arg12[%dma_start3A_48, %dma_start3A_49] : memref<10000x128xf32, #tpu.memory_space<vmem_shared>> -> memref<10000x128xf32, #tpu.memory_space<vmem_shared>>
        tpu.enqueue_indirect_dma source(%arg11 : memref<128x128xf32, #tpu.memory_space<vmem>>) target(%dma_start3A_50 : memref<10000x128xf32, #tpu.memory_space<vmem_shared>>) offsets(%dma_start3A_47 : memref<128xi32, #tpu.memory_space<vmem>>) semaphore(%run_scoped3A : memref<!tpu.dma_semaphore, #tpu.memory_space<semaphore_mem>>) {add = true}
        %dma_wait3A_51 = arith.constant 0 : i32
        %dma_wait3A_52 = tpu.memref_slice %arg9[%while3A_29, %dma_wait3A_51] : memref<88x128xi32, #tpu.memory_space<vmem>> -> memref<1x128xi32, #tpu.memory_space<vmem>>
        %dma_wait3A_53 = tpu.memref_squeeze %dma_wait3A_52 : memref<1x128xi32, #tpu.memory_space<vmem>> -> memref<128xi32, #tpu.memory_space<vmem>>
        %dma_wait3A_54 = arith.constant 0 : i32
        %dma_wait3A_55 = arith.constant 0 : i32
        %dma_wait3A_56 = tpu.memref_slice %arg12[%dma_wait3A_54, %dma_wait3A_55] : memref<10000x128xf32, #tpu.memory_space<vmem_shared>> -> memref<10000x128xf32, #tpu.memory_space<vmem_shared>>
        tpu.wait_indirect_dma semaphore(%run_scoped3A : memref<!tpu.dma_semaphore, #tpu.memory_space<semaphore_mem>>) src(%arg11 : memref<128x128xf32, #tpu.memory_space<vmem>>) dst(%dma_wait3A_56 : memref<10000x128xf32, #tpu.memory_space<vmem_shared>>)
        tpu.yield
      }) : () -> ()
    }
    %while3A_18 = arith.constant 1 : i32
    scf.for %while3A_29 = %while3A_16 to %while3A_12 step %while3A_18  : i32 {
      %dma_start3A = arith.constant 0 : i32
      %dma_start3A_30 = tpu.memref_slice %arg8[%while3A_29, %dma_start3A] : memref<88x128xi32, #tpu.memory_space<vmem>> -> memref<1x128xi32, #tpu.memory_space<vmem>>
      %dma_start3A_31 = tpu.memref_squeeze %dma_start3A_30 : memref<1x128xi32, #tpu.memory_space<vmem>> -> memref<128xi32, #tpu.memory_space<vmem>>
      %dma_start3A_32 = arith.constant 0 : i32
      %dma_start3A_33 = arith.constant 0 : i32
      %dma_start3A_34 = tpu.memref_slice %arg2[%dma_start3A_32, %dma_start3A_33] : memref<10000x128xf32, #tpu.memory_space<hbm>> -> memref<10000x128xf32, #tpu.memory_space<hbm>>
      tpu.enqueue_indirect_dma source(%dma_start3A_34 : memref<10000x128xf32, #tpu.memory_space<hbm>>) target(%arg11 : memref<128x128xf32, #tpu.memory_space<vmem>>) offsets(%dma_start3A_31 : memref<128xi32, #tpu.memory_space<vmem>>) semaphore(%arg13 : memref<!tpu.dma_semaphore, #tpu.memory_space<semaphore_mem>>)
      %dma_wait3A = arith.constant 0 : i32
      %dma_wait3A_35 = tpu.memref_slice %arg8[%while3A_29, %dma_wait3A] : memref<88x128xi32, #tpu.memory_space<vmem>> -> memref<1x128xi32, #tpu.memory_space<vmem>>
      %dma_wait3A_36 = tpu.memref_squeeze %dma_wait3A_35 : memref<1x128xi32, #tpu.memory_space<vmem>> -> memref<128xi32, #tpu.memory_space<vmem>>
      %dma_wait3A_37 = arith.constant 0 : i32
      %dma_wait3A_38 = arith.constant 0 : i32
      %dma_wait3A_39 = tpu.memref_slice %arg2[%dma_wait3A_37, %dma_wait3A_38] : memref<10000x128xf32, #tpu.memory_space<hbm>> -> memref<10000x128xf32, #tpu.memory_space<hbm>>
      tpu.wait_indirect_dma semaphore(%arg13 : memref<!tpu.dma_semaphore, #tpu.memory_space<semaphore_mem>>) src(%dma_wait3A_39 : memref<10000x128xf32, #tpu.memory_space<hbm>>) dst(%arg11 : memref<128x128xf32, #tpu.memory_space<vmem>>)
      %scan3A = arith.constant 0 : i32
      %scan3A_40 = arith.constant 0 : i32
      %scan3A_41 = arith.constant 8 : i32
      %scan3A_42 = arith.addi %scan3A_40, %scan3A_41 : i32
      %scan3A_43 = arith.constant 1 : i32
      scf.for %scan3A_45 = %scan3A_40 to %scan3A_42 step %scan3A_43  : i32 {
        %mul3A_46 = arith.constant 16 : i32
        %mul3A_47 = arith.muli %scan3A_45, %mul3A_46 : i32
        %get3A = arith.index_cast %while3A_29 : i32 to index
        %get3A_48 = arith.index_cast %mul3A_47 : i32 to index
        %get3A_49 = tpu.vector_load %arg10[%get3A, %get3A_48] {strides = array<i32>} : memref<88x128xf32, #tpu.memory_space<vmem>>, vector<16xf32>,
        %slice3A = vector.extract_strided_slice %get3A_49 {offsets = [0], sizes = [1], strides = [1]} : vector<16xf32> to vector<1xf32>
        %squeeze3A = vector.extract %slice3A[0] : f32 from vector<1xf32>
        %mul3A_50 = arith.constant 16 : i32
        %mul3A_51 = arith.muli %scan3A_45, %mul3A_50 : i32
        %add3A_52 = arith.constant 0 : i32
        %add3A_53 = arith.addi %mul3A_51, %add3A_52 : i32
        %get3A_54 = arith.index_cast %add3A_53 : i32 to index
        %get3A_55 = arith.constant 0 : index
        %get3A_56 = tpu.vector_load %arg11[%get3A_54, %get3A_55] {strides = array<i32>} : memref<128x128xf32, #tpu.memory_space<vmem>>, vector<16xf32>,
        %mul3A_57 = vector.broadcast %squeeze3A : f32 to vector<16xf32>
        %mul3A_58 = arith.mulf %get3A_56, %mul3A_57 : vector<16xf32>
        %mul3A_59 = arith.constant 16 : i32
        %mul3A_60 = arith.muli %scan3A_45, %mul3A_59 : i32
        %add3A_61 = arith.constant 0 : i32
        %add3A_62 = arith.addi %mul3A_60, %add3A_61 : i32
        %swap3A = arith.index_cast %add3A_62 : i32 to index
        %swap3A_63 = arith.constant 0 : index
        %swap3A_64 = tpu.vector_load %arg11[%swap3A, %swap3A_63] {strides = array<i32>} : memref<128x128xf32, #tpu.memory_space<vmem>>, vector<16xf32>,
        tpu.vector_store %arg11[%swap3A, %swap3A_63], %mul3A_58 {strides = array<i32>} : memref<128x128xf32, #tpu.memory_space<vmem>>, vector<16xf32>,
        %mul3A_65 = arith.constant 16 : i32
        %mul3A_66 = arith.muli %scan3A_45, %mul3A_65 : i32
        %add3A_67 = arith.constant 0 : i32
        %add3A_68 = arith.addi %mul3A_66, %add3A_67 : i32
        %get3A_69 = arith.index_cast %add3A_68 : i32 to index
        %get3A_70 = arith.constant 16 : index
        %get3A_71 = tpu.vector_load %arg11[%get3A_69, %get3A_70] {strides = array<i32>} : memref<128x128xf32, #tpu.memory_space<vmem>>, vector<16xf32>,
        %mul3A_72 = vector.broadcast %squeeze3A : f32 to vector<16xf32>
        %mul3A_73 = arith.mulf %get3A_71, %mul3A_72 : vector<16xf32>
        %mul3A_74 = arith.constant 16 : i32
        %mul3A_75 = arith.muli %scan3A_45, %mul3A_74 : i32
        %add3A_76 = arith.constant 0 : i32
        %add3A_77 = arith.addi %mul3A_75, %add3A_76 : i32
        %swap3A_78 = arith.index_cast %add3A_77 : i32 to index
        %swap3A_79 = arith.constant 16 : index
        %swap3A_80 = tpu.vector_load %arg11[%swap3A_78, %swap3A_79] {strides = array<i32>} : memref<128x128xf32, #tpu.memory_space<vmem>>, vector<16xf32>,
        tpu.vector_store %arg11[%swap3A_78, %swap3A_79], %mul3A_73 {strides = array<i32>} : memref<128x128xf32, #tpu.memory_space<vmem>>, vector<16xf32>,
        %mul3A_81 = arith.constant 16 : i32
        %mul3A_82 = arith.muli %scan3A_45, %mul3A_81 : i32
        %add3A_83 = arith.constant 0 : i32
        %add3A_84 = arith.addi %mul3A_82, %add3A_83 : i32
        %get3A_85 = arith.index_cast %add3A_84 : i32 to index
        %get3A_86 = arith.constant 32 : index
        %get3A_87 = tpu.vector_load %arg11[%get3A_85, %get3A_86] {strides = array<i32>} : memref<128x128xf32, #tpu.memory_space<vmem>>, vector<16xf32>,
        %mul3A_88 = vector.broadcast %squeeze3A : f32 to vector<16xf32>
        %mul3A_89 = arith.mulf %get3A_87, %mul3A_88 : vector<16xf32>
        %mul3A_90 = arith.constant 16 : i32
        %mul3A_91 = arith.muli %scan3A_45, %mul3A_90 : i32
        %add3A_92 = arith.constant 0 : i32
        %add3A_93 = arith.addi %mul3A_91, %add3A_92 : i32
        %swap3A_94 = arith.index_cast %add3A_93 : i32 to index
        %swap3A_95 = arith.constant 32 : index
        %swap3A_96 = tpu.vector_load %arg11[%swap3A_94, %swap3A_95] {strides = array<i32>} : memref<128x128xf32, #tpu.memory_space<vmem>>, vector<16xf32>,
        tpu.vector_store %arg11[%swap3A_94, %swap3A_95], %mul3A_89 {strides = array<i32>} : memref<128x128xf32, #tpu.memory_space<vmem>>, vector<16xf32>,
        %mul3A_97 = arith.constant 16 : i32
        %mul3A_98 = arith.muli %scan3A_45, %mul3A_97 : i32
        %add3A_99 = arith.constant 0 : i32
        %add3A_100 = arith.addi %mul3A_98, %add3A_99 : i32
        %get3A_101 = arith.index_cast %add3A_100 : i32 to index
        %get3A_102 = arith.constant 48 : index
        %get3A_103 = tpu.vector_load %arg11[%get3A_101, %get3A_102] {strides = array<i32>} : memref<128x128xf32, #tpu.memory_space<vmem>>, vector<16xf32>,
        %mul3A_104 = vector.broadcast %squeeze3A : f32 to vector<16xf32>
        %mul3A_105 = arith.mulf %get3A_103, %mul3A_104 : vector<16xf32>
        %mul3A_106 = arith.constant 16 : i32
        %mul3A_107 = arith.muli %scan3A_45, %mul3A_106 : i32
        %add3A_108 = arith.constant 0 : i32
        %add3A_109 = arith.addi %mul3A_107, %add3A_108 : i32
        %swap3A_110 = arith.index_cast %add3A_109 : i32 to index
        %swap3A_111 = arith.constant 48 : index
        %swap3A_112 = tpu.vector_load %arg11[%swap3A_110, %swap3A_111] {strides = array<i32>} : memref<128x128xf32, #tpu.memory_space<vmem>>, vector<16xf32>,
        tpu.vector_store %arg11[%swap3A_110, %swap3A_111], %mul3A_105 {strides = array<i32>} : memref<128x128xf32, #tpu.memory_space<vmem>>, vector<16xf32>,
        %mul3A_113 = arith.constant 16 : i32
        %mul3A_114 = arith.muli %scan3A_45, %mul3A_113 : i32
        %add3A_115 = arith.constant 0 : i32
        %add3A_116 = arith.addi %mul3A_114, %add3A_115 : i32
        %get3A_117 = arith.index_cast %add3A_116 : i32 to index
        %get3A_118 = arith.constant 64 : index
        %get3A_119 = tpu.vector_load %arg11[%get3A_117, %get3A_118] {strides = array<i32>} : memref<128x128xf32, #tpu.memory_space<vmem>>, vector<16xf32>,
        %mul3A_120 = vector.broadcast %squeeze3A : f32 to vector<16xf32>
        %mul3A_121 = arith.mulf %get3A_119, %mul3A_120 : vector<16xf32>
        %mul3A_122 = arith.constant 16 : i32
        %mul3A_123 = arith.muli %scan3A_45, %mul3A_122 : i32
        %add3A_124 = arith.constant 0 : i32
        %add3A_125 = arith.addi %mul3A_123, %add3A_124 : i32
        %swap3A_126 = arith.index_cast %add3A_125 : i32 to index
        %swap3A_127 = arith.constant 64 : index
        %swap3A_128 = tpu.vector_load %arg11[%swap3A_126, %swap3A_127] {strides = array<i32>} : memref<128x128xf32, #tpu.memory_space<vmem>>, vector<16xf32>,
        tpu.vector_store %arg11[%swap3A_126, %swap3A_127], %mul3A_121 {strides = array<i32>} : memref<128x128xf32, #tpu.memory_space<vmem>>, vector<16xf32>,
        %mul3A_129 = arith.constant 16 : i32
        %mul3A_130 = arith.muli %scan3A_45, %mul3A_129 : i32
        %add3A_131 = arith.constant 0 : i32
        %add3A_132 = arith.addi %mul3A_130, %add3A_131 : i32
        %get3A_133 = arith.index_cast %add3A_132 : i32 to index
        %get3A_134 = arith.constant 80 : index
        %get3A_135 = tpu.vector_load %arg11[%get3A_133, %get3A_134] {strides = array<i32>} : memref<128x128xf32, #tpu.memory_space<vmem>>, vector<16xf32>,
        %mul3A_136 = vector.broadcast %squeeze3A : f32 to vector<16xf32>
        %mul3A_137 = arith.mulf %get3A_135, %mul3A_136 : vector<16xf32>
        %mul3A_138 = arith.constant 16 : i32
        %mul3A_139 = arith.muli %scan3A_45, %mul3A_138 : i32
        %add3A_140 = arith.constant 0 : i32
        %add3A_141 = arith.addi %mul3A_139, %add3A_140 : i32
        %swap3A_142 = arith.index_cast %add3A_141 : i32 to index
        %swap3A_143 = arith.constant 80 : index
        %swap3A_144 = tpu.vector_load %arg11[%swap3A_142, %swap3A_143] {strides = array<i32>} : memref<128x128xf32, #tpu.memory_space<vmem>>, vector<16xf32>,
        tpu.vector_store %arg11[%swap3A_142, %swap3A_143], %mul3A_137 {strides = array<i32>} : memref<128x128xf32, #tpu.memory_space<vmem>>, vector<16xf32>,
        %mul3A_145 = arith.constant 16 : i32
        %mul3A_146 = arith.muli %scan3A_45, %mul3A_145 : i32
        %add3A_147 = arith.constant 0 : i32
        %add3A_148 = arith.addi %mul3A_146, %add3A_147 : i32
        %get3A_149 = arith.index_cast %add3A_148 : i32 to index
        %get3A_150 = arith.constant 96 : index
        %get3A_151 = tpu.vector_load %arg11[%get3A_149, %get3A_150] {strides = array<i32>} : memref<128x128xf32, #tpu.memory_space<vmem>>, vector<16xf32>,
        %mul3A_152 = vector.broadcast %squeeze3A : f32 to vector<16xf32>
        %mul3A_153 = arith.mulf %get3A_151, %mul3A_152 : vector<16xf32>
        %mul3A_154 = arith.constant 16 : i32
        %mul3A_155 = arith.muli %scan3A_45, %mul3A_154 : i32
        %add3A_156 = arith.constant 0 : i32
        %add3A_157 = arith.addi %mul3A_155, %add3A_156 : i32
        %swap3A_158 = arith.index_cast %add3A_157 : i32 to index
        %swap3A_159 = arith.constant 96 : index
        %swap3A_160 = tpu.vector_load %arg11[%swap3A_158, %swap3A_159] {strides = array<i32>} : memref<128x128xf32, #tpu.memory_space<vmem>>, vector<16xf32>,
        tpu.vector_store %arg11[%swap3A_158, %swap3A_159], %mul3A_153 {strides = array<i32>} : memref<128x128xf32, #tpu.memory_space<vmem>>, vector<16xf32>,
        %mul3A_161 = arith.constant 16 : i32
        %mul3A_162 = arith.muli %scan3A_45, %mul3A_161 : i32
        %add3A_163 = arith.constant 0 : i32
        %add3A_164 = arith.addi %mul3A_162, %add3A_163 : i32
        %get3A_165 = arith.index_cast %add3A_164 : i32 to index
        %get3A_166 = arith.constant 112 : index
        %get3A_167 = tpu.vector_load %arg11[%get3A_165, %get3A_166] {strides = array<i32>} : memref<128x128xf32, #tpu.memory_space<vmem>>, vector<16xf32>,
        %mul3A_168 = vector.broadcast %squeeze3A : f32 to vector<16xf32>
        %mul3A_169 = arith.mulf %get3A_167, %mul3A_168 : vector<16xf32>
        %mul3A_170 = arith.constant 16 : i32
        %mul3A_171 = arith.muli %scan3A_45, %mul3A_170 : i32
        %add3A_172 = arith.constant 0 : i32
        %add3A_173 = arith.addi %mul3A_171, %add3A_172 : i32
        %swap3A_174 = arith.index_cast %add3A_173 : i32 to index
        %swap3A_175 = arith.constant 112 : index
        %swap3A_176 = tpu.vector_load %arg11[%swap3A_174, %swap3A_175] {strides = array<i32>} : memref<128x128xf32, #tpu.memory_space<vmem>>, vector<16xf32>,
        tpu.vector_store %arg11[%swap3A_174, %swap3A_175], %mul3A_169 {strides = array<i32>} : memref<128x128xf32, #tpu.memory_space<vmem>>, vector<16xf32>,
        %slice3A_177 = vector.extract_strided_slice %get3A_49 {offsets = [1], sizes = [1], strides = [1]} : vector<16xf32> to vector<1xf32>
        %squeeze3A_178 = vector.extract %slice3A_177[0] : f32 from vector<1xf32>
        %mul3A_179 = arith.constant 16 : i32
        %mul3A_180 = arith.muli %scan3A_45, %mul3A_179 : i32
        %add3A_181 = arith.constant 1 : i32
        %add3A_182 = arith.addi %mul3A_180, %add3A_181 : i32
        %get3A_183 = arith.index_cast %add3A_182 : i32 to index
        %get3A_184 = arith.constant 0 : index
        %get3A_185 = tpu.vector_load %arg11[%get3A_183, %get3A_184] {strides = array<i32>} : memref<128x128xf32, #tpu.memory_space<vmem>>, vector<16xf32>,
        %mul3A_186 = vector.broadcast %squeeze3A_178 : f32 to vector<16xf32>
        %mul3A_187 = arith.mulf %get3A_185, %mul3A_186 : vector<16xf32>
        %mul3A_188 = arith.constant 16 : i32
        %mul3A_189 = arith.muli %scan3A_45, %mul3A_188 : i32
        %add3A_190 = arith.constant 1 : i32
        %add3A_191 = arith.addi %mul3A_189, %add3A_190 : i32
        %swap3A_192 = arith.index_cast %add3A_191 : i32 to index
        %swap3A_193 = arith.constant 0 : index
        %swap3A_194 = tpu.vector_load %arg11[%swap3A_192, %swap3A_193] {strides = array<i32>} : memref<128x128xf32, #tpu.memory_space<vmem>>, vector<16xf32>,
        tpu.vector_store %arg11[%swap3A_192, %swap3A_193], %mul3A_187 {strides = array<i32>} : memref<128x128xf32, #tpu.memory_space<vmem>>, vector<16xf32>,
        %mul3A_195 = arith.constant 16 : i32
        %mul3A_196 = arith.muli %scan3A_45, %mul3A_195 : i32
        %add3A_197 = arith.constant 1 : i32
        %add3A_198 = arith.addi %mul3A_196, %add3A_197 : i32
        %get3A_199 = arith.index_cast %add3A_198 : i32 to index
        %get3A_200 = arith.constant 16 : index
        %get3A_201 = tpu.vector_load %arg11[%get3A_199, %get3A_200] {strides = array<i32>} : memref<128x128xf32, #tpu.memory_space<vmem>>, vector<16xf32>,
        %mul3A_202 = vector.broadcast %squeeze3A_178 : f32 to vector<16xf32>
        %mul3A_203 = arith.mulf %get3A_201, %mul3A_202 : vector<16xf32>
        %mul3A_204 = arith.constant 16 : i32
        %mul3A_205 = arith.muli %scan3A_45, %mul3A_204 : i32
        %add3A_206 = arith.constant 1 : i32
        %add3A_207 = arith.addi %mul3A_205, %add3A_206 : i32
        %swap3A_208 = arith.index_cast %add3A_207 : i32 to index
        %swap3A_209 = arith.constant 16 : index
        %swap3A_210 = tpu.vector_load %arg11[%swap3A_208, %swap3A_209] {strides = array<i32>} : memref<128x128xf32, #tpu.memory_space<vmem>>, vector<16xf32>,
        tpu.vector_store %arg11[%swap3A_208, %swap3A_209], %mul3A_203 {strides = array<i32>} : memref<128x128xf32, #tpu.memory_space<vmem>>, vector<16xf32>,
        %mul3A_211 = arith.constant 16 : i32
        %mul3A_212 = arith.muli %scan3A_45, %mul3A_211 : i32
        %add3A_213 = arith.constant 1 : i32
        %add3A_214 = arith.addi %mul3A_212, %add3A_213 : i32
        %get3A_215 = arith.index_cast %add3A_214 : i32 to index
        %get3A_216 = arith.constant 32 : index
        %get3A_217 = tpu.vector_load %arg11[%get3A_215, %get3A_216] {strides = array<i32>} : memref<128x128xf32, #tpu.memory_space<vmem>>, vector<16xf32>,
        %mul3A_218 = vector.broadcast %squeeze3A_178 : f32 to vector<16xf32>
        %mul3A_219 = arith.mulf %get3A_217, %mul3A_218 : vector<16xf32>
        %mul3A_220 = arith.constant 16 : i32
        %mul3A_221 = arith.muli %scan3A_45, %mul3A_220 : i32
        %add3A_222 = arith.constant 1 : i32
        %add3A_223 = arith.addi %mul3A_221, %add3A_222 : i32
        %swap3A_224 = arith.index_cast %add3A_223 : i32 to index
        %swap3A_225 = arith.constant 32 : index
        %swap3A_226 = tpu.vector_load %arg11[%swap3A_224, %swap3A_225] {strides = array<i32>} : memref<128x128xf32, #tpu.memory_space<vmem>>, vector<16xf32>,
        tpu.vector_store %arg11[%swap3A_224, %swap3A_225], %mul3A_219 {strides = array<i32>} : memref<128x128xf32, #tpu.memory_space<vmem>>, vector<16xf32>,
        %mul3A_227 = arith.constant 16 : i32
        %mul3A_228 = arith.muli %scan3A_45, %mul3A_227 : i32
        %add3A_229 = arith.constant 1 : i32
        %add3A_230 = arith.addi %mul3A_228, %add3A_229 : i32
        %get3A_231 = arith.index_cast %add3A_230 : i32 to index
        %get3A_232 = arith.constant 48 : index
        %get3A_233 = tpu.vector_load %arg11[%get3A_231, %get3A_232] {strides = array<i32>} : memref<128x128xf32, #tpu.memory_space<vmem>>, vector<16xf32>,
        %mul3A_234 = vector.broadcast %squeeze3A_178 : f32 to vector<16xf32>
        %mul3A_235 = arith.mulf %get3A_233, %mul3A_234 : vector<16xf32>
        %mul3A_236 = arith.constant 16 : i32
        %mul3A_237 = arith.muli %scan3A_45, %mul3A_236 : i32
        %add3A_238 = arith.constant 1 : i32
        %add3A_239 = arith.addi %mul3A_237, %add3A_238 : i32
        %swap3A_240 = arith.index_cast %add3A_239 : i32 to index
        %swap3A_241 = arith.constant 48 : index
        %swap3A_242 = tpu.vector_load %arg11[%swap3A_240, %swap3A_241] {strides = array<i32>} : memref<128x128xf32, #tpu.memory_space<vmem>>, vector<16xf32>,
        tpu.vector_store %arg11[%swap3A_240, %swap3A_241], %mul3A_235 {strides = array<i32>} : memref<128x128xf32, #tpu.memory_space<vmem>>, vector<16xf32>,
        %mul3A_243 = arith.constant 16 : i32
        %mul3A_244 = arith.muli %scan3A_45, %mul3A_243 : i32
        %add3A_245 = arith.constant 1 : i32
        %add3A_246 = arith.addi %mul3A_244, %add3A_245 : i32
        %get3A_247 = arith.index_cast %add3A_246 : i32 to index
        %get3A_248 = arith.constant 64 : index
        %get3A_249 = tpu.vector_load %arg11[%get3A_247, %get3A_248] {strides = array<i32>} : memref<128x128xf32, #tpu.memory_space<vmem>>, vector<16xf32>,
        %mul3A_250 = vector.broadcast %squeeze3A_178 : f32 to vector<16xf32>
        %mul3A_251 = arith.mulf %get3A_249, %mul3A_250 : vector<16xf32>
        %mul3A_252 = arith.constant 16 : i32
        %mul3A_253 = arith.muli %scan3A_45, %mul3A_252 : i32
        %add3A_254 = arith.constant 1 : i32
        %add3A_255 = arith.addi %mul3A_253, %add3A_254 : i32
        %swap3A_256 = arith.index_cast %add3A_255 : i32 to index
        %swap3A_257 = arith.constant 64 : index
        %swap3A_258 = tpu.vector_load %arg11[%swap3A_256, %swap3A_257] {strides = array<i32>} : memref<128x128xf32, #tpu.memory_space<vmem>>, vector<16xf32>,
        tpu.vector_store %arg11[%swap3A_256, %swap3A_257], %mul3A_251 {strides = array<i32>} : memref<128x128xf32, #tpu.memory_space<vmem>>, vector<16xf32>,
        %mul3A_259 = arith.constant 16 : i32
        %mul3A_260 = arith.muli %scan3A_45, %mul3A_259 : i32
        %add3A_261 = arith.constant 1 : i32
        %add3A_262 = arith.addi %mul3A_260, %add3A_261 : i32
        %get3A_263 = arith.index_cast %add3A_262 : i32 to index
        %get3A_264 = arith.constant 80 : index
        %get3A_265 = tpu.vector_load %arg11[%get3A_263, %get3A_264] {strides = array<i32>} : memref<128x128xf32, #tpu.memory_space<vmem>>, vector<16xf32>,
        %mul3A_266 = vector.broadcast %squeeze3A_178 : f32 to vector<16xf32>
        %mul3A_267 = arith.mulf %get3A_265, %mul3A_266 : vector<16xf32>
        %mul3A_268 = arith.constant 16 : i32
        %mul3A_269 = arith.muli %scan3A_45, %mul3A_268 : i32
        %add3A_270 = arith.constant 1 : i32
        %add3A_271 = arith.addi %mul3A_269, %add3A_270 : i32
        %swap3A_272 = arith.index_cast %add3A_271 : i32 to index
        %swap3A_273 = arith.constant 80 : index
        %swap3A_274 = tpu.vector_load %arg11[%swap3A_272, %swap3A_273] {strides = array<i32>} : memref<128x128xf32, #tpu.memory_space<vmem>>, vector<16xf32>,
        tpu.vector_store %arg11[%swap3A_272, %swap3A_273], %mul3A_267 {strides = array<i32>} : memref<128x128xf32, #tpu.memory_space<vmem>>, vector<16xf32>,
        %mul3A_275 = arith.constant 16 : i32
        %mul3A_276 = arith.muli %scan3A_45, %mul3A_275 : i32
        %add3A_277 = arith.constant 1 : i32
        %add3A_278 = arith.addi %mul3A_276, %add3A_277 : i32
        %get3A_279 = arith.index_cast %add3A_278 : i32 to index
        %get3A_280 = arith.constant 96 : index
        %get3A_281 = tpu.vector_load %arg11[%get3A_279, %get3A_280] {strides = array<i32>} : memref<128x128xf32, #tpu.memory_space<vmem>>, vector<16xf32>,
        %mul3A_282 = vector.broadcast %squeeze3A_178 : f32 to vector<16xf32>
        %mul3A_283 = arith.mulf %get3A_281, %mul3A_282 : vector<16xf32>
        %mul3A_284 = arith.constant 16 : i32
        %mul3A_285 = arith.muli %scan3A_45, %mul3A_284 : i32
        %add3A_286 = arith.constant 1 : i32
        %add3A_287 = arith.addi %mul3A_285, %add3A_286 : i32
        %swap3A_288 = arith.index_cast %add3A_287 : i32 to index
        %swap3A_289 = arith.constant 96 : index
        %swap3A_290 = tpu.vector_load %arg11[%swap3A_288, %swap3A_289] {strides = array<i32>} : memref<128x128xf32, #tpu.memory_space<vmem>>, vector<16xf32>,
        tpu.vector_store %arg11[%swap3A_288, %swap3A_289], %mul3A_283 {strides = array<i32>} : memref<128x128xf32, #tpu.memory_space<vmem>>, vector<16xf32>,
        %mul3A_291 = arith.constant 16 : i32
        %mul3A_292 = arith.muli %scan3A_45, %mul3A_291 : i32
        %add3A_293 = arith.constant 1 : i32
        %add3A_294 = arith.addi %mul3A_292, %add3A_293 : i32
        %get3A_295 = arith.index_cast %add3A_294 : i32 to index
        %get3A_296 = arith.constant 112 : index
        %get3A_297 = tpu.vector_load %arg11[%get3A_295, %get3A_296] {strides = array<i32>} : memref<128x128xf32, #tpu.memory_space<vmem>>, vector<16xf32>,
        %mul3A_298 = vector.broadcast %squeeze3A_178 : f32 to vector<16xf32>
        %mul3A_299 = arith.mulf %get3A_297, %mul3A_298 : vector<16xf32>
        %mul3A_300 = arith.constant 16 : i32
        %mul3A_301 = arith.muli %scan3A_45, %mul3A_300 : i32
        %add3A_302 = arith.constant 1 : i32
        %add3A_303 = arith.addi %mul3A_301, %add3A_302 : i32
        %swap3A_304 = arith.index_cast %add3A_303 : i32 to index
        %swap3A_305 = arith.constant 112 : index
        %swap3A_306 = tpu.vector_load %arg11[%swap3A_304, %swap3A_305] {strides = array<i32>} : memref<128x128xf32, #tpu.memory_space<vmem>>, vector<16xf32>,
        tpu.vector_store %arg11[%swap3A_304, %swap3A_305], %mul3A_299 {strides = array<i32>} : memref<128x128xf32, #tpu.memory_space<vmem>>, vector<16xf32>,
        %slice3A_307 = vector.extract_strided_slice %get3A_49 {offsets = [2], sizes = [1], strides = [1]} : vector<16xf32> to vector<1xf32>
        %squeeze3A_308 = vector.extract %slice3A_307[0] : f32 from vector<1xf32>
        %mul3A_309 = arith.constant 16 : i32
        %mul3A_310 = arith.muli %scan3A_45, %mul3A_309 : i32
        %add3A_311 = arith.constant 2 : i32
        %add3A_312 = arith.addi %mul3A_310, %add3A_311 : i32
        %get3A_313 = arith.index_cast %add3A_312 : i32 to index
        %get3A_314 = arith.constant 0 : index
        %get3A_315 = tpu.vector_load %arg11[%get3A_313, %get3A_314] {strides = array<i32>} : memref<128x128xf32, #tpu.memory_space<vmem>>, vector<16xf32>,
        %mul3A_316 = vector.broadcast %squeeze3A_308 : f32 to vector<16xf32>
        %mul3A_317 = arith.mulf %get3A_315, %mul3A_316 : vector<16xf32>
        %mul3A_318 = arith.constant 16 : i32
        %mul3A_319 = arith.muli %scan3A_45, %mul3A_318 : i32
        %add3A_320 = arith.constant 2 : i32
        %add3A_321 = arith.addi %mul3A_319, %add3A_320 : i32
        %swap3A_322 = arith.index_cast %add3A_321 : i32 to index
        %swap3A_323 = arith.constant 0 : index
        %swap3A_324 = tpu.vector_load %arg11[%swap3A_322, %swap3A_323] {strides = array<i32>} : memref<128x128xf32, #tpu.memory_space<vmem>>, vector<16xf32>,
        tpu.vector_store %arg11[%swap3A_322, %swap3A_323], %mul3A_317 {strides = array<i32>} : memref<128x128xf32, #tpu.memory_space<vmem>>, vector<16xf32>,
        %mul3A_325 = arith.constant 16 : i32
        %mul3A_326 = arith.muli %scan3A_45, %mul3A_325 : i32
        %add3A_327 = arith.constant 2 : i32
        %add3A_328 = arith.addi %mul3A_326, %add3A_327 : i32
        %get3A_329 = arith.index_cast %add3A_328 : i32 to index
        %get3A_330 = arith.constant 16 : index
        %get3A_331 = tpu.vector_load %arg11[%get3A_329, %get3A_330] {strides = array<i32>} : memref<128x128xf32, #tpu.memory_space<vmem>>, vector<16xf32>,
        %mul3A_332 = vector.broadcast %squeeze3A_308 : f32 to vector<16xf32>
        %mul3A_333 = arith.mulf %get3A_331, %mul3A_332 : vector<16xf32>
        %mul3A_334 = arith.constant 16 : i32
        %mul3A_335 = arith.muli %scan3A_45, %mul3A_334 : i32
        %add3A_336 = arith.constant 2 : i32
        %add3A_337 = arith.addi %mul3A_335, %add3A_336 : i32
        %swap3A_338 = arith.index_cast %add3A_337 : i32 to index
        %swap3A_339 = arith.constant 16 : index
        %swap3A_340 = tpu.vector_load %arg11[%swap3A_338, %swap3A_339] {strides = array<i32>} : memref<128x128xf32, #tpu.memory_space<vmem>>, vector<16xf32>,
        tpu.vector_store %arg11[%swap3A_338, %swap3A_339], %mul3A_333 {strides = array<i32>} : memref<128x128xf32, #tpu.memory_space<vmem>>, vector<16xf32>,
        %mul3A_341 = arith.constant 16 : i32
        %mul3A_342 = arith.muli %scan3A_45, %mul3A_341 : i32
        %add3A_343 = arith.constant 2 : i32
        %add3A_344 = arith.addi %mul3A_342, %add3A_343 : i32
        %get3A_345 = arith.index_cast %add3A_344 : i32 to index
        %get3A_346 = arith.constant 32 : index
        %get3A_347 = tpu.vector_load %arg11[%get3A_345, %get3A_346] {strides = array<i32>} : memref<128x128xf32, #tpu.memory_space<vmem>>, vector<16xf32>,
        %mul3A_348 = vector.broadcast %squeeze3A_308 : f32 to vector<16xf32>
        %mul3A_349 = arith.mulf %get3A_347, %mul3A_348 : vector<16xf32>
        %mul3A_350 = arith.constant 16 : i32
        %mul3A_351 = arith.muli %scan3A_45, %mul3A_350 : i32
        %add3A_352 = arith.constant 2 : i32
        %add3A_353 = arith.addi %mul3A_351, %add3A_352 : i32
        %swap3A_354 = arith.index_cast %add3A_353 : i32 to index
        %swap3A_355 = arith.constant 32 : index
        %swap3A_356 = tpu.vector_load %arg11[%swap3A_354, %swap3A_355] {strides = array<i32>} : memref<128x128xf32, #tpu.memory_space<vmem>>, vector<16xf32>,
        tpu.vector_store %arg11[%swap3A_354, %swap3A_355], %mul3A_349 {strides = array<i32>} : memref<128x128xf32, #tpu.memory_space<vmem>>, vector<16xf32>,
        %mul3A_357 = arith.constant 16 : i32
        %mul3A_358 = arith.muli %scan3A_45, %mul3A_357 : i32
        %add3A_359 = arith.constant 2 : i32
        %add3A_360 = arith.addi %mul3A_358, %add3A_359 : i32
        %get3A_361 = arith.index_cast %add3A_360 : i32 to index
        %get3A_362 = arith.constant 48 : index
        %get3A_363 = tpu.vector_load %arg11[%get3A_361, %get3A_362] {strides = array<i32>} : memref<128x128xf32, #tpu.memory_space<vmem>>, vector<16xf32>,
        %mul3A_364 = vector.broadcast %squeeze3A_308 : f32 to vector<16xf32>
        %mul3A_365 = arith.mulf %get3A_363, %mul3A_364 : vector<16xf32>
        %mul3A_366 = arith.constant 16 : i32
        %mul3A_367 = arith.muli %scan3A_45, %mul3A_366 : i32
        %add3A_368 = arith.constant 2 : i32
        %add3A_369 = arith.addi %mul3A_367, %add3A_368 : i32
        %swap3A_370 = arith.index_cast %add3A_369 : i32 to index
        %swap3A_371 = arith.constant 48 : index
        %swap3A_372 = tpu.vector_load %arg11[%swap3A_370, %swap3A_371] {strides = array<i32>} : memref<128x128xf32, #tpu.memory_space<vmem>>, vector<16xf32>,
        tpu.vector_store %arg11[%swap3A_370, %swap3A_371], %mul3A_365 {strides = array<i32>} : memref<128x128xf32, #tpu.memory_space<vmem>>, vector<16xf32>,
        %mul3A_373 = arith.constant 16 : i32
        %mul3A_374 = arith.muli %scan3A_45, %mul3A_373 : i32
        %add3A_375 = arith.constant 2 : i32
        %add3A_376 = arith.addi %mul3A_374, %add3A_375 : i32
        %get3A_377 = arith.index_cast %add3A_376 : i32 to index
        %get3A_378 = arith.constant 64 : index
        %get3A_379 = tpu.vector_load %arg11[%get3A_377, %get3A_378] {strides = array<i32>} : memref<128x128xf32, #tpu.memory_space<vmem>>, vector<16xf32>,
        %mul3A_380 = vector.broadcast %squeeze3A_308 : f32 to vector<16xf32>
        %mul3A_381 = arith.mulf %get3A_379, %mul3A_380 : vector<16xf32>
        %mul3A_382 = arith.constant 16 : i32
        %mul3A_383 = arith.muli %scan3A_45, %mul3A_382 : i32
        %add3A_384 = arith.constant 2 : i32
        %add3A_385 = arith.addi %mul3A_383, %add3A_384 : i32
        %swap3A_386 = arith.index_cast %add3A_385 : i32 to index
        %swap3A_387 = arith.constant 64 : index
        %swap3A_388 = tpu.vector_load %arg11[%swap3A_386, %swap3A_387] {strides = array<i32>} : memref<128x128xf32, #tpu.memory_space<vmem>>, vector<16xf32>,
        tpu.vector_store %arg11[%swap3A_386, %swap3A_387], %mul3A_381 {strides = array<i32>} : memref<128x128xf32, #tpu.memory_space<vmem>>, vector<16xf32>,
        %mul3A_389 = arith.constant 16 : i32
        %mul3A_390 = arith.muli %scan3A_45, %mul3A_389 : i32
        %add3A_391 = arith.constant 2 : i32
        %add3A_392 = arith.addi %mul3A_390, %add3A_391 : i32
        %get3A_393 = arith.index_cast %add3A_392 : i32 to index
        %get3A_394 = arith.constant 80 : index
        %get3A_395 = tpu.vector_load %arg11[%get3A_393, %get3A_394] {strides = array<i32>} : memref<128x128xf32, #tpu.memory_space<vmem>>, vector<16xf32>,
        %mul3A_396 = vector.broadcast %squeeze3A_308 : f32 to vector<16xf32>
        %mul3A_397 = arith.mulf %get3A_395, %mul3A_396 : vector<16xf32>
        %mul3A_398 = arith.constant 16 : i32
        %mul3A_399 = arith.muli %scan3A_45, %mul3A_398 : i32
        %add3A_400 = arith.constant 2 : i32
        %add3A_401 = arith.addi %mul3A_399, %add3A_400 : i32
        %swap3A_402 = arith.index_cast %add3A_401 : i32 to index
        %swap3A_403 = arith.constant 80 : index
        %swap3A_404 = tpu.vector_load %arg11[%swap3A_402, %swap3A_403] {strides = array<i32>} : memref<128x128xf32, #tpu.memory_space<vmem>>, vector<16xf32>,
        tpu.vector_store %arg11[%swap3A_402, %swap3A_403], %mul3A_397 {strides = array<i32>} : memref<128x128xf32, #tpu.memory_space<vmem>>, vector<16xf32>,
        %mul3A_405 = arith.constant 16 : i32
        %mul3A_406 = arith.muli %scan3A_45, %mul3A_405 : i32
        %add3A_407 = arith.constant 2 : i32
        %add3A_408 = arith.addi %mul3A_406, %add3A_407 : i32
        %get3A_409 = arith.index_cast %add3A_408 : i32 to index
        %get3A_410 = arith.constant 96 : index
        %get3A_411 = tpu.vector_load %arg11[%get3A_409, %get3A_410] {strides = array<i32>} : memref<128x128xf32, #tpu.memory_space<vmem>>, vector<16xf32>,
        %mul3A_412 = vector.broadcast %squeeze3A_308 : f32 to vector<16xf32>
        %mul3A_413 = arith.mulf %get3A_411, %mul3A_412 : vector<16xf32>
        %mul3A_414 = arith.constant 16 : i32
        %mul3A_415 = arith.muli %scan3A_45, %mul3A_414 : i32
        %add3A_416 = arith.constant 2 : i32
        %add3A_417 = arith.addi %mul3A_415, %add3A_416 : i32
        %swap3A_418 = arith.index_cast %add3A_417 : i32 to index
        %swap3A_419 = arith.constant 96 : index
        %swap3A_420 = tpu.vector_load %arg11[%swap3A_418, %swap3A_419] {strides = array<i32>} : memref<128x128xf32, #tpu.memory_space<vmem>>, vector<16xf32>,
        tpu.vector_store %arg11[%swap3A_418, %swap3A_419], %mul3A_413 {strides = array<i32>} : memref<128x128xf32, #tpu.memory_space<vmem>>, vector<16xf32>,
        %mul3A_421 = arith.constant 16 : i32
        %mul3A_422 = arith.muli %scan3A_45, %mul3A_421 : i32
        %add3A_423 = arith.constant 2 : i32
        %add3A_424 = arith.addi %mul3A_422, %add3A_423 : i32
        %get3A_425 = arith.index_cast %add3A_424 : i32 to index
        %get3A_426 = arith.constant 112 : index
        %get3A_427 = tpu.vector_load %arg11[%get3A_425, %get3A_426] {strides = array<i32>} : memref<128x128xf32, #tpu.memory_space<vmem>>, vector<16xf32>,
        %mul3A_428 = vector.broadcast %squeeze3A_308 : f32 to vector<16xf32>
        %mul3A_429 = arith.mulf %get3A_427, %mul3A_428 : vector<16xf32>
        %mul3A_430 = arith.constant 16 : i32
        %mul3A_431 = arith.muli %scan3A_45, %mul3A_430 : i32
        %add3A_432 = arith.constant 2 : i32
        %add3A_433 = arith.addi %mul3A_431, %add3A_432 : i32
        %swap3A_434 = arith.index_cast %add3A_433 : i32 to index
        %swap3A_435 = arith.constant 112 : index
        %swap3A_436 = tpu.vector_load %arg11[%swap3A_434, %swap3A_435] {strides = array<i32>} : memref<128x128xf32, #tpu.memory_space<vmem>>, vector<16xf32>,
        tpu.vector_store %arg11[%swap3A_434, %swap3A_435], %mul3A_429 {strides = array<i32>} : memref<128x128xf32, #tpu.memory_space<vmem>>, vector<16xf32>,
        %slice3A_437 = vector.extract_strided_slice %get3A_49 {offsets = [3], sizes = [1], strides = [1]} : vector<16xf32> to vector<1xf32>
        %squeeze3A_438 = vector.extract %slice3A_437[0] : f32 from vector<1xf32>
        %mul3A_439 = arith.constant 16 : i32
        %mul3A_440 = arith.muli %scan3A_45, %mul3A_439 : i32
        %add3A_441 = arith.constant 3 : i32
        %add3A_442 = arith.addi %mul3A_440, %add3A_441 : i32
        %get3A_443 = arith.index_cast %add3A_442 : i32 to index
        %get3A_444 = arith.constant 0 : index
        %get3A_445 = tpu.vector_load %arg11[%get3A_443, %get3A_444] {strides = array<i32>} : memref<128x128xf32, #tpu.memory_space<vmem>>, vector<16xf32>,
        %mul3A_446 = vector.broadcast %squeeze3A_438 : f32 to vector<16xf32>
        %mul3A_447 = arith.mulf %get3A_445, %mul3A_446 : vector<16xf32>
        %mul3A_448 = arith.constant 16 : i32
        %mul3A_449 = arith.muli %scan3A_45, %mul3A_448 : i32
        %add3A_450 = arith.constant 3 : i32
        %add3A_451 = arith.addi %mul3A_449, %add3A_450 : i32
        %swap3A_452 = arith.index_cast %add3A_451 : i32 to index
        %swap3A_453 = arith.constant 0 : index
        %swap3A_454 = tpu.vector_load %arg11[%swap3A_452, %swap3A_453] {strides = array<i32>} : memref<128x128xf32, #tpu.memory_space<vmem>>, vector<16xf32>,
        tpu.vector_store %arg11[%swap3A_452, %swap3A_453], %mul3A_447 {strides = array<i32>} : memref<128x128xf32, #tpu.memory_space<vmem>>, vector<16xf32>,
        %mul3A_455 = arith.constant 16 : i32
        %mul3A_456 = arith.muli %scan3A_45, %mul3A_455 : i32
        %add3A_457 = arith.constant 3 : i32
        %add3A_458 = arith.addi %mul3A_456, %add3A_457 : i32
        %get3A_459 = arith.index_cast %add3A_458 : i32 to index
        %get3A_460 = arith.constant 16 : index
        %get3A_461 = tpu.vector_load %arg11[%get3A_459, %get3A_460] {strides = array<i32>} : memref<128x128xf32, #tpu.memory_space<vmem>>, vector<16xf32>,
        %mul3A_462 = vector.broadcast %squeeze3A_438 : f32 to vector<16xf32>
        %mul3A_463 = arith.mulf %get3A_461, %mul3A_462 : vector<16xf32>
        %mul3A_464 = arith.constant 16 : i32
        %mul3A_465 = arith.muli %scan3A_45, %mul3A_464 : i32
        %add3A_466 = arith.constant 3 : i32
        %add3A_467 = arith.addi %mul3A_465, %add3A_466 : i32
        %swap3A_468 = arith.index_cast %add3A_467 : i32 to index
        %swap3A_469 = arith.constant 16 : index
        %swap3A_470 = tpu.vector_load %arg11[%swap3A_468, %swap3A_469] {strides = array<i32>} : memref<128x128xf32, #tpu.memory_space<vmem>>, vector<16xf32>,
        tpu.vector_store %arg11[%swap3A_468, %swap3A_469], %mul3A_463 {strides = array<i32>} : memref<128x128xf32, #tpu.memory_space<vmem>>, vector<16xf32>,
        %mul3A_471 = arith.constant 16 : i32
        %mul3A_472 = arith.muli %scan3A_45, %mul3A_471 : i32
        %add3A_473 = arith.constant 3 : i32
        %add3A_474 = arith.addi %mul3A_472, %add3A_473 : i32
        %get3A_475 = arith.index_cast %add3A_474 : i32 to index
        %get3A_476 = arith.constant 32 : index
        %get3A_477 = tpu.vector_load %arg11[%get3A_475, %get3A_476] {strides = array<i32>} : memref<128x128xf32, #tpu.memory_space<vmem>>, vector<16xf32>,
        %mul3A_478 = vector.broadcast %squeeze3A_438 : f32 to vector<16xf32>
        %mul3A_479 = arith.mulf %get3A_477, %mul3A_478 : vector<16xf32>
        %mul3A_480 = arith.constant 16 : i32
        %mul3A_481 = arith.muli %scan3A_45, %mul3A_480 : i32
        %add3A_482 = arith.constant 3 : i32
        %add3A_483 = arith.addi %mul3A_481, %add3A_482 : i32
        %swap3A_484 = arith.index_cast %add3A_483 : i32 to index
        %swap3A_485 = arith.constant 32 : index
        %swap3A_486 = tpu.vector_load %arg11[%swap3A_484, %swap3A_485] {strides = array<i32>} : memref<128x128xf32, #tpu.memory_space<vmem>>, vector<16xf32>,
        tpu.vector_store %arg11[%swap3A_484, %swap3A_485], %mul3A_479 {strides = array<i32>} : memref<128x128xf32, #tpu.memory_space<vmem>>, vector<16xf32>,
        %mul3A_487 = arith.constant 16 : i32
        %mul3A_488 = arith.muli %scan3A_45, %mul3A_487 : i32
        %add3A_489 = arith.constant 3 : i32
        %add3A_490 = arith.addi %mul3A_488, %add3A_489 : i32
        %get3A_491 = arith.index_cast %add3A_490 : i32 to index
        %get3A_492 = arith.constant 48 : index
        %get3A_493 = tpu.vector_load %arg11[%get3A_491, %get3A_492] {strides = array<i32>} : memref<128x128xf32, #tpu.memory_space<vmem>>, vector<16xf32>,
        %mul3A_494 = vector.broadcast %squeeze3A_438 : f32 to vector<16xf32>
        %mul3A_495 = arith.mulf %get3A_493, %mul3A_494 : vector<16xf32>
        %mul3A_496 = arith.constant 16 : i32
        %mul3A_497 = arith.muli %scan3A_45, %mul3A_496 : i32
        %add3A_498 = arith.constant 3 : i32
        %add3A_499 = arith.addi %mul3A_497, %add3A_498 : i32
        %swap3A_500 = arith.index_cast %add3A_499 : i32 to index
        %swap3A_501 = arith.constant 48 : index
        %swap3A_502 = tpu.vector_load %arg11[%swap3A_500, %swap3A_501] {strides = array<i32>} : memref<128x128xf32, #tpu.memory_space<vmem>>, vector<16xf32>,
        tpu.vector_store %arg11[%swap3A_500, %swap3A_501], %mul3A_495 {strides = array<i32>} : memref<128x128xf32, #tpu.memory_space<vmem>>, vector<16xf32>,
        %mul3A_503 = arith.constant 16 : i32
        %mul3A_504 = arith.muli %scan3A_45, %mul3A_503 : i32
        %add3A_505 = arith.constant 3 : i32
        %add3A_506 = arith.addi %mul3A_504, %add3A_505 : i32
        %get3A_507 = arith.index_cast %add3A_506 : i32 to index
        %get3A_508 = arith.constant 64 : index
        %get3A_509 = tpu.vector_load %arg11[%get3A_507, %get3A_508] {strides = array<i32>} : memref<128x128xf32, #tpu.memory_space<vmem>>, vector<16xf32>,
        %mul3A_510 = vector.broadcast %squeeze3A_438 : f32 to vector<16xf32>
        %mul3A_511 = arith.mulf %get3A_509, %mul3A_510 : vector<16xf32>
        %mul3A_512 = arith.constant 16 : i32
        %mul3A_513 = arith.muli %scan3A_45, %mul3A_512 : i32
        %add3A_514 = arith.constant 3 : i32
        %add3A_515 = arith.addi %mul3A_513, %add3A_514 : i32
        %swap3A_516 = arith.index_cast %add3A_515 : i32 to index
        %swap3A_517 = arith.constant 64 : index
        %swap3A_518 = tpu.vector_load %arg11[%swap3A_516, %swap3A_517] {strides = array<i32>} : memref<128x128xf32, #tpu.memory_space<vmem>>, vector<16xf32>,
        tpu.vector_store %arg11[%swap3A_516, %swap3A_517], %mul3A_511 {strides = array<i32>} : memref<128x128xf32, #tpu.memory_space<vmem>>, vector<16xf32>,
        %mul3A_519 = arith.constant 16 : i32
        %mul3A_520 = arith.muli %scan3A_45, %mul3A_519 : i32
        %add3A_521 = arith.constant 3 : i32
        %add3A_522 = arith.addi %mul3A_520, %add3A_521 : i32
        %get3A_523 = arith.index_cast %add3A_522 : i32 to index
        %get3A_524 = arith.constant 80 : index
        %get3A_525 = tpu.vector_load %arg11[%get3A_523, %get3A_524] {strides = array<i32>} : memref<128x128xf32, #tpu.memory_space<vmem>>, vector<16xf32>,
        %mul3A_526 = vector.broadcast %squeeze3A_438 : f32 to vector<16xf32>
        %mul3A_527 = arith.mulf %get3A_525, %mul3A_526 : vector<16xf32>
        %mul3A_528 = arith.constant 16 : i32
        %mul3A_529 = arith.muli %scan3A_45, %mul3A_528 : i32
        %add3A_530 = arith.constant 3 : i32
        %add3A_531 = arith.addi %mul3A_529, %add3A_530 : i32
        %swap3A_532 = arith.index_cast %add3A_531 : i32 to index
        %swap3A_533 = arith.constant 80 : index
        %swap3A_534 = tpu.vector_load %arg11[%swap3A_532, %swap3A_533] {strides = array<i32>} : memref<128x128xf32, #tpu.memory_space<vmem>>, vector<16xf32>,
        tpu.vector_store %arg11[%swap3A_532, %swap3A_533], %mul3A_527 {strides = array<i32>} : memref<128x128xf32, #tpu.memory_space<vmem>>, vector<16xf32>,
        %mul3A_535 = arith.constant 16 : i32
        %mul3A_536 = arith.muli %scan3A_45, %mul3A_535 : i32
        %add3A_537 = arith.constant 3 : i32
        %add3A_538 = arith.addi %mul3A_536, %add3A_537 : i32
        %get3A_539 = arith.index_cast %add3A_538 : i32 to index
        %get3A_540 = arith.constant 96 : index
        %get3A_541 = tpu.vector_load %arg11[%get3A_539, %get3A_540] {strides = array<i32>} : memref<128x128xf32, #tpu.memory_space<vmem>>, vector<16xf32>,
        %mul3A_542 = vector.broadcast %squeeze3A_438 : f32 to vector<16xf32>
        %mul3A_543 = arith.mulf %get3A_541, %mul3A_542 : vector<16xf32>
        %mul3A_544 = arith.constant 16 : i32
        %mul3A_545 = arith.muli %scan3A_45, %mul3A_544 : i32
        %add3A_546 = arith.constant 3 : i32
        %add3A_547 = arith.addi %mul3A_545, %add3A_546 : i32
        %swap3A_548 = arith.index_cast %add3A_547 : i32 to index
        %swap3A_549 = arith.constant 96 : index
        %swap3A_550 = tpu.vector_load %arg11[%swap3A_548, %swap3A_549] {strides = array<i32>} : memref<128x128xf32, #tpu.memory_space<vmem>>, vector<16xf32>,
        tpu.vector_store %arg11[%swap3A_548, %swap3A_549], %mul3A_543 {strides = array<i32>} : memref<128x128xf32, #tpu.memory_space<vmem>>, vector<16xf32>,
        %mul3A_551 = arith.constant 16 : i32
        %mul3A_552 = arith.muli %scan3A_45, %mul3A_551 : i32
        %add3A_553 = arith.constant 3 : i32
        %add3A_554 = arith.addi %mul3A_552, %add3A_553 : i32
        %get3A_555 = arith.index_cast %add3A_554 : i32 to index
        %get3A_556 = arith.constant 112 : index
        %get3A_557 = tpu.vector_load %arg11[%get3A_555, %get3A_556] {strides = array<i32>} : memref<128x128xf32, #tpu.memory_space<vmem>>, vector<16xf32>,
        %mul3A_558 = vector.broadcast %squeeze3A_438 : f32 to vector<16xf32>
        %mul3A_559 = arith.mulf %get3A_557, %mul3A_558 : vector<16xf32>
        %mul3A_560 = arith.constant 16 : i32
        %mul3A_561 = arith.muli %scan3A_45, %mul3A_560 : i32
        %add3A_562 = arith.constant 3 : i32
        %add3A_563 = arith.addi %mul3A_561, %add3A_562 : i32
        %swap3A_564 = arith.index_cast %add3A_563 : i32 to index
        %swap3A_565 = arith.constant 112 : index
        %swap3A_566 = tpu.vector_load %arg11[%swap3A_564, %swap3A_565] {strides = array<i32>} : memref<128x128xf32, #tpu.memory_space<vmem>>, vector<16xf32>,
        tpu.vector_store %arg11[%swap3A_564, %swap3A_565], %mul3A_559 {strides = array<i32>} : memref<128x128xf32, #tpu.memory_space<vmem>>, vector<16xf32>,
        %slice3A_567 = vector.extract_strided_slice %get3A_49 {offsets = [4], sizes = [1], strides = [1]} : vector<16xf32> to vector<1xf32>
        %squeeze3A_568 = vector.extract %slice3A_567[0] : f32 from vector<1xf32>
        %mul3A_569 = arith.constant 16 : i32
        %mul3A_570 = arith.muli %scan3A_45, %mul3A_569 : i32
        %add3A_571 = arith.constant 4 : i32
        %add3A_572 = arith.addi %mul3A_570, %add3A_571 : i32
        %get3A_573 = arith.index_cast %add3A_572 : i32 to index
        %get3A_574 = arith.constant 0 : index
        %get3A_575 = tpu.vector_load %arg11[%get3A_573, %get3A_574] {strides = array<i32>} : memref<128x128xf32, #tpu.memory_space<vmem>>, vector<16xf32>,
        %mul3A_576 = vector.broadcast %squeeze3A_568 : f32 to vector<16xf32>
        %mul3A_577 = arith.mulf %get3A_575, %mul3A_576 : vector<16xf32>
        %mul3A_578 = arith.constant 16 : i32
        %mul3A_579 = arith.muli %scan3A_45, %mul3A_578 : i32
        %add3A_580 = arith.constant 4 : i32
        %add3A_581 = arith.addi %mul3A_579, %add3A_580 : i32
        %swap3A_582 = arith.index_cast %add3A_581 : i32 to index
        %swap3A_583 = arith.constant 0 : index
        %swap3A_584 = tpu.vector_load %arg11[%swap3A_582, %swap3A_583] {strides = array<i32>} : memref<128x128xf32, #tpu.memory_space<vmem>>, vector<16xf32>,
        tpu.vector_store %arg11[%swap3A_582, %swap3A_583], %mul3A_577 {strides = array<i32>} : memref<128x128xf32, #tpu.memory_space<vmem>>, vector<16xf32>,
        %mul3A_585 = arith.constant 16 : i32
        %mul3A_586 = arith.muli %scan3A_45, %mul3A_585 : i32
        %add3A_587 = arith.constant 4 : i32
        %add3A_588 = arith.addi %mul3A_586, %add3A_587 : i32
        %get3A_589 = arith.index_cast %add3A_588 : i32 to index
        %get3A_590 = arith.constant 16 : index
        %get3A_591 = tpu.vector_load %arg11[%get3A_589, %get3A_590] {strides = array<i32>} : memref<128x128xf32, #tpu.memory_space<vmem>>, vector<16xf32>,
        %mul3A_592 = vector.broadcast %squeeze3A_568 : f32 to vector<16xf32>
        %mul3A_593 = arith.mulf %get3A_591, %mul3A_592 : vector<16xf32>
        %mul3A_594 = arith.constant 16 : i32
        %mul3A_595 = arith.muli %scan3A_45, %mul3A_594 : i32
        %add3A_596 = arith.constant 4 : i32
        %add3A_597 = arith.addi %mul3A_595, %add3A_596 : i32
        %swap3A_598 = arith.index_cast %add3A_597 : i32 to index
        %swap3A_599 = arith.constant 16 : index
        %swap3A_600 = tpu.vector_load %arg11[%swap3A_598, %swap3A_599] {strides = array<i32>} : memref<128x128xf32, #tpu.memory_space<vmem>>, vector<16xf32>,
        tpu.vector_store %arg11[%swap3A_598, %swap3A_599], %mul3A_593 {strides = array<i32>} : memref<128x128xf32, #tpu.memory_space<vmem>>, vector<16xf32>,
        %mul3A_601 = arith.constant 16 : i32
        %mul3A_602 = arith.muli %scan3A_45, %mul3A_601 : i32
        %add3A_603 = arith.constant 4 : i32
        %add3A_604 = arith.addi %mul3A_602, %add3A_603 : i32
        %get3A_605 = arith.index_cast %add3A_604 : i32 to index
        %get3A_606 = arith.constant 32 : index
        %get3A_607 = tpu.vector_load %arg11[%get3A_605, %get3A_606] {strides = array<i32>} : memref<128x128xf32, #tpu.memory_space<vmem>>, vector<16xf32>,
        %mul3A_608 = vector.broadcast %squeeze3A_568 : f32 to vector<16xf32>
        %mul3A_609 = arith.mulf %get3A_607, %mul3A_608 : vector<16xf32>
        %mul3A_610 = arith.constant 16 : i32
        %mul3A_611 = arith.muli %scan3A_45, %mul3A_610 : i32
        %add3A_612 = arith.constant 4 : i32
        %add3A_613 = arith.addi %mul3A_611, %add3A_612 : i32
        %swap3A_614 = arith.index_cast %add3A_613 : i32 to index
        %swap3A_615 = arith.constant 32 : index
        %swap3A_616 = tpu.vector_load %arg11[%swap3A_614, %swap3A_615] {strides = array<i32>} : memref<128x128xf32, #tpu.memory_space<vmem>>, vector<16xf32>,
        tpu.vector_store %arg11[%swap3A_614, %swap3A_615], %mul3A_609 {strides = array<i32>} : memref<128x128xf32, #tpu.memory_space<vmem>>, vector<16xf32>,
        %mul3A_617 = arith.constant 16 : i32
        %mul3A_618 = arith.muli %scan3A_45, %mul3A_617 : i32
        %add3A_619 = arith.constant 4 : i32
        %add3A_620 = arith.addi %mul3A_618, %add3A_619 : i32
        %get3A_621 = arith.index_cast %add3A_620 : i32 to index
        %get3A_622 = arith.constant 48 : index
        %get3A_623 = tpu.vector_load %arg11[%get3A_621, %get3A_622] {strides = array<i32>} : memref<128x128xf32, #tpu.memory_space<vmem>>, vector<16xf32>,
        %mul3A_624 = vector.broadcast %squeeze3A_568 : f32 to vector<16xf32>
        %mul3A_625 = arith.mulf %get3A_623, %mul3A_624 : vector<16xf32>
        %mul3A_626 = arith.constant 16 : i32
        %mul3A_627 = arith.muli %scan3A_45, %mul3A_626 : i32
        %add3A_628 = arith.constant 4 : i32
        %add3A_629 = arith.addi %mul3A_627, %add3A_628 : i32
        %swap3A_630 = arith.index_cast %add3A_629 : i32 to index
        %swap3A_631 = arith.constant 48 : index
        %swap3A_632 = tpu.vector_load %arg11[%swap3A_630, %swap3A_631] {strides = array<i32>} : memref<128x128xf32, #tpu.memory_space<vmem>>, vector<16xf32>,
        tpu.vector_store %arg11[%swap3A_630, %swap3A_631], %mul3A_625 {strides = array<i32>} : memref<128x128xf32, #tpu.memory_space<vmem>>, vector<16xf32>,
        %mul3A_633 = arith.constant 16 : i32
        %mul3A_634 = arith.muli %scan3A_45, %mul3A_633 : i32
        %add3A_635 = arith.constant 4 : i32
        %add3A_636 = arith.addi %mul3A_634, %add3A_635 : i32
        %get3A_637 = arith.index_cast %add3A_636 : i32 to index
        %get3A_638 = arith.constant 64 : index
        %get3A_639 = tpu.vector_load %arg11[%get3A_637, %get3A_638] {strides = array<i32>} : memref<128x128xf32, #tpu.memory_space<vmem>>, vector<16xf32>,
        %mul3A_640 = vector.broadcast %squeeze3A_568 : f32 to vector<16xf32>
        %mul3A_641 = arith.mulf %get3A_639, %mul3A_640 : vector<16xf32>
        %mul3A_642 = arith.constant 16 : i32
        %mul3A_643 = arith.muli %scan3A_45, %mul3A_642 : i32
        %add3A_644 = arith.constant 4 : i32
        %add3A_645 = arith.addi %mul3A_643, %add3A_644 : i32
        %swap3A_646 = arith.index_cast %add3A_645 : i32 to index
        %swap3A_647 = arith.constant 64 : index
        %swap3A_648 = tpu.vector_load %arg11[%swap3A_646, %swap3A_647] {strides = array<i32>} : memref<128x128xf32, #tpu.memory_space<vmem>>, vector<16xf32>,
        tpu.vector_store %arg11[%swap3A_646, %swap3A_647], %mul3A_641 {strides = array<i32>} : memref<128x128xf32, #tpu.memory_space<vmem>>, vector<16xf32>,
        %mul3A_649 = arith.constant 16 : i32
        %mul3A_650 = arith.muli %scan3A_45, %mul3A_649 : i32
        %add3A_651 = arith.constant 4 : i32
        %add3A_652 = arith.addi %mul3A_650, %add3A_651 : i32
        %get3A_653 = arith.index_cast %add3A_652 : i32 to index
        %get3A_654 = arith.constant 80 : index
        %get3A_655 = tpu.vector_load %arg11[%get3A_653, %get3A_654] {strides = array<i32>} : memref<128x128xf32, #tpu.memory_space<vmem>>, vector<16xf32>,
        %mul3A_656 = vector.broadcast %squeeze3A_568 : f32 to vector<16xf32>
        %mul3A_657 = arith.mulf %get3A_655, %mul3A_656 : vector<16xf32>
        %mul3A_658 = arith.constant 16 : i32
        %mul3A_659 = arith.muli %scan3A_45, %mul3A_658 : i32
        %add3A_660 = arith.constant 4 : i32
        %add3A_661 = arith.addi %mul3A_659, %add3A_660 : i32
        %swap3A_662 = arith.index_cast %add3A_661 : i32 to index
        %swap3A_663 = arith.constant 80 : index
        %swap3A_664 = tpu.vector_load %arg11[%swap3A_662, %swap3A_663] {strides = array<i32>} : memref<128x128xf32, #tpu.memory_space<vmem>>, vector<16xf32>,
        tpu.vector_store %arg11[%swap3A_662, %swap3A_663], %mul3A_657 {strides = array<i32>} : memref<128x128xf32, #tpu.memory_space<vmem>>, vector<16xf32>,
        %mul3A_665 = arith.constant 16 : i32
        %mul3A_666 = arith.muli %scan3A_45, %mul3A_665 : i32
        %add3A_667 = arith.constant 4 : i32
        %add3A_668 = arith.addi %mul3A_666, %add3A_667 : i32
        %get3A_669 = arith.index_cast %add3A_668 : i32 to index
        %get3A_670 = arith.constant 96 : index
        %get3A_671 = tpu.vector_load %arg11[%get3A_669, %get3A_670] {strides = array<i32>} : memref<128x128xf32, #tpu.memory_space<vmem>>, vector<16xf32>,
        %mul3A_672 = vector.broadcast %squeeze3A_568 : f32 to vector<16xf32>
        %mul3A_673 = arith.mulf %get3A_671, %mul3A_672 : vector<16xf32>
        %mul3A_674 = arith.constant 16 : i32
        %mul3A_675 = arith.muli %scan3A_45, %mul3A_674 : i32
        %add3A_676 = arith.constant 4 : i32
        %add3A_677 = arith.addi %mul3A_675, %add3A_676 : i32
        %swap3A_678 = arith.index_cast %add3A_677 : i32 to index
        %swap3A_679 = arith.constant 96 : index
        %swap3A_680 = tpu.vector_load %arg11[%swap3A_678, %swap3A_679] {strides = array<i32>} : memref<128x128xf32, #tpu.memory_space<vmem>>, vector<16xf32>,
        tpu.vector_store %arg11[%swap3A_678, %swap3A_679], %mul3A_673 {strides = array<i32>} : memref<128x128xf32, #tpu.memory_space<vmem>>, vector<16xf32>,
        %mul3A_681 = arith.constant 16 : i32
        %mul3A_682 = arith.muli %scan3A_45, %mul3A_681 : i32
        %add3A_683 = arith.constant 4 : i32
        %add3A_684 = arith.addi %mul3A_682, %add3A_683 : i32
        %get3A_685 = arith.index_cast %add3A_684 : i32 to index
        %get3A_686 = arith.constant 112 : index
        %get3A_687 = tpu.vector_load %arg11[%get3A_685, %get3A_686] {strides = array<i32>} : memref<128x128xf32, #tpu.memory_space<vmem>>, vector<16xf32>,
        %mul3A_688 = vector.broadcast %squeeze3A_568 : f32 to vector<16xf32>
        %mul3A_689 = arith.mulf %get3A_687, %mul3A_688 : vector<16xf32>
        %mul3A_690 = arith.constant 16 : i32
        %mul3A_691 = arith.muli %scan3A_45, %mul3A_690 : i32
        %add3A_692 = arith.constant 4 : i32
        %add3A_693 = arith.addi %mul3A_691, %add3A_692 : i32
        %swap3A_694 = arith.index_cast %add3A_693 : i32 to index
        %swap3A_695 = arith.constant 112 : index
        %swap3A_696 = tpu.vector_load %arg11[%swap3A_694, %swap3A_695] {strides = array<i32>} : memref<128x128xf32, #tpu.memory_space<vmem>>, vector<16xf32>,
        tpu.vector_store %arg11[%swap3A_694, %swap3A_695], %mul3A_689 {strides = array<i32>} : memref<128x128xf32, #tpu.memory_space<vmem>>, vector<16xf32>,
        %slice3A_697 = vector.extract_strided_slice %get3A_49 {offsets = [5], sizes = [1], strides = [1]} : vector<16xf32> to vector<1xf32>
        %squeeze3A_698 = vector.extract %slice3A_697[0] : f32 from vector<1xf32>
        %mul3A_699 = arith.constant 16 : i32
        %mul3A_700 = arith.muli %scan3A_45, %mul3A_699 : i32
        %add3A_701 = arith.constant 5 : i32
        %add3A_702 = arith.addi %mul3A_700, %add3A_701 : i32
        %get3A_703 = arith.index_cast %add3A_702 : i32 to index
        %get3A_704 = arith.constant 0 : index
        %get3A_705 = tpu.vector_load %arg11[%get3A_703, %get3A_704] {strides = array<i32>} : memref<128x128xf32, #tpu.memory_space<vmem>>, vector<16xf32>,
        %mul3A_706 = vector.broadcast %squeeze3A_698 : f32 to vector<16xf32>
        %mul3A_707 = arith.mulf %get3A_705, %mul3A_706 : vector<16xf32>
        %mul3A_708 = arith.constant 16 : i32
        %mul3A_709 = arith.muli %scan3A_45, %mul3A_708 : i32
        %add3A_710 = arith.constant 5 : i32
        %add3A_711 = arith.addi %mul3A_709, %add3A_710 : i32
        %swap3A_712 = arith.index_cast %add3A_711 : i32 to index
        %swap3A_713 = arith.constant 0 : index
        %swap3A_714 = tpu.vector_load %arg11[%swap3A_712, %swap3A_713] {strides = array<i32>} : memref<128x128xf32, #tpu.memory_space<vmem>>, vector<16xf32>,
        tpu.vector_store %arg11[%swap3A_712, %swap3A_713], %mul3A_707 {strides = array<i32>} : memref<128x128xf32, #tpu.memory_space<vmem>>, vector<16xf32>,
        %mul3A_715 = arith.constant 16 : i32
        %mul3A_716 = arith.muli %scan3A_45, %mul3A_715 : i32
        %add3A_717 = arith.constant 5 : i32
        %add3A_718 = arith.addi %mul3A_716, %add3A_717 : i32
        %get3A_719 = arith.index_cast %add3A_718 : i32 to index
        %get3A_720 = arith.constant 16 : index
        %get3A_721 = tpu.vector_load %arg11[%get3A_719, %get3A_720] {strides = array<i32>} : memref<128x128xf32, #tpu.memory_space<vmem>>, vector<16xf32>,
        %mul3A_722 = vector.broadcast %squeeze3A_698 : f32 to vector<16xf32>
        %mul3A_723 = arith.mulf %get3A_721, %mul3A_722 : vector<16xf32>
        %mul3A_724 = arith.constant 16 : i32
        %mul3A_725 = arith.muli %scan3A_45, %mul3A_724 : i32
        %add3A_726 = arith.constant 5 : i32
        %add3A_727 = arith.addi %mul3A_725, %add3A_726 : i32
        %swap3A_728 = arith.index_cast %add3A_727 : i32 to index
        %swap3A_729 = arith.constant 16 : index
        %swap3A_730 = tpu.vector_load %arg11[%swap3A_728, %swap3A_729] {strides = array<i32>} : memref<128x128xf32, #tpu.memory_space<vmem>>, vector<16xf32>,
        tpu.vector_store %arg11[%swap3A_728, %swap3A_729], %mul3A_723 {strides = array<i32>} : memref<128x128xf32, #tpu.memory_space<vmem>>, vector<16xf32>,
        %mul3A_731 = arith.constant 16 : i32
        %mul3A_732 = arith.muli %scan3A_45, %mul3A_731 : i32
        %add3A_733 = arith.constant 5 : i32
        %add3A_734 = arith.addi %mul3A_732, %add3A_733 : i32
        %get3A_735 = arith.index_cast %add3A_734 : i32 to index
        %get3A_736 = arith.constant 32 : index
        %get3A_737 = tpu.vector_load %arg11[%get3A_735, %get3A_736] {strides = array<i32>} : memref<128x128xf32, #tpu.memory_space<vmem>>, vector<16xf32>,
        %mul3A_738 = vector.broadcast %squeeze3A_698 : f32 to vector<16xf32>
        %mul3A_739 = arith.mulf %get3A_737, %mul3A_738 : vector<16xf32>
        %mul3A_740 = arith.constant 16 : i32
        %mul3A_741 = arith.muli %scan3A_45, %mul3A_740 : i32
        %add3A_742 = arith.constant 5 : i32
        %add3A_743 = arith.addi %mul3A_741, %add3A_742 : i32
        %swap3A_744 = arith.index_cast %add3A_743 : i32 to index
        %swap3A_745 = arith.constant 32 : index
        %swap3A_746 = tpu.vector_load %arg11[%swap3A_744, %swap3A_745] {strides = array<i32>} : memref<128x128xf32, #tpu.memory_space<vmem>>, vector<16xf32>,
        tpu.vector_store %arg11[%swap3A_744, %swap3A_745], %mul3A_739 {strides = array<i32>} : memref<128x128xf32, #tpu.memory_space<vmem>>, vector<16xf32>,
        %mul3A_747 = arith.constant 16 : i32
        %mul3A_748 = arith.muli %scan3A_45, %mul3A_747 : i32
        %add3A_749 = arith.constant 5 : i32
        %add3A_750 = arith.addi %mul3A_748, %add3A_749 : i32
        %get3A_751 = arith.index_cast %add3A_750 : i32 to index
        %get3A_752 = arith.constant 48 : index
        %get3A_753 = tpu.vector_load %arg11[%get3A_751, %get3A_752] {strides = array<i32>} : memref<128x128xf32, #tpu.memory_space<vmem>>, vector<16xf32>,
        %mul3A_754 = vector.broadcast %squeeze3A_698 : f32 to vector<16xf32>
        %mul3A_755 = arith.mulf %get3A_753, %mul3A_754 : vector<16xf32>
        %mul3A_756 = arith.constant 16 : i32
        %mul3A_757 = arith.muli %scan3A_45, %mul3A_756 : i32
        %add3A_758 = arith.constant 5 : i32
        %add3A_759 = arith.addi %mul3A_757, %add3A_758 : i32
        %swap3A_760 = arith.index_cast %add3A_759 : i32 to index
        %swap3A_761 = arith.constant 48 : index
        %swap3A_762 = tpu.vector_load %arg11[%swap3A_760, %swap3A_761] {strides = array<i32>} : memref<128x128xf32, #tpu.memory_space<vmem>>, vector<16xf32>,
        tpu.vector_store %arg11[%swap3A_760, %swap3A_761], %mul3A_755 {strides = array<i32>} : memref<128x128xf32, #tpu.memory_space<vmem>>, vector<16xf32>,
        %mul3A_763 = arith.constant 16 : i32
        %mul3A_764 = arith.muli %scan3A_45, %mul3A_763 : i32
        %add3A_765 = arith.constant 5 : i32
        %add3A_766 = arith.addi %mul3A_764, %add3A_765 : i32
        %get3A_767 = arith.index_cast %add3A_766 : i32 to index
        %get3A_768 = arith.constant 64 : index
        %get3A_769 = tpu.vector_load %arg11[%get3A_767, %get3A_768] {strides = array<i32>} : memref<128x128xf32, #tpu.memory_space<vmem>>, vector<16xf32>,
        %mul3A_770 = vector.broadcast %squeeze3A_698 : f32 to vector<16xf32>
        %mul3A_771 = arith.mulf %get3A_769, %mul3A_770 : vector<16xf32>
        %mul3A_772 = arith.constant 16 : i32
        %mul3A_773 = arith.muli %scan3A_45, %mul3A_772 : i32
        %add3A_774 = arith.constant 5 : i32
        %add3A_775 = arith.addi %mul3A_773, %add3A_774 : i32
        %swap3A_776 = arith.index_cast %add3A_775 : i32 to index
        %swap3A_777 = arith.constant 64 : index
        %swap3A_778 = tpu.vector_load %arg11[%swap3A_776, %swap3A_777] {strides = array<i32>} : memref<128x128xf32, #tpu.memory_space<vmem>>, vector<16xf32>,
        tpu.vector_store %arg11[%swap3A_776, %swap3A_777], %mul3A_771 {strides = array<i32>} : memref<128x128xf32, #tpu.memory_space<vmem>>, vector<16xf32>,
        %mul3A_779 = arith.constant 16 : i32
        %mul3A_780 = arith.muli %scan3A_45, %mul3A_779 : i32
        %add3A_781 = arith.constant 5 : i32
        %add3A_782 = arith.addi %mul3A_780, %add3A_781 : i32
        %get3A_783 = arith.index_cast %add3A_782 : i32 to index
        %get3A_784 = arith.constant 80 : index
        %get3A_785 = tpu.vector_load %arg11[%get3A_783, %get3A_784] {strides = array<i32>} : memref<128x128xf32, #tpu.memory_space<vmem>>, vector<16xf32>,
        %mul3A_786 = vector.broadcast %squeeze3A_698 : f32 to vector<16xf32>
        %mul3A_787 = arith.mulf %get3A_785, %mul3A_786 : vector<16xf32>
        %mul3A_788 = arith.constant 16 : i32
        %mul3A_789 = arith.muli %scan3A_45, %mul3A_788 : i32
        %add3A_790 = arith.constant 5 : i32
        %add3A_791 = arith.addi %mul3A_789, %add3A_790 : i32
        %swap3A_792 = arith.index_cast %add3A_791 : i32 to index
        %swap3A_793 = arith.constant 80 : index
        %swap3A_794 = tpu.vector_load %arg11[%swap3A_792, %swap3A_793] {strides = array<i32>} : memref<128x128xf32, #tpu.memory_space<vmem>>, vector<16xf32>,
        tpu.vector_store %arg11[%swap3A_792, %swap3A_793], %mul3A_787 {strides = array<i32>} : memref<128x128xf32, #tpu.memory_space<vmem>>, vector<16xf32>,
        %mul3A_795 = arith.constant 16 : i32
        %mul3A_796 = arith.muli %scan3A_45, %mul3A_795 : i32
        %add3A_797 = arith.constant 5 : i32
        %add3A_798 = arith.addi %mul3A_796, %add3A_797 : i32
        %get3A_799 = arith.index_cast %add3A_798 : i32 to index
        %get3A_800 = arith.constant 96 : index
        %get3A_801 = tpu.vector_load %arg11[%get3A_799, %get3A_800] {strides = array<i32>} : memref<128x128xf32, #tpu.memory_space<vmem>>, vector<16xf32>,
        %mul3A_802 = vector.broadcast %squeeze3A_698 : f32 to vector<16xf32>
        %mul3A_803 = arith.mulf %get3A_801, %mul3A_802 : vector<16xf32>
        %mul3A_804 = arith.constant 16 : i32
        %mul3A_805 = arith.muli %scan3A_45, %mul3A_804 : i32
        %add3A_806 = arith.constant 5 : i32
        %add3A_807 = arith.addi %mul3A_805, %add3A_806 : i32
        %swap3A_808 = arith.index_cast %add3A_807 : i32 to index
        %swap3A_809 = arith.constant 96 : index
        %swap3A_810 = tpu.vector_load %arg11[%swap3A_808, %swap3A_809] {strides = array<i32>} : memref<128x128xf32, #tpu.memory_space<vmem>>, vector<16xf32>,
        tpu.vector_store %arg11[%swap3A_808, %swap3A_809], %mul3A_803 {strides = array<i32>} : memref<128x128xf32, #tpu.memory_space<vmem>>, vector<16xf32>,
        %mul3A_811 = arith.constant 16 : i32
        %mul3A_812 = arith.muli %scan3A_45, %mul3A_811 : i32
        %add3A_813 = arith.constant 5 : i32
        %add3A_814 = arith.addi %mul3A_812, %add3A_813 : i32
        %get3A_815 = arith.index_cast %add3A_814 : i32 to index
        %get3A_816 = arith.constant 112 : index
        %get3A_817 = tpu.vector_load %arg11[%get3A_815, %get3A_816] {strides = array<i32>} : memref<128x128xf32, #tpu.memory_space<vmem>>, vector<16xf32>,
        %mul3A_818 = vector.broadcast %squeeze3A_698 : f32 to vector<16xf32>
        %mul3A_819 = arith.mulf %get3A_817, %mul3A_818 : vector<16xf32>
        %mul3A_820 = arith.constant 16 : i32
        %mul3A_821 = arith.muli %scan3A_45, %mul3A_820 : i32
        %add3A_822 = arith.constant 5 : i32
        %add3A_823 = arith.addi %mul3A_821, %add3A_822 : i32
        %swap3A_824 = arith.index_cast %add3A_823 : i32 to index
        %swap3A_825 = arith.constant 112 : index
        %swap3A_826 = tpu.vector_load %arg11[%swap3A_824, %swap3A_825] {strides = array<i32>} : memref<128x128xf32, #tpu.memory_space<vmem>>, vector<16xf32>,
        tpu.vector_store %arg11[%swap3A_824, %swap3A_825], %mul3A_819 {strides = array<i32>} : memref<128x128xf32, #tpu.memory_space<vmem>>, vector<16xf32>,
        %slice3A_827 = vector.extract_strided_slice %get3A_49 {offsets = [6], sizes = [1], strides = [1]} : vector<16xf32> to vector<1xf32>
        %squeeze3A_828 = vector.extract %slice3A_827[0] : f32 from vector<1xf32>
        %mul3A_829 = arith.constant 16 : i32
        %mul3A_830 = arith.muli %scan3A_45, %mul3A_829 : i32
        %add3A_831 = arith.constant 6 : i32
        %add3A_832 = arith.addi %mul3A_830, %add3A_831 : i32
        %get3A_833 = arith.index_cast %add3A_832 : i32 to index
        %get3A_834 = arith.constant 0 : index
        %get3A_835 = tpu.vector_load %arg11[%get3A_833, %get3A_834] {strides = array<i32>} : memref<128x128xf32, #tpu.memory_space<vmem>>, vector<16xf32>,
        %mul3A_836 = vector.broadcast %squeeze3A_828 : f32 to vector<16xf32>
        %mul3A_837 = arith.mulf %get3A_835, %mul3A_836 : vector<16xf32>
        %mul3A_838 = arith.constant 16 : i32
        %mul3A_839 = arith.muli %scan3A_45, %mul3A_838 : i32
        %add3A_840 = arith.constant 6 : i32
        %add3A_841 = arith.addi %mul3A_839, %add3A_840 : i32
        %swap3A_842 = arith.index_cast %add3A_841 : i32 to index
        %swap3A_843 = arith.constant 0 : index
        %swap3A_844 = tpu.vector_load %arg11[%swap3A_842, %swap3A_843] {strides = array<i32>} : memref<128x128xf32, #tpu.memory_space<vmem>>, vector<16xf32>,
        tpu.vector_store %arg11[%swap3A_842, %swap3A_843], %mul3A_837 {strides = array<i32>} : memref<128x128xf32, #tpu.memory_space<vmem>>, vector<16xf32>,
        %mul3A_845 = arith.constant 16 : i32
        %mul3A_846 = arith.muli %scan3A_45, %mul3A_845 : i32
        %add3A_847 = arith.constant 6 : i32
        %add3A_848 = arith.addi %mul3A_846, %add3A_847 : i32
        %get3A_849 = arith.index_cast %add3A_848 : i32 to index
        %get3A_850 = arith.constant 16 : index
        %get3A_851 = tpu.vector_load %arg11[%get3A_849, %get3A_850] {strides = array<i32>} : memref<128x128xf32, #tpu.memory_space<vmem>>, vector<16xf32>,
        %mul3A_852 = vector.broadcast %squeeze3A_828 : f32 to vector<16xf32>
        %mul3A_853 = arith.mulf %get3A_851, %mul3A_852 : vector<16xf32>
        %mul3A_854 = arith.constant 16 : i32
        %mul3A_855 = arith.muli %scan3A_45, %mul3A_854 : i32
        %add3A_856 = arith.constant 6 : i32
        %add3A_857 = arith.addi %mul3A_855, %add3A_856 : i32
        %swap3A_858 = arith.index_cast %add3A_857 : i32 to index
        %swap3A_859 = arith.constant 16 : index
        %swap3A_860 = tpu.vector_load %arg11[%swap3A_858, %swap3A_859] {strides = array<i32>} : memref<128x128xf32, #tpu.memory_space<vmem>>, vector<16xf32>,
        tpu.vector_store %arg11[%swap3A_858, %swap3A_859], %mul3A_853 {strides = array<i32>} : memref<128x128xf32, #tpu.memory_space<vmem>>, vector<16xf32>,
        %mul3A_861 = arith.constant 16 : i32
        %mul3A_862 = arith.muli %scan3A_45, %mul3A_861 : i32
        %add3A_863 = arith.constant 6 : i32
        %add3A_864 = arith.addi %mul3A_862, %add3A_863 : i32
        %get3A_865 = arith.index_cast %add3A_864 : i32 to index
        %get3A_866 = arith.constant 32 : index
        %get3A_867 = tpu.vector_load %arg11[%get3A_865, %get3A_866] {strides = array<i32>} : memref<128x128xf32, #tpu.memory_space<vmem>>, vector<16xf32>,
        %mul3A_868 = vector.broadcast %squeeze3A_828 : f32 to vector<16xf32>
        %mul3A_869 = arith.mulf %get3A_867, %mul3A_868 : vector<16xf32>
        %mul3A_870 = arith.constant 16 : i32
        %mul3A_871 = arith.muli %scan3A_45, %mul3A_870 : i32
        %add3A_872 = arith.constant 6 : i32
        %add3A_873 = arith.addi %mul3A_871, %add3A_872 : i32
        %swap3A_874 = arith.index_cast %add3A_873 : i32 to index
        %swap3A_875 = arith.constant 32 : index
        %swap3A_876 = tpu.vector_load %arg11[%swap3A_874, %swap3A_875] {strides = array<i32>} : memref<128x128xf32, #tpu.memory_space<vmem>>, vector<16xf32>,
        tpu.vector_store %arg11[%swap3A_874, %swap3A_875], %mul3A_869 {strides = array<i32>} : memref<128x128xf32, #tpu.memory_space<vmem>>, vector<16xf32>,
        %mul3A_877 = arith.constant 16 : i32
        %mul3A_878 = arith.muli %scan3A_45, %mul3A_877 : i32
        %add3A_879 = arith.constant 6 : i32
        %add3A_880 = arith.addi %mul3A_878, %add3A_879 : i32
        %get3A_881 = arith.index_cast %add3A_880 : i32 to index
        %get3A_882 = arith.constant 48 : index
        %get3A_883 = tpu.vector_load %arg11[%get3A_881, %get3A_882] {strides = array<i32>} : memref<128x128xf32, #tpu.memory_space<vmem>>, vector<16xf32>,
        %mul3A_884 = vector.broadcast %squeeze3A_828 : f32 to vector<16xf32>
        %mul3A_885 = arith.mulf %get3A_883, %mul3A_884 : vector<16xf32>
        %mul3A_886 = arith.constant 16 : i32
        %mul3A_887 = arith.muli %scan3A_45, %mul3A_886 : i32
        %add3A_888 = arith.constant 6 : i32
        %add3A_889 = arith.addi %mul3A_887, %add3A_888 : i32
        %swap3A_890 = arith.index_cast %add3A_889 : i32 to index
        %swap3A_891 = arith.constant 48 : index
        %swap3A_892 = tpu.vector_load %arg11[%swap3A_890, %swap3A_891] {strides = array<i32>} : memref<128x128xf32, #tpu.memory_space<vmem>>, vector<16xf32>,
        tpu.vector_store %arg11[%swap3A_890, %swap3A_891], %mul3A_885 {strides = array<i32>} : memref<128x128xf32, #tpu.memory_space<vmem>>, vector<16xf32>,
        %mul3A_893 = arith.constant 16 : i32
        %mul3A_894 = arith.muli %scan3A_45, %mul3A_893 : i32
        %add3A_895 = arith.constant 6 : i32
        %add3A_896 = arith.addi %mul3A_894, %add3A_895 : i32
        %get3A_897 = arith.index_cast %add3A_896 : i32 to index
        %get3A_898 = arith.constant 64 : index
        %get3A_899 = tpu.vector_load %arg11[%get3A_897, %get3A_898] {strides = array<i32>} : memref<128x128xf32, #tpu.memory_space<vmem>>, vector<16xf32>,
        %mul3A_900 = vector.broadcast %squeeze3A_828 : f32 to vector<16xf32>
        %mul3A_901 = arith.mulf %get3A_899, %mul3A_900 : vector<16xf32>
        %mul3A_902 = arith.constant 16 : i32
        %mul3A_903 = arith.muli %scan3A_45, %mul3A_902 : i32
        %add3A_904 = arith.constant 6 : i32
        %add3A_905 = arith.addi %mul3A_903, %add3A_904 : i32
        %swap3A_906 = arith.index_cast %add3A_905 : i32 to index
        %swap3A_907 = arith.constant 64 : index
        %swap3A_908 = tpu.vector_load %arg11[%swap3A_906, %swap3A_907] {strides = array<i32>} : memref<128x128xf32, #tpu.memory_space<vmem>>, vector<16xf32>,
        tpu.vector_store %arg11[%swap3A_906, %swap3A_907], %mul3A_901 {strides = array<i32>} : memref<128x128xf32, #tpu.memory_space<vmem>>, vector<16xf32>,
        %mul3A_909 = arith.constant 16 : i32
        %mul3A_910 = arith.muli %scan3A_45, %mul3A_909 : i32
        %add3A_911 = arith.constant 6 : i32
        %add3A_912 = arith.addi %mul3A_910, %add3A_911 : i32
        %get3A_913 = arith.index_cast %add3A_912 : i32 to index
        %get3A_914 = arith.constant 80 : index
        %get3A_915 = tpu.vector_load %arg11[%get3A_913, %get3A_914] {strides = array<i32>} : memref<128x128xf32, #tpu.memory_space<vmem>>, vector<16xf32>,
        %mul3A_916 = vector.broadcast %squeeze3A_828 : f32 to vector<16xf32>
        %mul3A_917 = arith.mulf %get3A_915, %mul3A_916 : vector<16xf32>
        %mul3A_918 = arith.constant 16 : i32
        %mul3A_919 = arith.muli %scan3A_45, %mul3A_918 : i32
        %add3A_920 = arith.constant 6 : i32
        %add3A_921 = arith.addi %mul3A_919, %add3A_920 : i32
        %swap3A_922 = arith.index_cast %add3A_921 : i32 to index
        %swap3A_923 = arith.constant 80 : index
        %swap3A_924 = tpu.vector_load %arg11[%swap3A_922, %swap3A_923] {strides = array<i32>} : memref<128x128xf32, #tpu.memory_space<vmem>>, vector<16xf32>,
        tpu.vector_store %arg11[%swap3A_922, %swap3A_923], %mul3A_917 {strides = array<i32>} : memref<128x128xf32, #tpu.memory_space<vmem>>, vector<16xf32>,
        %mul3A_925 = arith.constant 16 : i32
        %mul3A_926 = arith.muli %scan3A_45, %mul3A_925 : i32
        %add3A_927 = arith.constant 6 : i32
        %add3A_928 = arith.addi %mul3A_926, %add3A_927 : i32
        %get3A_929 = arith.index_cast %add3A_928 : i32 to index
        %get3A_930 = arith.constant 96 : index
        %get3A_931 = tpu.vector_load %arg11[%get3A_929, %get3A_930] {strides = array<i32>} : memref<128x128xf32, #tpu.memory_space<vmem>>, vector<16xf32>,
        %mul3A_932 = vector.broadcast %squeeze3A_828 : f32 to vector<16xf32>
        %mul3A_933 = arith.mulf %get3A_931, %mul3A_932 : vector<16xf32>
        %mul3A_934 = arith.constant 16 : i32
        %mul3A_935 = arith.muli %scan3A_45, %mul3A_934 : i32
        %add3A_936 = arith.constant 6 : i32
        %add3A_937 = arith.addi %mul3A_935, %add3A_936 : i32
        %swap3A_938 = arith.index_cast %add3A_937 : i32 to index
        %swap3A_939 = arith.constant 96 : index
        %swap3A_940 = tpu.vector_load %arg11[%swap3A_938, %swap3A_939] {strides = array<i32>} : memref<128x128xf32, #tpu.memory_space<vmem>>, vector<16xf32>,
        tpu.vector_store %arg11[%swap3A_938, %swap3A_939], %mul3A_933 {strides = array<i32>} : memref<128x128xf32, #tpu.memory_space<vmem>>, vector<16xf32>,
        %mul3A_941 = arith.constant 16 : i32
        %mul3A_942 = arith.muli %scan3A_45, %mul3A_941 : i32
        %add3A_943 = arith.constant 6 : i32
        %add3A_944 = arith.addi %mul3A_942, %add3A_943 : i32
        %get3A_945 = arith.index_cast %add3A_944 : i32 to index
        %get3A_946 = arith.constant 112 : index
        %get3A_947 = tpu.vector_load %arg11[%get3A_945, %get3A_946] {strides = array<i32>} : memref<128x128xf32, #tpu.memory_space<vmem>>, vector<16xf32>,
        %mul3A_948 = vector.broadcast %squeeze3A_828 : f32 to vector<16xf32>
        %mul3A_949 = arith.mulf %get3A_947, %mul3A_948 : vector<16xf32>
        %mul3A_950 = arith.constant 16 : i32
        %mul3A_951 = arith.muli %scan3A_45, %mul3A_950 : i32
        %add3A_952 = arith.constant 6 : i32
        %add3A_953 = arith.addi %mul3A_951, %add3A_952 : i32
        %swap3A_954 = arith.index_cast %add3A_953 : i32 to index
        %swap3A_955 = arith.constant 112 : index
        %swap3A_956 = tpu.vector_load %arg11[%swap3A_954, %swap3A_955] {strides = array<i32>} : memref<128x128xf32, #tpu.memory_space<vmem>>, vector<16xf32>,
        tpu.vector_store %arg11[%swap3A_954, %swap3A_955], %mul3A_949 {strides = array<i32>} : memref<128x128xf32, #tpu.memory_space<vmem>>, vector<16xf32>,
        %slice3A_957 = vector.extract_strided_slice %get3A_49 {offsets = [7], sizes = [1], strides = [1]} : vector<16xf32> to vector<1xf32>
        %squeeze3A_958 = vector.extract %slice3A_957[0] : f32 from vector<1xf32>
        %mul3A_959 = arith.constant 16 : i32
        %mul3A_960 = arith.muli %scan3A_45, %mul3A_959 : i32
        %add3A_961 = arith.constant 7 : i32
        %add3A_962 = arith.addi %mul3A_960, %add3A_961 : i32
        %get3A_963 = arith.index_cast %add3A_962 : i32 to index
        %get3A_964 = arith.constant 0 : index
        %get3A_965 = tpu.vector_load %arg11[%get3A_963, %get3A_964] {strides = array<i32>} : memref<128x128xf32, #tpu.memory_space<vmem>>, vector<16xf32>,
        %mul3A_966 = vector.broadcast %squeeze3A_958 : f32 to vector<16xf32>
        %mul3A_967 = arith.mulf %get3A_965, %mul3A_966 : vector<16xf32>
        %mul3A_968 = arith.constant 16 : i32
        %mul3A_969 = arith.muli %scan3A_45, %mul3A_968 : i32
        %add3A_970 = arith.constant 7 : i32
        %add3A_971 = arith.addi %mul3A_969, %add3A_970 : i32
        %swap3A_972 = arith.index_cast %add3A_971 : i32 to index
        %swap3A_973 = arith.constant 0 : index
        %swap3A_974 = tpu.vector_load %arg11[%swap3A_972, %swap3A_973] {strides = array<i32>} : memref<128x128xf32, #tpu.memory_space<vmem>>, vector<16xf32>,
        tpu.vector_store %arg11[%swap3A_972, %swap3A_973], %mul3A_967 {strides = array<i32>} : memref<128x128xf32, #tpu.memory_space<vmem>>, vector<16xf32>,
        %mul3A_975 = arith.constant 16 : i32
        %mul3A_976 = arith.muli %scan3A_45, %mul3A_975 : i32
        %add3A_977 = arith.constant 7 : i32
        %add3A_978 = arith.addi %mul3A_976, %add3A_977 : i32
        %get3A_979 = arith.index_cast %add3A_978 : i32 to index
        %get3A_980 = arith.constant 16 : index
        %get3A_981 = tpu.vector_load %arg11[%get3A_979, %get3A_980] {strides = array<i32>} : memref<128x128xf32, #tpu.memory_space<vmem>>, vector<16xf32>,
        %mul3A_982 = vector.broadcast %squeeze3A_958 : f32 to vector<16xf32>
        %mul3A_983 = arith.mulf %get3A_981, %mul3A_982 : vector<16xf32>
        %mul3A_984 = arith.constant 16 : i32
        %mul3A_985 = arith.muli %scan3A_45, %mul3A_984 : i32
        %add3A_986 = arith.constant 7 : i32
        %add3A_987 = arith.addi %mul3A_985, %add3A_986 : i32
        %swap3A_988 = arith.index_cast %add3A_987 : i32 to index
        %swap3A_989 = arith.constant 16 : index
        %swap3A_990 = tpu.vector_load %arg11[%swap3A_988, %swap3A_989] {strides = array<i32>} : memref<128x128xf32, #tpu.memory_space<vmem>>, vector<16xf32>,
        tpu.vector_store %arg11[%swap3A_988, %swap3A_989], %mul3A_983 {strides = array<i32>} : memref<128x128xf32, #tpu.memory_space<vmem>>, vector<16xf32>,
        %mul3A_991 = arith.constant 16 : i32
        %mul3A_992 = arith.muli %scan3A_45, %mul3A_991 : i32
        %add3A_993 = arith.constant 7 : i32
        %add3A_994 = arith.addi %mul3A_992, %add3A_993 : i32
        %get3A_995 = arith.index_cast %add3A_994 : i32 to index
        %get3A_996 = arith.constant 32 : index
        %get3A_997 = tpu.vector_load %arg11[%get3A_995, %get3A_996] {strides = array<i32>} : memref<128x128xf32, #tpu.memory_space<vmem>>, vector<16xf32>,
        %mul3A_998 = vector.broadcast %squeeze3A_958 : f32 to vector<16xf32>
        %mul3A_999 = arith.mulf %get3A_997, %mul3A_998 : vector<16xf32>
        %mul3A_1000 = arith.constant 16 : i32
        %mul3A_1001 = arith.muli %scan3A_45, %mul3A_1000 : i32
        %add3A_1002 = arith.constant 7 : i32
        %add3A_1003 = arith.addi %mul3A_1001, %add3A_1002 : i32
        %swap3A_1004 = arith.index_cast %add3A_1003 : i32 to index
        %swap3A_1005 = arith.constant 32 : index
        %swap3A_1006 = tpu.vector_load %arg11[%swap3A_1004, %swap3A_1005] {strides = array<i32>} : memref<128x128xf32, #tpu.memory_space<vmem>>, vector<16xf32>,
        tpu.vector_store %arg11[%swap3A_1004, %swap3A_1005], %mul3A_999 {strides = array<i32>} : memref<128x128xf32, #tpu.memory_space<vmem>>, vector<16xf32>,
        %mul3A_1007 = arith.constant 16 : i32
        %mul3A_1008 = arith.muli %scan3A_45, %mul3A_1007 : i32
        %add3A_1009 = arith.constant 7 : i32
        %add3A_1010 = arith.addi %mul3A_1008, %add3A_1009 : i32
        %get3A_1011 = arith.index_cast %add3A_1010 : i32 to index
        %get3A_1012 = arith.constant 48 : index
        %get3A_1013 = tpu.vector_load %arg11[%get3A_1011, %get3A_1012] {strides = array<i32>} : memref<128x128xf32, #tpu.memory_space<vmem>>, vector<16xf32>,
        %mul3A_1014 = vector.broadcast %squeeze3A_958 : f32 to vector<16xf32>
        %mul3A_1015 = arith.mulf %get3A_1013, %mul3A_1014 : vector<16xf32>
        %mul3A_1016 = arith.constant 16 : i32
        %mul3A_1017 = arith.muli %scan3A_45, %mul3A_1016 : i32
        %add3A_1018 = arith.constant 7 : i32
        %add3A_1019 = arith.addi %mul3A_1017, %add3A_1018 : i32
        %swap3A_1020 = arith.index_cast %add3A_1019 : i32 to index
        %swap3A_1021 = arith.constant 48 : index
        %swap3A_1022 = tpu.vector_load %arg11[%swap3A_1020, %swap3A_1021] {strides = array<i32>} : memref<128x128xf32, #tpu.memory_space<vmem>>, vector<16xf32>,
        tpu.vector_store %arg11[%swap3A_1020, %swap3A_1021], %mul3A_1015 {strides = array<i32>} : memref<128x128xf32, #tpu.memory_space<vmem>>, vector<16xf32>,
        %mul3A_1023 = arith.constant 16 : i32
        %mul3A_1024 = arith.muli %scan3A_45, %mul3A_1023 : i32
        %add3A_1025 = arith.constant 7 : i32
        %add3A_1026 = arith.addi %mul3A_1024, %add3A_1025 : i32
        %get3A_1027 = arith.index_cast %add3A_1026 : i32 to index
        %get3A_1028 = arith.constant 64 : index
        %get3A_1029 = tpu.vector_load %arg11[%get3A_1027, %get3A_1028] {strides = array<i32>} : memref<128x128xf32, #tpu.memory_space<vmem>>, vector<16xf32>,
        %mul3A_1030 = vector.broadcast %squeeze3A_958 : f32 to vector<16xf32>
        %mul3A_1031 = arith.mulf %get3A_1029, %mul3A_1030 : vector<16xf32>
        %mul3A_1032 = arith.constant 16 : i32
        %mul3A_1033 = arith.muli %scan3A_45, %mul3A_1032 : i32
        %add3A_1034 = arith.constant 7 : i32
        %add3A_1035 = arith.addi %mul3A_1033, %add3A_1034 : i32
        %swap3A_1036 = arith.index_cast %add3A_1035 : i32 to index
        %swap3A_1037 = arith.constant 64 : index
        %swap3A_1038 = tpu.vector_load %arg11[%swap3A_1036, %swap3A_1037] {strides = array<i32>} : memref<128x128xf32, #tpu.memory_space<vmem>>, vector<16xf32>,
        tpu.vector_store %arg11[%swap3A_1036, %swap3A_1037], %mul3A_1031 {strides = array<i32>} : memref<128x128xf32, #tpu.memory_space<vmem>>, vector<16xf32>,
        %mul3A_1039 = arith.constant 16 : i32
        %mul3A_1040 = arith.muli %scan3A_45, %mul3A_1039 : i32
        %add3A_1041 = arith.constant 7 : i32
        %add3A_1042 = arith.addi %mul3A_1040, %add3A_1041 : i32
        %get3A_1043 = arith.index_cast %add3A_1042 : i32 to index
        %get3A_1044 = arith.constant 80 : index
        %get3A_1045 = tpu.vector_load %arg11[%get3A_1043, %get3A_1044] {strides = array<i32>} : memref<128x128xf32, #tpu.memory_space<vmem>>, vector<16xf32>,
        %mul3A_1046 = vector.broadcast %squeeze3A_958 : f32 to vector<16xf32>
        %mul3A_1047 = arith.mulf %get3A_1045, %mul3A_1046 : vector<16xf32>
        %mul3A_1048 = arith.constant 16 : i32
        %mul3A_1049 = arith.muli %scan3A_45, %mul3A_1048 : i32
        %add3A_1050 = arith.constant 7 : i32
        %add3A_1051 = arith.addi %mul3A_1049, %add3A_1050 : i32
        %swap3A_1052 = arith.index_cast %add3A_1051 : i32 to index
        %swap3A_1053 = arith.constant 80 : index
        %swap3A_1054 = tpu.vector_load %arg11[%swap3A_1052, %swap3A_1053] {strides = array<i32>} : memref<128x128xf32, #tpu.memory_space<vmem>>, vector<16xf32>,
        tpu.vector_store %arg11[%swap3A_1052, %swap3A_1053], %mul3A_1047 {strides = array<i32>} : memref<128x128xf32, #tpu.memory_space<vmem>>, vector<16xf32>,
        %mul3A_1055 = arith.constant 16 : i32
        %mul3A_1056 = arith.muli %scan3A_45, %mul3A_1055 : i32
        %add3A_1057 = arith.constant 7 : i32
        %add3A_1058 = arith.addi %mul3A_1056, %add3A_1057 : i32
        %get3A_1059 = arith.index_cast %add3A_1058 : i32 to index
        %get3A_1060 = arith.constant 96 : index
        %get3A_1061 = tpu.vector_load %arg11[%get3A_1059, %get3A_1060] {strides = array<i32>} : memref<128x128xf32, #tpu.memory_space<vmem>>, vector<16xf32>,
        %mul3A_1062 = vector.broadcast %squeeze3A_958 : f32 to vector<16xf32>
        %mul3A_1063 = arith.mulf %get3A_1061, %mul3A_1062 : vector<16xf32>
        %mul3A_1064 = arith.constant 16 : i32
        %mul3A_1065 = arith.muli %scan3A_45, %mul3A_1064 : i32
        %add3A_1066 = arith.constant 7 : i32
        %add3A_1067 = arith.addi %mul3A_1065, %add3A_1066 : i32
        %swap3A_1068 = arith.index_cast %add3A_1067 : i32 to index
        %swap3A_1069 = arith.constant 96 : index
        %swap3A_1070 = tpu.vector_load %arg11[%swap3A_1068, %swap3A_1069] {strides = array<i32>} : memref<128x128xf32, #tpu.memory_space<vmem>>, vector<16xf32>,
        tpu.vector_store %arg11[%swap3A_1068, %swap3A_1069], %mul3A_1063 {strides = array<i32>} : memref<128x128xf32, #tpu.memory_space<vmem>>, vector<16xf32>,
        %mul3A_1071 = arith.constant 16 : i32
        %mul3A_1072 = arith.muli %scan3A_45, %mul3A_1071 : i32
        %add3A_1073 = arith.constant 7 : i32
        %add3A_1074 = arith.addi %mul3A_1072, %add3A_1073 : i32
        %get3A_1075 = arith.index_cast %add3A_1074 : i32 to index
        %get3A_1076 = arith.constant 112 : index
        %get3A_1077 = tpu.vector_load %arg11[%get3A_1075, %get3A_1076] {strides = array<i32>} : memref<128x128xf32, #tpu.memory_space<vmem>>, vector<16xf32>,
        %mul3A_1078 = vector.broadcast %squeeze3A_958 : f32 to vector<16xf32>
        %mul3A_1079 = arith.mulf %get3A_1077, %mul3A_1078 : vector<16xf32>
        %mul3A_1080 = arith.constant 16 : i32
        %mul3A_1081 = arith.muli %scan3A_45, %mul3A_1080 : i32
        %add3A_1082 = arith.constant 7 : i32
        %add3A_1083 = arith.addi %mul3A_1081, %add3A_1082 : i32
        %swap3A_1084 = arith.index_cast %add3A_1083 : i32 to index
        %swap3A_1085 = arith.constant 112 : index
        %swap3A_1086 = tpu.vector_load %arg11[%swap3A_1084, %swap3A_1085] {strides = array<i32>} : memref<128x128xf32, #tpu.memory_space<vmem>>, vector<16xf32>,
        tpu.vector_store %arg11[%swap3A_1084, %swap3A_1085], %mul3A_1079 {strides = array<i32>} : memref<128x128xf32, #tpu.memory_space<vmem>>, vector<16xf32>,
        %slice3A_1087 = vector.extract_strided_slice %get3A_49 {offsets = [8], sizes = [1], strides = [1]} : vector<16xf32> to vector<1xf32>
        %squeeze3A_1088 = vector.extract %slice3A_1087[0] : f32 from vector<1xf32>
        %mul3A_1089 = arith.constant 16 : i32
        %mul3A_1090 = arith.muli %scan3A_45, %mul3A_1089 : i32
        %add3A_1091 = arith.constant 8 : i32
        %add3A_1092 = arith.addi %mul3A_1090, %add3A_1091 : i32
        %get3A_1093 = arith.index_cast %add3A_1092 : i32 to index
        %get3A_1094 = arith.constant 0 : index
        %get3A_1095 = tpu.vector_load %arg11[%get3A_1093, %get3A_1094] {strides = array<i32>} : memref<128x128xf32, #tpu.memory_space<vmem>>, vector<16xf32>,
        %mul3A_1096 = vector.broadcast %squeeze3A_1088 : f32 to vector<16xf32>
        %mul3A_1097 = arith.mulf %get3A_1095, %mul3A_1096 : vector<16xf32>
        %mul3A_1098 = arith.constant 16 : i32
        %mul3A_1099 = arith.muli %scan3A_45, %mul3A_1098 : i32
        %add3A_1100 = arith.constant 8 : i32
        %add3A_1101 = arith.addi %mul3A_1099, %add3A_1100 : i32
        %swap3A_1102 = arith.index_cast %add3A_1101 : i32 to index
        %swap3A_1103 = arith.constant 0 : index
        %swap3A_1104 = tpu.vector_load %arg11[%swap3A_1102, %swap3A_1103] {strides = array<i32>} : memref<128x128xf32, #tpu.memory_space<vmem>>, vector<16xf32>,
        tpu.vector_store %arg11[%swap3A_1102, %swap3A_1103], %mul3A_1097 {strides = array<i32>} : memref<128x128xf32, #tpu.memory_space<vmem>>, vector<16xf32>,
        %mul3A_1105 = arith.constant 16 : i32
        %mul3A_1106 = arith.muli %scan3A_45, %mul3A_1105 : i32
        %add3A_1107 = arith.constant 8 : i32
        %add3A_1108 = arith.addi %mul3A_1106, %add3A_1107 : i32
        %get3A_1109 = arith.index_cast %add3A_1108 : i32 to index
        %get3A_1110 = arith.constant 16 : index
        %get3A_1111 = tpu.vector_load %arg11[%get3A_1109, %get3A_1110] {strides = array<i32>} : memref<128x128xf32, #tpu.memory_space<vmem>>, vector<16xf32>,
        %mul3A_1112 = vector.broadcast %squeeze3A_1088 : f32 to vector<16xf32>
        %mul3A_1113 = arith.mulf %get3A_1111, %mul3A_1112 : vector<16xf32>
        %mul3A_1114 = arith.constant 16 : i32
        %mul3A_1115 = arith.muli %scan3A_45, %mul3A_1114 : i32
        %add3A_1116 = arith.constant 8 : i32
        %add3A_1117 = arith.addi %mul3A_1115, %add3A_1116 : i32
        %swap3A_1118 = arith.index_cast %add3A_1117 : i32 to index
        %swap3A_1119 = arith.constant 16 : index
        %swap3A_1120 = tpu.vector_load %arg11[%swap3A_1118, %swap3A_1119] {strides = array<i32>} : memref<128x128xf32, #tpu.memory_space<vmem>>, vector<16xf32>,
        tpu.vector_store %arg11[%swap3A_1118, %swap3A_1119], %mul3A_1113 {strides = array<i32>} : memref<128x128xf32, #tpu.memory_space<vmem>>, vector<16xf32>,
        %mul3A_1121 = arith.constant 16 : i32
        %mul3A_1122 = arith.muli %scan3A_45, %mul3A_1121 : i32
        %add3A_1123 = arith.constant 8 : i32
        %add3A_1124 = arith.addi %mul3A_1122, %add3A_1123 : i32
        %get3A_1125 = arith.index_cast %add3A_1124 : i32 to index
        %get3A_1126 = arith.constant 32 : index
        %get3A_1127 = tpu.vector_load %arg11[%get3A_1125, %get3A_1126] {strides = array<i32>} : memref<128x128xf32, #tpu.memory_space<vmem>>, vector<16xf32>,
        %mul3A_1128 = vector.broadcast %squeeze3A_1088 : f32 to vector<16xf32>
        %mul3A_1129 = arith.mulf %get3A_1127, %mul3A_1128 : vector<16xf32>
        %mul3A_1130 = arith.constant 16 : i32
        %mul3A_1131 = arith.muli %scan3A_45, %mul3A_1130 : i32
        %add3A_1132 = arith.constant 8 : i32
        %add3A_1133 = arith.addi %mul3A_1131, %add3A_1132 : i32
        %swap3A_1134 = arith.index_cast %add3A_1133 : i32 to index
        %swap3A_1135 = arith.constant 32 : index
        %swap3A_1136 = tpu.vector_load %arg11[%swap3A_1134, %swap3A_1135] {strides = array<i32>} : memref<128x128xf32, #tpu.memory_space<vmem>>, vector<16xf32>,
        tpu.vector_store %arg11[%swap3A_1134, %swap3A_1135], %mul3A_1129 {strides = array<i32>} : memref<128x128xf32, #tpu.memory_space<vmem>>, vector<16xf32>,
        %mul3A_1137 = arith.constant 16 : i32
        %mul3A_1138 = arith.muli %scan3A_45, %mul3A_1137 : i32
        %add3A_1139 = arith.constant 8 : i32
        %add3A_1140 = arith.addi %mul3A_1138, %add3A_1139 : i32
        %get3A_1141 = arith.index_cast %add3A_1140 : i32 to index
        %get3A_1142 = arith.constant 48 : index
        %get3A_1143 = tpu.vector_load %arg11[%get3A_1141, %get3A_1142] {strides = array<i32>} : memref<128x128xf32, #tpu.memory_space<vmem>>, vector<16xf32>,
        %mul3A_1144 = vector.broadcast %squeeze3A_1088 : f32 to vector<16xf32>
        %mul3A_1145 = arith.mulf %get3A_1143, %mul3A_1144 : vector<16xf32>
        %mul3A_1146 = arith.constant 16 : i32
        %mul3A_1147 = arith.muli %scan3A_45, %mul3A_1146 : i32
        %add3A_1148 = arith.constant 8 : i32
        %add3A_1149 = arith.addi %mul3A_1147, %add3A_1148 : i32
        %swap3A_1150 = arith.index_cast %add3A_1149 : i32 to index
        %swap3A_1151 = arith.constant 48 : index
        %swap3A_1152 = tpu.vector_load %arg11[%swap3A_1150, %swap3A_1151] {strides = array<i32>} : memref<128x128xf32, #tpu.memory_space<vmem>>, vector<16xf32>,
        tpu.vector_store %arg11[%swap3A_1150, %swap3A_1151], %mul3A_1145 {strides = array<i32>} : memref<128x128xf32, #tpu.memory_space<vmem>>, vector<16xf32>,
        %mul3A_1153 = arith.constant 16 : i32
        %mul3A_1154 = arith.muli %scan3A_45, %mul3A_1153 : i32
        %add3A_1155 = arith.constant 8 : i32
        %add3A_1156 = arith.addi %mul3A_1154, %add3A_1155 : i32
        %get3A_1157 = arith.index_cast %add3A_1156 : i32 to index
        %get3A_1158 = arith.constant 64 : index
        %get3A_1159 = tpu.vector_load %arg11[%get3A_1157, %get3A_1158] {strides = array<i32>} : memref<128x128xf32, #tpu.memory_space<vmem>>, vector<16xf32>,
        %mul3A_1160 = vector.broadcast %squeeze3A_1088 : f32 to vector<16xf32>
        %mul3A_1161 = arith.mulf %get3A_1159, %mul3A_1160 : vector<16xf32>
        %mul3A_1162 = arith.constant 16 : i32
        %mul3A_1163 = arith.muli %scan3A_45, %mul3A_1162 : i32
        %add3A_1164 = arith.constant 8 : i32
        %add3A_1165 = arith.addi %mul3A_1163, %add3A_1164 : i32
        %swap3A_1166 = arith.index_cast %add3A_1165 : i32 to index
        %swap3A_1167 = arith.constant 64 : index
        %swap3A_1168 = tpu.vector_load %arg11[%swap3A_1166, %swap3A_1167] {strides = array<i32>} : memref<128x128xf32, #tpu.memory_space<vmem>>, vector<16xf32>,
        tpu.vector_store %arg11[%swap3A_1166, %swap3A_1167], %mul3A_1161 {strides = array<i32>} : memref<128x128xf32, #tpu.memory_space<vmem>>, vector<16xf32>,
        %mul3A_1169 = arith.constant 16 : i32
        %mul3A_1170 = arith.muli %scan3A_45, %mul3A_1169 : i32
        %add3A_1171 = arith.constant 8 : i32
        %add3A_1172 = arith.addi %mul3A_1170, %add3A_1171 : i32
        %get3A_1173 = arith.index_cast %add3A_1172 : i32 to index
        %get3A_1174 = arith.constant 80 : index
        %get3A_1175 = tpu.vector_load %arg11[%get3A_1173, %get3A_1174] {strides = array<i32>} : memref<128x128xf32, #tpu.memory_space<vmem>>, vector<16xf32>,
        %mul3A_1176 = vector.broadcast %squeeze3A_1088 : f32 to vector<16xf32>
        %mul3A_1177 = arith.mulf %get3A_1175, %mul3A_1176 : vector<16xf32>
        %mul3A_1178 = arith.constant 16 : i32
        %mul3A_1179 = arith.muli %scan3A_45, %mul3A_1178 : i32
        %add3A_1180 = arith.constant 8 : i32
        %add3A_1181 = arith.addi %mul3A_1179, %add3A_1180 : i32
        %swap3A_1182 = arith.index_cast %add3A_1181 : i32 to index
        %swap3A_1183 = arith.constant 80 : index
        %swap3A_1184 = tpu.vector_load %arg11[%swap3A_1182, %swap3A_1183] {strides = array<i32>} : memref<128x128xf32, #tpu.memory_space<vmem>>, vector<16xf32>,
        tpu.vector_store %arg11[%swap3A_1182, %swap3A_1183], %mul3A_1177 {strides = array<i32>} : memref<128x128xf32, #tpu.memory_space<vmem>>, vector<16xf32>,
        %mul3A_1185 = arith.constant 16 : i32
        %mul3A_1186 = arith.muli %scan3A_45, %mul3A_1185 : i32
        %add3A_1187 = arith.constant 8 : i32
        %add3A_1188 = arith.addi %mul3A_1186, %add3A_1187 : i32
        %get3A_1189 = arith.index_cast %add3A_1188 : i32 to index
        %get3A_1190 = arith.constant 96 : index
        %get3A_1191 = tpu.vector_load %arg11[%get3A_1189, %get3A_1190] {strides = array<i32>} : memref<128x128xf32, #tpu.memory_space<vmem>>, vector<16xf32>,
        %mul3A_1192 = vector.broadcast %squeeze3A_1088 : f32 to vector<16xf32>
        %mul3A_1193 = arith.mulf %get3A_1191, %mul3A_1192 : vector<16xf32>
        %mul3A_1194 = arith.constant 16 : i32
        %mul3A_1195 = arith.muli %scan3A_45, %mul3A_1194 : i32
        %add3A_1196 = arith.constant 8 : i32
        %add3A_1197 = arith.addi %mul3A_1195, %add3A_1196 : i32
        %swap3A_1198 = arith.index_cast %add3A_1197 : i32 to index
        %swap3A_1199 = arith.constant 96 : index
        %swap3A_1200 = tpu.vector_load %arg11[%swap3A_1198, %swap3A_1199] {strides = array<i32>} : memref<128x128xf32, #tpu.memory_space<vmem>>, vector<16xf32>,
        tpu.vector_store %arg11[%swap3A_1198, %swap3A_1199], %mul3A_1193 {strides = array<i32>} : memref<128x128xf32, #tpu.memory_space<vmem>>, vector<16xf32>,
        %mul3A_1201 = arith.constant 16 : i32
        %mul3A_1202 = arith.muli %scan3A_45, %mul3A_1201 : i32
        %add3A_1203 = arith.constant 8 : i32
        %add3A_1204 = arith.addi %mul3A_1202, %add3A_1203 : i32
        %get3A_1205 = arith.index_cast %add3A_1204 : i32 to index
        %get3A_1206 = arith.constant 112 : index
        %get3A_1207 = tpu.vector_load %arg11[%get3A_1205, %get3A_1206] {strides = array<i32>} : memref<128x128xf32, #tpu.memory_space<vmem>>, vector<16xf32>,
        %mul3A_1208 = vector.broadcast %squeeze3A_1088 : f32 to vector<16xf32>
        %mul3A_1209 = arith.mulf %get3A_1207, %mul3A_1208 : vector<16xf32>
        %mul3A_1210 = arith.constant 16 : i32
        %mul3A_1211 = arith.muli %scan3A_45, %mul3A_1210 : i32
        %add3A_1212 = arith.constant 8 : i32
        %add3A_1213 = arith.addi %mul3A_1211, %add3A_1212 : i32
        %swap3A_1214 = arith.index_cast %add3A_1213 : i32 to index
        %swap3A_1215 = arith.constant 112 : index
        %swap3A_1216 = tpu.vector_load %arg11[%swap3A_1214, %swap3A_1215] {strides = array<i32>} : memref<128x128xf32, #tpu.memory_space<vmem>>, vector<16xf32>,
        tpu.vector_store %arg11[%swap3A_1214, %swap3A_1215], %mul3A_1209 {strides = array<i32>} : memref<128x128xf32, #tpu.memory_space<vmem>>, vector<16xf32>,
        %slice3A_1217 = vector.extract_strided_slice %get3A_49 {offsets = [9], sizes = [1], strides = [1]} : vector<16xf32> to vector<1xf32>
        %squeeze3A_1218 = vector.extract %slice3A_1217[0] : f32 from vector<1xf32>
        %mul3A_1219 = arith.constant 16 : i32
        %mul3A_1220 = arith.muli %scan3A_45, %mul3A_1219 : i32
        %add3A_1221 = arith.constant 9 : i32
        %add3A_1222 = arith.addi %mul3A_1220, %add3A_1221 : i32
        %get3A_1223 = arith.index_cast %add3A_1222 : i32 to index
        %get3A_1224 = arith.constant 0 : index
        %get3A_1225 = tpu.vector_load %arg11[%get3A_1223, %get3A_1224] {strides = array<i32>} : memref<128x128xf32, #tpu.memory_space<vmem>>, vector<16xf32>,
        %mul3A_1226 = vector.broadcast %squeeze3A_1218 : f32 to vector<16xf32>
        %mul3A_1227 = arith.mulf %get3A_1225, %mul3A_1226 : vector<16xf32>
        %mul3A_1228 = arith.constant 16 : i32
        %mul3A_1229 = arith.muli %scan3A_45, %mul3A_1228 : i32
        %add3A_1230 = arith.constant 9 : i32
        %add3A_1231 = arith.addi %mul3A_1229, %add3A_1230 : i32
        %swap3A_1232 = arith.index_cast %add3A_1231 : i32 to index
        %swap3A_1233 = arith.constant 0 : index
        %swap3A_1234 = tpu.vector_load %arg11[%swap3A_1232, %swap3A_1233] {strides = array<i32>} : memref<128x128xf32, #tpu.memory_space<vmem>>, vector<16xf32>,
        tpu.vector_store %arg11[%swap3A_1232, %swap3A_1233], %mul3A_1227 {strides = array<i32>} : memref<128x128xf32, #tpu.memory_space<vmem>>, vector<16xf32>,
        %mul3A_1235 = arith.constant 16 : i32
        %mul3A_1236 = arith.muli %scan3A_45, %mul3A_1235 : i32
        %add3A_1237 = arith.constant 9 : i32
        %add3A_1238 = arith.addi %mul3A_1236, %add3A_1237 : i32
        %get3A_1239 = arith.index_cast %add3A_1238 : i32 to index
        %get3A_1240 = arith.constant 16 : index
        %get3A_1241 = tpu.vector_load %arg11[%get3A_1239, %get3A_1240] {strides = array<i32>} : memref<128x128xf32, #tpu.memory_space<vmem>>, vector<16xf32>,
        %mul3A_1242 = vector.broadcast %squeeze3A_1218 : f32 to vector<16xf32>
        %mul3A_1243 = arith.mulf %get3A_1241, %mul3A_1242 : vector<16xf32>
        %mul3A_1244 = arith.constant 16 : i32
        %mul3A_1245 = arith.muli %scan3A_45, %mul3A_1244 : i32
        %add3A_1246 = arith.constant 9 : i32
        %add3A_1247 = arith.addi %mul3A_1245, %add3A_1246 : i32
        %swap3A_1248 = arith.index_cast %add3A_1247 : i32 to index
        %swap3A_1249 = arith.constant 16 : index
        %swap3A_1250 = tpu.vector_load %arg11[%swap3A_1248, %swap3A_1249] {strides = array<i32>} : memref<128x128xf32, #tpu.memory_space<vmem>>, vector<16xf32>,
        tpu.vector_store %arg11[%swap3A_1248, %swap3A_1249], %mul3A_1243 {strides = array<i32>} : memref<128x128xf32, #tpu.memory_space<vmem>>, vector<16xf32>,
        %mul3A_1251 = arith.constant 16 : i32
        %mul3A_1252 = arith.muli %scan3A_45, %mul3A_1251 : i32
        %add3A_1253 = arith.constant 9 : i32
        %add3A_1254 = arith.addi %mul3A_1252, %add3A_1253 : i32
        %get3A_1255 = arith.index_cast %add3A_1254 : i32 to index
        %get3A_1256 = arith.constant 32 : index
        %get3A_1257 = tpu.vector_load %arg11[%get3A_1255, %get3A_1256] {strides = array<i32>} : memref<128x128xf32, #tpu.memory_space<vmem>>, vector<16xf32>,
        %mul3A_1258 = vector.broadcast %squeeze3A_1218 : f32 to vector<16xf32>
        %mul3A_1259 = arith.mulf %get3A_1257, %mul3A_1258 : vector<16xf32>
        %mul3A_1260 = arith.constant 16 : i32
        %mul3A_1261 = arith.muli %scan3A_45, %mul3A_1260 : i32
        %add3A_1262 = arith.constant 9 : i32
        %add3A_1263 = arith.addi %mul3A_1261, %add3A_1262 : i32
        %swap3A_1264 = arith.index_cast %add3A_1263 : i32 to index
        %swap3A_1265 = arith.constant 32 : index
        %swap3A_1266 = tpu.vector_load %arg11[%swap3A_1264, %swap3A_1265] {strides = array<i32>} : memref<128x128xf32, #tpu.memory_space<vmem>>, vector<16xf32>,
        tpu.vector_store %arg11[%swap3A_1264, %swap3A_1265], %mul3A_1259 {strides = array<i32>} : memref<128x128xf32, #tpu.memory_space<vmem>>, vector<16xf32>,
        %mul3A_1267 = arith.constant 16 : i32
        %mul3A_1268 = arith.muli %scan3A_45, %mul3A_1267 : i32
        %add3A_1269 = arith.constant 9 : i32
        %add3A_1270 = arith.addi %mul3A_1268, %add3A_1269 : i32
        %get3A_1271 = arith.index_cast %add3A_1270 : i32 to index
        %get3A_1272 = arith.constant 48 : index
        %get3A_1273 = tpu.vector_load %arg11[%get3A_1271, %get3A_1272] {strides = array<i32>} : memref<128x128xf32, #tpu.memory_space<vmem>>, vector<16xf32>,
        %mul3A_1274 = vector.broadcast %squeeze3A_1218 : f32 to vector<16xf32>
        %mul3A_1275 = arith.mulf %get3A_1273, %mul3A_1274 : vector<16xf32>
        %mul3A_1276 = arith.constant 16 : i32
        %mul3A_1277 = arith.muli %scan3A_45, %mul3A_1276 : i32
        %add3A_1278 = arith.constant 9 : i32
        %add3A_1279 = arith.addi %mul3A_1277, %add3A_1278 : i32
        %swap3A_1280 = arith.index_cast %add3A_1279 : i32 to index
        %swap3A_1281 = arith.constant 48 : index
        %swap3A_1282 = tpu.vector_load %arg11[%swap3A_1280, %swap3A_1281] {strides = array<i32>} : memref<128x128xf32, #tpu.memory_space<vmem>>, vector<16xf32>,
        tpu.vector_store %arg11[%swap3A_1280, %swap3A_1281], %mul3A_1275 {strides = array<i32>} : memref<128x128xf32, #tpu.memory_space<vmem>>, vector<16xf32>,
        %mul3A_1283 = arith.constant 16 : i32
        %mul3A_1284 = arith.muli %scan3A_45, %mul3A_1283 : i32
        %add3A_1285 = arith.constant 9 : i32
        %add3A_1286 = arith.addi %mul3A_1284, %add3A_1285 : i32
        %get3A_1287 = arith.index_cast %add3A_1286 : i32 to index
        %get3A_1288 = arith.constant 64 : index
        %get3A_1289 = tpu.vector_load %arg11[%get3A_1287, %get3A_1288] {strides = array<i32>} : memref<128x128xf32, #tpu.memory_space<vmem>>, vector<16xf32>,
        %mul3A_1290 = vector.broadcast %squeeze3A_1218 : f32 to vector<16xf32>
        %mul3A_1291 = arith.mulf %get3A_1289, %mul3A_1290 : vector<16xf32>
        %mul3A_1292 = arith.constant 16 : i32
        %mul3A_1293 = arith.muli %scan3A_45, %mul3A_1292 : i32
        %add3A_1294 = arith.constant 9 : i32
        %add3A_1295 = arith.addi %mul3A_1293, %add3A_1294 : i32
        %swap3A_1296 = arith.index_cast %add3A_1295 : i32 to index
        %swap3A_1297 = arith.constant 64 : index
        %swap3A_1298 = tpu.vector_load %arg11[%swap3A_1296, %swap3A_1297] {strides = array<i32>} : memref<128x128xf32, #tpu.memory_space<vmem>>, vector<16xf32>,
        tpu.vector_store %arg11[%swap3A_1296, %swap3A_1297], %mul3A_1291 {strides = array<i32>} : memref<128x128xf32, #tpu.memory_space<vmem>>, vector<16xf32>,
        %mul3A_1299 = arith.constant 16 : i32
        %mul3A_1300 = arith.muli %scan3A_45, %mul3A_1299 : i32
        %add3A_1301 = arith.constant 9 : i32
        %add3A_1302 = arith.addi %mul3A_1300, %add3A_1301 : i32
        %get3A_1303 = arith.index_cast %add3A_1302 : i32 to index
        %get3A_1304 = arith.constant 80 : index
        %get3A_1305 = tpu.vector_load %arg11[%get3A_1303, %get3A_1304] {strides = array<i32>} : memref<128x128xf32, #tpu.memory_space<vmem>>, vector<16xf32>,
        %mul3A_1306 = vector.broadcast %squeeze3A_1218 : f32 to vector<16xf32>
        %mul3A_1307 = arith.mulf %get3A_1305, %mul3A_1306 : vector<16xf32>
        %mul3A_1308 = arith.constant 16 : i32
        %mul3A_1309 = arith.muli %scan3A_45, %mul3A_1308 : i32
        %add3A_1310 = arith.constant 9 : i32
        %add3A_1311 = arith.addi %mul3A_1309, %add3A_1310 : i32
        %swap3A_1312 = arith.index_cast %add3A_1311 : i32 to index
        %swap3A_1313 = arith.constant 80 : index
        %swap3A_1314 = tpu.vector_load %arg11[%swap3A_1312, %swap3A_1313] {strides = array<i32>} : memref<128x128xf32, #tpu.memory_space<vmem>>, vector<16xf32>,
        tpu.vector_store %arg11[%swap3A_1312, %swap3A_1313], %mul3A_1307 {strides = array<i32>} : memref<128x128xf32, #tpu.memory_space<vmem>>, vector<16xf32>,
        %mul3A_1315 = arith.constant 16 : i32
        %mul3A_1316 = arith.muli %scan3A_45, %mul3A_1315 : i32
        %add3A_1317 = arith.constant 9 : i32
        %add3A_1318 = arith.addi %mul3A_1316, %add3A_1317 : i32
        %get3A_1319 = arith.index_cast %add3A_1318 : i32 to index
        %get3A_1320 = arith.constant 96 : index
        %get3A_1321 = tpu.vector_load %arg11[%get3A_1319, %get3A_1320] {strides = array<i32>} : memref<128x128xf32, #tpu.memory_space<vmem>>, vector<16xf32>,
        %mul3A_1322 = vector.broadcast %squeeze3A_1218 : f32 to vector<16xf32>
        %mul3A_1323 = arith.mulf %get3A_1321, %mul3A_1322 : vector<16xf32>
        %mul3A_1324 = arith.constant 16 : i32
        %mul3A_1325 = arith.muli %scan3A_45, %mul3A_1324 : i32
        %add3A_1326 = arith.constant 9 : i32
        %add3A_1327 = arith.addi %mul3A_1325, %add3A_1326 : i32
        %swap3A_1328 = arith.index_cast %add3A_1327 : i32 to index
        %swap3A_1329 = arith.constant 96 : index
        %swap3A_1330 = tpu.vector_load %arg11[%swap3A_1328, %swap3A_1329] {strides = array<i32>} : memref<128x128xf32, #tpu.memory_space<vmem>>, vector<16xf32>,
        tpu.vector_store %arg11[%swap3A_1328, %swap3A_1329], %mul3A_1323 {strides = array<i32>} : memref<128x128xf32, #tpu.memory_space<vmem>>, vector<16xf32>,
        %mul3A_1331 = arith.constant 16 : i32
        %mul3A_1332 = arith.muli %scan3A_45, %mul3A_1331 : i32
        %add3A_1333 = arith.constant 9 : i32
        %add3A_1334 = arith.addi %mul3A_1332, %add3A_1333 : i32
        %get3A_1335 = arith.index_cast %add3A_1334 : i32 to index
        %get3A_1336 = arith.constant 112 : index
        %get3A_1337 = tpu.vector_load %arg11[%get3A_1335, %get3A_1336] {strides = array<i32>} : memref<128x128xf32, #tpu.memory_space<vmem>>, vector<16xf32>,
        %mul3A_1338 = vector.broadcast %squeeze3A_1218 : f32 to vector<16xf32>
        %mul3A_1339 = arith.mulf %get3A_1337, %mul3A_1338 : vector<16xf32>
        %mul3A_1340 = arith.constant 16 : i32
        %mul3A_1341 = arith.muli %scan3A_45, %mul3A_1340 : i32
        %add3A_1342 = arith.constant 9 : i32
        %add3A_1343 = arith.addi %mul3A_1341, %add3A_1342 : i32
        %swap3A_1344 = arith.index_cast %add3A_1343 : i32 to index
        %swap3A_1345 = arith.constant 112 : index
        %swap3A_1346 = tpu.vector_load %arg11[%swap3A_1344, %swap3A_1345] {strides = array<i32>} : memref<128x128xf32, #tpu.memory_space<vmem>>, vector<16xf32>,
        tpu.vector_store %arg11[%swap3A_1344, %swap3A_1345], %mul3A_1339 {strides = array<i32>} : memref<128x128xf32, #tpu.memory_space<vmem>>, vector<16xf32>,
        %slice3A_1347 = vector.extract_strided_slice %get3A_49 {offsets = [10], sizes = [1], strides = [1]} : vector<16xf32> to vector<1xf32>
        %squeeze3A_1348 = vector.extract %slice3A_1347[0] : f32 from vector<1xf32>
        %mul3A_1349 = arith.constant 16 : i32
        %mul3A_1350 = arith.muli %scan3A_45, %mul3A_1349 : i32
        %add3A_1351 = arith.constant 10 : i32
        %add3A_1352 = arith.addi %mul3A_1350, %add3A_1351 : i32
        %get3A_1353 = arith.index_cast %add3A_1352 : i32 to index
        %get3A_1354 = arith.constant 0 : index
        %get3A_1355 = tpu.vector_load %arg11[%get3A_1353, %get3A_1354] {strides = array<i32>} : memref<128x128xf32, #tpu.memory_space<vmem>>, vector<16xf32>,
        %mul3A_1356 = vector.broadcast %squeeze3A_1348 : f32 to vector<16xf32>
        %mul3A_1357 = arith.mulf %get3A_1355, %mul3A_1356 : vector<16xf32>
        %mul3A_1358 = arith.constant 16 : i32
        %mul3A_1359 = arith.muli %scan3A_45, %mul3A_1358 : i32
        %add3A_1360 = arith.constant 10 : i32
        %add3A_1361 = arith.addi %mul3A_1359, %add3A_1360 : i32
        %swap3A_1362 = arith.index_cast %add3A_1361 : i32 to index
        %swap3A_1363 = arith.constant 0 : index
        %swap3A_1364 = tpu.vector_load %arg11[%swap3A_1362, %swap3A_1363] {strides = array<i32>} : memref<128x128xf32, #tpu.memory_space<vmem>>, vector<16xf32>,
        tpu.vector_store %arg11[%swap3A_1362, %swap3A_1363], %mul3A_1357 {strides = array<i32>} : memref<128x128xf32, #tpu.memory_space<vmem>>, vector<16xf32>,
        %mul3A_1365 = arith.constant 16 : i32
        %mul3A_1366 = arith.muli %scan3A_45, %mul3A_1365 : i32
        %add3A_1367 = arith.constant 10 : i32
        %add3A_1368 = arith.addi %mul3A_1366, %add3A_1367 : i32
        %get3A_1369 = arith.index_cast %add3A_1368 : i32 to index
        %get3A_1370 = arith.constant 16 : index
        %get3A_1371 = tpu.vector_load %arg11[%get3A_1369, %get3A_1370] {strides = array<i32>} : memref<128x128xf32, #tpu.memory_space<vmem>>, vector<16xf32>,
        %mul3A_1372 = vector.broadcast %squeeze3A_1348 : f32 to vector<16xf32>
        %mul3A_1373 = arith.mulf %get3A_1371, %mul3A_1372 : vector<16xf32>
        %mul3A_1374 = arith.constant 16 : i32
        %mul3A_1375 = arith.muli %scan3A_45, %mul3A_1374 : i32
        %add3A_1376 = arith.constant 10 : i32
        %add3A_1377 = arith.addi %mul3A_1375, %add3A_1376 : i32
        %swap3A_1378 = arith.index_cast %add3A_1377 : i32 to index
        %swap3A_1379 = arith.constant 16 : index
        %swap3A_1380 = tpu.vector_load %arg11[%swap3A_1378, %swap3A_1379] {strides = array<i32>} : memref<128x128xf32, #tpu.memory_space<vmem>>, vector<16xf32>,
        tpu.vector_store %arg11[%swap3A_1378, %swap3A_1379], %mul3A_1373 {strides = array<i32>} : memref<128x128xf32, #tpu.memory_space<vmem>>, vector<16xf32>,
        %mul3A_1381 = arith.constant 16 : i32
        %mul3A_1382 = arith.muli %scan3A_45, %mul3A_1381 : i32
        %add3A_1383 = arith.constant 10 : i32
        %add3A_1384 = arith.addi %mul3A_1382, %add3A_1383 : i32
        %get3A_1385 = arith.index_cast %add3A_1384 : i32 to index
        %get3A_1386 = arith.constant 32 : index
        %get3A_1387 = tpu.vector_load %arg11[%get3A_1385, %get3A_1386] {strides = array<i32>} : memref<128x128xf32, #tpu.memory_space<vmem>>, vector<16xf32>,
        %mul3A_1388 = vector.broadcast %squeeze3A_1348 : f32 to vector<16xf32>
        %mul3A_1389 = arith.mulf %get3A_1387, %mul3A_1388 : vector<16xf32>
        %mul3A_1390 = arith.constant 16 : i32
        %mul3A_1391 = arith.muli %scan3A_45, %mul3A_1390 : i32
        %add3A_1392 = arith.constant 10 : i32
        %add3A_1393 = arith.addi %mul3A_1391, %add3A_1392 : i32
        %swap3A_1394 = arith.index_cast %add3A_1393 : i32 to index
        %swap3A_1395 = arith.constant 32 : index
        %swap3A_1396 = tpu.vector_load %arg11[%swap3A_1394, %swap3A_1395] {strides = array<i32>} : memref<128x128xf32, #tpu.memory_space<vmem>>, vector<16xf32>,
        tpu.vector_store %arg11[%swap3A_1394, %swap3A_1395], %mul3A_1389 {strides = array<i32>} : memref<128x128xf32, #tpu.memory_space<vmem>>, vector<16xf32>,
        %mul3A_1397 = arith.constant 16 : i32
        %mul3A_1398 = arith.muli %scan3A_45, %mul3A_1397 : i32
        %add3A_1399 = arith.constant 10 : i32
        %add3A_1400 = arith.addi %mul3A_1398, %add3A_1399 : i32
        %get3A_1401 = arith.index_cast %add3A_1400 : i32 to index
        %get3A_1402 = arith.constant 48 : index
        %get3A_1403 = tpu.vector_load %arg11[%get3A_1401, %get3A_1402] {strides = array<i32>} : memref<128x128xf32, #tpu.memory_space<vmem>>, vector<16xf32>,
        %mul3A_1404 = vector.broadcast %squeeze3A_1348 : f32 to vector<16xf32>
        %mul3A_1405 = arith.mulf %get3A_1403, %mul3A_1404 : vector<16xf32>
        %mul3A_1406 = arith.constant 16 : i32
        %mul3A_1407 = arith.muli %scan3A_45, %mul3A_1406 : i32
        %add3A_1408 = arith.constant 10 : i32
        %add3A_1409 = arith.addi %mul3A_1407, %add3A_1408 : i32
        %swap3A_1410 = arith.index_cast %add3A_1409 : i32 to index
        %swap3A_1411 = arith.constant 48 : index
        %swap3A_1412 = tpu.vector_load %arg11[%swap3A_1410, %swap3A_1411] {strides = array<i32>} : memref<128x128xf32, #tpu.memory_space<vmem>>, vector<16xf32>,
        tpu.vector_store %arg11[%swap3A_1410, %swap3A_1411], %mul3A_1405 {strides = array<i32>} : memref<128x128xf32, #tpu.memory_space<vmem>>, vector<16xf32>,
        %mul3A_1413 = arith.constant 16 : i32
        %mul3A_1414 = arith.muli %scan3A_45, %mul3A_1413 : i32
        %add3A_1415 = arith.constant 10 : i32
        %add3A_1416 = arith.addi %mul3A_1414, %add3A_1415 : i32
        %get3A_1417 = arith.index_cast %add3A_1416 : i32 to index
        %get3A_1418 = arith.constant 64 : index
        %get3A_1419 = tpu.vector_load %arg11[%get3A_1417, %get3A_1418] {strides = array<i32>} : memref<128x128xf32, #tpu.memory_space<vmem>>, vector<16xf32>,
        %mul3A_1420 = vector.broadcast %squeeze3A_1348 : f32 to vector<16xf32>
        %mul3A_1421 = arith.mulf %get3A_1419, %mul3A_1420 : vector<16xf32>
        %mul3A_1422 = arith.constant 16 : i32
        %mul3A_1423 = arith.muli %scan3A_45, %mul3A_1422 : i32
        %add3A_1424 = arith.constant 10 : i32
        %add3A_1425 = arith.addi %mul3A_1423, %add3A_1424 : i32
        %swap3A_1426 = arith.index_cast %add3A_1425 : i32 to index
        %swap3A_1427 = arith.constant 64 : index
        %swap3A_1428 = tpu.vector_load %arg11[%swap3A_1426, %swap3A_1427] {strides = array<i32>} : memref<128x128xf32, #tpu.memory_space<vmem>>, vector<16xf32>,
        tpu.vector_store %arg11[%swap3A_1426, %swap3A_1427], %mul3A_1421 {strides = array<i32>} : memref<128x128xf32, #tpu.memory_space<vmem>>, vector<16xf32>,
        %mul3A_1429 = arith.constant 16 : i32
        %mul3A_1430 = arith.muli %scan3A_45, %mul3A_1429 : i32
        %add3A_1431 = arith.constant 10 : i32
        %add3A_1432 = arith.addi %mul3A_1430, %add3A_1431 : i32
        %get3A_1433 = arith.index_cast %add3A_1432 : i32 to index
        %get3A_1434 = arith.constant 80 : index
        %get3A_1435 = tpu.vector_load %arg11[%get3A_1433, %get3A_1434] {strides = array<i32>} : memref<128x128xf32, #tpu.memory_space<vmem>>, vector<16xf32>,
        %mul3A_1436 = vector.broadcast %squeeze3A_1348 : f32 to vector<16xf32>
        %mul3A_1437 = arith.mulf %get3A_1435, %mul3A_1436 : vector<16xf32>
        %mul3A_1438 = arith.constant 16 : i32
        %mul3A_1439 = arith.muli %scan3A_45, %mul3A_1438 : i32
        %add3A_1440 = arith.constant 10 : i32
        %add3A_1441 = arith.addi %mul3A_1439, %add3A_1440 : i32
        %swap3A_1442 = arith.index_cast %add3A_1441 : i32 to index
        %swap3A_1443 = arith.constant 80 : index
        %swap3A_1444 = tpu.vector_load %arg11[%swap3A_1442, %swap3A_1443] {strides = array<i32>} : memref<128x128xf32, #tpu.memory_space<vmem>>, vector<16xf32>,
        tpu.vector_store %arg11[%swap3A_1442, %swap3A_1443], %mul3A_1437 {strides = array<i32>} : memref<128x128xf32, #tpu.memory_space<vmem>>, vector<16xf32>,
        %mul3A_1445 = arith.constant 16 : i32
        %mul3A_1446 = arith.muli %scan3A_45, %mul3A_1445 : i32
        %add3A_1447 = arith.constant 10 : i32
        %add3A_1448 = arith.addi %mul3A_1446, %add3A_1447 : i32
        %get3A_1449 = arith.index_cast %add3A_1448 : i32 to index
        %get3A_1450 = arith.constant 96 : index
        %get3A_1451 = tpu.vector_load %arg11[%get3A_1449, %get3A_1450] {strides = array<i32>} : memref<128x128xf32, #tpu.memory_space<vmem>>, vector<16xf32>,
        %mul3A_1452 = vector.broadcast %squeeze3A_1348 : f32 to vector<16xf32>
        %mul3A_1453 = arith.mulf %get3A_1451, %mul3A_1452 : vector<16xf32>
        %mul3A_1454 = arith.constant 16 : i32
        %mul3A_1455 = arith.muli %scan3A_45, %mul3A_1454 : i32
        %add3A_1456 = arith.constant 10 : i32
        %add3A_1457 = arith.addi %mul3A_1455, %add3A_1456 : i32
        %swap3A_1458 = arith.index_cast %add3A_1457 : i32 to index
        %swap3A_1459 = arith.constant 96 : index
        %swap3A_1460 = tpu.vector_load %arg11[%swap3A_1458, %swap3A_1459] {strides = array<i32>} : memref<128x128xf32, #tpu.memory_space<vmem>>, vector<16xf32>,
        tpu.vector_store %arg11[%swap3A_1458, %swap3A_1459], %mul3A_1453 {strides = array<i32>} : memref<128x128xf32, #tpu.memory_space<vmem>>, vector<16xf32>,
        %mul3A_1461 = arith.constant 16 : i32
        %mul3A_1462 = arith.muli %scan3A_45, %mul3A_1461 : i32
        %add3A_1463 = arith.constant 10 : i32
        %add3A_1464 = arith.addi %mul3A_1462, %add3A_1463 : i32
        %get3A_1465 = arith.index_cast %add3A_1464 : i32 to index
        %get3A_1466 = arith.constant 112 : index
        %get3A_1467 = tpu.vector_load %arg11[%get3A_1465, %get3A_1466] {strides = array<i32>} : memref<128x128xf32, #tpu.memory_space<vmem>>, vector<16xf32>,
        %mul3A_1468 = vector.broadcast %squeeze3A_1348 : f32 to vector<16xf32>
        %mul3A_1469 = arith.mulf %get3A_1467, %mul3A_1468 : vector<16xf32>
        %mul3A_1470 = arith.constant 16 : i32
        %mul3A_1471 = arith.muli %scan3A_45, %mul3A_1470 : i32
        %add3A_1472 = arith.constant 10 : i32
        %add3A_1473 = arith.addi %mul3A_1471, %add3A_1472 : i32
        %swap3A_1474 = arith.index_cast %add3A_1473 : i32 to index
        %swap3A_1475 = arith.constant 112 : index
        %swap3A_1476 = tpu.vector_load %arg11[%swap3A_1474, %swap3A_1475] {strides = array<i32>} : memref<128x128xf32, #tpu.memory_space<vmem>>, vector<16xf32>,
        tpu.vector_store %arg11[%swap3A_1474, %swap3A_1475], %mul3A_1469 {strides = array<i32>} : memref<128x128xf32, #tpu.memory_space<vmem>>, vector<16xf32>,
        %slice3A_1477 = vector.extract_strided_slice %get3A_49 {offsets = [11], sizes = [1], strides = [1]} : vector<16xf32> to vector<1xf32>
        %squeeze3A_1478 = vector.extract %slice3A_1477[0] : f32 from vector<1xf32>
        %mul3A_1479 = arith.constant 16 : i32
        %mul3A_1480 = arith.muli %scan3A_45, %mul3A_1479 : i32
        %add3A_1481 = arith.constant 11 : i32
        %add3A_1482 = arith.addi %mul3A_1480, %add3A_1481 : i32
        %get3A_1483 = arith.index_cast %add3A_1482 : i32 to index
        %get3A_1484 = arith.constant 0 : index
        %get3A_1485 = tpu.vector_load %arg11[%get3A_1483, %get3A_1484] {strides = array<i32>} : memref<128x128xf32, #tpu.memory_space<vmem>>, vector<16xf32>,
        %mul3A_1486 = vector.broadcast %squeeze3A_1478 : f32 to vector<16xf32>
        %mul3A_1487 = arith.mulf %get3A_1485, %mul3A_1486 : vector<16xf32>
        %mul3A_1488 = arith.constant 16 : i32
        %mul3A_1489 = arith.muli %scan3A_45, %mul3A_1488 : i32
        %add3A_1490 = arith.constant 11 : i32
        %add3A_1491 = arith.addi %mul3A_1489, %add3A_1490 : i32
        %swap3A_1492 = arith.index_cast %add3A_1491 : i32 to index
        %swap3A_1493 = arith.constant 0 : index
        %swap3A_1494 = tpu.vector_load %arg11[%swap3A_1492, %swap3A_1493] {strides = array<i32>} : memref<128x128xf32, #tpu.memory_space<vmem>>, vector<16xf32>,
        tpu.vector_store %arg11[%swap3A_1492, %swap3A_1493], %mul3A_1487 {strides = array<i32>} : memref<128x128xf32, #tpu.memory_space<vmem>>, vector<16xf32>,
        %mul3A_1495 = arith.constant 16 : i32
        %mul3A_1496 = arith.muli %scan3A_45, %mul3A_1495 : i32
        %add3A_1497 = arith.constant 11 : i32
        %add3A_1498 = arith.addi %mul3A_1496, %add3A_1497 : i32
        %get3A_1499 = arith.index_cast %add3A_1498 : i32 to index
        %get3A_1500 = arith.constant 16 : index
        %get3A_1501 = tpu.vector_load %arg11[%get3A_1499, %get3A_1500] {strides = array<i32>} : memref<128x128xf32, #tpu.memory_space<vmem>>, vector<16xf32>,
        %mul3A_1502 = vector.broadcast %squeeze3A_1478 : f32 to vector<16xf32>
        %mul3A_1503 = arith.mulf %get3A_1501, %mul3A_1502 : vector<16xf32>
        %mul3A_1504 = arith.constant 16 : i32
        %mul3A_1505 = arith.muli %scan3A_45, %mul3A_1504 : i32
        %add3A_1506 = arith.constant 11 : i32
        %add3A_1507 = arith.addi %mul3A_1505, %add3A_1506 : i32
        %swap3A_1508 = arith.index_cast %add3A_1507 : i32 to index
        %swap3A_1509 = arith.constant 16 : index
        %swap3A_1510 = tpu.vector_load %arg11[%swap3A_1508, %swap3A_1509] {strides = array<i32>} : memref<128x128xf32, #tpu.memory_space<vmem>>, vector<16xf32>,
        tpu.vector_store %arg11[%swap3A_1508, %swap3A_1509], %mul3A_1503 {strides = array<i32>} : memref<128x128xf32, #tpu.memory_space<vmem>>, vector<16xf32>,
        %mul3A_1511 = arith.constant 16 : i32
        %mul3A_1512 = arith.muli %scan3A_45, %mul3A_1511 : i32
        %add3A_1513 = arith.constant 11 : i32
        %add3A_1514 = arith.addi %mul3A_1512, %add3A_1513 : i32
        %get3A_1515 = arith.index_cast %add3A_1514 : i32 to index
        %get3A_1516 = arith.constant 32 : index
        %get3A_1517 = tpu.vector_load %arg11[%get3A_1515, %get3A_1516] {strides = array<i32>} : memref<128x128xf32, #tpu.memory_space<vmem>>, vector<16xf32>,
        %mul3A_1518 = vector.broadcast %squeeze3A_1478 : f32 to vector<16xf32>
        %mul3A_1519 = arith.mulf %get3A_1517, %mul3A_1518 : vector<16xf32>
        %mul3A_1520 = arith.constant 16 : i32
        %mul3A_1521 = arith.muli %scan3A_45, %mul3A_1520 : i32
        %add3A_1522 = arith.constant 11 : i32
        %add3A_1523 = arith.addi %mul3A_1521, %add3A_1522 : i32
        %swap3A_1524 = arith.index_cast %add3A_1523 : i32 to index
        %swap3A_1525 = arith.constant 32 : index
        %swap3A_1526 = tpu.vector_load %arg11[%swap3A_1524, %swap3A_1525] {strides = array<i32>} : memref<128x128xf32, #tpu.memory_space<vmem>>, vector<16xf32>,
        tpu.vector_store %arg11[%swap3A_1524, %swap3A_1525], %mul3A_1519 {strides = array<i32>} : memref<128x128xf32, #tpu.memory_space<vmem>>, vector<16xf32>,
        %mul3A_1527 = arith.constant 16 : i32
        %mul3A_1528 = arith.muli %scan3A_45, %mul3A_1527 : i32
        %add3A_1529 = arith.constant 11 : i32
        %add3A_1530 = arith.addi %mul3A_1528, %add3A_1529 : i32
        %get3A_1531 = arith.index_cast %add3A_1530 : i32 to index
        %get3A_1532 = arith.constant 48 : index
        %get3A_1533 = tpu.vector_load %arg11[%get3A_1531, %get3A_1532] {strides = array<i32>} : memref<128x128xf32, #tpu.memory_space<vmem>>, vector<16xf32>,
        %mul3A_1534 = vector.broadcast %squeeze3A_1478 : f32 to vector<16xf32>
        %mul3A_1535 = arith.mulf %get3A_1533, %mul3A_1534 : vector<16xf32>
        %mul3A_1536 = arith.constant 16 : i32
        %mul3A_1537 = arith.muli %scan3A_45, %mul3A_1536 : i32
        %add3A_1538 = arith.constant 11 : i32
        %add3A_1539 = arith.addi %mul3A_1537, %add3A_1538 : i32
        %swap3A_1540 = arith.index_cast %add3A_1539 : i32 to index
        %swap3A_1541 = arith.constant 48 : index
        %swap3A_1542 = tpu.vector_load %arg11[%swap3A_1540, %swap3A_1541] {strides = array<i32>} : memref<128x128xf32, #tpu.memory_space<vmem>>, vector<16xf32>,
        tpu.vector_store %arg11[%swap3A_1540, %swap3A_1541], %mul3A_1535 {strides = array<i32>} : memref<128x128xf32, #tpu.memory_space<vmem>>, vector<16xf32>,
        %mul3A_1543 = arith.constant 16 : i32
        %mul3A_1544 = arith.muli %scan3A_45, %mul3A_1543 : i32
        %add3A_1545 = arith.constant 11 : i32
        %add3A_1546 = arith.addi %mul3A_1544, %add3A_1545 : i32
        %get3A_1547 = arith.index_cast %add3A_1546 : i32 to index
        %get3A_1548 = arith.constant 64 : index
        %get3A_1549 = tpu.vector_load %arg11[%get3A_1547, %get3A_1548] {strides = array<i32>} : memref<128x128xf32, #tpu.memory_space<vmem>>, vector<16xf32>,
        %mul3A_1550 = vector.broadcast %squeeze3A_1478 : f32 to vector<16xf32>
        %mul3A_1551 = arith.mulf %get3A_1549, %mul3A_1550 : vector<16xf32>
        %mul3A_1552 = arith.constant 16 : i32
        %mul3A_1553 = arith.muli %scan3A_45, %mul3A_1552 : i32
        %add3A_1554 = arith.constant 11 : i32
        %add3A_1555 = arith.addi %mul3A_1553, %add3A_1554 : i32
        %swap3A_1556 = arith.index_cast %add3A_1555 : i32 to index
        %swap3A_1557 = arith.constant 64 : index
        %swap3A_1558 = tpu.vector_load %arg11[%swap3A_1556, %swap3A_1557] {strides = array<i32>} : memref<128x128xf32, #tpu.memory_space<vmem>>, vector<16xf32>,
        tpu.vector_store %arg11[%swap3A_1556, %swap3A_1557], %mul3A_1551 {strides = array<i32>} : memref<128x128xf32, #tpu.memory_space<vmem>>, vector<16xf32>,
        %mul3A_1559 = arith.constant 16 : i32
        %mul3A_1560 = arith.muli %scan3A_45, %mul3A_1559 : i32
        %add3A_1561 = arith.constant 11 : i32
        %add3A_1562 = arith.addi %mul3A_1560, %add3A_1561 : i32
        %get3A_1563 = arith.index_cast %add3A_1562 : i32 to index
        %get3A_1564 = arith.constant 80 : index
        %get3A_1565 = tpu.vector_load %arg11[%get3A_1563, %get3A_1564] {strides = array<i32>} : memref<128x128xf32, #tpu.memory_space<vmem>>, vector<16xf32>,
        %mul3A_1566 = vector.broadcast %squeeze3A_1478 : f32 to vector<16xf32>
        %mul3A_1567 = arith.mulf %get3A_1565, %mul3A_1566 : vector<16xf32>
        %mul3A_1568 = arith.constant 16 : i32
        %mul3A_1569 = arith.muli %scan3A_45, %mul3A_1568 : i32
        %add3A_1570 = arith.constant 11 : i32
        %add3A_1571 = arith.addi %mul3A_1569, %add3A_1570 : i32
        %swap3A_1572 = arith.index_cast %add3A_1571 : i32 to index
        %swap3A_1573 = arith.constant 80 : index
        %swap3A_1574 = tpu.vector_load %arg11[%swap3A_1572, %swap3A_1573] {strides = array<i32>} : memref<128x128xf32, #tpu.memory_space<vmem>>, vector<16xf32>,
        tpu.vector_store %arg11[%swap3A_1572, %swap3A_1573], %mul3A_1567 {strides = array<i32>} : memref<128x128xf32, #tpu.memory_space<vmem>>, vector<16xf32>,
        %mul3A_1575 = arith.constant 16 : i32
        %mul3A_1576 = arith.muli %scan3A_45, %mul3A_1575 : i32
        %add3A_1577 = arith.constant 11 : i32
        %add3A_1578 = arith.addi %mul3A_1576, %add3A_1577 : i32
        %get3A_1579 = arith.index_cast %add3A_1578 : i32 to index
        %get3A_1580 = arith.constant 96 : index
        %get3A_1581 = tpu.vector_load %arg11[%get3A_1579, %get3A_1580] {strides = array<i32>} : memref<128x128xf32, #tpu.memory_space<vmem>>, vector<16xf32>,
        %mul3A_1582 = vector.broadcast %squeeze3A_1478 : f32 to vector<16xf32>
        %mul3A_1583 = arith.mulf %get3A_1581, %mul3A_1582 : vector<16xf32>
        %mul3A_1584 = arith.constant 16 : i32
        %mul3A_1585 = arith.muli %scan3A_45, %mul3A_1584 : i32
        %add3A_1586 = arith.constant 11 : i32
        %add3A_1587 = arith.addi %mul3A_1585, %add3A_1586 : i32
        %swap3A_1588 = arith.index_cast %add3A_1587 : i32 to index
        %swap3A_1589 = arith.constant 96 : index
        %swap3A_1590 = tpu.vector_load %arg11[%swap3A_1588, %swap3A_1589] {strides = array<i32>} : memref<128x128xf32, #tpu.memory_space<vmem>>, vector<16xf32>,
        tpu.vector_store %arg11[%swap3A_1588, %swap3A_1589], %mul3A_1583 {strides = array<i32>} : memref<128x128xf32, #tpu.memory_space<vmem>>, vector<16xf32>,
        %mul3A_1591 = arith.constant 16 : i32
        %mul3A_1592 = arith.muli %scan3A_45, %mul3A_1591 : i32
        %add3A_1593 = arith.constant 11 : i32
        %add3A_1594 = arith.addi %mul3A_1592, %add3A_1593 : i32
        %get3A_1595 = arith.index_cast %add3A_1594 : i32 to index
        %get3A_1596 = arith.constant 112 : index
        %get3A_1597 = tpu.vector_load %arg11[%get3A_1595, %get3A_1596] {strides = array<i32>} : memref<128x128xf32, #tpu.memory_space<vmem>>, vector<16xf32>,
        %mul3A_1598 = vector.broadcast %squeeze3A_1478 : f32 to vector<16xf32>
        %mul3A_1599 = arith.mulf %get3A_1597, %mul3A_1598 : vector<16xf32>
        %mul3A_1600 = arith.constant 16 : i32
        %mul3A_1601 = arith.muli %scan3A_45, %mul3A_1600 : i32
        %add3A_1602 = arith.constant 11 : i32
        %add3A_1603 = arith.addi %mul3A_1601, %add3A_1602 : i32
        %swap3A_1604 = arith.index_cast %add3A_1603 : i32 to index
        %swap3A_1605 = arith.constant 112 : index
        %swap3A_1606 = tpu.vector_load %arg11[%swap3A_1604, %swap3A_1605] {strides = array<i32>} : memref<128x128xf32, #tpu.memory_space<vmem>>, vector<16xf32>,
        tpu.vector_store %arg11[%swap3A_1604, %swap3A_1605], %mul3A_1599 {strides = array<i32>} : memref<128x128xf32, #tpu.memory_space<vmem>>, vector<16xf32>,
        %slice3A_1607 = vector.extract_strided_slice %get3A_49 {offsets = [12], sizes = [1], strides = [1]} : vector<16xf32> to vector<1xf32>
        %squeeze3A_1608 = vector.extract %slice3A_1607[0] : f32 from vector<1xf32>
        %mul3A_1609 = arith.constant 16 : i32
        %mul3A_1610 = arith.muli %scan3A_45, %mul3A_1609 : i32
        %add3A_1611 = arith.constant 12 : i32
        %add3A_1612 = arith.addi %mul3A_1610, %add3A_1611 : i32
        %get3A_1613 = arith.index_cast %add3A_1612 : i32 to index
        %get3A_1614 = arith.constant 0 : index
        %get3A_1615 = tpu.vector_load %arg11[%get3A_1613, %get3A_1614] {strides = array<i32>} : memref<128x128xf32, #tpu.memory_space<vmem>>, vector<16xf32>,
        %mul3A_1616 = vector.broadcast %squeeze3A_1608 : f32 to vector<16xf32>
        %mul3A_1617 = arith.mulf %get3A_1615, %mul3A_1616 : vector<16xf32>
        %mul3A_1618 = arith.constant 16 : i32
        %mul3A_1619 = arith.muli %scan3A_45, %mul3A_1618 : i32
        %add3A_1620 = arith.constant 12 : i32
        %add3A_1621 = arith.addi %mul3A_1619, %add3A_1620 : i32
        %swap3A_1622 = arith.index_cast %add3A_1621 : i32 to index
        %swap3A_1623 = arith.constant 0 : index
        %swap3A_1624 = tpu.vector_load %arg11[%swap3A_1622, %swap3A_1623] {strides = array<i32>} : memref<128x128xf32, #tpu.memory_space<vmem>>, vector<16xf32>,
        tpu.vector_store %arg11[%swap3A_1622, %swap3A_1623], %mul3A_1617 {strides = array<i32>} : memref<128x128xf32, #tpu.memory_space<vmem>>, vector<16xf32>,
        %mul3A_1625 = arith.constant 16 : i32
        %mul3A_1626 = arith.muli %scan3A_45, %mul3A_1625 : i32
        %add3A_1627 = arith.constant 12 : i32
        %add3A_1628 = arith.addi %mul3A_1626, %add3A_1627 : i32
        %get3A_1629 = arith.index_cast %add3A_1628 : i32 to index
        %get3A_1630 = arith.constant 16 : index
        %get3A_1631 = tpu.vector_load %arg11[%get3A_1629, %get3A_1630] {strides = array<i32>} : memref<128x128xf32, #tpu.memory_space<vmem>>, vector<16xf32>,
        %mul3A_1632 = vector.broadcast %squeeze3A_1608 : f32 to vector<16xf32>
        %mul3A_1633 = arith.mulf %get3A_1631, %mul3A_1632 : vector<16xf32>
        %mul3A_1634 = arith.constant 16 : i32
        %mul3A_1635 = arith.muli %scan3A_45, %mul3A_1634 : i32
        %add3A_1636 = arith.constant 12 : i32
        %add3A_1637 = arith.addi %mul3A_1635, %add3A_1636 : i32
        %swap3A_1638 = arith.index_cast %add3A_1637 : i32 to index
        %swap3A_1639 = arith.constant 16 : index
        %swap3A_1640 = tpu.vector_load %arg11[%swap3A_1638, %swap3A_1639] {strides = array<i32>} : memref<128x128xf32, #tpu.memory_space<vmem>>, vector<16xf32>,
        tpu.vector_store %arg11[%swap3A_1638, %swap3A_1639], %mul3A_1633 {strides = array<i32>} : memref<128x128xf32, #tpu.memory_space<vmem>>, vector<16xf32>,
        %mul3A_1641 = arith.constant 16 : i32
        %mul3A_1642 = arith.muli %scan3A_45, %mul3A_1641 : i32
        %add3A_1643 = arith.constant 12 : i32
        %add3A_1644 = arith.addi %mul3A_1642, %add3A_1643 : i32
        %get3A_1645 = arith.index_cast %add3A_1644 : i32 to index
        %get3A_1646 = arith.constant 32 : index
        %get3A_1647 = tpu.vector_load %arg11[%get3A_1645, %get3A_1646] {strides = array<i32>} : memref<128x128xf32, #tpu.memory_space<vmem>>, vector<16xf32>,
        %mul3A_1648 = vector.broadcast %squeeze3A_1608 : f32 to vector<16xf32>
        %mul3A_1649 = arith.mulf %get3A_1647, %mul3A_1648 : vector<16xf32>
        %mul3A_1650 = arith.constant 16 : i32
        %mul3A_1651 = arith.muli %scan3A_45, %mul3A_1650 : i32
        %add3A_1652 = arith.constant 12 : i32
        %add3A_1653 = arith.addi %mul3A_1651, %add3A_1652 : i32
        %swap3A_1654 = arith.index_cast %add3A_1653 : i32 to index
        %swap3A_1655 = arith.constant 32 : index
        %swap3A_1656 = tpu.vector_load %arg11[%swap3A_1654, %swap3A_1655] {strides = array<i32>} : memref<128x128xf32, #tpu.memory_space<vmem>>, vector<16xf32>,
        tpu.vector_store %arg11[%swap3A_1654, %swap3A_1655], %mul3A_1649 {strides = array<i32>} : memref<128x128xf32, #tpu.memory_space<vmem>>, vector<16xf32>,
        %mul3A_1657 = arith.constant 16 : i32
        %mul3A_1658 = arith.muli %scan3A_45, %mul3A_1657 : i32
        %add3A_1659 = arith.constant 12 : i32
        %add3A_1660 = arith.addi %mul3A_1658, %add3A_1659 : i32
        %get3A_1661 = arith.index_cast %add3A_1660 : i32 to index
        %get3A_1662 = arith.constant 48 : index
        %get3A_1663 = tpu.vector_load %arg11[%get3A_1661, %get3A_1662] {strides = array<i32>} : memref<128x128xf32, #tpu.memory_space<vmem>>, vector<16xf32>,
        %mul3A_1664 = vector.broadcast %squeeze3A_1608 : f32 to vector<16xf32>
        %mul3A_1665 = arith.mulf %get3A_1663, %mul3A_1664 : vector<16xf32>
        %mul3A_1666 = arith.constant 16 : i32
        %mul3A_1667 = arith.muli %scan3A_45, %mul3A_1666 : i32
        %add3A_1668 = arith.constant 12 : i32
        %add3A_1669 = arith.addi %mul3A_1667, %add3A_1668 : i32
        %swap3A_1670 = arith.index_cast %add3A_1669 : i32 to index
        %swap3A_1671 = arith.constant 48 : index
        %swap3A_1672 = tpu.vector_load %arg11[%swap3A_1670, %swap3A_1671] {strides = array<i32>} : memref<128x128xf32, #tpu.memory_space<vmem>>, vector<16xf32>,
        tpu.vector_store %arg11[%swap3A_1670, %swap3A_1671], %mul3A_1665 {strides = array<i32>} : memref<128x128xf32, #tpu.memory_space<vmem>>, vector<16xf32>,
        %mul3A_1673 = arith.constant 16 : i32
        %mul3A_1674 = arith.muli %scan3A_45, %mul3A_1673 : i32
        %add3A_1675 = arith.constant 12 : i32
        %add3A_1676 = arith.addi %mul3A_1674, %add3A_1675 : i32
        %get3A_1677 = arith.index_cast %add3A_1676 : i32 to index
        %get3A_1678 = arith.constant 64 : index
        %get3A_1679 = tpu.vector_load %arg11[%get3A_1677, %get3A_1678] {strides = array<i32>} : memref<128x128xf32, #tpu.memory_space<vmem>>, vector<16xf32>,
        %mul3A_1680 = vector.broadcast %squeeze3A_1608 : f32 to vector<16xf32>
        %mul3A_1681 = arith.mulf %get3A_1679, %mul3A_1680 : vector<16xf32>
        %mul3A_1682 = arith.constant 16 : i32
        %mul3A_1683 = arith.muli %scan3A_45, %mul3A_1682 : i32
        %add3A_1684 = arith.constant 12 : i32
        %add3A_1685 = arith.addi %mul3A_1683, %add3A_1684 : i32
        %swap3A_1686 = arith.index_cast %add3A_1685 : i32 to index
        %swap3A_1687 = arith.constant 64 : index
        %swap3A_1688 = tpu.vector_load %arg11[%swap3A_1686, %swap3A_1687] {strides = array<i32>} : memref<128x128xf32, #tpu.memory_space<vmem>>, vector<16xf32>,
        tpu.vector_store %arg11[%swap3A_1686, %swap3A_1687], %mul3A_1681 {strides = array<i32>} : memref<128x128xf32, #tpu.memory_space<vmem>>, vector<16xf32>,
        %mul3A_1689 = arith.constant 16 : i32
        %mul3A_1690 = arith.muli %scan3A_45, %mul3A_1689 : i32
        %add3A_1691 = arith.constant 12 : i32
        %add3A_1692 = arith.addi %mul3A_1690, %add3A_1691 : i32
        %get3A_1693 = arith.index_cast %add3A_1692 : i32 to index
        %get3A_1694 = arith.constant 80 : index
        %get3A_1695 = tpu.vector_load %arg11[%get3A_1693, %get3A_1694] {strides = array<i32>} : memref<128x128xf32, #tpu.memory_space<vmem>>, vector<16xf32>,
        %mul3A_1696 = vector.broadcast %squeeze3A_1608 : f32 to vector<16xf32>
        %mul3A_1697 = arith.mulf %get3A_1695, %mul3A_1696 : vector<16xf32>
        %mul3A_1698 = arith.constant 16 : i32
        %mul3A_1699 = arith.muli %scan3A_45, %mul3A_1698 : i32
        %add3A_1700 = arith.constant 12 : i32
        %add3A_1701 = arith.addi %mul3A_1699, %add3A_1700 : i32
        %swap3A_1702 = arith.index_cast %add3A_1701 : i32 to index
        %swap3A_1703 = arith.constant 80 : index
        %swap3A_1704 = tpu.vector_load %arg11[%swap3A_1702, %swap3A_1703] {strides = array<i32>} : memref<128x128xf32, #tpu.memory_space<vmem>>, vector<16xf32>,
        tpu.vector_store %arg11[%swap3A_1702, %swap3A_1703], %mul3A_1697 {strides = array<i32>} : memref<128x128xf32, #tpu.memory_space<vmem>>, vector<16xf32>,
        %mul3A_1705 = arith.constant 16 : i32
        %mul3A_1706 = arith.muli %scan3A_45, %mul3A_1705 : i32
        %add3A_1707 = arith.constant 12 : i32
        %add3A_1708 = arith.addi %mul3A_1706, %add3A_1707 : i32
        %get3A_1709 = arith.index_cast %add3A_1708 : i32 to index
        %get3A_1710 = arith.constant 96 : index
        %get3A_1711 = tpu.vector_load %arg11[%get3A_1709, %get3A_1710] {strides = array<i32>} : memref<128x128xf32, #tpu.memory_space<vmem>>, vector<16xf32>,
        %mul3A_1712 = vector.broadcast %squeeze3A_1608 : f32 to vector<16xf32>
        %mul3A_1713 = arith.mulf %get3A_1711, %mul3A_1712 : vector<16xf32>
        %mul3A_1714 = arith.constant 16 : i32
        %mul3A_1715 = arith.muli %scan3A_45, %mul3A_1714 : i32
        %add3A_1716 = arith.constant 12 : i32
        %add3A_1717 = arith.addi %mul3A_1715, %add3A_1716 : i32
        %swap3A_1718 = arith.index_cast %add3A_1717 : i32 to index
        %swap3A_1719 = arith.constant 96 : index
        %swap3A_1720 = tpu.vector_load %arg11[%swap3A_1718, %swap3A_1719] {strides = array<i32>} : memref<128x128xf32, #tpu.memory_space<vmem>>, vector<16xf32>,
        tpu.vector_store %arg11[%swap3A_1718, %swap3A_1719], %mul3A_1713 {strides = array<i32>} : memref<128x128xf32, #tpu.memory_space<vmem>>, vector<16xf32>,
        %mul3A_1721 = arith.constant 16 : i32
        %mul3A_1722 = arith.muli %scan3A_45, %mul3A_1721 : i32
        %add3A_1723 = arith.constant 12 : i32
        %add3A_1724 = arith.addi %mul3A_1722, %add3A_1723 : i32
        %get3A_1725 = arith.index_cast %add3A_1724 : i32 to index
        %get3A_1726 = arith.constant 112 : index
        %get3A_1727 = tpu.vector_load %arg11[%get3A_1725, %get3A_1726] {strides = array<i32>} : memref<128x128xf32, #tpu.memory_space<vmem>>, vector<16xf32>,
        %mul3A_1728 = vector.broadcast %squeeze3A_1608 : f32 to vector<16xf32>
        %mul3A_1729 = arith.mulf %get3A_1727, %mul3A_1728 : vector<16xf32>
        %mul3A_1730 = arith.constant 16 : i32
        %mul3A_1731 = arith.muli %scan3A_45, %mul3A_1730 : i32
        %add3A_1732 = arith.constant 12 : i32
        %add3A_1733 = arith.addi %mul3A_1731, %add3A_1732 : i32
        %swap3A_1734 = arith.index_cast %add3A_1733 : i32 to index
        %swap3A_1735 = arith.constant 112 : index
        %swap3A_1736 = tpu.vector_load %arg11[%swap3A_1734, %swap3A_1735] {strides = array<i32>} : memref<128x128xf32, #tpu.memory_space<vmem>>, vector<16xf32>,
        tpu.vector_store %arg11[%swap3A_1734, %swap3A_1735], %mul3A_1729 {strides = array<i32>} : memref<128x128xf32, #tpu.memory_space<vmem>>, vector<16xf32>,
        %slice3A_1737 = vector.extract_strided_slice %get3A_49 {offsets = [13], sizes = [1], strides = [1]} : vector<16xf32> to vector<1xf32>
        %squeeze3A_1738 = vector.extract %slice3A_1737[0] : f32 from vector<1xf32>
        %mul3A_1739 = arith.constant 16 : i32
        %mul3A_1740 = arith.muli %scan3A_45, %mul3A_1739 : i32
        %add3A_1741 = arith.constant 13 : i32
        %add3A_1742 = arith.addi %mul3A_1740, %add3A_1741 : i32
        %get3A_1743 = arith.index_cast %add3A_1742 : i32 to index
        %get3A_1744 = arith.constant 0 : index
        %get3A_1745 = tpu.vector_load %arg11[%get3A_1743, %get3A_1744] {strides = array<i32>} : memref<128x128xf32, #tpu.memory_space<vmem>>, vector<16xf32>,
        %mul3A_1746 = vector.broadcast %squeeze3A_1738 : f32 to vector<16xf32>
        %mul3A_1747 = arith.mulf %get3A_1745, %mul3A_1746 : vector<16xf32>
        %mul3A_1748 = arith.constant 16 : i32
        %mul3A_1749 = arith.muli %scan3A_45, %mul3A_1748 : i32
        %add3A_1750 = arith.constant 13 : i32
        %add3A_1751 = arith.addi %mul3A_1749, %add3A_1750 : i32
        %swap3A_1752 = arith.index_cast %add3A_1751 : i32 to index
        %swap3A_1753 = arith.constant 0 : index
        %swap3A_1754 = tpu.vector_load %arg11[%swap3A_1752, %swap3A_1753] {strides = array<i32>} : memref<128x128xf32, #tpu.memory_space<vmem>>, vector<16xf32>,
        tpu.vector_store %arg11[%swap3A_1752, %swap3A_1753], %mul3A_1747 {strides = array<i32>} : memref<128x128xf32, #tpu.memory_space<vmem>>, vector<16xf32>,
        %mul3A_1755 = arith.constant 16 : i32
        %mul3A_1756 = arith.muli %scan3A_45, %mul3A_1755 : i32
        %add3A_1757 = arith.constant 13 : i32
        %add3A_1758 = arith.addi %mul3A_1756, %add3A_1757 : i32
        %get3A_1759 = arith.index_cast %add3A_1758 : i32 to index
        %get3A_1760 = arith.constant 16 : index
        %get3A_1761 = tpu.vector_load %arg11[%get3A_1759, %get3A_1760] {strides = array<i32>} : memref<128x128xf32, #tpu.memory_space<vmem>>, vector<16xf32>,
        %mul3A_1762 = vector.broadcast %squeeze3A_1738 : f32 to vector<16xf32>
        %mul3A_1763 = arith.mulf %get3A_1761, %mul3A_1762 : vector<16xf32>
        %mul3A_1764 = arith.constant 16 : i32
        %mul3A_1765 = arith.muli %scan3A_45, %mul3A_1764 : i32
        %add3A_1766 = arith.constant 13 : i32
        %add3A_1767 = arith.addi %mul3A_1765, %add3A_1766 : i32
        %swap3A_1768 = arith.index_cast %add3A_1767 : i32 to index
        %swap3A_1769 = arith.constant 16 : index
        %swap3A_1770 = tpu.vector_load %arg11[%swap3A_1768, %swap3A_1769] {strides = array<i32>} : memref<128x128xf32, #tpu.memory_space<vmem>>, vector<16xf32>,
        tpu.vector_store %arg11[%swap3A_1768, %swap3A_1769], %mul3A_1763 {strides = array<i32>} : memref<128x128xf32, #tpu.memory_space<vmem>>, vector<16xf32>,
        %mul3A_1771 = arith.constant 16 : i32
        %mul3A_1772 = arith.muli %scan3A_45, %mul3A_1771 : i32
        %add3A_1773 = arith.constant 13 : i32
        %add3A_1774 = arith.addi %mul3A_1772, %add3A_1773 : i32
        %get3A_1775 = arith.index_cast %add3A_1774 : i32 to index
        %get3A_1776 = arith.constant 32 : index
        %get3A_1777 = tpu.vector_load %arg11[%get3A_1775, %get3A_1776] {strides = array<i32>} : memref<128x128xf32, #tpu.memory_space<vmem>>, vector<16xf32>,
        %mul3A_1778 = vector.broadcast %squeeze3A_1738 : f32 to vector<16xf32>
        %mul3A_1779 = arith.mulf %get3A_1777, %mul3A_1778 : vector<16xf32>
        %mul3A_1780 = arith.constant 16 : i32
        %mul3A_1781 = arith.muli %scan3A_45, %mul3A_1780 : i32
        %add3A_1782 = arith.constant 13 : i32
        %add3A_1783 = arith.addi %mul3A_1781, %add3A_1782 : i32
        %swap3A_1784 = arith.index_cast %add3A_1783 : i32 to index
        %swap3A_1785 = arith.constant 32 : index
        %swap3A_1786 = tpu.vector_load %arg11[%swap3A_1784, %swap3A_1785] {strides = array<i32>} : memref<128x128xf32, #tpu.memory_space<vmem>>, vector<16xf32>,
        tpu.vector_store %arg11[%swap3A_1784, %swap3A_1785], %mul3A_1779 {strides = array<i32>} : memref<128x128xf32, #tpu.memory_space<vmem>>, vector<16xf32>,
        %mul3A_1787 = arith.constant 16 : i32
        %mul3A_1788 = arith.muli %scan3A_45, %mul3A_1787 : i32
        %add3A_1789 = arith.constant 13 : i32
        %add3A_1790 = arith.addi %mul3A_1788, %add3A_1789 : i32
        %get3A_1791 = arith.index_cast %add3A_1790 : i32 to index
        %get3A_1792 = arith.constant 48 : index
        %get3A_1793 = tpu.vector_load %arg11[%get3A_1791, %get3A_1792] {strides = array<i32>} : memref<128x128xf32, #tpu.memory_space<vmem>>, vector<16xf32>,
        %mul3A_1794 = vector.broadcast %squeeze3A_1738 : f32 to vector<16xf32>
        %mul3A_1795 = arith.mulf %get3A_1793, %mul3A_1794 : vector<16xf32>
        %mul3A_1796 = arith.constant 16 : i32
        %mul3A_1797 = arith.muli %scan3A_45, %mul3A_1796 : i32
        %add3A_1798 = arith.constant 13 : i32
        %add3A_1799 = arith.addi %mul3A_1797, %add3A_1798 : i32
        %swap3A_1800 = arith.index_cast %add3A_1799 : i32 to index
        %swap3A_1801 = arith.constant 48 : index
        %swap3A_1802 = tpu.vector_load %arg11[%swap3A_1800, %swap3A_1801] {strides = array<i32>} : memref<128x128xf32, #tpu.memory_space<vmem>>, vector<16xf32>,
        tpu.vector_store %arg11[%swap3A_1800, %swap3A_1801], %mul3A_1795 {strides = array<i32>} : memref<128x128xf32, #tpu.memory_space<vmem>>, vector<16xf32>,
        %mul3A_1803 = arith.constant 16 : i32
        %mul3A_1804 = arith.muli %scan3A_45, %mul3A_1803 : i32
        %add3A_1805 = arith.constant 13 : i32
        %add3A_1806 = arith.addi %mul3A_1804, %add3A_1805 : i32
        %get3A_1807 = arith.index_cast %add3A_1806 : i32 to index
        %get3A_1808 = arith.constant 64 : index
        %get3A_1809 = tpu.vector_load %arg11[%get3A_1807, %get3A_1808] {strides = array<i32>} : memref<128x128xf32, #tpu.memory_space<vmem>>, vector<16xf32>,
        %mul3A_1810 = vector.broadcast %squeeze3A_1738 : f32 to vector<16xf32>
        %mul3A_1811 = arith.mulf %get3A_1809, %mul3A_1810 : vector<16xf32>
        %mul3A_1812 = arith.constant 16 : i32
        %mul3A_1813 = arith.muli %scan3A_45, %mul3A_1812 : i32
        %add3A_1814 = arith.constant 13 : i32
        %add3A_1815 = arith.addi %mul3A_1813, %add3A_1814 : i32
        %swap3A_1816 = arith.index_cast %add3A_1815 : i32 to index
        %swap3A_1817 = arith.constant 64 : index
        %swap3A_1818 = tpu.vector_load %arg11[%swap3A_1816, %swap3A_1817] {strides = array<i32>} : memref<128x128xf32, #tpu.memory_space<vmem>>, vector<16xf32>,
        tpu.vector_store %arg11[%swap3A_1816, %swap3A_1817], %mul3A_1811 {strides = array<i32>} : memref<128x128xf32, #tpu.memory_space<vmem>>, vector<16xf32>,
        %mul3A_1819 = arith.constant 16 : i32
        %mul3A_1820 = arith.muli %scan3A_45, %mul3A_1819 : i32
        %add3A_1821 = arith.constant 13 : i32
        %add3A_1822 = arith.addi %mul3A_1820, %add3A_1821 : i32
        %get3A_1823 = arith.index_cast %add3A_1822 : i32 to index
        %get3A_1824 = arith.constant 80 : index
        %get3A_1825 = tpu.vector_load %arg11[%get3A_1823, %get3A_1824] {strides = array<i32>} : memref<128x128xf32, #tpu.memory_space<vmem>>, vector<16xf32>,
        %mul3A_1826 = vector.broadcast %squeeze3A_1738 : f32 to vector<16xf32>
        %mul3A_1827 = arith.mulf %get3A_1825, %mul3A_1826 : vector<16xf32>
        %mul3A_1828 = arith.constant 16 : i32
        %mul3A_1829 = arith.muli %scan3A_45, %mul3A_1828 : i32
        %add3A_1830 = arith.constant 13 : i32
        %add3A_1831 = arith.addi %mul3A_1829, %add3A_1830 : i32
        %swap3A_1832 = arith.index_cast %add3A_1831 : i32 to index
        %swap3A_1833 = arith.constant 80 : index
        %swap3A_1834 = tpu.vector_load %arg11[%swap3A_1832, %swap3A_1833] {strides = array<i32>} : memref<128x128xf32, #tpu.memory_space<vmem>>, vector<16xf32>,
        tpu.vector_store %arg11[%swap3A_1832, %swap3A_1833], %mul3A_1827 {strides = array<i32>} : memref<128x128xf32, #tpu.memory_space<vmem>>, vector<16xf32>,
        %mul3A_1835 = arith.constant 16 : i32
        %mul3A_1836 = arith.muli %scan3A_45, %mul3A_1835 : i32
        %add3A_1837 = arith.constant 13 : i32
        %add3A_1838 = arith.addi %mul3A_1836, %add3A_1837 : i32
        %get3A_1839 = arith.index_cast %add3A_1838 : i32 to index
        %get3A_1840 = arith.constant 96 : index
        %get3A_1841 = tpu.vector_load %arg11[%get3A_1839, %get3A_1840] {strides = array<i32>} : memref<128x128xf32, #tpu.memory_space<vmem>>, vector<16xf32>,
        %mul3A_1842 = vector.broadcast %squeeze3A_1738 : f32 to vector<16xf32>
        %mul3A_1843 = arith.mulf %get3A_1841, %mul3A_1842 : vector<16xf32>
        %mul3A_1844 = arith.constant 16 : i32
        %mul3A_1845 = arith.muli %scan3A_45, %mul3A_1844 : i32
        %add3A_1846 = arith.constant 13 : i32
        %add3A_1847 = arith.addi %mul3A_1845, %add3A_1846 : i32
        %swap3A_1848 = arith.index_cast %add3A_1847 : i32 to index
        %swap3A_1849 = arith.constant 96 : index
        %swap3A_1850 = tpu.vector_load %arg11[%swap3A_1848, %swap3A_1849] {strides = array<i32>} : memref<128x128xf32, #tpu.memory_space<vmem>>, vector<16xf32>,
        tpu.vector_store %arg11[%swap3A_1848, %swap3A_1849], %mul3A_1843 {strides = array<i32>} : memref<128x128xf32, #tpu.memory_space<vmem>>, vector<16xf32>,
        %mul3A_1851 = arith.constant 16 : i32
        %mul3A_1852 = arith.muli %scan3A_45, %mul3A_1851 : i32
        %add3A_1853 = arith.constant 13 : i32
        %add3A_1854 = arith.addi %mul3A_1852, %add3A_1853 : i32
        %get3A_1855 = arith.index_cast %add3A_1854 : i32 to index
        %get3A_1856 = arith.constant 112 : index
        %get3A_1857 = tpu.vector_load %arg11[%get3A_1855, %get3A_1856] {strides = array<i32>} : memref<128x128xf32, #tpu.memory_space<vmem>>, vector<16xf32>,
        %mul3A_1858 = vector.broadcast %squeeze3A_1738 : f32 to vector<16xf32>
        %mul3A_1859 = arith.mulf %get3A_1857, %mul3A_1858 : vector<16xf32>
        %mul3A_1860 = arith.constant 16 : i32
        %mul3A_1861 = arith.muli %scan3A_45, %mul3A_1860 : i32
        %add3A_1862 = arith.constant 13 : i32
        %add3A_1863 = arith.addi %mul3A_1861, %add3A_1862 : i32
        %swap3A_1864 = arith.index_cast %add3A_1863 : i32 to index
        %swap3A_1865 = arith.constant 112 : index
        %swap3A_1866 = tpu.vector_load %arg11[%swap3A_1864, %swap3A_1865] {strides = array<i32>} : memref<128x128xf32, #tpu.memory_space<vmem>>, vector<16xf32>,
        tpu.vector_store %arg11[%swap3A_1864, %swap3A_1865], %mul3A_1859 {strides = array<i32>} : memref<128x128xf32, #tpu.memory_space<vmem>>, vector<16xf32>,
        %slice3A_1867 = vector.extract_strided_slice %get3A_49 {offsets = [14], sizes = [1], strides = [1]} : vector<16xf32> to vector<1xf32>
        %squeeze3A_1868 = vector.extract %slice3A_1867[0] : f32 from vector<1xf32>
        %mul3A_1869 = arith.constant 16 : i32
        %mul3A_1870 = arith.muli %scan3A_45, %mul3A_1869 : i32
        %add3A_1871 = arith.constant 14 : i32
        %add3A_1872 = arith.addi %mul3A_1870, %add3A_1871 : i32
        %get3A_1873 = arith.index_cast %add3A_1872 : i32 to index
        %get3A_1874 = arith.constant 0 : index
        %get3A_1875 = tpu.vector_load %arg11[%get3A_1873, %get3A_1874] {strides = array<i32>} : memref<128x128xf32, #tpu.memory_space<vmem>>, vector<16xf32>,
        %mul3A_1876 = vector.broadcast %squeeze3A_1868 : f32 to vector<16xf32>
        %mul3A_1877 = arith.mulf %get3A_1875, %mul3A_1876 : vector<16xf32>
        %mul3A_1878 = arith.constant 16 : i32
        %mul3A_1879 = arith.muli %scan3A_45, %mul3A_1878 : i32
        %add3A_1880 = arith.constant 14 : i32
        %add3A_1881 = arith.addi %mul3A_1879, %add3A_1880 : i32
        %swap3A_1882 = arith.index_cast %add3A_1881 : i32 to index
        %swap3A_1883 = arith.constant 0 : index
        %swap3A_1884 = tpu.vector_load %arg11[%swap3A_1882, %swap3A_1883] {strides = array<i32>} : memref<128x128xf32, #tpu.memory_space<vmem>>, vector<16xf32>,
        tpu.vector_store %arg11[%swap3A_1882, %swap3A_1883], %mul3A_1877 {strides = array<i32>} : memref<128x128xf32, #tpu.memory_space<vmem>>, vector<16xf32>,
        %mul3A_1885 = arith.constant 16 : i32
        %mul3A_1886 = arith.muli %scan3A_45, %mul3A_1885 : i32
        %add3A_1887 = arith.constant 14 : i32
        %add3A_1888 = arith.addi %mul3A_1886, %add3A_1887 : i32
        %get3A_1889 = arith.index_cast %add3A_1888 : i32 to index
        %get3A_1890 = arith.constant 16 : index
        %get3A_1891 = tpu.vector_load %arg11[%get3A_1889, %get3A_1890] {strides = array<i32>} : memref<128x128xf32, #tpu.memory_space<vmem>>, vector<16xf32>,
        %mul3A_1892 = vector.broadcast %squeeze3A_1868 : f32 to vector<16xf32>
        %mul3A_1893 = arith.mulf %get3A_1891, %mul3A_1892 : vector<16xf32>
        %mul3A_1894 = arith.constant 16 : i32
        %mul3A_1895 = arith.muli %scan3A_45, %mul3A_1894 : i32
        %add3A_1896 = arith.constant 14 : i32
        %add3A_1897 = arith.addi %mul3A_1895, %add3A_1896 : i32
        %swap3A_1898 = arith.index_cast %add3A_1897 : i32 to index
        %swap3A_1899 = arith.constant 16 : index
        %swap3A_1900 = tpu.vector_load %arg11[%swap3A_1898, %swap3A_1899] {strides = array<i32>} : memref<128x128xf32, #tpu.memory_space<vmem>>, vector<16xf32>,
        tpu.vector_store %arg11[%swap3A_1898, %swap3A_1899], %mul3A_1893 {strides = array<i32>} : memref<128x128xf32, #tpu.memory_space<vmem>>, vector<16xf32>,
        %mul3A_1901 = arith.constant 16 : i32
        %mul3A_1902 = arith.muli %scan3A_45, %mul3A_1901 : i32
        %add3A_1903 = arith.constant 14 : i32
        %add3A_1904 = arith.addi %mul3A_1902, %add3A_1903 : i32
        %get3A_1905 = arith.index_cast %add3A_1904 : i32 to index
        %get3A_1906 = arith.constant 32 : index
        %get3A_1907 = tpu.vector_load %arg11[%get3A_1905, %get3A_1906] {strides = array<i32>} : memref<128x128xf32, #tpu.memory_space<vmem>>, vector<16xf32>,
        %mul3A_1908 = vector.broadcast %squeeze3A_1868 : f32 to vector<16xf32>
        %mul3A_1909 = arith.mulf %get3A_1907, %mul3A_1908 : vector<16xf32>
        %mul3A_1910 = arith.constant 16 : i32
        %mul3A_1911 = arith.muli %scan3A_45, %mul3A_1910 : i32
        %add3A_1912 = arith.constant 14 : i32
        %add3A_1913 = arith.addi %mul3A_1911, %add3A_1912 : i32
        %swap3A_1914 = arith.index_cast %add3A_1913 : i32 to index
        %swap3A_1915 = arith.constant 32 : index
        %swap3A_1916 = tpu.vector_load %arg11[%swap3A_1914, %swap3A_1915] {strides = array<i32>} : memref<128x128xf32, #tpu.memory_space<vmem>>, vector<16xf32>,
        tpu.vector_store %arg11[%swap3A_1914, %swap3A_1915], %mul3A_1909 {strides = array<i32>} : memref<128x128xf32, #tpu.memory_space<vmem>>, vector<16xf32>,
        %mul3A_1917 = arith.constant 16 : i32
        %mul3A_1918 = arith.muli %scan3A_45, %mul3A_1917 : i32
        %add3A_1919 = arith.constant 14 : i32
        %add3A_1920 = arith.addi %mul3A_1918, %add3A_1919 : i32
        %get3A_1921 = arith.index_cast %add3A_1920 : i32 to index
        %get3A_1922 = arith.constant 48 : index
        %get3A_1923 = tpu.vector_load %arg11[%get3A_1921, %get3A_1922] {strides = array<i32>} : memref<128x128xf32, #tpu.memory_space<vmem>>, vector<16xf32>,
        %mul3A_1924 = vector.broadcast %squeeze3A_1868 : f32 to vector<16xf32>
        %mul3A_1925 = arith.mulf %get3A_1923, %mul3A_1924 : vector<16xf32>
        %mul3A_1926 = arith.constant 16 : i32
        %mul3A_1927 = arith.muli %scan3A_45, %mul3A_1926 : i32
        %add3A_1928 = arith.constant 14 : i32
        %add3A_1929 = arith.addi %mul3A_1927, %add3A_1928 : i32
        %swap3A_1930 = arith.index_cast %add3A_1929 : i32 to index
        %swap3A_1931 = arith.constant 48 : index
        %swap3A_1932 = tpu.vector_load %arg11[%swap3A_1930, %swap3A_1931] {strides = array<i32>} : memref<128x128xf32, #tpu.memory_space<vmem>>, vector<16xf32>,
        tpu.vector_store %arg11[%swap3A_1930, %swap3A_1931], %mul3A_1925 {strides = array<i32>} : memref<128x128xf32, #tpu.memory_space<vmem>>, vector<16xf32>,
        %mul3A_1933 = arith.constant 16 : i32
        %mul3A_1934 = arith.muli %scan3A_45, %mul3A_1933 : i32
        %add3A_1935 = arith.constant 14 : i32
        %add3A_1936 = arith.addi %mul3A_1934, %add3A_1935 : i32
        %get3A_1937 = arith.index_cast %add3A_1936 : i32 to index
        %get3A_1938 = arith.constant 64 : index
        %get3A_1939 = tpu.vector_load %arg11[%get3A_1937, %get3A_1938] {strides = array<i32>} : memref<128x128xf32, #tpu.memory_space<vmem>>, vector<16xf32>,
        %mul3A_1940 = vector.broadcast %squeeze3A_1868 : f32 to vector<16xf32>
        %mul3A_1941 = arith.mulf %get3A_1939, %mul3A_1940 : vector<16xf32>
        %mul3A_1942 = arith.constant 16 : i32
        %mul3A_1943 = arith.muli %scan3A_45, %mul3A_1942 : i32
        %add3A_1944 = arith.constant 14 : i32
        %add3A_1945 = arith.addi %mul3A_1943, %add3A_1944 : i32
        %swap3A_1946 = arith.index_cast %add3A_1945 : i32 to index
        %swap3A_1947 = arith.constant 64 : index
        %swap3A_1948 = tpu.vector_load %arg11[%swap3A_1946, %swap3A_1947] {strides = array<i32>} : memref<128x128xf32, #tpu.memory_space<vmem>>, vector<16xf32>,
        tpu.vector_store %arg11[%swap3A_1946, %swap3A_1947], %mul3A_1941 {strides = array<i32>} : memref<128x128xf32, #tpu.memory_space<vmem>>, vector<16xf32>,
        %mul3A_1949 = arith.constant 16 : i32
        %mul3A_1950 = arith.muli %scan3A_45, %mul3A_1949 : i32
        %add3A_1951 = arith.constant 14 : i32
        %add3A_1952 = arith.addi %mul3A_1950, %add3A_1951 : i32
        %get3A_1953 = arith.index_cast %add3A_1952 : i32 to index
        %get3A_1954 = arith.constant 80 : index
        %get3A_1955 = tpu.vector_load %arg11[%get3A_1953, %get3A_1954] {strides = array<i32>} : memref<128x128xf32, #tpu.memory_space<vmem>>, vector<16xf32>,
        %mul3A_1956 = vector.broadcast %squeeze3A_1868 : f32 to vector<16xf32>
        %mul3A_1957 = arith.mulf %get3A_1955, %mul3A_1956 : vector<16xf32>
        %mul3A_1958 = arith.constant 16 : i32
        %mul3A_1959 = arith.muli %scan3A_45, %mul3A_1958 : i32
        %add3A_1960 = arith.constant 14 : i32
        %add3A_1961 = arith.addi %mul3A_1959, %add3A_1960 : i32
        %swap3A_1962 = arith.index_cast %add3A_1961 : i32 to index
        %swap3A_1963 = arith.constant 80 : index
        %swap3A_1964 = tpu.vector_load %arg11[%swap3A_1962, %swap3A_1963] {strides = array<i32>} : memref<128x128xf32, #tpu.memory_space<vmem>>, vector<16xf32>,
        tpu.vector_store %arg11[%swap3A_1962, %swap3A_1963], %mul3A_1957 {strides = array<i32>} : memref<128x128xf32, #tpu.memory_space<vmem>>, vector<16xf32>,
        %mul3A_1965 = arith.constant 16 : i32
        %mul3A_1966 = arith.muli %scan3A_45, %mul3A_1965 : i32
        %add3A_1967 = arith.constant 14 : i32
        %add3A_1968 = arith.addi %mul3A_1966, %add3A_1967 : i32
        %get3A_1969 = arith.index_cast %add3A_1968 : i32 to index
        %get3A_1970 = arith.constant 96 : index
        %get3A_1971 = tpu.vector_load %arg11[%get3A_1969, %get3A_1970] {strides = array<i32>} : memref<128x128xf32, #tpu.memory_space<vmem>>, vector<16xf32>,
        %mul3A_1972 = vector.broadcast %squeeze3A_1868 : f32 to vector<16xf32>
        %mul3A_1973 = arith.mulf %get3A_1971, %mul3A_1972 : vector<16xf32>
        %mul3A_1974 = arith.constant 16 : i32
        %mul3A_1975 = arith.muli %scan3A_45, %mul3A_1974 : i32
        %add3A_1976 = arith.constant 14 : i32
        %add3A_1977 = arith.addi %mul3A_1975, %add3A_1976 : i32
        %swap3A_1978 = arith.index_cast %add3A_1977 : i32 to index
        %swap3A_1979 = arith.constant 96 : index
        %swap3A_1980 = tpu.vector_load %arg11[%swap3A_1978, %swap3A_1979] {strides = array<i32>} : memref<128x128xf32, #tpu.memory_space<vmem>>, vector<16xf32>,
        tpu.vector_store %arg11[%swap3A_1978, %swap3A_1979], %mul3A_1973 {strides = array<i32>} : memref<128x128xf32, #tpu.memory_space<vmem>>, vector<16xf32>,
        %mul3A_1981 = arith.constant 16 : i32
        %mul3A_1982 = arith.muli %scan3A_45, %mul3A_1981 : i32
        %add3A_1983 = arith.constant 14 : i32
        %add3A_1984 = arith.addi %mul3A_1982, %add3A_1983 : i32
        %get3A_1985 = arith.index_cast %add3A_1984 : i32 to index
        %get3A_1986 = arith.constant 112 : index
        %get3A_1987 = tpu.vector_load %arg11[%get3A_1985, %get3A_1986] {strides = array<i32>} : memref<128x128xf32, #tpu.memory_space<vmem>>, vector<16xf32>,
        %mul3A_1988 = vector.broadcast %squeeze3A_1868 : f32 to vector<16xf32>
        %mul3A_1989 = arith.mulf %get3A_1987, %mul3A_1988 : vector<16xf32>
        %mul3A_1990 = arith.constant 16 : i32
        %mul3A_1991 = arith.muli %scan3A_45, %mul3A_1990 : i32
        %add3A_1992 = arith.constant 14 : i32
        %add3A_1993 = arith.addi %mul3A_1991, %add3A_1992 : i32
        %swap3A_1994 = arith.index_cast %add3A_1993 : i32 to index
        %swap3A_1995 = arith.constant 112 : index
        %swap3A_1996 = tpu.vector_load %arg11[%swap3A_1994, %swap3A_1995] {strides = array<i32>} : memref<128x128xf32, #tpu.memory_space<vmem>>, vector<16xf32>,
        tpu.vector_store %arg11[%swap3A_1994, %swap3A_1995], %mul3A_1989 {strides = array<i32>} : memref<128x128xf32, #tpu.memory_space<vmem>>, vector<16xf32>,
        %slice3A_1997 = vector.extract_strided_slice %get3A_49 {offsets = [15], sizes = [1], strides = [1]} : vector<16xf32> to vector<1xf32>
        %squeeze3A_1998 = vector.extract %slice3A_1997[0] : f32 from vector<1xf32>
        %mul3A_1999 = arith.constant 16 : i32
        %mul3A_2000 = arith.muli %scan3A_45, %mul3A_1999 : i32
        %add3A_2001 = arith.constant 15 : i32
        %add3A_2002 = arith.addi %mul3A_2000, %add3A_2001 : i32
        %get3A_2003 = arith.index_cast %add3A_2002 : i32 to index
        %get3A_2004 = arith.constant 0 : index
        %get3A_2005 = tpu.vector_load %arg11[%get3A_2003, %get3A_2004] {strides = array<i32>} : memref<128x128xf32, #tpu.memory_space<vmem>>, vector<16xf32>,
        %mul3A_2006 = vector.broadcast %squeeze3A_1998 : f32 to vector<16xf32>
        %mul3A_2007 = arith.mulf %get3A_2005, %mul3A_2006 : vector<16xf32>
        %mul3A_2008 = arith.constant 16 : i32
        %mul3A_2009 = arith.muli %scan3A_45, %mul3A_2008 : i32
        %add3A_2010 = arith.constant 15 : i32
        %add3A_2011 = arith.addi %mul3A_2009, %add3A_2010 : i32
        %swap3A_2012 = arith.index_cast %add3A_2011 : i32 to index
        %swap3A_2013 = arith.constant 0 : index
        %swap3A_2014 = tpu.vector_load %arg11[%swap3A_2012, %swap3A_2013] {strides = array<i32>} : memref<128x128xf32, #tpu.memory_space<vmem>>, vector<16xf32>,
        tpu.vector_store %arg11[%swap3A_2012, %swap3A_2013], %mul3A_2007 {strides = array<i32>} : memref<128x128xf32, #tpu.memory_space<vmem>>, vector<16xf32>,
        %mul3A_2015 = arith.constant 16 : i32
        %mul3A_2016 = arith.muli %scan3A_45, %mul3A_2015 : i32
        %add3A_2017 = arith.constant 15 : i32
        %add3A_2018 = arith.addi %mul3A_2016, %add3A_2017 : i32
        %get3A_2019 = arith.index_cast %add3A_2018 : i32 to index
        %get3A_2020 = arith.constant 16 : index
        %get3A_2021 = tpu.vector_load %arg11[%get3A_2019, %get3A_2020] {strides = array<i32>} : memref<128x128xf32, #tpu.memory_space<vmem>>, vector<16xf32>,
        %mul3A_2022 = vector.broadcast %squeeze3A_1998 : f32 to vector<16xf32>
        %mul3A_2023 = arith.mulf %get3A_2021, %mul3A_2022 : vector<16xf32>
        %mul3A_2024 = arith.constant 16 : i32
        %mul3A_2025 = arith.muli %scan3A_45, %mul3A_2024 : i32
        %add3A_2026 = arith.constant 15 : i32
        %add3A_2027 = arith.addi %mul3A_2025, %add3A_2026 : i32
        %swap3A_2028 = arith.index_cast %add3A_2027 : i32 to index
        %swap3A_2029 = arith.constant 16 : index
        %swap3A_2030 = tpu.vector_load %arg11[%swap3A_2028, %swap3A_2029] {strides = array<i32>} : memref<128x128xf32, #tpu.memory_space<vmem>>, vector<16xf32>,
        tpu.vector_store %arg11[%swap3A_2028, %swap3A_2029], %mul3A_2023 {strides = array<i32>} : memref<128x128xf32, #tpu.memory_space<vmem>>, vector<16xf32>,
        %mul3A_2031 = arith.constant 16 : i32
        %mul3A_2032 = arith.muli %scan3A_45, %mul3A_2031 : i32
        %add3A_2033 = arith.constant 15 : i32
        %add3A_2034 = arith.addi %mul3A_2032, %add3A_2033 : i32
        %get3A_2035 = arith.index_cast %add3A_2034 : i32 to index
        %get3A_2036 = arith.constant 32 : index
        %get3A_2037 = tpu.vector_load %arg11[%get3A_2035, %get3A_2036] {strides = array<i32>} : memref<128x128xf32, #tpu.memory_space<vmem>>, vector<16xf32>,
        %mul3A_2038 = vector.broadcast %squeeze3A_1998 : f32 to vector<16xf32>
        %mul3A_2039 = arith.mulf %get3A_2037, %mul3A_2038 : vector<16xf32>
        %mul3A_2040 = arith.constant 16 : i32
        %mul3A_2041 = arith.muli %scan3A_45, %mul3A_2040 : i32
        %add3A_2042 = arith.constant 15 : i32
        %add3A_2043 = arith.addi %mul3A_2041, %add3A_2042 : i32
        %swap3A_2044 = arith.index_cast %add3A_2043 : i32 to index
        %swap3A_2045 = arith.constant 32 : index
        %swap3A_2046 = tpu.vector_load %arg11[%swap3A_2044, %swap3A_2045] {strides = array<i32>} : memref<128x128xf32, #tpu.memory_space<vmem>>, vector<16xf32>,
        tpu.vector_store %arg11[%swap3A_2044, %swap3A_2045], %mul3A_2039 {strides = array<i32>} : memref<128x128xf32, #tpu.memory_space<vmem>>, vector<16xf32>,
        %mul3A_2047 = arith.constant 16 : i32
        %mul3A_2048 = arith.muli %scan3A_45, %mul3A_2047 : i32
        %add3A_2049 = arith.constant 15 : i32
        %add3A_2050 = arith.addi %mul3A_2048, %add3A_2049 : i32
        %get3A_2051 = arith.index_cast %add3A_2050 : i32 to index
        %get3A_2052 = arith.constant 48 : index
        %get3A_2053 = tpu.vector_load %arg11[%get3A_2051, %get3A_2052] {strides = array<i32>} : memref<128x128xf32, #tpu.memory_space<vmem>>, vector<16xf32>,
        %mul3A_2054 = vector.broadcast %squeeze3A_1998 : f32 to vector<16xf32>
        %mul3A_2055 = arith.mulf %get3A_2053, %mul3A_2054 : vector<16xf32>
        %mul3A_2056 = arith.constant 16 : i32
        %mul3A_2057 = arith.muli %scan3A_45, %mul3A_2056 : i32
        %add3A_2058 = arith.constant 15 : i32
        %add3A_2059 = arith.addi %mul3A_2057, %add3A_2058 : i32
        %swap3A_2060 = arith.index_cast %add3A_2059 : i32 to index
        %swap3A_2061 = arith.constant 48 : index
        %swap3A_2062 = tpu.vector_load %arg11[%swap3A_2060, %swap3A_2061] {strides = array<i32>} : memref<128x128xf32, #tpu.memory_space<vmem>>, vector<16xf32>,
        tpu.vector_store %arg11[%swap3A_2060, %swap3A_2061], %mul3A_2055 {strides = array<i32>} : memref<128x128xf32, #tpu.memory_space<vmem>>, vector<16xf32>,
        %mul3A_2063 = arith.constant 16 : i32
        %mul3A_2064 = arith.muli %scan3A_45, %mul3A_2063 : i32
        %add3A_2065 = arith.constant 15 : i32
        %add3A_2066 = arith.addi %mul3A_2064, %add3A_2065 : i32
        %get3A_2067 = arith.index_cast %add3A_2066 : i32 to index
        %get3A_2068 = arith.constant 64 : index
        %get3A_2069 = tpu.vector_load %arg11[%get3A_2067, %get3A_2068] {strides = array<i32>} : memref<128x128xf32, #tpu.memory_space<vmem>>, vector<16xf32>,
        %mul3A_2070 = vector.broadcast %squeeze3A_1998 : f32 to vector<16xf32>
        %mul3A_2071 = arith.mulf %get3A_2069, %mul3A_2070 : vector<16xf32>
        %mul3A_2072 = arith.constant 16 : i32
        %mul3A_2073 = arith.muli %scan3A_45, %mul3A_2072 : i32
        %add3A_2074 = arith.constant 15 : i32
        %add3A_2075 = arith.addi %mul3A_2073, %add3A_2074 : i32
        %swap3A_2076 = arith.index_cast %add3A_2075 : i32 to index
        %swap3A_2077 = arith.constant 64 : index
        %swap3A_2078 = tpu.vector_load %arg11[%swap3A_2076, %swap3A_2077] {strides = array<i32>} : memref<128x128xf32, #tpu.memory_space<vmem>>, vector<16xf32>,
        tpu.vector_store %arg11[%swap3A_2076, %swap3A_2077], %mul3A_2071 {strides = array<i32>} : memref<128x128xf32, #tpu.memory_space<vmem>>, vector<16xf32>,
        %mul3A_2079 = arith.constant 16 : i32
        %mul3A_2080 = arith.muli %scan3A_45, %mul3A_2079 : i32
        %add3A_2081 = arith.constant 15 : i32
        %add3A_2082 = arith.addi %mul3A_2080, %add3A_2081 : i32
        %get3A_2083 = arith.index_cast %add3A_2082 : i32 to index
        %get3A_2084 = arith.constant 80 : index
        %get3A_2085 = tpu.vector_load %arg11[%get3A_2083, %get3A_2084] {strides = array<i32>} : memref<128x128xf32, #tpu.memory_space<vmem>>, vector<16xf32>,
        %mul3A_2086 = vector.broadcast %squeeze3A_1998 : f32 to vector<16xf32>
        %mul3A_2087 = arith.mulf %get3A_2085, %mul3A_2086 : vector<16xf32>
        %mul3A_2088 = arith.constant 16 : i32
        %mul3A_2089 = arith.muli %scan3A_45, %mul3A_2088 : i32
        %add3A_2090 = arith.constant 15 : i32
        %add3A_2091 = arith.addi %mul3A_2089, %add3A_2090 : i32
        %swap3A_2092 = arith.index_cast %add3A_2091 : i32 to index
        %swap3A_2093 = arith.constant 80 : index
        %swap3A_2094 = tpu.vector_load %arg11[%swap3A_2092, %swap3A_2093] {strides = array<i32>} : memref<128x128xf32, #tpu.memory_space<vmem>>, vector<16xf32>,
        tpu.vector_store %arg11[%swap3A_2092, %swap3A_2093], %mul3A_2087 {strides = array<i32>} : memref<128x128xf32, #tpu.memory_space<vmem>>, vector<16xf32>,
        %mul3A_2095 = arith.constant 16 : i32
        %mul3A_2096 = arith.muli %scan3A_45, %mul3A_2095 : i32
        %add3A_2097 = arith.constant 15 : i32
        %add3A_2098 = arith.addi %mul3A_2096, %add3A_2097 : i32
        %get3A_2099 = arith.index_cast %add3A_2098 : i32 to index
        %get3A_2100 = arith.constant 96 : index
        %get3A_2101 = tpu.vector_load %arg11[%get3A_2099, %get3A_2100] {strides = array<i32>} : memref<128x128xf32, #tpu.memory_space<vmem>>, vector<16xf32>,
        %mul3A_2102 = vector.broadcast %squeeze3A_1998 : f32 to vector<16xf32>
        %mul3A_2103 = arith.mulf %get3A_2101, %mul3A_2102 : vector<16xf32>
        %mul3A_2104 = arith.constant 16 : i32
        %mul3A_2105 = arith.muli %scan3A_45, %mul3A_2104 : i32
        %add3A_2106 = arith.constant 15 : i32
        %add3A_2107 = arith.addi %mul3A_2105, %add3A_2106 : i32
        %swap3A_2108 = arith.index_cast %add3A_2107 : i32 to index
        %swap3A_2109 = arith.constant 96 : index
        %swap3A_2110 = tpu.vector_load %arg11[%swap3A_2108, %swap3A_2109] {strides = array<i32>} : memref<128x128xf32, #tpu.memory_space<vmem>>, vector<16xf32>,
        tpu.vector_store %arg11[%swap3A_2108, %swap3A_2109], %mul3A_2103 {strides = array<i32>} : memref<128x128xf32, #tpu.memory_space<vmem>>, vector<16xf32>,
        %mul3A_2111 = arith.constant 16 : i32
        %mul3A_2112 = arith.muli %scan3A_45, %mul3A_2111 : i32
        %add3A_2113 = arith.constant 15 : i32
        %add3A_2114 = arith.addi %mul3A_2112, %add3A_2113 : i32
        %get3A_2115 = arith.index_cast %add3A_2114 : i32 to index
        %get3A_2116 = arith.constant 112 : index
        %get3A_2117 = tpu.vector_load %arg11[%get3A_2115, %get3A_2116] {strides = array<i32>} : memref<128x128xf32, #tpu.memory_space<vmem>>, vector<16xf32>,
        %mul3A_2118 = vector.broadcast %squeeze3A_1998 : f32 to vector<16xf32>
        %mul3A_2119 = arith.mulf %get3A_2117, %mul3A_2118 : vector<16xf32>
        %mul3A_2120 = arith.constant 16 : i32
        %mul3A_2121 = arith.muli %scan3A_45, %mul3A_2120 : i32
        %add3A_2122 = arith.constant 15 : i32
        %add3A_2123 = arith.addi %mul3A_2121, %add3A_2122 : i32
        %swap3A_2124 = arith.index_cast %add3A_2123 : i32 to index
        %swap3A_2125 = arith.constant 112 : index
        %swap3A_2126 = tpu.vector_load %arg11[%swap3A_2124, %swap3A_2125] {strides = array<i32>} : memref<128x128xf32, #tpu.memory_space<vmem>>, vector<16xf32>,
        tpu.vector_store %arg11[%swap3A_2124, %swap3A_2125], %mul3A_2119 {strides = array<i32>} : memref<128x128xf32, #tpu.memory_space<vmem>>, vector<16xf32>,
      }
      %scan3A_44 = arith.constant 8 : i32
      "tpu.region"() ({
        %run_scoped3A = tpu.sem_alloc : memref<!tpu.dma_semaphore, #tpu.memory_space<semaphore_mem>>
        %dma_start3A_45 = arith.constant 0 : i32
        %dma_start3A_46 = tpu.memref_slice %arg9[%while3A_29, %dma_start3A_45] : memref<88x128xi32, #tpu.memory_space<vmem>> -> memref<1x128xi32, #tpu.memory_space<vmem>>
        %dma_start3A_47 = tpu.memref_squeeze %dma_start3A_46 : memref<1x128xi32, #tpu.memory_space<vmem>> -> memref<128xi32, #tpu.memory_space<vmem>>
        %dma_start3A_48 = arith.constant 0 : i32
        %dma_start3A_49 = arith.constant 0 : i32
        %dma_start3A_50 = tpu.memref_slice %arg12[%dma_start3A_48, %dma_start3A_49] : memref<10000x128xf32, #tpu.memory_space<vmem_shared>> -> memref<10000x128xf32, #tpu.memory_space<vmem_shared>>
        tpu.enqueue_indirect_dma source(%arg11 : memref<128x128xf32, #tpu.memory_space<vmem>>) target(%dma_start3A_50 : memref<10000x128xf32, #tpu.memory_space<vmem_shared>>) offsets(%dma_start3A_47 : memref<128xi32, #tpu.memory_space<vmem>>) semaphore(%run_scoped3A : memref<!tpu.dma_semaphore, #tpu.memory_space<semaphore_mem>>) {add = true}
        %dma_wait3A_51 = arith.constant 0 : i32
        %dma_wait3A_52 = tpu.memref_slice %arg9[%while3A_29, %dma_wait3A_51] : memref<88x128xi32, #tpu.memory_space<vmem>> -> memref<1x128xi32, #tpu.memory_space<vmem>>
        %dma_wait3A_53 = tpu.memref_squeeze %dma_wait3A_52 : memref<1x128xi32, #tpu.memory_space<vmem>> -> memref<128xi32, #tpu.memory_space<vmem>>
        %dma_wait3A_54 = arith.constant 0 : i32
        %dma_wait3A_55 = arith.constant 0 : i32
        %dma_wait3A_56 = tpu.memref_slice %arg12[%dma_wait3A_54, %dma_wait3A_55] : memref<10000x128xf32, #tpu.memory_space<vmem_shared>> -> memref<10000x128xf32, #tpu.memory_space<vmem_shared>>
        tpu.wait_indirect_dma semaphore(%run_scoped3A : memref<!tpu.dma_semaphore, #tpu.memory_space<semaphore_mem>>) src(%arg11 : memref<128x128xf32, #tpu.memory_space<vmem>>) dst(%dma_wait3A_56 : memref<10000x128xf32, #tpu.memory_space<vmem_shared>>)
        tpu.yield
      }) : () -> ()
    }
    %barrier3A_19 = arith.constant 0 : index
    tpu.barrier barrier_id(%barrier3A_19)
    %mul3A_20 = arith.constant 624 : i32
    %mul3A_21 = arith.muli %arg1, %mul3A_20 : i32
    %mul3A_22 = arith.constant 624 : i32
    %mul3A_23 = arith.muli %arg1, %mul3A_22 : i32
    "tpu.region"() ({
      %run_scoped3A = tpu.sem_alloc : memref<!tpu.dma_semaphore, #tpu.memory_space<semaphore_mem>>
      %dma_start3A = arith.constant 0 : i32
      %dma_start3A_29 = tpu.memref_slice %arg7[%arg0, %mul3A_23, %dma_start3A] : memref<2x10000x128xf32, #tpu.memory_space<hbm>> -> memref<1x624x128xf32, #tpu.memory_space<hbm>>
      %dma_start3A_30 = tpu.memref_squeeze %dma_start3A_29 : memref<1x624x128xf32, #tpu.memory_space<hbm>> -> memref<624x128xf32, #tpu.memory_space<hbm>>
      %dma_start3A_31 = arith.constant 0 : i32
      %dma_start3A_32 = tpu.memref_slice %arg12[%mul3A_21, %dma_start3A_31] : memref<10000x128xf32, #tpu.memory_space<vmem_shared>> -> memref<624x128xf32, #tpu.memory_space<vmem_shared>>
      tpu.enqueue_dma source(%dma_start3A_32 : memref<624x128xf32, #tpu.memory_space<vmem_shared>>) target(%dma_start3A_30 : memref<624x128xf32, #tpu.memory_space<hbm>>) target_semaphore(%run_scoped3A : memref<!tpu.dma_semaphore, #tpu.memory_space<semaphore_mem>>)
      %dma_wait3A = arith.constant 0 : i32
      %dma_wait3A_33 = tpu.memref_slice %arg7[%arg0, %mul3A_23, %dma_wait3A] : memref<2x10000x128xf32, #tpu.memory_space<hbm>> -> memref<1x624x128xf32, #tpu.memory_space<hbm>>
      %dma_wait3A_34 = tpu.memref_squeeze %dma_wait3A_33 : memref<1x624x128xf32, #tpu.memory_space<hbm>> -> memref<624x128xf32, #tpu.memory_space<hbm>>
      %dma_wait3A_35 = arith.constant 0 : i32
      %dma_wait3A_36 = tpu.memref_slice %arg12[%mul3A_21, %dma_wait3A_35] : memref<10000x128xf32, #tpu.memory_space<vmem_shared>> -> memref<624x128xf32, #tpu.memory_space<vmem_shared>>
      tpu.wait_dma2 semaphore(%run_scoped3A : memref<!tpu.dma_semaphore, #tpu.memory_space<semaphore_mem>>) src(%dma_wait3A_36 : memref<624x128xf32, #tpu.memory_space<vmem_shared>>) dst(%dma_wait3A_34 : memref<624x128xf32, #tpu.memory_space<hbm>>)
      tpu.yield
    }) : () -> ()
    %eq3A_24 = arith.constant 15 : i32
    %eq3A_25 = arith.cmpi eq, %arg1, %eq3A_24 : i32
    %convert_element_type3A_26 = arith.extui %eq3A_25 : i1 to i32
    %cond3A_27 = arith.constant 0 : i32
    %cond3A_28 = arith.cmpi ne, %convert_element_type3A_26, %cond3A_27 : i32
    scf.if %cond3A_28 {
      "tpu.region"() ({
        %run_scoped3A = tpu.sem_alloc : memref<!tpu.dma_semaphore, #tpu.memory_space<semaphore_mem>>
        %dma_start3A = arith.constant 9984 : i32
        %dma_start3A_29 = arith.constant 0 : i32
        %dma_start3A_30 = tpu.memref_slice %arg7[%arg0, %dma_start3A, %dma_start3A_29] : memref<2x10000x128xf32, #tpu.memory_space<hbm>> -> memref<1x16x128xf32, #tpu.memory_space<hbm>>
        %dma_start3A_31 = tpu.memref_squeeze %dma_start3A_30 : memref<1x16x128xf32, #tpu.memory_space<hbm>> -> memref<16x128xf32, #tpu.memory_space<hbm>>
        %dma_start3A_32 = arith.constant 9984 : i32
        %dma_start3A_33 = arith.constant 0 : i32
        %dma_start3A_34 = tpu.memref_slice %arg12[%dma_start3A_32, %dma_start3A_33] : memref<10000x128xf32, #tpu.memory_space<vmem_shared>> -> memref<16x128xf32, #tpu.memory_space<vmem_shared>>
        tpu.enqueue_dma source(%dma_start3A_34 : memref<16x128xf32, #tpu.memory_space<vmem_shared>>) target(%dma_start3A_31 : memref<16x128xf32, #tpu.memory_space<hbm>>) target_semaphore(%run_scoped3A : memref<!tpu.dma_semaphore, #tpu.memory_space<semaphore_mem>>)
        %dma_wait3A = arith.constant 9984 : i32
        %dma_wait3A_35 = arith.constant 0 : i32
        %dma_wait3A_36 = tpu.memref_slice %arg7[%arg0, %dma_wait3A, %dma_wait3A_35] : memref<2x10000x128xf32, #tpu.memory_space<hbm>> -> memref<1x16x128xf32, #tpu.memory_space<hbm>>
        %dma_wait3A_37 = tpu.memref_squeeze %dma_wait3A_36 : memref<1x16x128xf32, #tpu.memory_space<hbm>> -> memref<16x128xf32, #tpu.memory_space<hbm>>
        %dma_wait3A_38 = arith.constant 9984 : i32
        %dma_wait3A_39 = arith.constant 0 : i32
        %dma_wait3A_40 = tpu.memref_slice %arg12[%dma_wait3A_38, %dma_wait3A_39] : memref<10000x128xf32, #tpu.memory_space<vmem_shared>> -> memref<16x128xf32, #tpu.memory_space<vmem_shared>>
        tpu.wait_dma2 semaphore(%run_scoped3A : memref<!tpu.dma_semaphore, #tpu.memory_space<semaphore_mem>>) src(%dma_wait3A_40 : memref<16x128xf32, #tpu.memory_space<vmem_shared>>) dst(%dma_wait3A_37 : memref<16x128xf32, #tpu.memory_space<hbm>>)
        tpu.yield
      }) : () -> ()
    } else {
    }
    return
  }
}

module attributes {stable_mosaic.version = 14 : i64} {
  func.func @_prep_body(%arg0: memref<10000x128xf32, #tpu.memory_space<vmem>>, %arg1: memref<128x128xf32, #tpu.memory_space<vmem>>, %arg2: memref<32x10000xf32, #tpu.memory_space<vmem>>, %arg3: memref<10000x128xf32, #tpu.memory_space<vmem>>, %arg4: memref<10000x1xf32, #tpu.memory_space<vmem>>) attributes {dimension_semantics = [], scalar_prefetch = 0 : i64, scratch_operands = 0 : i64, tpu.core_type = #tpu.core_type<tc>} {
    %get3A = arith.constant 0 : index
    %get3A_0 = arith.constant 0 : index
    %get3A_1 = vector.load %arg2[%get3A, %get3A_0] : memref<32x10000xf32, #tpu.memory_space<vmem>>, vector<32x10000xf32>
    %reduce_sum3A = arith.constant dense<0.000000e+00> : vector<10000xf32>
    %reduce_sum3A_2 = vector.multi_reduction <add>, %get3A_1, %reduce_sum3A [0] : vector<32x10000xf32> to vector<10000xf32>
    %add3A = arith.constant 1.000000e+00 : f32
    %add3A_3 = vector.broadcast %add3A : f32 to vector<10000xf32>
    %add3A_4 = arith.addf %reduce_sum3A_2, %add3A_3 : vector<10000xf32>
    %gt3A = arith.constant 0.000000e+00 : f32
    %gt3A_5 = vector.broadcast %gt3A : f32 to vector<10000xf32>
    %gt3A_6 = arith.cmpf ogt, %add3A_4, %gt3A_5 : vector<10000xf32>
    %rsqrt3A = math.rsqrt %add3A_4 : vector<10000xf32>
    %jit3A = arith.constant 0.000000e+00 : f32
    %broadcast_in_dim3A = vector.broadcast %jit3A : f32 to vector<10000xf32>
    %select_n3A = arith.select %gt3A_6, %rsqrt3A, %broadcast_in_dim3A : vector<10000xi1>, vector<10000xf32>
    %get3A_7 = arith.constant 0 : index
    %get3A_8 = arith.constant 0 : index
    %get3A_9 = vector.load %arg0[%get3A_7, %get3A_8] : memref<10000x128xf32, #tpu.memory_space<vmem>>, vector<10000x128xf32>
    %get3A_10 = arith.constant 0 : index
    %get3A_11 = arith.constant 0 : index
    %get3A_12 = vector.load %arg1[%get3A_10, %get3A_11] : memref<128x128xf32, #tpu.memory_space<vmem>>, vector<128x128xf32>
    %dot_general3A = arith.constant dense<0.000000e+00> : vector<10000x128xf32>
    %dot_general3A_13 = tpu.matmul %get3A_9, %get3A_12, %dot_general3A {dimension_numbers = #tpu.dot_dimension_numbers<[1], [0], [0], [1], [0, 0, 1, 1], [], []>, transpose_lhs_hint = false} : vector<10000x128xf32>, vector<128x128xf32>, vector<10000x128xf32> -> vector<10000x128xf32>
    %broadcast_in_dim3A_14 = vector.shape_cast %select_n3A : vector<10000xf32> to vector<10000x1xf32>
    %mul3A = vector.broadcast %broadcast_in_dim3A_14 : vector<10000x1xf32> to vector<10000x128xf32>
    %mul3A_15 = arith.mulf %dot_general3A_13, %mul3A : vector<10000x128xf32>
    %swap3A = arith.constant 0 : index
    %swap3A_16 = arith.constant 0 : index
    %swap3A_17 = vector.load %arg3[%swap3A, %swap3A_16] : memref<10000x128xf32, #tpu.memory_space<vmem>>, vector<10000x128xf32>
    tpu.vector_store %arg3[%swap3A, %swap3A_16], %mul3A_15 {strides = array<i32>} : memref<10000x128xf32, #tpu.memory_space<vmem>>, vector<10000x128xf32>,
    %broadcast_in_dim3A_18 = vector.shape_cast %select_n3A : vector<10000xf32> to vector<10000x1xf32>
    %swap3A_19 = arith.constant 0 : index
    %swap3A_20 = arith.constant 0 : index
    %swap3A_21 = vector.load %arg4[%swap3A_19, %swap3A_20] : memref<10000x1xf32, #tpu.memory_space<vmem>>, vector<10000x1xf32>
    tpu.vector_store %arg4[%swap3A_19, %swap3A_20], %broadcast_in_dim3A_18 {strides = array<i32>} : memref<10000x1xf32, #tpu.memory_space<vmem>>, vector<10000x1xf32>,
    return
  }
}

module attributes {stable_mosaic.version = 14 : i64} {
  func.func @_comb_body(%arg0: memref<2x10000x128xf32, #tpu.memory_space<vmem>>, %arg1: memref<10000x128xf32, #tpu.memory_space<vmem>>, %arg2: memref<10000x1xf32, #tpu.memory_space<vmem>>, %arg3: memref<128xf32, #tpu.memory_space<vmem>>, %arg4: memref<10000x128xf32, #tpu.memory_space<vmem>>) attributes {dimension_semantics = [], scalar_prefetch = 0 : i64, scratch_operands = 0 : i64, tpu.core_type = #tpu.core_type<tc>} {
    %get3A = arith.constant 0 : index
    %get3A_0 = arith.constant 0 : index
    %get3A_1 = vector.load %arg2[%get3A, %get3A_0] : memref<10000x1xf32, #tpu.memory_space<vmem>>, vector<10000x1xf32>
    %get3A_2 = arith.constant 0 : index
    %get3A_3 = arith.constant 0 : index
    %get3A_4 = arith.constant 0 : index
    %get3A_5 = vector.load %arg0[%get3A_2, %get3A_3, %get3A_4] : memref<2x10000x128xf32, #tpu.memory_space<vmem>>, vector<1x10000x128xf32>
    %get3A_6 = vector.shape_cast %get3A_5 : vector<1x10000x128xf32> to vector<10000x128xf32>
    %get3A_7 = arith.constant 1 : index
    %get3A_8 = arith.constant 0 : index
    %get3A_9 = arith.constant 0 : index
    %get3A_10 = vector.load %arg0[%get3A_7, %get3A_8, %get3A_9] : memref<2x10000x128xf32, #tpu.memory_space<vmem>>, vector<1x10000x128xf32>
    %get3A_11 = vector.shape_cast %get3A_10 : vector<1x10000x128xf32> to vector<10000x128xf32>
    %add3A = arith.addf %get3A_6, %get3A_11 : vector<10000x128xf32>
    %get3A_12 = arith.constant 0 : index
    %get3A_13 = arith.constant 0 : index
    %get3A_14 = vector.load %arg1[%get3A_12, %get3A_13] : memref<10000x128xf32, #tpu.memory_space<vmem>>, vector<10000x128xf32>
    %add3A_15 = arith.addf %add3A, %get3A_14 : vector<10000x128xf32>
    %mul3A = vector.broadcast %get3A_1 : vector<10000x1xf32> to vector<10000x128xf32>
    %mul3A_16 = arith.mulf %mul3A, %add3A_15 : vector<10000x128xf32>
    %get3A_17 = arith.constant 0 : index
    %get3A_18 = vector.load %arg3[%get3A_17] : memref<128xf32, #tpu.memory_space<vmem>>, vector<128xf32>
    %broadcast_in_dim3A = vector.shape_cast %get3A_18 : vector<128xf32> to vector<1x128xf32>
    %add3A_19 = vector.broadcast %broadcast_in_dim3A : vector<1x128xf32> to vector<10000x128xf32>
    %add3A_20 = arith.addf %mul3A_16, %add3A_19 : vector<10000x128xf32>
    %swap3A = arith.constant 0 : index
    %swap3A_21 = arith.constant 0 : index
    %swap3A_22 = vector.load %arg4[%swap3A, %swap3A_21] : memref<10000x128xf32, #tpu.memory_space<vmem>>, vector<10000x128xf32>
    tpu.vector_store %arg4[%swap3A, %swap3A_21], %add3A_20 {strides = array<i32>} : memref<10000x128xf32, #tpu.memory_space<vmem>>, vector<10000x128xf32>,
    return
  }
}

</mosaic_0001>

<sc_bundles>
// kernel: kernel.6.cloned.1.call-start
scs
__scs_entry_jumppad:
0x0: {  	(pc) =	sbr.rel $0x88, $3  }
0x1: {  	(tag) =	ssettag $0x0;
	lr =	simm.s32 $0x1  }
0x2: {  	[smem:$0x3F9C] =	sst lr;
	_ =	strace $0xD0000000  }
0x3: {  	_ = 	snop  }
0x4: {  	_ = 	snop  }
0x5: {  	_ = 	snop  }
0x6: {  	_ = 	snop  }
0x7: {  	_ = 	snop  }
__scs_overlays_trampoline_lowered:
0x8: {  	[smem:$0x3FAB] =	sst s0  }
0x9: {  	[smem:$0x3FAC] =	sst s1  }
0xa: {  	[smem:$0x3FAD] =	sst s2  }
0xb: {  	[smem:$0x3FAE] =	sst s3  }
0xc: {  	[smem:$0x3FAF] =	sst s4  }
0xd: {  	[smem:$0x3FB0] =	sst s5  }
0xe: {  	[smem:$0x3FB1] =	sst s6  }
0xf: {  	[smem:$0x3FB2] =	sst s7  }
0x10: {  	[smem:$0x3FB3] =	sst s8  }
0x11: {  	[smem:$0x3FB4] =	sst s9;
	s0 =	simm.s32 @!p0 $0x0  }
0x12: {  	s1 =	sld [smem:$0x3F9A];
	s0 =	simm.s32 @p0 $0x1  }
0x13: {  	[smem:$0x3FB5] =	sst s0;
	s0 =	simm.s32 @!p1 $0x0  }
0x14: {  	s2 =	sld [smem:$0x3F99];
	s0 =	simm.s32 @p1 $0x1  }
0x15: {  	[smem:$0x3FB6] =	sst s0;
	s0 =	simm.s32 @!p2 $0x0  }
0x16: {  	s3 =	sld [smem:$0x3FDB];
	s0 =	simm.s32 @p2 $0x1  }
0x17: {  	s4 =	simm.s32 $0x1BF5;
	[smem:$0x3FB8] =	sst s0  }
0x18: {  	s0 =	sld [smem:$0x3F9B];
	_ =	swait.ge [sflag:s4], $0x0  }
0x19: {  	s7 =	sld [smem:$0x3F9C]  }
0x1a: {  	s8 =	sadd.s32 $0xFFFFE003, lr  }
0x1b: {  	s9 =	sadd.s32 $0xFFFFFEF7, lr;
	s5 =	simm.s32 $0xFFFFFFFF;
	p2 =	slt.u32 s8, $0xFFFFF086  }
0x1c: {  	p1 =	slt.u32 s9, $0xF7A;
	s5 =	simm.s32 @!p2 $0x0  }
0x1d: {  	s5 =	simm.s32 @p1 $0x1;
	p0 =	seq.s32 s7, s2  }
0x1e: {  	s7 =	smul.u32 @!p0 $0xF7A, s2;
	p2 =	seq.s32 @!p0 s5, $0x0  }
0x1f: {  	s9 =	smul.u32 $0xF7A, s1;
	s8 =	simm.s32 @!p0 $0x1BF5;
	p2 =	por !p2, p0  }
0x20: {  	[sflag:s8] =	ssyncset.s32 @!p0 $0xFFFFF086;
	s6 =	sadd.s32 @!p0 s3, s7;
	s7 =	simm.s32 @!p0 $0x108  }
0x21: {  	s3 =	sadd.s32 s3, s9;
	s6 =	sadd.s32 @!p0 $0x88, s6;
	s7 =	simm.s32 @p2 $0x1082  }
0x22: {  	[simem:s7], [sflag:s8] =	dma.local @!p0 [hbm:s6], $0xF7A  }
0x23: {  	s9 =	sor.u32 $0xD0000000, s2;
	s6 =	simm.s32 $0x108;
	_ =	swait.ge @!p0 [sflag:s8], $0x0  }
0x24: {  	s3 =	sadd.s32 $0x88, s3;
	s6 =	simm.s32 @!p1 $0x1082;
	[sflag:s4] =	ssyncset.s32 $0xFFFFF086  }
0x25: {  	[simem:s6], [sflag:s4] =	dma.local [hbm:s3], $0xF7A  }
0x26: {  	[smem:$0x3F9C] =	sst s1;
	(tag) =	ssettag s2;
	_ =	strace s9  }
0x27: {  	s1 =	sld [smem:$0x3FAC]  }
0x28: {  	s2 =	sld [smem:$0x3FAD]  }
0x29: {  	s4 =	sld [smem:$0x3FAF]  }
0x2a: {  	p0 =	seq.s32 s5, $0x0;
	s5 =	sld [smem:$0x3FB0]  }
0x2b: {  	s6 =	sld [smem:$0x3FB1]  }
0x2c: {  	s7 =	sld [smem:$0x3FB2]  }
0x2d: {  	s3 =	simm.s32 $0x108;
	s8 =	sld [smem:$0x3FB3]  }
0x2e: {  	s3 =	simm.s32 @!p0 $0x1082;
	s9 =	sld [smem:$0x3FB4]  }
0x2f: {  	lr =	sadd.s32 s0, s3;
	s0 =	sld [smem:$0x3FAB]  }
0x30: {  	s3 =	sld [smem:$0x3FAE]  }
0x31: {  	[smem:$0x3FB7] =	sst s10  }
0x32: {  	s10 =	sld [smem:$0x3FB5];
	_ =	sdelay $0x3  }
0x33: {  	p0 =	seq.s32 s10, $0x1;
	s10 =	sld [smem:$0x3FB7];
	_ =	sdelay $0x3  }
0x34: {  	[smem:$0x3FB7] =	sst s10  }
0x35: {  	s10 =	sld [smem:$0x3FB6];
	_ =	sdelay $0x3  }
0x36: {  	p1 =	seq.s32 s10, $0x1;
	s10 =	sld [smem:$0x3FB7];
	_ =	sdelay $0x3  }
0x37: {  	[smem:$0x3FB7] =	sst s10  }
0x38: {  	s10 =	sld [smem:$0x3FB8]  }
0x39: {  	_ = 	snop;
	(pc) =	sbr.ind lr, $3  }
0x3a: {  	_ = 	snop  }
0x3b: {  	_ = 	snop  }
0x3c: {  	p2 =	seq.s32 s10, $0x1;
	s10 =	sld [smem:$0x3FB7]  }
0x3d: {  	_ =	shalt  }
0x3e: {  	_ =	shalt  }
0x3f: {  	_ =	shalt  }
0x40: {  	_ =	shalt  }
0x41: {  	_ =	shalt  }
0x42: {  	_ =	shalt  }
0x43: {  	_ =	shalt  }
0x44: {  	_ =	shalt  }
0x45: {  	_ =	shalt  }
0x46: {  	_ =	shalt  }
0x47: {  	_ =	shalt  }
0x48: {  	_ =	shalt  }
0x49: {  	_ =	shalt  }
0x4a: {  	_ =	shalt  }
0x4b: {  	_ =	shalt  }
0x4c: {  	_ =	shalt  }
0x4d: {  	_ =	shalt  }
0x4e: {  	_ =	shalt  }
0x4f: {  	_ =	shalt  }
0x50: {  	_ =	shalt  }
0x51: {  	_ =	shalt  }
0x52: {  	_ =	shalt  }
0x53: {  	_ =	shalt  }
0x54: {  	_ =	shalt  }
0x55: {  	_ =	shalt  }
0x56: {  	_ =	shalt  }
0x57: {  	_ =	shalt  }
0x58: {  	_ =	shalt  }
0x59: {  	_ =	shalt  }
0x5a: {  	_ =	shalt  }
0x5b: {  	_ =	shalt  }
0x5c: {  	_ =	shalt  }
0x5d: {  	_ =	shalt  }
0x5e: {  	_ =	shalt  }
0x5f: {  	_ =	shalt  }
0x60: {  	_ =	shalt  }
0x61: {  	_ =	shalt  }
0x62: {  	_ =	shalt  }
0x63: {  	_ =	shalt  }
0x64: {  	_ =	shalt  }
0x65: {  	_ =	shalt  }
0x66: {  	_ =	shalt  }
0x67: {  	_ =	shalt  }
0x68: {  	_ =	shalt  }
0x69: {  	_ =	shalt  }
0x6a: {  	_ =	shalt  }
0x6b: {  	_ =	shalt  }
0x6c: {  	_ =	shalt  }
0x6d: {  	_ =	shalt  }
0x6e: {  	_ =	shalt  }
0x6f: {  	_ =	shalt  }
0x70: {  	_ =	shalt  }
0x71: {  	_ =	shalt  }
0x72: {  	_ =	shalt  }
0x73: {  	_ =	shalt  }
0x74: {  	_ =	shalt  }
0x75: {  	_ =	shalt  }
0x76: {  	_ =	shalt  }
0x77: {  	_ =	shalt  }
0x78: {  	_ =	shalt  }
0x79: {  	_ =	shalt  }
0x7a: {  	_ =	shalt  }
0x7b: {  	_ =	shalt  }
0x7c: {  	_ =	shalt  }
0x7d: {  	_ =	shalt  }
0x7e: {  	_ =	shalt  }
0x7f: {  	_ =	shalt  }
0x80: {  	_ =	shalt  }
0x81: {  	_ =	shalt  }
0x82: {  	_ =	shalt  }
0x83: {  	_ =	shalt  }
0x84: {  	_ =	shalt  }
0x85: {  	_ =	shalt  }
0x86: {  	_ =	shalt  }
0x87: {  	_ =	shalt  }
.Lfunc_end0:
.L_simem_size_0:
called_computation_lowered:
.L_overlay_start_0:
0x88: {  	s2 =	sld [smem:$0x3FD9]  }
0x89: {  	s3 =	sld [smem:$0x3FFE];
	_ =	sdelay $0x1  }
0x8a: {  	s1 =	srdreg.scid  }
0x8b: {  	s0 =	sand.u32 $0x1, s1  }
0x8c: {  	s17 =	sshll.u32 s0, $0xA;
	s2 =	sadd.s32 s3, s2  }
0x8d: {  	s2 =	sadd.s32 s2, s17  }
0x8e: {  	[smem:$0x3FC3] =	sst s2  }
0x8f: {  	_ = 	snop  }
0x90: {  	s2 =	sld [smem:$0x3FD0];
	(tm) =	ssettm $0x1  }
0x91: {  	s18 =	sld [smem:$0x3FFB];
	_ =	sdelay $0x3  }
0x92: {  	_ =	strace s18  }
0x93: {  	s3 =	sld [smem:$0x3FFC];
	_ =	sdelay $0x3  }
0x94: {  	_ =	strace s3  }
0x95: {  	s3 =	sld [smem:$0x3FFD];
	_ =	sdelay $0x3  }
0x96: {  	_ =	strace s3  }
0x97: {  	_ =	strace $0x8FFFFFFF  }
0x98: {  	s19 =	sld [smem:$0x3FDB];
	_ =	sdelay $0x1  }
0x99: {  	s4 =	simm.s32 $_scs_section_size  }
0x9a: {  	s5 =	simm.s32 $_size__tile_overlayer_lowered;
	s6 =	simm.s32 $_tile_overlayer_lowered  }
0x9b: {  	s22 =	simm.s32 $0x1BFF;
	s21 =	sshll.u32 s6, $0x1;
	s3 =	sadd.s32 s4, s19  }
0x9c: {  	s7 =	simm.s32 $0x0;
	s20 =	sshll.u32 s5, $0x1;
	s5 =	sadd.s32 s21, s3  }
0x9d: {  	[timem:s7], [sflag:s22] =	dma.local [hbm:s5], s20  }
0x9e: {  	_ =	swait.ge [sflag:s22], s20  }
0x9f: {  	s4 =	ssub.s32 $0x0, s20;
	[sflag:s22] =	ssyncset.done $0x0  }
0xa0: {  	[sflag:s22] =	ssyncadd.s32 s4;
	_ =	sdelay $0x1  }
0xa1: {  	s23 =	simm.s32 $0x1B8B  }
0xa2: {  	_ =	swait.ge [sflag:s23], $0x1  }
0xa3: {  	[sflag:s23] =	ssyncset.done $0x0  }
0xa4: {  	s25 =	simm.s32 $0x1B8E;
	s24 =	sld [smem:$0x3FFE];
	[sflag:s23] =	ssyncadd.s32 $0xFFFFFFFF  }
0xa5: {  	s26 =	simm.s32 $execute0_lowered;
	[smem:$0x3FD2] =	sst s25  }
0xa6: {  	s5 =	sshll.u32 s26, $0x1;
	_ =	strace $0x80000046;
	[dreg:$0x1] =	wrdreg $0xFFFFFFFF  }
0xa7: {  	s28 =	simm.s32 $_size_execute0_lowered;
	s3 =	sadd.s32 s3, s5;
	[dreg:$0x0] =	wrdreg $0x0  }
0xa8: {  	s5 =	sshll.u32 s28, $0x1;
	[dreg:$0x2] =	wrdreg s3  }
0xa9: {  	[dreg:$0x3] =	wrdreg s5  }
0xaa: {  	[dreg:$0x4] =	wrdreg $0xC0  }
0xab: {  	_ =	task [dreg:s7], $0x5FFFF  }
0xac: {  	[dreg:$0x1] =	wrdreg $0xFFFFFFFF  }
0xad: {  	[dreg:$0x0] =	wrdreg $0x60  }
0xae: {  	[dreg:$0x2] =	wrdreg s24  }
0xaf: {  	[dreg:$0x3] =	wrdreg s2  }
0xb0: {  	[dreg:$0x4] =	wrdreg $0x9  }
0xb1: {  	_ =	task.clear_ibuf [dreg:s7], $0x5FFFF;
	_ =	strace $0x90000046  }
0xb2: {  	s29 =	simm.s32 $0x9;
	_ =	strace $0x80000048  }
0xb3: {  	_ =	swait.ge [sflag:s29], $0x1  }
0xb4: {  	[sflag:s29] =	ssyncadd.s32 $0xFFFFFFFF  }
0xb5: {  	_ =	strace $0x90000048  }
0xb6: {  	_ =	sfence  }
0xb7: {  	s30 =	sld [smem:$0x0];
	_ =	sdelay $0x2  }
0xb8: {  	s31 =	sshll.u32 s1, $0xD;
	s1 =	sshrl.u32 s1, $0x2  }
0xb9: {  	s3 =	sand.u32 $0x4000, s31;
	s1 =	sadd.s32 s1, s30  }
0xba: {  	s0 =	sor.u32 s3, s0;
	s1 =	sshll.u32 s1, $0x11  }
0xbb: {  	s0 =	sor.u32 s1, s0  }
0xbc: {  	s0 =	sadd.s32 $0x8F2B, s0  }
0xbd: {  	[sflag:s0] =	ssyncadd.remote.s32 $0x1  }
0xbe: {  	_ =	sfence.sel $0xFFFF  }
0xbf: {  	[dreg:$0x0] =	wrdreg $0xFFFFFFFF;
	(pc) =	sbr.abs _section_cstart, $3  }
0xc0: {  	[dreg:$0x1] =	wrdreg $0xFFFFFFFF  }
0xc1: {  	_ =	task.clear_ibuf [dreg:s7], $0x2FFFF;
	_ =	strace $0x9FFFFFFF  }
0xc2: {  	(tm) =	ssettm $0x7FFFFFFF  }
0xc3: {  	_ =	shalt  }
tec
execute0_lowered:
.L_overlay_start_1:
0x0: {  	(tag) =	ssettag $0x1  }
0x1: {  	s3 =	rddreg [dreg:$0x0]  }
0x2: {  	s6 =	rddreg [dreg:$0x1]  }
0x3: {  	s0 =	rddreg [dreg:$0x2];
	s2 =	simm.s32 $0x0;
	s4 =	srdreg.scid  }
0x4: {  	s1 =	stileid.u32;
	s11 =	simm.s32 $0x80;
	s12 =	simm.s32 $0x400  }
0x5: {  	s13 =	simm.s32 $0x0;
	[smem:$0x7FF] =	sst s2;
	s5 =	sand.u32 $0x1, s4  }
0x6: {  	s29 =	sshll.u32 s1, $0x1;
	s9 =	sshrl.u32 s1, $0x2;
	_ =	strace $0x80000047  }
0x7: {  	s4 =	sor.u32 s5, s29;
	s8 =	ssub.s32 $0x2, s5;
	s9 =	smul.u32 $0x13C00, s9  }
0x8: {  	p0 =	seq.s32 s5, $0x0;
	s5 =	simm.s32 $0x58;
	s7 =	smul.u32 $0x580, s4  }
0x9: {  	s10 =	sshrl.u32 s8, $0x1;
	s4 =	sshll.u32 s4, $0x7;
	s5 =	simm.s32 @!p0 $0x45  }
0xa: {  	s8 =	ssub.s32 s8, s10;
	s30 =	sand.u32 $0x380, s4;
	s10 =	simm.s32 $0x5800  }
0xb: {  	s7 =	sadd.s32 s7, s3;
	s31 =	sor.u32 s9, s30;
	s9 =	simm.s32 $0x2C00  }
0xc: {  	s3 =	sadd.s32 $0xD000, s7;
	s4 =	sadd.s32 $0x2000, s7;
	s7 =	sshrl.u32 s31, $0x3  }
0xd: {  	v0 =	vimm.f32 $0.0e+00;
	s6 =	sadd.s32 s6, s7;
	s7 =	smax.u32 s8, $0x1;
	s8 =	simm.s32 $0x1  }
.LBB2_1:
0xe: {  	[tilespmem:s2], [sflag:$0x1] =	stream.linear.gather [hbm4b:s3+s2], $0x2C00, $0x38;
	[tilespmem:$0x7F80] =	vst v63  }
0xf: {  	_ =	swait.ge [sflag:s8], $0x2C00  }
0x10: {  	[sflag:s8] =	ssyncset.done $0x0  }
0x11: {  	[sflag:s8] =	ssyncadd.s32 $0xFFFFD400  }
0x12: {  	[tilespmem:s9], [sflag:$0x1] =	stream.linear.gather [hbm4b:s4+s2], $0x2C00, $0x38;
	[tilespmem:$0x7F80] =	vst v63  }
0x13: {  	_ =	swait.ge [sflag:s8], $0x2C00  }
0x14: {  	[sflag:s8] =	ssyncset.done $0x0  }
0x15: {  	s14 =	simm.s32 $0x0;
	[sflag:s8] =	ssyncadd.s32 $0xFFFFD400  }
.LBB2_2:
0x16: {  	p0 =	sne.s32 s14, $0x9C00  }
.Ltmp0:
0x17: {  	_ = 	snop;
	(pc) =	sbr.rel @p0 .LBB2_2-.Ltmp0, $3  }
0x18: {  	_ =	sdelay $0x1  }
0x19: {  	s15 =	sshra.s32 s14, $0x2  }
0x1a: {  	s14 =	sadd.s32 $0x40, s14;
	[tilespmem:s15+$0x5800] =	vst v0  }
0x1b: {  	s14 =	simm.s32 $0x40;
	s15 =	simm.s32 $0x2C40;
	s16 =	smov.u32 s5  }
.LBB2_4:
0x1c: {  	v1 =	vld [tilespmem:s14+$0xFFFFFFC0];
	_ =	sdelay $0x2  }
0x1d: {  	v2 =	vld [tilespmem:s15+$0xFFFFFFC0];
	_ =	sdelay $0x4  }
0x1e: {  	[tilespmem:v1+s10+$0x0] =	vst.idx.add.f32.msk $0xffff, v2  }
0x1f: {  	v1 =	vld [tilespmem:s14+$0xFFFFFFD0];
	_ =	sdelay $0x2  }
0x20: {  	v2 =	vld [tilespmem:s15+$0xFFFFFFD0];
	_ =	sdelay $0x4  }
0x21: {  	[tilespmem:v1+s10+$0x0] =	vst.idx.add.f32.msk $0xffff, v2  }
0x22: {  	v1 =	vld [tilespmem:s14+$0xFFFFFFE0];
	_ =	sdelay $0x2  }
0x23: {  	v2 =	vld [tilespmem:s15+$0xFFFFFFE0];
	_ =	sdelay $0x4  }
0x24: {  	[tilespmem:v1+s10+$0x0] =	vst.idx.add.f32.msk $0xffff, v2  }
0x25: {  	v1 =	vld [tilespmem:s14+$0xFFFFFFF0];
	_ =	sdelay $0x2  }
0x26: {  	v2 =	vld [tilespmem:s15+$0xFFFFFFF0];
	_ =	sdelay $0x4  }
0x27: {  	[tilespmem:v1+s10+$0x0] =	vst.idx.add.f32.msk $0xffff, v2  }
0x28: {  	v1 =	vld [tilespmem:s14+$0x0];
	_ =	sdelay $0x2  }
0x29: {  	v2 =	vld [tilespmem:s15+$0x0];
	_ =	sdelay $0x4  }
0x2a: {  	[tilespmem:v1+s10+$0x0] =	vst.idx.add.f32.msk $0xffff, v2  }
0x2b: {  	v1 =	vld [tilespmem:s14+$0x10];
	_ =	sdelay $0x2  }
0x2c: {  	v2 =	vld [tilespmem:s15+$0x10];
	_ =	sdelay $0x4  }
0x2d: {  	[tilespmem:v1+s10+$0x0] =	vst.idx.add.f32.msk $0xffff, v2  }
0x2e: {  	v1 =	vld [tilespmem:s14+$0x20];
	_ =	sdelay $0x2  }
0x2f: {  	v2 =	vld [tilespmem:s15+$0x20];
	_ =	sdelay $0x4  }
0x30: {  	[tilespmem:v1+s10+$0x0] =	vst.idx.add.f32.msk $0xffff, v2  }
0x31: {  	v1 =	vld [tilespmem:s14+$0x30];
	_ =	sdelay $0x2  }
0x32: {  	p0 =	sne.s32 s16, $0x1;
	v2 =	vld [tilespmem:s15+$0x30]  }
.Ltmp1:
0x33: {  	_ = 	snop;
	(pc) =	sbr.rel @p0 .LBB2_4-.Ltmp1, $2  }
0x34: {  	_ =	sdelay $0x2  }
0x35: {  	s16 =	sadd.s32 $0xFFFFFFFF, s16;
	s14 =	sadd.s32 $0x80, s14;
	s15 =	sadd.s32 $0x80, s15;
	[tilespmem:v1+s10+$0x0] =	vst.idx.add.f32.msk $0xffff, v2  }
0x36: {  	s13 =	sadd.s32 $0x1, s13  }
0x37: {  	p0 =	sne.s32 s13, s7  }
.Ltmp2:
0x38: {  	_ = 	snop;
	(pc) =	sbr.rel @p0 .LBB2_1-.Ltmp2, $4  }
0x39: {  	[hbm4b:s6+s11] =	stream.strided.scatter [tilespmem:s10], [sflag:$0x1], $0x2780, s12, s11, $0x38;
	[tilespmem:$0x7F80] =	vst v63  }
0x3a: {  	_ =	swait.ge [sflag:s8], $0x2780  }
0x3b: {  	[sflag:s8] =	ssyncset.done $0x0  }
0x3c: {  	[sflag:s8] =	ssyncadd.s32 $0xFFFFD880  }
0x3d: {  	_ =	sfence.sel $0x180000  }
0x3e: {  	[bflag:$0x0] =	sbarrier.arrive $0xFFFF  }
0x3f: {  	p0 =	sne.s32 s1, $0x0;
	_ =	strace $0x90000047  }
0x40: {  	s0 =	sadd.s32 @!p0 $0x100000, s0;
	[bflag:$0x2] =	sbarrier.arrive $0xFFFF  }
0x41: {  	[sflag:s0] =	ssyncadd.tile.s32 @!p0 $0x1;
	_ =	shalt  }
.Lfunc_end2:
_tile_overlayer_lowered:
.L_overlay_start_2:
0x42: {  	(tag) =	ssettag $0x2  }
0x43: {  	s0 =	rddreg [dreg:$0x0];
	s2 =	stileid.u32  }
0x44: {  	s1 =	rddreg [dreg:$0x1];
	p0 =	sne.s32 s2, $0x0  }
0x45: {  	s3 =	rddreg [dreg:$0x2];
	[bflag:$0x3] =	sbarrier.arrive $0xFFFF;
	s2 =	simm.s32 @!p0 $0x1C01  }
0x46: {  	[timem:s3], [sflag:s2] =	dma.local @!p0 [hbm:s0], s1  }
0x47: {  	s0 =	simm.s32 @!p0 $0x1  }
0x48: {  	_ =	swait.ge @!p0 [sflag:s0], s1  }
0x49: {  	s1 =	ssub.s32 @!p0 $0x0, s1;
	[sflag:s0] =	ssyncset.done @!p0 $0x0  }
0x4a: {  	[sflag:s0] =	ssyncadd.s32 @!p0 s1  }
0x4b: {  	[bflag:$0x3] =	sbarrier.arrive $0xFFFF  }
0x4c: {  	_ =	shalt  }

// kernel: kernel.9.cloned.1.call-start
scs
__scs_entry_jumppad:
0x0: {  	(pc) =	sbr.rel $0x88, $3  }
0x1: {  	(tag) =	ssettag $0x0;
	lr =	simm.s32 $0x1  }
0x2: {  	[smem:$0x3F9C] =	sst lr;
	_ =	strace $0xD0000000  }
0x3: {  	_ = 	snop  }
0x4: {  	_ = 	snop  }
0x5: {  	_ = 	snop  }
0x6: {  	_ = 	snop  }
0x7: {  	_ = 	snop  }
__scs_overlays_trampoline_lowered:
0x8: {  	[smem:$0x3FAB] =	sst s0  }
0x9: {  	[smem:$0x3FAC] =	sst s1  }
0xa: {  	[smem:$0x3FAD] =	sst s2  }
0xb: {  	[smem:$0x3FAE] =	sst s3  }
0xc: {  	[smem:$0x3FAF] =	sst s4  }
0xd: {  	[smem:$0x3FB0] =	sst s5  }
0xe: {  	[smem:$0x3FB1] =	sst s6  }
0xf: {  	[smem:$0x3FB2] =	sst s7  }
0x10: {  	[smem:$0x3FB3] =	sst s8  }
0x11: {  	[smem:$0x3FB4] =	sst s9;
	s0 =	simm.s32 @!p0 $0x0  }
0x12: {  	s1 =	sld [smem:$0x3F9A];
	s0 =	simm.s32 @p0 $0x1  }
0x13: {  	[smem:$0x3FB5] =	sst s0;
	s0 =	simm.s32 @!p1 $0x0  }
0x14: {  	s2 =	sld [smem:$0x3F99];
	s0 =	simm.s32 @p1 $0x1  }
0x15: {  	[smem:$0x3FB6] =	sst s0;
	s0 =	simm.s32 @!p2 $0x0  }
0x16: {  	s3 =	sld [smem:$0x3FDB];
	s0 =	simm.s32 @p2 $0x1  }
0x17: {  	s4 =	simm.s32 $0x1BF5;
	[smem:$0x3FB8] =	sst s0  }
0x18: {  	s0 =	sld [smem:$0x3F9B];
	_ =	swait.ge [sflag:s4], $0x0  }
0x19: {  	s7 =	sld [smem:$0x3F9C]  }
0x1a: {  	s8 =	sadd.s32 $0xFFFFE003, lr  }
0x1b: {  	s9 =	sadd.s32 $0xFFFFFEF7, lr;
	s5 =	simm.s32 $0xFFFFFFFF;
	p2 =	slt.u32 s8, $0xFFFFF086  }
0x1c: {  	p1 =	slt.u32 s9, $0xF7A;
	s5 =	simm.s32 @!p2 $0x0  }
0x1d: {  	s5 =	simm.s32 @p1 $0x1;
	p0 =	seq.s32 s7, s2  }
0x1e: {  	s7 =	smul.u32 @!p0 $0xF7A, s2;
	p2 =	seq.s32 @!p0 s5, $0x0  }
0x1f: {  	s9 =	smul.u32 $0xF7A, s1;
	s8 =	simm.s32 @!p0 $0x1BF5;
	p2 =	por !p2, p0  }
0x20: {  	[sflag:s8] =	ssyncset.s32 @!p0 $0xFFFFF086;
	s6 =	sadd.s32 @!p0 s3, s7;
	s7 =	simm.s32 @!p0 $0x108  }
0x21: {  	s3 =	sadd.s32 s3, s9;
	s6 =	sadd.s32 @!p0 $0x88, s6;
	s7 =	simm.s32 @p2 $0x1082  }
0x22: {  	[simem:s7], [sflag:s8] =	dma.local @!p0 [hbm:s6], $0xF7A  }
0x23: {  	s9 =	sor.u32 $0xD0000000, s2;
	s6 =	simm.s32 $0x108;
	_ =	swait.ge @!p0 [sflag:s8], $0x0  }
0x24: {  	s3 =	sadd.s32 $0x88, s3;
	s6 =	simm.s32 @!p1 $0x1082;
	[sflag:s4] =	ssyncset.s32 $0xFFFFF086  }
0x25: {  	[simem:s6], [sflag:s4] =	dma.local [hbm:s3], $0xF7A  }
0x26: {  	[smem:$0x3F9C] =	sst s1;
	(tag) =	ssettag s2;
	_ =	strace s9  }
0x27: {  	s1 =	sld [smem:$0x3FAC]  }
0x28: {  	s2 =	sld [smem:$0x3FAD]  }
0x29: {  	s4 =	sld [smem:$0x3FAF]  }
0x2a: {  	p0 =	seq.s32 s5, $0x0;
	s5 =	sld [smem:$0x3FB0]  }
0x2b: {  	s6 =	sld [smem:$0x3FB1]  }
0x2c: {  	s7 =	sld [smem:$0x3FB2]  }
0x2d: {  	s3 =	simm.s32 $0x108;
	s8 =	sld [smem:$0x3FB3]  }
0x2e: {  	s3 =	simm.s32 @!p0 $0x1082;
	s9 =	sld [smem:$0x3FB4]  }
0x2f: {  	lr =	sadd.s32 s0, s3;
	s0 =	sld [smem:$0x3FAB]  }
0x30: {  	s3 =	sld [smem:$0x3FAE]  }
0x31: {  	[smem:$0x3FB7] =	sst s10  }
0x32: {  	s10 =	sld [smem:$0x3FB5];
	_ =	sdelay $0x3  }
0x33: {  	p0 =	seq.s32 s10, $0x1;
	s10 =	sld [smem:$0x3FB7];
	_ =	sdelay $0x3  }
0x34: {  	[smem:$0x3FB7] =	sst s10  }
0x35: {  	s10 =	sld [smem:$0x3FB6];
	_ =	sdelay $0x3  }
0x36: {  	p1 =	seq.s32 s10, $0x1;
	s10 =	sld [smem:$0x3FB7];
	_ =	sdelay $0x3  }
0x37: {  	[smem:$0x3FB7] =	sst s10  }
0x38: {  	s10 =	sld [smem:$0x3FB8]  }
0x39: {  	_ = 	snop;
	(pc) =	sbr.ind lr, $3  }
0x3a: {  	_ = 	snop  }
0x3b: {  	_ = 	snop  }
0x3c: {  	p2 =	seq.s32 s10, $0x1;
	s10 =	sld [smem:$0x3FB7]  }
0x3d: {  	_ =	shalt  }
0x3e: {  	_ =	shalt  }
0x3f: {  	_ =	shalt  }
0x40: {  	_ =	shalt  }
0x41: {  	_ =	shalt  }
0x42: {  	_ =	shalt  }
0x43: {  	_ =	shalt  }
0x44: {  	_ =	shalt  }
0x45: {  	_ =	shalt  }
0x46: {  	_ =	shalt  }
0x47: {  	_ =	shalt  }
0x48: {  	_ =	shalt  }
0x49: {  	_ =	shalt  }
0x4a: {  	_ =	shalt  }
0x4b: {  	_ =	shalt  }
0x4c: {  	_ =	shalt  }
0x4d: {  	_ =	shalt  }
0x4e: {  	_ =	shalt  }
0x4f: {  	_ =	shalt  }
0x50: {  	_ =	shalt  }
0x51: {  	_ =	shalt  }
0x52: {  	_ =	shalt  }
0x53: {  	_ =	shalt  }
0x54: {  	_ =	shalt  }
0x55: {  	_ =	shalt  }
0x56: {  	_ =	shalt  }
0x57: {  	_ =	shalt  }
0x58: {  	_ =	shalt  }
0x59: {  	_ =	shalt  }
0x5a: {  	_ =	shalt  }
0x5b: {  	_ =	shalt  }
0x5c: {  	_ =	shalt  }
0x5d: {  	_ =	shalt  }
0x5e: {  	_ =	shalt  }
0x5f: {  	_ =	shalt  }
0x60: {  	_ =	shalt  }
0x61: {  	_ =	shalt  }
0x62: {  	_ =	shalt  }
0x63: {  	_ =	shalt  }
0x64: {  	_ =	shalt  }
0x65: {  	_ =	shalt  }
0x66: {  	_ =	shalt  }
0x67: {  	_ =	shalt  }
0x68: {  	_ =	shalt  }
0x69: {  	_ =	shalt  }
0x6a: {  	_ =	shalt  }
0x6b: {  	_ =	shalt  }
0x6c: {  	_ =	shalt  }
0x6d: {  	_ =	shalt  }
0x6e: {  	_ =	shalt  }
0x6f: {  	_ =	shalt  }
0x70: {  	_ =	shalt  }
0x71: {  	_ =	shalt  }
0x72: {  	_ =	shalt  }
0x73: {  	_ =	shalt  }
0x74: {  	_ =	shalt  }
0x75: {  	_ =	shalt  }
0x76: {  	_ =	shalt  }
0x77: {  	_ =	shalt  }
0x78: {  	_ =	shalt  }
0x79: {  	_ =	shalt  }
0x7a: {  	_ =	shalt  }
0x7b: {  	_ =	shalt  }
0x7c: {  	_ =	shalt  }
0x7d: {  	_ =	shalt  }
0x7e: {  	_ =	shalt  }
0x7f: {  	_ =	shalt  }
0x80: {  	_ =	shalt  }
0x81: {  	_ =	shalt  }
0x82: {  	_ =	shalt  }
0x83: {  	_ =	shalt  }
0x84: {  	_ =	shalt  }
0x85: {  	_ =	shalt  }
0x86: {  	_ =	shalt  }
0x87: {  	_ =	shalt  }
.Lfunc_end0:
.L_simem_size_0:
called_computation.1_lowered:
.L_overlay_start_0:
0x88: {  	s2 =	sld [smem:$0x3FD9]  }
0x89: {  	s3 =	sld [smem:$0x3FFE];
	_ =	sdelay $0x1  }
0x8a: {  	s1 =	srdreg.scid  }
0x8b: {  	s0 =	sand.u32 $0x1, s1  }
0x8c: {  	s17 =	sshll.u32 s0, $0xA;
	s2 =	sadd.s32 s3, s2  }
0x8d: {  	s2 =	sadd.s32 s2, s17  }
0x8e: {  	[smem:$0x3FC3] =	sst s2  }
0x8f: {  	_ = 	snop  }
0x90: {  	s2 =	sld [smem:$0x3FD0];
	(tm) =	ssettm $0x1  }
0x91: {  	s18 =	sld [smem:$0x3FFB];
	_ =	sdelay $0x3  }
0x92: {  	_ =	strace s18  }
0x93: {  	s3 =	sld [smem:$0x3FFC];
	_ =	sdelay $0x3  }
0x94: {  	_ =	strace s3  }
0x95: {  	s3 =	sld [smem:$0x3FFD];
	_ =	sdelay $0x3  }
0x96: {  	_ =	strace s3  }
0x97: {  	_ =	strace $0x8FFFFFFF  }
0x98: {  	s19 =	sld [smem:$0x3FDB];
	_ =	sdelay $0x1  }
0x99: {  	s4 =	simm.s32 $_scs_section_size  }
0x9a: {  	s5 =	simm.s32 $_size__tile_overlayer_lowered;
	s6 =	simm.s32 $_tile_overlayer_lowered  }
0x9b: {  	s22 =	simm.s32 $0x1BFF;
	s21 =	sshll.u32 s6, $0x1;
	s3 =	sadd.s32 s4, s19  }
0x9c: {  	s7 =	simm.s32 $0x0;
	s20 =	sshll.u32 s5, $0x1;
	s5 =	sadd.s32 s21, s3  }
0x9d: {  	[timem:s7], [sflag:s22] =	dma.local [hbm:s5], s20  }
0x9e: {  	_ =	swait.ge [sflag:s22], s20  }
0x9f: {  	s4 =	ssub.s32 $0x0, s20;
	[sflag:s22] =	ssyncset.done $0x0  }
0xa0: {  	[sflag:s22] =	ssyncadd.s32 s4;
	_ =	sdelay $0x1  }
0xa1: {  	s23 =	simm.s32 $0x1B8B  }
0xa2: {  	_ =	swait.ge [sflag:s23], $0x1  }
0xa3: {  	[sflag:s23] =	ssyncset.done $0x0  }
0xa4: {  	s25 =	simm.s32 $0x1B8E;
	s24 =	sld [smem:$0x3FFE];
	[sflag:s23] =	ssyncadd.s32 $0xFFFFFFFF  }
0xa5: {  	s26 =	simm.s32 $execute0_lowered;
	[smem:$0x3FD2] =	sst s25  }
0xa6: {  	s5 =	sshll.u32 s26, $0x1;
	_ =	strace $0x80000049;
	[dreg:$0x1] =	wrdreg $0xFFFFFFFF  }
0xa7: {  	s28 =	simm.s32 $_size_execute0_lowered;
	s3 =	sadd.s32 s3, s5;
	[dreg:$0x0] =	wrdreg $0x0  }
0xa8: {  	s5 =	sshll.u32 s28, $0x1;
	[dreg:$0x2] =	wrdreg s3  }
0xa9: {  	[dreg:$0x3] =	wrdreg s5  }
0xaa: {  	[dreg:$0x4] =	wrdreg $0xC0  }
0xab: {  	_ =	task [dreg:s7], $0x5FFFF  }
0xac: {  	[dreg:$0x1] =	wrdreg $0xFFFFFFFF  }
0xad: {  	[dreg:$0x0] =	wrdreg $0x60  }
0xae: {  	[dreg:$0x2] =	wrdreg s2  }
0xaf: {  	[dreg:$0x3] =	wrdreg s24  }
0xb0: {  	[dreg:$0x4] =	wrdreg $0xC4000  }
0xb1: {  	[dreg:$0x5] =	wrdreg $0x9  }
0xb2: {  	_ =	task.clear_ibuf [dreg:s7], $0x6FFFF;
	_ =	strace $0x90000049  }
0xb3: {  	s29 =	simm.s32 $0x9;
	_ =	strace $0x8000004B  }
0xb4: {  	_ =	swait.ge [sflag:s29], $0x1  }
0xb5: {  	[sflag:s29] =	ssyncadd.s32 $0xFFFFFFFF  }
0xb6: {  	_ =	strace $0x9000004B  }
0xb7: {  	_ =	sfence  }
0xb8: {  	s30 =	sld [smem:$0x0];
	_ =	sdelay $0x2  }
0xb9: {  	s31 =	sshll.u32 s1, $0xD;
	s1 =	sshrl.u32 s1, $0x2  }
0xba: {  	s3 =	sand.u32 $0x4000, s31;
	s1 =	sadd.s32 s1, s30  }
0xbb: {  	s0 =	sor.u32 s3, s0;
	s1 =	sshll.u32 s1, $0x11  }
0xbc: {  	s0 =	sor.u32 s1, s0  }
0xbd: {  	s0 =	sadd.s32 $0x8F2B, s0  }
0xbe: {  	[sflag:s0] =	ssyncadd.remote.s32 $0x1  }
0xbf: {  	_ =	sfence.sel $0xFFFF  }
0xc0: {  	[dreg:$0x0] =	wrdreg $0xFFFFFFFF;
	(pc) =	sbr.abs _section_cstart, $3  }
0xc1: {  	[dreg:$0x1] =	wrdreg $0xFFFFFFFF  }
0xc2: {  	_ =	task.clear_ibuf [dreg:s7], $0x2FFFF;
	_ =	strace $0x9FFFFFFF  }
0xc3: {  	(tm) =	ssettm $0x7FFFFFFF  }
tec
execute0_lowered:
.L_overlay_start_1:
0x0: {  	(tag) =	ssettag $0x1  }
0x1: {  	s1 =	rddreg [dreg:$0x0]  }
0x2: {  	s2 =	srdreg.scid;
	s9 =	rddreg [dreg:$0x1]  }
0x3: {  	s0 =	stileid.u32;
	s3 =	rddreg [dreg:$0x2]  }
0x4: {  	s4 =	simm.s32 $0x0;
	s15 =	simm.s32 $0x2C00;
	s16 =	simm.s32 $0x5800  }
0x5: {  	s20 =	simm.s32 $0x80;
	s21 =	simm.s32 $0x8400;
	s22 =	simm.s32 $0x1  }
0x6: {  	s23 =	simm.s32 $0x0;
	s10 =	sand.u32 $0x1, s2;
	s2 =	rddreg [dreg:$0x3]  }
0x7: {  	s28 =	sshll.u32 s0, $0x1;
	[smem:$0x7FF] =	sst s4;
	s11 =	smul.u32 $0x13800, s0  }
0x8: {  	s12 =	smul.u32 $0x4E000, s0;
	s13 =	sadd.s32 $0x4A200, s9;
	s19 =	sadd.s32 $0x138000, s3  }
0x9: {  	s17 =	sshll.u32 s0, $0x6;
	s5 =	sor.u32 s10, s28;
	_ =	strace $0x8000004A  }
0xa: {  	s6 =	ssub.s32 $0x2, s10;
	s31 =	smul.u32 $0x138800, s10;
	p0 =	seq.s32 s10, $0x0  }
0xb: {  	s10 =	simm.s32 $0x58;
	s17 =	sor.u32 $0x1C02, s17;
	s5 =	smul.u32 $0x580, s5  }
0xc: {  	s29 =	sshrl.u32 s11, $0x3;
	s30 =	sshrl.u32 s6, $0x1;
	s12 =	sshrl.u32 s12, $0x2  }
0xd: {  	s10 =	simm.s32 @!p0 $0x45;
	p0 =	sne.s32 s0, $0xF;
	s8 =	sadd.s32 s29, s9  }
0xe: {  	s14 =	ssub.s32 s6, s30;
	s18 =	sadd.s32 s12, s3;
	s11 =	sadd.s32 s11, s31  }
0xf: {  	s12 =	sshrl.u32 s31, $0x3;
	s19 =	sshrl.u32 @!p0 s19, $0x3;
	s7 =	sadd.s32 s5, s9  }
0x10: {  	s8 =	sadd.s32 $0x23000, s8;
	s9 =	sadd.s32 $0x4A000, s9;
	s11 =	sshrl.u32 s11, $0x3  }
0x11: {  	s12 =	sadd.s32 s13, s12;
	s18 =	sshrl.u32 s18, $0x3;
	s5 =	sadd.s32 $0x18000, s7  }
0x12: {  	s6 =	sadd.s32 $0xD000, s7;
	s7 =	sadd.s32 $0x2000, s7;
	s11 =	sadd.s32 s13, s11  }
0x13: {  	s12 =	sadd.s32 $0x27000, s12;
	s13 =	smax.u32 s14, $0x1;
	s14 =	simm.s32 $0x2  }
.LBB2_1:
0x14: {  	[tilespmem:s4], [sflag:$0x2] =	stream.linear.gather [hbm4b:s5+s4], $0x2C00, $0x38;
	[tilespmem:$0x1FC80] =	vst v63  }
0x15: {  	_ =	swait.ge [sflag:s14], $0x2C00  }
0x16: {  	[sflag:s14] =	ssyncset.done $0x0  }
0x17: {  	[sflag:s14] =	ssyncadd.s32 $0xFFFFD400  }
0x18: {  	[tilespmem:s15], [sflag:$0x2] =	stream.linear.gather [hbm4b:s6+s4], $0x2C00, $0x38;
	[tilespmem:$0x1FC80] =	vst v63  }
0x19: {  	_ =	swait.ge [sflag:s14], $0x2C00  }
0x1a: {  	[sflag:s14] =	ssyncset.done $0x0  }
0x1b: {  	[sflag:s14] =	ssyncadd.s32 $0xFFFFD400  }
0x1c: {  	[tilespmem:s16], [sflag:$0x2] =	stream.linear.gather [hbm4b:s7+s4], $0x2C00, $0x38;
	[tilespmem:$0x1FC80] =	vst v63  }
0x1d: {  	_ =	swait.ge [sflag:s14], $0x2C00  }
0x1e: {  	[sflag:s14] =	ssyncset.done $0x0  }
0x1f: {  	[sflag:s14] =	ssyncadd.s32 $0xFFFFD400  }
0x20: {  	[spmem:s18], [sflag:s17] =	dma.local [hbm:s8], $0x2700  }
0x21: {  	_ =	swait.ge [sflag:s14], $0x2700  }
0x22: {  	[sflag:s14] =	ssyncset.done $0x0  }
0x23: {  	s24 =	simm.s32 @!p0 $0x2;
	[sflag:s14] =	ssyncadd.s32 $0xFFFFD900  }
0x24: {  	[spmem:s19], [sflag:s17] =	dma.local @!p0 [hbm:s9], $0x100  }
0x25: {  	_ =	swait.ge @!p0 [sflag:s24], $0x100  }
0x26: {  	[sflag:s24] =	ssyncset.done @!p0 $0x0  }
0x27: {  	[sflag:s24] =	ssyncadd.s32 @!p0 $0xFFFFFF00  }
0x28: {  	s24 =	simm.s32 $0x0;
	[bflag:$0x0] =	sbarrier.arrive $0xFFFF  }
.LBB2_2:
0x29: {  	s25 =	sshll.u32 s24, $0x7  }
0x2a: {  	s26 =	sadd.s32 $0x5800, s25  }
0x2b: {  	v0 =	vmov s26  }
0x2c: {  	[tilespmem:s21], [sflag:$0x1] =	stream.indirect.gather [hbm4b:s1+s20], $0x80, s25, s20, $0xb8;
	[tilespmem:$0x1FC80] =	vst v63  }
0x2d: {  	_ =	swait.ge [sflag:s22], $0x4000  }
0x2e: {  	s31 =	simm.s32 $0x0;
	[sflag:s22] =	ssyncset.done $0x0  }
0x2f: {  	s26 =	sand.u32 $0x3FFFFFF0, s31;
	[sflag:s22] =	ssyncadd.s32 $0xFFFFC000  }
0x30: {  	s28 =	simm.s32 $0x0;
	v1 =	vld.idx.msk [tilespmem:v0+s26+$0x0 ss:$0x1], $0xffff  }
0x31: {  	s26 =	sand.u32 $0x3FFFF800, s28  }
0x32: {  	v3 =	vld [tilespmem:s26+$0x8420]  }
0x33: {  	v4 =	vld [tilespmem:s26+$0x8430]  }
0x34: {  	v10 =	vld [tilespmem:s26+$0x8460]  }
0x35: {  	v11 =	vld [tilespmem:s26+$0x8470];
	v2 =	vbroadcast v1, $0x0  }
0x36: {  	v12 =	vld [tilespmem:s26+$0x8480]  }
0x37: {  	v13 =	vld [tilespmem:s26+$0x8490];
	v3 =	vmul.f32 v3, v2  }
0x38: {  	v14 =	vld [tilespmem:s26+$0x84A0];
	v4 =	vmul.f32 v4, v2  }
0x39: {  	v9 =	vld [tilespmem:s26+$0x84B0];
	v23 =	vbroadcast v1, $0x1;
	v22 =	vmul.f32 v10, v2;
	[tilespmem:s26+$0x8420] =	vst v3  }
0x3a: {  	v7 =	vld [tilespmem:s26+$0x84C0];
	v11 =	vmul.f32 v11, v2;
	[tilespmem:s26+$0x8430] =	vst v4  }
0x3b: {  	v8 =	vld [tilespmem:s26+$0x84D0];
	v12 =	vmul.f32 v12, v23;
	[tilespmem:s26+$0x8460] =	vst v22  }
0x3c: {  	v25 =	vld [tilespmem:s26+$0x84F0];
	v13 =	vmul.f32 v13, v23;
	[tilespmem:s26+$0x8470] =	vst v11  }
0x3d: {  	v26 =	vld [tilespmem:s26+$0x8500];
	v14 =	vmul.f32 v14, v23;
	[tilespmem:s26+$0x8480] =	vst v12  }
0x3e: {  	v27 =	vld [tilespmem:s26+$0x8510];
	v9 =	vmul.f32 v9, v23;
	[tilespmem:s26+$0x8490] =	vst v13  }
0x3f: {  	v6 =	vld [tilespmem:s26+$0x8970];
	v7 =	vmul.f32 v7, v23;
	[tilespmem:s26+$0x84A0] =	vst v14  }
0x40: {  	v24 =	vld [tilespmem:s26+$0x84E0];
	v15 =	vbroadcast v1, $0x2;
	v8 =	vmul.f32 v8, v23;
	[tilespmem:s26+$0x84B0] =	vst v9  }
0x41: {  	v28 =	vld [tilespmem:s26+$0x8520];
	v10 =	vmul.f32 v25, v23;
	[tilespmem:s26+$0x84C0] =	vst v7  }
0x42: {  	v29 =	vld [tilespmem:s26+$0x8530];
	v5 =	vbroadcast v1, $0xA;
	v32 =	vmul.f32 v26, v15;
	[tilespmem:s26+$0x84D0] =	vst v8  }
0x43: {  	v30 =	vld [tilespmem:s26+$0x8540];
	v34 =	vmul.f32 v27, v15;
	[tilespmem:s26+$0x84F0] =	vst v10  }
0x44: {  	v33 =	vld [tilespmem:s26+$0x8560];
	v3 =	vmul.f32 v6, v5;
	[tilespmem:s26+$0x8500] =	vst v32  }
0x45: {  	v35 =	vld [tilespmem:s26+$0x8570];
	v11 =	vmul.f32 v24, v23;
	[tilespmem:s26+$0x8510] =	vst v34  }
0x46: {  	v36 =	vld [tilespmem:s26+$0x8580];
	v9 =	vmul.f32 v28, v15;
	[tilespmem:s26+$0x8970] =	vst v3  }
0x47: {  	v31 =	vld [tilespmem:s26+$0x8550];
	v7 =	vmul.f32 v29, v15;
	[tilespmem:s26+$0x84E0] =	vst v11  }
0x48: {  	v37 =	vld [tilespmem:s26+$0x8590];
	v8 =	vmul.f32 v30, v15;
	[tilespmem:s26+$0x8520] =	vst v9  }
0x49: {  	v38 =	vld [tilespmem:s26+$0x85A0];
	v41 =	vbroadcast v1, $0x3;
	v10 =	vmul.f32 v33, v15;
	[tilespmem:s26+$0x8530] =	vst v7  }
0x4a: {  	v39 =	vld [tilespmem:s26+$0x85B0];
	v12 =	vmul.f32 v35, v15;
	[tilespmem:s26+$0x8540] =	vst v8  }
0x4b: {  	v42 =	vld [tilespmem:s26+$0x85D0];
	v13 =	vmul.f32 v36, v41;
	[tilespmem:s26+$0x8560] =	vst v10  }
0x4c: {  	v43 =	vld [tilespmem:s26+$0x85E0];
	v11 =	vmul.f32 v31, v15;
	[tilespmem:s26+$0x8570] =	vst v12  }
0x4d: {  	v44 =	vld [tilespmem:s26+$0x85F0];
	v9 =	vmul.f32 v37, v41;
	[tilespmem:s26+$0x8580] =	vst v13  }
0x4e: {  	v40 =	vld [tilespmem:s26+$0x85C0];
	v7 =	vmul.f32 v38, v41;
	[tilespmem:s26+$0x8550] =	vst v11  }
0x4f: {  	v45 =	vld [tilespmem:s26+$0x8600];
	v8 =	vmul.f32 v39, v41;
	[tilespmem:s26+$0x8590] =	vst v9  }
0x50: {  	v46 =	vld [tilespmem:s26+$0x8610];
	v10 =	vmul.f32 v42, v41;
	[tilespmem:s26+$0x85A0] =	vst v7  }
0x51: {  	v47 =	vld [tilespmem:s26+$0x8620];
	v12 =	vmul.f32 v43, v41;
	[tilespmem:s26+$0x85B0] =	vst v8  }
0x52: {  	v49 =	vld [tilespmem:s26+$0x8640];
	v50 =	vbroadcast v1, $0x4;
	v13 =	vmul.f32 v44, v41;
	[tilespmem:s26+$0x85D0] =	vst v10  }
0x53: {  	v51 =	vld [tilespmem:s26+$0x8650];
	v11 =	vmul.f32 v40, v41;
	[tilespmem:s26+$0x85E0] =	vst v12  }
0x54: {  	v52 =	vld [tilespmem:s26+$0x8660];
	v9 =	vmul.f32 v45, v50;
	[tilespmem:s26+$0x85F0] =	vst v13  }
0x55: {  	v48 =	vld [tilespmem:s26+$0x8630];
	v7 =	vmul.f32 v46, v50;
	[tilespmem:s26+$0x85C0] =	vst v11  }
0x56: {  	v53 =	vld [tilespmem:s26+$0x8670];
	v8 =	vmul.f32 v47, v50;
	[tilespmem:s26+$0x8600] =	vst v9  }
0x57: {  	v54 =	vld [tilespmem:s26+$0x8680];
	v10 =	vmul.f32 v49, v50;
	[tilespmem:s26+$0x8610] =	vst v7  }
0x58: {  	v55 =	vld [tilespmem:s26+$0x8690];
	v12 =	vmul.f32 v51, v50;
	[tilespmem:s26+$0x8620] =	vst v8  }
0x59: {  	v57 =	vld [tilespmem:s26+$0x86B0];
	v13 =	vmul.f32 v52, v50;
	[tilespmem:s26+$0x8640] =	vst v10  }
0x5a: {  	v58 =	vld [tilespmem:s26+$0x86C0];
	v59 =	vbroadcast v1, $0x5;
	v11 =	vmul.f32 v48, v50;
	[tilespmem:s26+$0x8650] =	vst v12  }
0x5b: {  	v60 =	vld [tilespmem:s26+$0x86D0];
	v9 =	vmul.f32 v53, v50;
	[tilespmem:s26+$0x8660] =	vst v13  }
0x5c: {  	v56 =	vld [tilespmem:s26+$0x86A0];
	v7 =	vmul.f32 v54, v59;
	[tilespmem:s26+$0x8630] =	vst v11  }
0x5d: {  	v61 =	vld [tilespmem:s26+$0x86E0];
	v8 =	vmul.f32 v55, v59;
	[tilespmem:s26+$0x8670] =	vst v9  }
0x5e: {  	v62 =	vld [tilespmem:s26+$0x86F0];
	v10 =	vmul.f32 v57, v59;
	[tilespmem:s26+$0x8680] =	vst v7  }
0x5f: {  	v63 =	vld [tilespmem:s26+$0x8700];
	v12 =	vmul.f32 v58, v59;
	[tilespmem:s26+$0x8690] =	vst v8  }
0x60: {  	v19 =	vld [tilespmem:s26+$0x8720];
	v13 =	vmul.f32 v60, v59;
	[tilespmem:s26+$0x86B0] =	vst v10  }
0x61: {  	v20 =	vld [tilespmem:s26+$0x8730];
	v11 =	vmul.f32 v56, v59;
	[tilespmem:s26+$0x86C0] =	vst v12  }
0x62: {  	v21 =	vld [tilespmem:s26+$0x8740];
	v22 =	vbroadcast v1, $0x6;
	v9 =	vmul.f32 v61, v59;
	[tilespmem:s26+$0x86D0] =	vst v13  }
0x63: {  	v18 =	vld [tilespmem:s26+$0x8710];
	v7 =	vmul.f32 v62, v59;
	[tilespmem:s26+$0x86A0] =	vst v11  }
0x64: {  	v23 =	vld [tilespmem:s26+$0x8750];
	v8 =	vmul.f32 v63, v22;
	[tilespmem:s26+$0x86E0] =	vst v9  }
0x65: {  	v24 =	vld [tilespmem:s26+$0x8760];
	v10 =	vmul.f32 v19, v22;
	[tilespmem:s26+$0x86F0] =	vst v7  }
0x66: {  	v25 =	vld [tilespmem:s26+$0x8770];
	v12 =	vmul.f32 v20, v22;
	[tilespmem:s26+$0x8700] =	vst v8  }
0x67: {  	v27 =	vld [tilespmem:s26+$0x8790];
	v13 =	vmul.f32 v21, v22;
	[tilespmem:s26+$0x8720] =	vst v10  }
0x68: {  	v28 =	vld [tilespmem:s26+$0x87A0];
	v11 =	vmul.f32 v18, v22;
	[tilespmem:s26+$0x8730] =	vst v12  }
0x69: {  	v29 =	vld [tilespmem:s26+$0x87B0];
	v9 =	vmul.f32 v23, v22;
	[tilespmem:s26+$0x8740] =	vst v13  }
0x6a: {  	v31 =	vbroadcast v1, $0x7;
	v53 =	vld [tilespmem:s26+$0x8900];
	v7 =	vmul.f32 v24, v22;
	[tilespmem:s26+$0x8710] =	vst v11  }
0x6b: {  	v57 =	vld [tilespmem:s26+$0x8940];
	v8 =	vmul.f32 v25, v22;
	[tilespmem:s26+$0x8750] =	vst v9  }
0x6c: {  	v58 =	vld [tilespmem:s26+$0x8950];
	v10 =	vmul.f32 v27, v31;
	[tilespmem:s26+$0x8760] =	vst v7  }
0x6d: {  	v26 =	vld [tilespmem:s26+$0x8780];
	v12 =	vmul.f32 v28, v31;
	[tilespmem:s26+$0x8770] =	vst v8  }
0x6e: {  	v30 =	vld [tilespmem:s26+$0x87C0];
	v13 =	vmul.f32 v29, v31;
	[tilespmem:s26+$0x8790] =	vst v10  }
0x6f: {  	v32 =	vld [tilespmem:s26+$0x87D0];
	v59 =	vmul.f32 v53, v5;
	[tilespmem:s26+$0x87A0] =	vst v12  }
0x70: {  	v33 =	vld [tilespmem:s26+$0x87E0];
	v18 =	vmul.f32 v57, v5;
	[tilespmem:s26+$0x87B0] =	vst v13  }
0x71: {  	v35 =	vld [tilespmem:s26+$0x8800];
	v20 =	vmul.f32 v58, v5;
	[tilespmem:s26+$0x8900] =	vst v59  }
0x72: {  	v36 =	vld [tilespmem:s26+$0x8810];
	v11 =	vmul.f32 v26, v31;
	[tilespmem:s26+$0x8940] =	vst v18  }
0x73: {  	v37 =	vld [tilespmem:s26+$0x8820];
	v9 =	vmul.f32 v30, v31;
	[tilespmem:s26+$0x8950] =	vst v20  }
0x74: {  	v4 =	vld [tilespmem:s26+$0x8980];
	v40 =	vbroadcast v1, $0x8;
	v7 =	vmul.f32 v32, v31;
	[tilespmem:s26+$0x8780] =	vst v11  }
0x75: {  	v6 =	vld [tilespmem:s26+$0x8990];
	v8 =	vmul.f32 v33, v31;
	[tilespmem:s26+$0x87C0] =	vst v9  }
0x76: {  	v3 =	vld [tilespmem:s26+$0x8BD0];
	v10 =	vmul.f32 v35, v40;
	[tilespmem:s26+$0x87D0] =	vst v7  }
0x77: {  	v61 =	vld [tilespmem:s26+$0x8400];
	v23 =	vbroadcast v1, $0xB;
	v12 =	vmul.f32 v36, v40;
	[tilespmem:s26+$0x87E0] =	vst v8  }
0x78: {  	v34 =	vld [tilespmem:s26+$0x87F0];
	v13 =	vmul.f32 v37, v40;
	[tilespmem:s26+$0x8800] =	vst v10  }
0x79: {  	v38 =	vld [tilespmem:s26+$0x8830];
	v27 =	vbroadcast v1, $0xF;
	v4 =	vmul.f32 v4, v23;
	[tilespmem:s26+$0x8810] =	vst v12  }
0x7a: {  	v39 =	vld [tilespmem:s26+$0x8840];
	v6 =	vmul.f32 v6, v23;
	[tilespmem:s26+$0x8820] =	vst v13  }
0x7b: {  	v41 =	vld [tilespmem:s26+$0x8850];
	v3 =	vmul.f32 v3, v27;
	[tilespmem:s26+$0x8980] =	vst v4  }
0x7c: {  	v43 =	vld [tilespmem:s26+$0x8870];
	v24 =	vmul.f32 v2, v61;
	[tilespmem:s26+$0x8990] =	vst v6  }
0x7d: {  	v44 =	vld [tilespmem:s26+$0x8880];
	v11 =	vmul.f32 v34, v31;
	[tilespmem:s26+$0x8BD0] =	vst v3  }
0x7e: {  	v45 =	vld [tilespmem:s26+$0x8890];
	v9 =	vmul.f32 v38, v40;
	[tilespmem:s26+$0x8400] =	vst v24  }
0x7f: {  	v63 =	vld [tilespmem:s26+$0x8440];
	v7 =	vmul.f32 v39, v40;
	[tilespmem:s26+$0x87F0] =	vst v11  }
0x80: {  	v49 =	vbroadcast v1, $0x9;
	v29 =	vld [tilespmem:s26+$0x89F0];
	v8 =	vmul.f32 v41, v40;
	[tilespmem:s26+$0x8830] =	vst v9  }
0x81: {  	v42 =	vld [tilespmem:s26+$0x8860];
	v10 =	vmul.f32 v43, v40;
	[tilespmem:s26+$0x8840] =	vst v7  }
0x82: {  	v46 =	vld [tilespmem:s26+$0x88A0];
	v12 =	vmul.f32 v44, v49;
	[tilespmem:s26+$0x8850] =	vst v8  }
0x83: {  	v47 =	vld [tilespmem:s26+$0x88B0];
	v13 =	vmul.f32 v45, v49;
	[tilespmem:s26+$0x8870] =	vst v10  }
0x84: {  	v48 =	vld [tilespmem:s26+$0x88C0];
	v3 =	vmul.f32 v63, v2;
	[tilespmem:s26+$0x8880] =	vst v12  }
0x85: {  	v51 =	vld [tilespmem:s26+$0x88E0];
	v6 =	vmul.f32 v29, v23;
	[tilespmem:s26+$0x8890] =	vst v13  }
0x86: {  	v52 =	vld [tilespmem:s26+$0x88F0];
	v11 =	vmul.f32 v42, v40;
	[tilespmem:s26+$0x8440] =	vst v3  }
0x87: {  	v28 =	vld [tilespmem:s26+$0x89E0];
	v9 =	vmul.f32 v46, v49;
	[tilespmem:s26+$0x89F0] =	vst v6  }
0x88: {  	v26 =	vld [tilespmem:s26+$0x89D0];
	v7 =	vmul.f32 v47, v49;
	[tilespmem:s26+$0x8860] =	vst v11  }
0x89: {  	v30 =	vld [tilespmem:s26+$0x8A00];
	v8 =	vmul.f32 v48, v49;
	[tilespmem:s26+$0x88A0] =	vst v9  }
0x8a: {  	v50 =	vld [tilespmem:s26+$0x88D0];
	v10 =	vmul.f32 v51, v49;
	[tilespmem:s26+$0x88B0] =	vst v7  }
0x8b: {  	v54 =	vld [tilespmem:s26+$0x8910];
	v12 =	vmul.f32 v52, v49;
	[tilespmem:s26+$0x88C0] =	vst v8  }
0x8c: {  	v55 =	vld [tilespmem:s26+$0x8920];
	v35 =	vbroadcast v1, $0xC;
	v40 =	vmul.f32 v28, v23;
	[tilespmem:s26+$0x88E0] =	vst v10  }
0x8d: {  	v56 =	vld [tilespmem:s26+$0x8930];
	v32 =	vmul.f32 v26, v23;
	[tilespmem:s26+$0x88F0] =	vst v12  }
0x8e: {  	v60 =	vld [tilespmem:s26+$0x8960];
	v15 =	vmul.f32 v30, v35;
	[tilespmem:s26+$0x89E0] =	vst v40  }
0x8f: {  	v62 =	vld [tilespmem:s26+$0x8410];
	v11 =	vmul.f32 v50, v49;
	[tilespmem:s26+$0x89D0] =	vst v32  }
0x90: {  	v19 =	vld [tilespmem:s26+$0x8450];
	v9 =	vmul.f32 v54, v5;
	[tilespmem:s26+$0x8A00] =	vst v15  }
0x91: {  	v33 =	vld [tilespmem:s26+$0x8A30];
	v7 =	vmul.f32 v55, v5;
	[tilespmem:s26+$0x88D0] =	vst v11  }
0x92: {  	v61 =	vld [tilespmem:s26+$0x8BF0];
	v8 =	vmul.f32 v56, v5;
	[tilespmem:s26+$0x8910] =	vst v9  }
0x93: {  	v38 =	vld [tilespmem:s26+$0x8A70];
	v5 =	vmul.f32 v60, v5;
	[tilespmem:s26+$0x8920] =	vst v7  }
0x94: {  	v21 =	vld [tilespmem:s26+$0x89A0];
	v12 =	vmul.f32 v62, v2;
	[tilespmem:s26+$0x8930] =	vst v8  }
0x95: {  	v22 =	vld [tilespmem:s26+$0x89B0];
	v2 =	vmul.f32 v19, v2;
	[tilespmem:s26+$0x8960] =	vst v5  }
0x96: {  	v25 =	vld [tilespmem:s26+$0x89C0];
	v62 =	vmul.f32 v33, v35;
	[tilespmem:s26+$0x8410] =	vst v12  }
0x97: {  	v31 =	vld [tilespmem:s26+$0x8A10];
	v63 =	vmul.f32 v61, v27;
	[tilespmem:s26+$0x8450] =	vst v2  }
0x98: {  	v34 =	vld [tilespmem:s26+$0x8A40];
	v15 =	vmul.f32 v38, v35;
	[tilespmem:s26+$0x8A30] =	vst v62  }
0x99: {  	v41 =	vld [tilespmem:s26+$0x8AA0];
	v7 =	vmul.f32 v21, v23;
	[tilespmem:s26+$0x8BF0] =	vst v63  }
0x9a: {  	v46 =	vld [tilespmem:s26+$0x8AE0];
	v8 =	vmul.f32 v22, v23;
	[tilespmem:s26+$0x8A70] =	vst v15  }
0x9b: {  	v36 =	vld [tilespmem:s26+$0x8A50];
	v5 =	vmul.f32 v25, v23;
	[tilespmem:s26+$0x89A0] =	vst v7  }
0x9c: {  	v44 =	vbroadcast v1, $0xD;
	v9 =	vmul.f32 v31, v35;
	v2 =	vld [tilespmem:s26+$0x8A90];
	[tilespmem:s26+$0x89B0] =	vst v8  }
0x9d: {  	v37 =	vld [tilespmem:s26+$0x8A60];
	v12 =	vmul.f32 v34, v35;
	[tilespmem:s26+$0x89C0] =	vst v5  }
0x9e: {  	v39 =	vld [tilespmem:s26+$0x8A80];
	v11 =	vmul.f32 v41, v44;
	[tilespmem:s26+$0x8A10] =	vst v9  }
0x9f: {  	v42 =	vld [tilespmem:s26+$0x8AB0];
	v51 =	vmul.f32 v46, v44;
	[tilespmem:s26+$0x8A40] =	vst v12  }
0xa0: {  	v48 =	vld [tilespmem:s26+$0x8B10];
	v8 =	vmul.f32 v36, v35;
	[tilespmem:s26+$0x8AA0] =	vst v11  }
0xa1: {  	v49 =	vld [tilespmem:s26+$0x8B20];
	[tilespmem:s26+$0x8AE0] =	vst v51;
	v2 =	vmul.f32 v2, v44  }
0xa2: {  	v50 =	vld [tilespmem:s26+$0x8B30];
	v5 =	vmul.f32 v37, v35;
	[tilespmem:s26+$0x8A50] =	vst v8  }
0xa3: {  	v1 =	vbroadcast v1, $0xE;
	v9 =	vmul.f32 v39, v44;
	[tilespmem:s26+$0x8A90] =	vst v2;
	v2 =	vld [tilespmem:s26+$0x8B00]  }
0xa4: {  	v60 =	vld [tilespmem:s26+$0x8BE0];
	v12 =	vmul.f32 v42, v44;
	[tilespmem:s26+$0x8A60] =	vst v5  }
0xa5: {  	v45 =	vld [tilespmem:s26+$0x8AD0];
	v11 =	vmul.f32 v48, v1;
	[tilespmem:s26+$0x8A80] =	vst v9  }
0xa6: {  	v47 =	vld [tilespmem:s26+$0x8AF0];
	v10 =	vmul.f32 v49, v1;
	[tilespmem:s26+$0x8AB0] =	vst v12  }
0xa7: {  	v43 =	vld [tilespmem:s26+$0x8AC0];
	v6 =	vmul.f32 v50, v1;
	[tilespmem:s26+$0x8B10] =	vst v11  }
0xa8: {  	v55 =	vld [tilespmem:s26+$0x8B80];
	[tilespmem:s26+$0x8B20] =	vst v10;
	v2 =	vmul.f32 v2, v1  }
0xa9: {  	v57 =	vld [tilespmem:s26+$0x8BA0];
	v4 =	vmul.f32 v60, v27;
	[tilespmem:s26+$0x8B30] =	vst v6  }
0xaa: {  	v5 =	vmul.f32 v45, v44;
	[tilespmem:s26+$0x8B00] =	vst v2;
	v2 =	vld [tilespmem:s26+$0x8B70]  }
0xab: {  	v52 =	vld [tilespmem:s26+$0x8B40];
	v9 =	vmul.f32 v47, v44;
	[tilespmem:s26+$0x8BE0] =	vst v4  }
0xac: {  	v56 =	vld [tilespmem:s26+$0x8B90];
	v8 =	vmul.f32 v43, v44;
	[tilespmem:s26+$0x8AD0] =	vst v5  }
0xad: {  	v54 =	vld [tilespmem:s26+$0x8B60];
	v11 =	vmul.f32 v55, v27;
	[tilespmem:s26+$0x8AF0] =	vst v9  }
0xae: {  	v58 =	vld [tilespmem:s26+$0x8BB0];
	v6 =	vmul.f32 v57, v27;
	[tilespmem:s26+$0x8AC0] =	vst v8  }
0xaf: {  	v53 =	vld [tilespmem:s26+$0x8B50];
	[tilespmem:s26+$0x8B80] =	vst v11;
	v2 =	vmul.f32 v2, v1  }
0xb0: {  	v59 =	vld [tilespmem:s26+$0x8BC0];
	v5 =	vmul.f32 v52, v1;
	[tilespmem:s26+$0x8BA0] =	vst v6  }
0xb1: {  	[tilespmem:s26+$0x8B70] =	vst v2;
	v2 =	vmul.f32 v56, v27  }
0xb2: {  	v3 =	vld [tilespmem:s26+$0x8A20];
	v9 =	vmul.f32 v54, v1;
	[tilespmem:s26+$0x8B40] =	vst v5  }
0xb3: {  	[tilespmem:s26+$0x8B90] =	vst v2;
	v2 =	vmul.f32 v58, v27  }
0xb4: {  	[tilespmem:s26+$0x8B60] =	vst v9;
	v1 =	vmul.f32 v53, v1  }
0xb5: {  	[tilespmem:s26+$0x8BB0] =	vst v2;
	v2 =	vmul.f32 v59, v27  }
0xb6: {  	[tilespmem:s26+$0x8B50] =	vst v1  }
0xb7: {  	s28 =	simm.s32 $0x1;
	[tilespmem:s26+$0x8BC0] =	vst v2;
	v2 =	vmul.f32 v3, v35  }
.LBB2_3:
0xb8: {  	s29 =	sshll.u32 s28, $0x4  }
0xb9: {  	p1 =	sne.s32 s28, $0x7;
	[tilespmem:s26+$0x8A20] =	vst v2;
	s26 =	smov.u32 s28;
	s28 =	sadd.s32 $0x1, s28  }
0xba: {  	s29 =	sand.u32 $0x3FFFFFF0, s29  }
0xbb: {  	v1 =	vld.idx.msk [tilespmem:v0+s29+$0x0 ss:$0x1], $0xffff  }
0xbc: {  	s26 =	sshll.u32 s26, $0xB  }
0xbd: {  	s26 =	sand.u32 $0x3FFFF800, s26  }
0xbe: {  	v8 =	vld [tilespmem:s26+$0x84C0]  }
0xbf: {  	v9 =	vld [tilespmem:s26+$0x84D0]  }
0xc0: {  	v10 =	vld [tilespmem:s26+$0x84B0]  }
0xc1: {  	v2 =	vbroadcast v1, $0x0;
	v7 =	vbroadcast v1, $0x4;
	v3 =	vld [tilespmem:s26+$0x8420]  }
0xc2: {  	v5 =	vld [tilespmem:s26+$0x8430]  }
0xc3: {  	v6 =	vld [tilespmem:s26+$0x8970]  }
0xc4: {  	v11 =	vld [tilespmem:s26+$0x8460]  }
0xc5: {  	v12 =	vld [tilespmem:s26+$0x8470]  }
0xc6: {  	v4 =	vbroadcast v1, $0xA;
	v3 =	vmul.f32 v3, v2;
	v13 =	vld [tilespmem:s26+$0x8480]  }
0xc7: {  	v5 =	vmul.f32 v5, v2;
	v14 =	vld [tilespmem:s26+$0x8490]  }
0xc8: {  	[tilespmem:s26+$0x8420] =	vst v3;
	v15 =	vld [tilespmem:s26+$0x84A0];
	v3 =	vmul.f32 v6, v4  }
0xc9: {  	[tilespmem:s26+$0x8430] =	vst v5;
	v6 =	vmul.f32 v11, v2;
	v11 =	vbroadcast v1, $0x1;
	v5 =	vld [tilespmem:s26+$0x8980]  }
0xca: {  	v12 =	vmul.f32 v12, v2;
	[tilespmem:s26+$0x8970] =	vst v3;
	v3 =	vld [tilespmem:s26+$0x8BD0]  }
0xcb: {  	[tilespmem:s26+$0x8460] =	vst v6;
	v13 =	vmul.f32 v13, v11;
	v6 =	vld [tilespmem:s26+$0x8990]  }
0xcc: {  	[tilespmem:s26+$0x8470] =	vst v12;
	v12 =	vmul.f32 v14, v11;
	v14 =	vld [tilespmem:s26+$0x84E0]  }
0xcd: {  	[tilespmem:s26+$0x8480] =	vst v13;
	v13 =	vmul.f32 v15, v11;
	v15 =	vld [tilespmem:s26+$0x84F0]  }
0xce: {  	v10 =	vmul.f32 v10, v11;
	[tilespmem:s26+$0x8490] =	vst v12;
	v12 =	vld [tilespmem:s26+$0x8500]  }
0xcf: {  	v8 =	vmul.f32 v8, v11;
	[tilespmem:s26+$0x84A0] =	vst v13;
	v13 =	vld [tilespmem:s26+$0x8510]  }
0xd0: {  	v9 =	vmul.f32 v9, v11;
	[tilespmem:s26+$0x84B0] =	vst v10;
	v10 =	vld [tilespmem:s26+$0x8520]  }
0xd1: {  	[tilespmem:s26+$0x84C0] =	vst v8;
	v8 =	vmul.f32 v14, v11;
	v14 =	vbroadcast v1, $0x2;
	v16 =	vld [tilespmem:s26+$0x8530]  }
0xd2: {  	[tilespmem:s26+$0x84D0] =	vst v9;
	v9 =	vmul.f32 v15, v11;
	v11 =	vld [tilespmem:s26+$0x8540]  }
0xd3: {  	[tilespmem:s26+$0x84E0] =	vst v8;
	v8 =	vmul.f32 v12, v14;
	v12 =	vld [tilespmem:s26+$0x8550]  }
0xd4: {  	[tilespmem:s26+$0x84F0] =	vst v9;
	v9 =	vmul.f32 v13, v14;
	v13 =	vld [tilespmem:s26+$0x8560]  }
0xd5: {  	[tilespmem:s26+$0x8500] =	vst v8;
	v8 =	vmul.f32 v10, v14;
	v10 =	vld [tilespmem:s26+$0x8570]  }
0xd6: {  	[tilespmem:s26+$0x8510] =	vst v9;
	v9 =	vmul.f32 v16, v14;
	v15 =	vld [tilespmem:s26+$0x8580]  }
0xd7: {  	[tilespmem:s26+$0x8520] =	vst v8;
	v8 =	vmul.f32 v11, v14;
	v11 =	vld [tilespmem:s26+$0x8590]  }
0xd8: {  	[tilespmem:s26+$0x8530] =	vst v9;
	v9 =	vmul.f32 v12, v14;
	v12 =	vld [tilespmem:s26+$0x85A0]  }
0xd9: {  	[tilespmem:s26+$0x8540] =	vst v8;
	v8 =	vmul.f32 v13, v14;
	v13 =	vbroadcast v1, $0x3;
	v16 =	vld [tilespmem:s26+$0x85B0]  }
0xda: {  	[tilespmem:s26+$0x8550] =	vst v9;
	v9 =	vmul.f32 v10, v14;
	v10 =	vld [tilespmem:s26+$0x85C0]  }
0xdb: {  	[tilespmem:s26+$0x8560] =	vst v8;
	v8 =	vmul.f32 v15, v13;
	v14 =	vld [tilespmem:s26+$0x85D0]  }
0xdc: {  	[tilespmem:s26+$0x8570] =	vst v9;
	v9 =	vmul.f32 v11, v13;
	v11 =	vld [tilespmem:s26+$0x85E0]  }
0xdd: {  	[tilespmem:s26+$0x8580] =	vst v8;
	v8 =	vmul.f32 v12, v13;
	v12 =	vld [tilespmem:s26+$0x85F0]  }
0xde: {  	[tilespmem:s26+$0x8590] =	vst v9;
	v9 =	vmul.f32 v16, v13;
	v15 =	vld [tilespmem:s26+$0x8600]  }
0xdf: {  	[tilespmem:s26+$0x85A0] =	vst v8;
	v8 =	vmul.f32 v10, v13;
	v10 =	vld [tilespmem:s26+$0x8610]  }
0xe0: {  	[tilespmem:s26+$0x85B0] =	vst v9;
	v9 =	vmul.f32 v14, v13;
	v14 =	vld [tilespmem:s26+$0x8620]  }
0xe1: {  	[tilespmem:s26+$0x85C0] =	vst v8;
	v8 =	vmul.f32 v11, v13;
	v11 =	vld [tilespmem:s26+$0x8630]  }
0xe2: {  	[tilespmem:s26+$0x85D0] =	vst v9;
	v9 =	vmul.f32 v12, v13;
	v12 =	vld [tilespmem:s26+$0x8640]  }
0xe3: {  	[tilespmem:s26+$0x85E0] =	vst v8;
	v8 =	vmul.f32 v15, v7;
	v13 =	vld [tilespmem:s26+$0x8650]  }
0xe4: {  	[tilespmem:s26+$0x85F0] =	vst v9;
	v9 =	vmul.f32 v10, v7;
	v10 =	vld [tilespmem:s26+$0x8660]  }
0xe5: {  	[tilespmem:s26+$0x8600] =	vst v8;
	v8 =	vmul.f32 v14, v7;
	v14 =	vld [tilespmem:s26+$0x8670]  }
0xe6: {  	[tilespmem:s26+$0x8610] =	vst v9;
	v9 =	vmul.f32 v11, v7;
	v11 =	vld [tilespmem:s26+$0x8680]  }
0xe7: {  	[tilespmem:s26+$0x8620] =	vst v8;
	v8 =	vmul.f32 v12, v7;
	v12 =	vld [tilespmem:s26+$0x8690]  }
0xe8: {  	[tilespmem:s26+$0x8630] =	vst v9;
	v9 =	vmul.f32 v13, v7;
	v13 =	vld [tilespmem:s26+$0x86A0]  }
0xe9: {  	[tilespmem:s26+$0x8640] =	vst v8;
	v8 =	vmul.f32 v10, v7;
	v10 =	vbroadcast v1, $0x5;
	v15 =	vld [tilespmem:s26+$0x86B0]  }
0xea: {  	[tilespmem:s26+$0x8650] =	vst v9;
	v7 =	vmul.f32 v14, v7;
	v9 =	vld [tilespmem:s26+$0x86C0]  }
0xeb: {  	[tilespmem:s26+$0x8660] =	vst v8;
	v8 =	vmul.f32 v11, v10;
	v11 =	vld [tilespmem:s26+$0x86D0]  }
0xec: {  	[tilespmem:s26+$0x8670] =	vst v7;
	v7 =	vmul.f32 v12, v10;
	v12 =	vld [tilespmem:s26+$0x86E0]  }
0xed: {  	[tilespmem:s26+$0x8680] =	vst v8;
	v8 =	vmul.f32 v13, v10;
	v13 =	vld [tilespmem:s26+$0x86F0]  }
0xee: {  	[tilespmem:s26+$0x8690] =	vst v7;
	v7 =	vmul.f32 v15, v10;
	v14 =	vld [tilespmem:s26+$0x8700]  }
0xef: {  	[tilespmem:s26+$0x86A0] =	vst v8;
	v8 =	vmul.f32 v9, v10;
	v9 =	vld [tilespmem:s26+$0x8710]  }
0xf0: {  	[tilespmem:s26+$0x86B0] =	vst v7;
	v7 =	vmul.f32 v11, v10;
	v11 =	vld [tilespmem:s26+$0x8720]  }
0xf1: {  	[tilespmem:s26+$0x86C0] =	vst v8;
	v8 =	vmul.f32 v12, v10;
	v12 =	vbroadcast v1, $0x6;
	v15 =	vld [tilespmem:s26+$0x8730]  }
0xf2: {  	[tilespmem:s26+$0x86D0] =	vst v7;
	v7 =	vmul.f32 v13, v10;
	v10 =	vld [tilespmem:s26+$0x8740]  }
0xf3: {  	[tilespmem:s26+$0x86E0] =	vst v8;
	v8 =	vmul.f32 v14, v12;
	v13 =	vld [tilespmem:s26+$0x8750]  }
0xf4: {  	[tilespmem:s26+$0x86F0] =	vst v7;
	v7 =	vmul.f32 v9, v12;
	v9 =	vld [tilespmem:s26+$0x8760]  }
0xf5: {  	[tilespmem:s26+$0x8700] =	vst v8;
	v8 =	vmul.f32 v11, v12;
	v11 =	vld [tilespmem:s26+$0x8770]  }
0xf6: {  	[tilespmem:s26+$0x8710] =	vst v7;
	v7 =	vmul.f32 v15, v12;
	v14 =	vld [tilespmem:s26+$0x8780]  }
0xf7: {  	[tilespmem:s26+$0x8720] =	vst v8;
	v8 =	vmul.f32 v10, v12;
	v10 =	vld [tilespmem:s26+$0x8790]  }
0xf8: {  	[tilespmem:s26+$0x8730] =	vst v7;
	v7 =	vmul.f32 v13, v12;
	v13 =	vld [tilespmem:s26+$0x87A0]  }
0xf9: {  	[tilespmem:s26+$0x8740] =	vst v8;
	v8 =	vmul.f32 v9, v12;
	v9 =	vbroadcast v1, $0x7;
	v15 =	vld [tilespmem:s26+$0x87B0]  }
0xfa: {  	[tilespmem:s26+$0x8750] =	vst v7;
	v7 =	vmul.f32 v11, v12;
	v11 =	vld [tilespmem:s26+$0x87C0]  }
0xfb: {  	[tilespmem:s26+$0x8760] =	vst v8;
	v8 =	vmul.f32 v14, v9;
	v12 =	vld [tilespmem:s26+$0x87D0]  }
0xfc: {  	[tilespmem:s26+$0x8770] =	vst v7;
	v7 =	vmul.f32 v10, v9;
	v10 =	vld [tilespmem:s26+$0x87E0]  }
0xfd: {  	[tilespmem:s26+$0x8780] =	vst v8;
	v8 =	vmul.f32 v13, v9;
	v13 =	vld [tilespmem:s26+$0x87F0]  }
0xfe: {  	[tilespmem:s26+$0x8790] =	vst v7;
	v7 =	vmul.f32 v15, v9;
	v14 =	vld [tilespmem:s26+$0x8800]  }
0xff: {  	[tilespmem:s26+$0x87A0] =	vst v8;
	v8 =	vmul.f32 v11, v9;
	v11 =	vld [tilespmem:s26+$0x8810]  }
0x100: {  	[tilespmem:s26+$0x87B0] =	vst v7;
	v7 =	vmul.f32 v12, v9;
	v12 =	vld [tilespmem:s26+$0x8820]  }
0x101: {  	[tilespmem:s26+$0x87C0] =	vst v8;
	v8 =	vmul.f32 v10, v9;
	v10 =	vbroadcast v1, $0x8;
	v15 =	vld [tilespmem:s26+$0x8830]  }
0x102: {  	[tilespmem:s26+$0x87D0] =	vst v7;
	v7 =	vmul.f32 v13, v9;
	v9 =	vld [tilespmem:s26+$0x8840]  }
0x103: {  	[tilespmem:s26+$0x87E0] =	vst v8;
	v8 =	vmul.f32 v14, v10;
	v13 =	vld [tilespmem:s26+$0x8850]  }
0x104: {  	[tilespmem:s26+$0x87F0] =	vst v7;
	v7 =	vmul.f32 v11, v10;
	v11 =	vld [tilespmem:s26+$0x8860]  }
0x105: {  	[tilespmem:s26+$0x8800] =	vst v8;
	v8 =	vmul.f32 v12, v10;
	v12 =	vld [tilespmem:s26+$0x8870]  }
0x106: {  	[tilespmem:s26+$0x8810] =	vst v7;
	v7 =	vmul.f32 v15, v10;
	v14 =	vld [tilespmem:s26+$0x8880]  }
0x107: {  	[tilespmem:s26+$0x8820] =	vst v8;
	v8 =	vmul.f32 v9, v10;
	v9 =	vld [tilespmem:s26+$0x8890]  }
0x108: {  	[tilespmem:s26+$0x8830] =	vst v7;
	v7 =	vmul.f32 v13, v10;
	v13 =	vld [tilespmem:s26+$0x88A0]  }
0x109: {  	[tilespmem:s26+$0x8840] =	vst v8;
	v8 =	vmul.f32 v11, v10;
	v11 =	vbroadcast v1, $0x9;
	v15 =	vld [tilespmem:s26+$0x88B0]  }
0x10a: {  	[tilespmem:s26+$0x8850] =	vst v7;
	v7 =	vmul.f32 v12, v10;
	v10 =	vld [tilespmem:s26+$0x88C0]  }
0x10b: {  	[tilespmem:s26+$0x8860] =	vst v8;
	v8 =	vmul.f32 v14, v11;
	v12 =	vld [tilespmem:s26+$0x88D0]  }
0x10c: {  	[tilespmem:s26+$0x8870] =	vst v7;
	v7 =	vmul.f32 v9, v11;
	v9 =	vld [tilespmem:s26+$0x88E0]  }
0x10d: {  	[tilespmem:s26+$0x8880] =	vst v8;
	v8 =	vmul.f32 v13, v11;
	v13 =	vld [tilespmem:s26+$0x88F0]  }
0x10e: {  	[tilespmem:s26+$0x8890] =	vst v7;
	v7 =	vmul.f32 v15, v11;
	v14 =	vld [tilespmem:s26+$0x8900]  }
0x10f: {  	[tilespmem:s26+$0x88A0] =	vst v8;
	v8 =	vmul.f32 v10, v11;
	v10 =	vld [tilespmem:s26+$0x8910]  }
0x110: {  	[tilespmem:s26+$0x88B0] =	vst v7;
	v7 =	vmul.f32 v12, v11;
	v12 =	vld [tilespmem:s26+$0x8920]  }
0x111: {  	[tilespmem:s26+$0x88C0] =	vst v8;
	v8 =	vmul.f32 v9, v11;
	v9 =	vld [tilespmem:s26+$0x8930]  }
0x112: {  	[tilespmem:s26+$0x88D0] =	vst v7;
	v7 =	vmul.f32 v13, v11;
	v11 =	vld [tilespmem:s26+$0x8940]  }
0x113: {  	[tilespmem:s26+$0x88E0] =	vst v8;
	v8 =	vmul.f32 v14, v4;
	v13 =	vld [tilespmem:s26+$0x8950]  }
0x114: {  	[tilespmem:s26+$0x88F0] =	vst v7;
	v7 =	vmul.f32 v10, v4;
	v10 =	vld [tilespmem:s26+$0x8960]  }
0x115: {  	v14 =	vld [tilespmem:s26+$0x8400];
	[tilespmem:s26+$0x8900] =	vst v8;
	v8 =	vmul.f32 v12, v4  }
0x116: {  	v12 =	vld [tilespmem:s26+$0x8410];
	[tilespmem:s26+$0x8910] =	vst v7;
	v7 =	vmul.f32 v9, v4  }
0x117: {  	v9 =	vld [tilespmem:s26+$0x8440];
	[tilespmem:s26+$0x8920] =	vst v8;
	v8 =	vmul.f32 v11, v4  }
0x118: {  	v11 =	vld [tilespmem:s26+$0x8450];
	[tilespmem:s26+$0x8930] =	vst v7;
	v7 =	vmul.f32 v13, v4  }
0x119: {  	[tilespmem:s26+$0x8940] =	vst v8;
	v8 =	vmul.f32 v10, v4;
	v10 =	vbroadcast v1, $0xB;
	v13 =	vld [tilespmem:s26+$0x89A0]  }
0x11a: {  	v4 =	vbroadcast v1, $0xF;
	v14 =	vmul.f32 v2, v14;
	[tilespmem:s26+$0x8950] =	vst v7;
	v7 =	vld [tilespmem:s26+$0x89B0]  }
0x11b: {  	v12 =	vmul.f32 v12, v2;
	[tilespmem:s26+$0x8960] =	vst v8;
	v5 =	vmul.f32 v5, v10;
	v8 =	vld [tilespmem:s26+$0x89C0]  }
0x11c: {  	v6 =	vmul.f32 v6, v10;
	[tilespmem:s26+$0x8400] =	vst v14;
	v9 =	vmul.f32 v9, v2;
	v14 =	vld [tilespmem:s26+$0x89D0]  }
0x11d: {  	v3 =	vmul.f32 v3, v4;
	v11 =	vmul.f32 v11, v2;
	[tilespmem:s26+$0x8980] =	vst v5;
	v2 =	vld [tilespmem:s26+$0x89E0]  }
0x11e: {  	[tilespmem:s26+$0x8990] =	vst v6;
	v5 =	vmul.f32 v13, v10;
	v6 =	vld [tilespmem:s26+$0x89F0]  }
0x11f: {  	v7 =	vmul.f32 v7, v10;
	v13 =	vld [tilespmem:s26+$0x8A00];
	[tilespmem:s26+$0x8BD0] =	vst v3  }
0x120: {  	[tilespmem:s26+$0x8410] =	vst v12;
	v3 =	vmul.f32 v8, v10;
	v8 =	vld [tilespmem:s26+$0x8A10]  }
0x121: {  	[tilespmem:s26+$0x8440] =	vst v9;
	v9 =	vmul.f32 v14, v10;
	v12 =	vld [tilespmem:s26+$0x8A20]  }
0x122: {  	v14 =	vbroadcast v1, $0xC;
	[tilespmem:s26+$0x89A0] =	vst v5;
	v5 =	vmul.f32 v2, v10;
	v15 =	vld [tilespmem:s26+$0x8A30]  }
0x123: {  	[tilespmem:s26+$0x89D0] =	vst v9;
	v6 =	vmul.f32 v6, v10;
	v9 =	vld [tilespmem:s26+$0x8A40]  }
0x124: {  	[tilespmem:s26+$0x89B0] =	vst v7;
	v2 =	vmul.f32 v13, v14;
	v7 =	vld [tilespmem:s26+$0x8A50]  }
0x125: {  	[tilespmem:s26+$0x89C0] =	vst v3;
	v3 =	vmul.f32 v8, v14;
	v8 =	vld [tilespmem:s26+$0x8A60]  }
0x126: {  	[tilespmem:s26+$0x8A00] =	vst v2;
	v2 =	vmul.f32 v12, v14;
	v10 =	vld [tilespmem:s26+$0x8A70]  }
0x127: {  	[tilespmem:s26+$0x8A10] =	vst v3;
	v3 =	vld [tilespmem:s26+$0x8A80]  }
0x128: {  	[tilespmem:s26+$0x8450] =	vst v11;
	v9 =	vmul.f32 v9, v14;
	v11 =	vld [tilespmem:s26+$0x8A90]  }
0x129: {  	[tilespmem:s26+$0x89E0] =	vst v5;
	v5 =	vmul.f32 v7, v14;
	v7 =	vld [tilespmem:s26+$0x8AA0]  }
0x12a: {  	[tilespmem:s26+$0x8A40] =	vst v9;
	v8 =	vmul.f32 v8, v14;
	v9 =	vbroadcast v1, $0xD;
	v12 =	vld [tilespmem:s26+$0x8AB0]  }
0x12b: {  	[tilespmem:s26+$0x8A50] =	vst v5;
	v5 =	vmul.f32 v10, v14;
	v10 =	vld [tilespmem:s26+$0x8AC0]  }
0x12c: {  	[tilespmem:s26+$0x8A60] =	vst v8;
	v3 =	vmul.f32 v3, v9;
	v8 =	vld [tilespmem:s26+$0x8AD0]  }
0x12d: {  	[tilespmem:s26+$0x8A70] =	vst v5;
	v5 =	vmul.f32 v11, v9;
	v11 =	vld [tilespmem:s26+$0x8AE0]  }
0x12e: {  	[tilespmem:s26+$0x8A80] =	vst v3;
	v3 =	vmul.f32 v7, v9;
	v7 =	vld [tilespmem:s26+$0x8AF0]  }
0x12f: {  	[tilespmem:s26+$0x8A90] =	vst v5;
	v5 =	vmul.f32 v12, v9;
	v12 =	vld [tilespmem:s26+$0x8B00]  }
0x130: {  	[tilespmem:s26+$0x8AA0] =	vst v3;
	v3 =	vmul.f32 v10, v9;
	v10 =	vld [tilespmem:s26+$0x8B10]  }
0x131: {  	[tilespmem:s26+$0x8AB0] =	vst v5;
	v5 =	vmul.f32 v8, v9;
	v8 =	vld [tilespmem:s26+$0x8B20]  }
0x132: {  	v1 =	vbroadcast v1, $0xE;
	[tilespmem:s26+$0x89F0] =	vst v6;
	v6 =	vmul.f32 v11, v9;
	v11 =	vld [tilespmem:s26+$0x8B30]  }
0x133: {  	[tilespmem:s26+$0x8AD0] =	vst v5;
	v5 =	vmul.f32 v7, v9;
	v7 =	vld [tilespmem:s26+$0x8B40]  }
0x134: {  	[tilespmem:s26+$0x8AE0] =	vst v6;
	v6 =	vmul.f32 v12, v1;
	v9 =	vld [tilespmem:s26+$0x8B50]  }
0x135: {  	[tilespmem:s26+$0x8AF0] =	vst v5;
	v5 =	vmul.f32 v10, v1;
	v10 =	vld [tilespmem:s26+$0x8B60]  }
0x136: {  	[tilespmem:s26+$0x8B00] =	vst v6;
	v6 =	vmul.f32 v8, v1;
	v8 =	vld [tilespmem:s26+$0x8B70]  }
0x137: {  	[tilespmem:s26+$0x8B10] =	vst v5;
	v5 =	vmul.f32 v11, v1;
	v11 =	vld [tilespmem:s26+$0x8B80]  }
0x138: {  	[tilespmem:s26+$0x8B20] =	vst v6;
	v6 =	vmul.f32 v7, v1;
	v7 =	vld [tilespmem:s26+$0x8B90]  }
0x139: {  	[tilespmem:s26+$0x8B30] =	vst v5;
	v5 =	vmul.f32 v9, v1;
	v9 =	vld [tilespmem:s26+$0x8BA0]  }
0x13a: {  	[tilespmem:s26+$0x8B40] =	vst v6;
	v6 =	vmul.f32 v10, v1;
	v10 =	vld [tilespmem:s26+$0x8BB0]  }
0x13b: {  	[tilespmem:s26+$0x8AC0] =	vst v3;
	v1 =	vmul.f32 v8, v1;
	v3 =	vld [tilespmem:s26+$0x8BC0]  }
0x13c: {  	[tilespmem:s26+$0x8B60] =	vst v6;
	v6 =	vmul.f32 v11, v4;
	v8 =	vld [tilespmem:s26+$0x8BE0]  }
0x13d: {  	[tilespmem:s26+$0x8B70] =	vst v1;
	v1 =	vmul.f32 v7, v4;
	v7 =	vld [tilespmem:s26+$0x8BF0]  }
0x13e: {  	[tilespmem:s26+$0x8B80] =	vst v6;
	v6 =	vmul.f32 v9, v4  }
0x13f: {  	[tilespmem:s26+$0x8B90] =	vst v1;
	v1 =	vmul.f32 v10, v4  }
0x140: {  	v9 =	vmul.f32 v15, v14;
	[tilespmem:s26+$0x8BA0] =	vst v6  }
0x141: {  	[tilespmem:s26+$0x8BB0] =	vst v1;
	v1 =	vmul.f32 v3, v4  }
.Ltmp0:
0x142: {  	[tilespmem:s26+$0x8A30] =	vst v9;
	v3 =	vmul.f32 v7, v4;
	(pc) =	sbr.rel @p1 .LBB2_3-.Ltmp0, $4  }
0x143: {  	[tilespmem:s26+$0x8BC0] =	vst v1  }
0x144: {  	v1 =	vmul.f32 v8, v4;
	[tilespmem:s26+$0x8BF0] =	vst v3  }
0x145: {  	[tilespmem:s26+$0x8B50] =	vst v5  }
0x146: {  	[tilespmem:s26+$0x8BE0] =	vst v1  }
0x147: {  	s24 =	sadd.s32 $0x1, s24  }
0x148: {  	p1 =	sne.s32 s24, s10  }
.Ltmp1:
0x149: {  	[tilespmem:s26+$0x8A20] =	vst v2;
	s25 =	sadd.s32 $0x2C00, s25;
	(pc) =	sbr.rel @p1 .LBB2_2-.Ltmp1, $4  }
0x14a: {  	[spmem:s3] =	stream.indirect.scatter.add.f32 [tilespmem:s21], [sflag:$0x2], $0x80, s25, s20, $0xb8;
	[tilespmem:$0x1FC80] =	vst v63  }
0x14b: {  	_ =	swait.ge [sflag:s14], $0x4000  }
0x14c: {  	[sflag:s14] =	ssyncset.done $0x0  }
0x14d: {  	[sflag:s14] =	ssyncadd.s32 $0xFFFFC000  }
0x14e: {  	[bflag:$0x0] =	sbarrier.arrive $0xFFFF  }
0x14f: {  	[hbm:s11], [sflag:s17] =	dma.local [spmem:s18], $0x2700  }
0x150: {  	s23 =	sadd.s32 $0x1, s23;
	_ =	swait.ge [sflag:s14], $0x2700  }
0x151: {  	p1 =	sne.s32 s23, s13;
	[sflag:s14] =	ssyncset.done $0x0  }
.Ltmp2:
0x152: {  	s24 =	simm.s32 @!p0 $0x2;
	[sflag:s14] =	ssyncadd.s32 $0xFFFFD900;
	(pc) =	sbr.rel @p1 .LBB2_1-.Ltmp2, $4  }
0x153: {  	[hbm:s12], [sflag:s17] =	dma.local @!p0 [spmem:s19], $0x100  }
0x154: {  	_ =	swait.ge @!p0 [sflag:s24], $0x100  }
0x155: {  	[sflag:s24] =	ssyncset.done @!p0 $0x0  }
0x156: {  	[sflag:s24] =	ssyncadd.s32 @!p0 $0xFFFFFF00  }
0x157: {  	_ =	sfence.sel $0x180000  }
0x158: {  	[bflag:$0x0] =	sbarrier.arrive $0xFFFF  }
0x159: {  	p0 =	sne.s32 s0, $0x0;
	_ =	strace $0x9000004A  }
0x15a: {  	s0 =	sadd.s32 @!p0 $0x100000, s2;
	[bflag:$0x2] =	sbarrier.arrive $0xFFFF  }
0x15b: {  	[sflag:s0] =	ssyncadd.tile.s32 @!p0 $0x1;
	_ =	shalt  }
.Lfunc_end2:
_tile_overlayer_lowered:
.L_overlay_start_2:
0x15c: {  	(tag) =	ssettag $0x2  }
0x15d: {  	s0 =	rddreg [dreg:$0x0];
	s2 =	stileid.u32  }
0x15e: {  	s1 =	rddreg [dreg:$0x1];
	p0 =	sne.s32 s2, $0x0  }
0x15f: {  	s3 =	rddreg [dreg:$0x2];
	[bflag:$0x3] =	sbarrier.arrive $0xFFFF;
	s2 =	simm.s32 @!p0 $0x1C02  }
0x160: {  	[timem:s3], [sflag:s2] =	dma.local @!p0 [hbm:s0], s1  }
0x161: {  	s0 =	simm.s32 @!p0 $0x2  }
0x162: {  	_ =	swait.ge @!p0 [sflag:s0], s1  }
0x163: {  	s1 =	ssub.s32 @!p0 $0x0, s1;
	[sflag:s0] =	ssyncset.done @!p0 $0x0  }
0x164: {  	[sflag:s0] =	ssyncadd.s32 @!p0 s1  }
0x165: {  	[bflag:$0x3] =	sbarrier.arrive $0xFFFF  }
0x166: {  	_ =	shalt  }

</sc_bundles>
